<compile_context>
chip_gen: v7x
topology: tpu7x:2x2x1
jax: 0.10.2.dev20260603
libtpu: 0.0.44.dev20260713+nightly
codegen_flags: <defaults>
</compile_context>

<pallas_src>
import functools

import jax
import jax.numpy as jnp
from jax import lax
from jax.experimental import pallas as pl
from jax.experimental.pallas import tpu as pltpu
from jax.experimental.pallas import tpu_sc as plsc

C = 21
N = 512 * 512
NB = 1024
FQ = 16
CNT_SHIFT = 17
NTILES = 32
PPT = N // NTILES
CH = 1024
HROWS = 2 * C
HW = HROWS * NB


def _argmax_body(lab_ref, out_ref):
    x = lab_ref[...]
    v = x[0:1]
    idx = jnp.zeros_like(v, dtype=jnp.int32)
    for c in range(1, C):
        xc = x[c:c + 1]
        m = xc > v
        v = jnp.where(m, xc, v)
        idx = jnp.where(m, c, idx)
    out_ref[...] = idx[0]


def _argmax_labels(label):
    R = 32
    grid = 512 // R
    return pl.pallas_call(
        _argmax_body,
        grid=(grid,),
        in_specs=[pl.BlockSpec((C, R, 512), lambda i: (0, i, 0))],
        out_specs=pl.BlockSpec((R, 512), lambda i: (i, 0)),
        out_shape=jax.ShapeDtypeStruct((512, 512), jnp.int32),
    )(label)


def _sc_hist_kernel(pred_hbm, lbl_hbm, out_hbm, pred_v, lbl_v, hist_v,
                    sem_p0, sem_p1, sem_l0, sem_l1):
    wid = lax.axis_index("s") * 2 + lax.axis_index("c")
    base = wid * PPT

    @plsc.parallel_loop(0, HW // 16, 1, unroll=8)
    def zero_body(i):
        hist_v[pl.ds(i * 16, 16)] = jnp.zeros((16,), jnp.int32)

    nchunks = PPT // CH
    sems_p = (sem_p0, sem_p1)
    sems_l = (sem_l0, sem_l1)

    RPC = CH // 512
    row0 = wid * (PPT // 512)

    def start(k):
        s = k % 2
        hp = pltpu.async_copy(
            pred_hbm.at[:, pl.ds(row0 + k * RPC, RPC), :], pred_v.at[s],
            sems_p[s])
        hl = pltpu.async_copy(lbl_hbm.at[pl.ds(row0 + k * RPC, RPC), :],
                              lbl_v.at[s], sems_l[s])
        return hp, hl

    pending = start(0)
    for k in range(nchunks):
        s = k % 2
        pending[0].wait()
        pending[1].wait()
        if k + 1 < nchunks:
            pending = start(k + 1)

        NV = CH // 16

        @plsc.parallel_loop(0, C * NV, 1, unroll=8)
        def vec_body(i, s=s):
            c = i // NV
            v = i - c * NV
            r = v // 32
            col = (v - r * 32) * 16
            lblv = lbl_v[s, r, pl.ds(col, 16)]
            p = pred_v[s, c, r, pl.ds(col, 16)]
            m = lblv == c
            e = jnp.where(m, 1.0 - p, p)
            q = (e * float(NB * FQ)).astype(jnp.int32)
            q = jnp.minimum(jnp.maximum(q, 0), NB * FQ - 1)
            val = (q & (FQ - 1)) + (1 << CNT_SHIFT)
            rowbase = jnp.where(m, c * NB, (C + c) * NB)
            plsc.addupdate_scatter(
                hist_v, [rowbase + (q >> 4)], val.astype(jnp.int32))

    pltpu.sync_copy(hist_v, out_hbm.at[wid])


def _sc_hist(pred2, lbl):
    mesh = plsc.VectorSubcoreMesh(core_axis_name="c", subcore_axis_name="s")
    k = functools.partial(
        pl.kernel,
        out_type=jax.ShapeDtypeStruct((NTILES, HW), jnp.int32),
        mesh=mesh,
        compiler_params=pltpu.CompilerParams(needs_layout_passes=False),
        scratch_types=[
            pltpu.VMEM((2, C, CH // 512, 512), jnp.float32),
            pltpu.VMEM((2, CH // 512, 512), jnp.int32),
            pltpu.VMEM((HW,), jnp.int32),
            pltpu.SemaphoreType.DMA,
            pltpu.SemaphoreType.DMA,
            pltpu.SemaphoreType.DMA,
            pltpu.SemaphoreType.DMA,
        ],
    )(_sc_hist_kernel)
    return k(pred2, lbl)


def _final_body(hist_ref, out_ref):
    mask = (1 << CNT_SHIFT) - 1
    cnt_acc = jnp.zeros((HROWS, NB), jnp.float32)
    frac_acc = jnp.zeros((HROWS, NB), jnp.float32)
    for t in range(NTILES):
        h = hist_ref[t]
        cnt_acc = cnt_acc + (h >> CNT_SHIFT).astype(jnp.float32)
        frac_acc = frac_acc + (h & mask).astype(jnp.float32)
    f = cnt_acc[0:C, :]
    g = cnt_acc[C:2 * C, :]
    fr = frac_acc[0:C, :] + frac_acc[C:2 * C, :]
    cnt_all = f + g
    bi = lax.broadcasted_iota(jnp.int32, (C, NB), 1).astype(jnp.float32)
    st = (bi * cnt_all + (fr + 0.5 * cnt_all) / float(FQ)) / float(NB)
    r = lax.broadcasted_iota(jnp.int32, (NB, NB), 0)
    cc = lax.broadcasted_iota(jnp.int32, (NB, NB), 1)
    T = (r <= cc).astype(jnp.float32)
    S_fg = jax.lax.dot(f, T, precision=jax.lax.Precision.HIGHEST)
    S_bg = jax.lax.dot(g, T, precision=jax.lax.Precision.HIGHEST)
    gts = jnp.sum(f, axis=1, keepdims=True)
    totbg = jnp.sum(g, axis=1, keepdims=True)
    den1 = jnp.maximum(gts + totbg - S_bg, 1.0)
    den2 = jnp.maximum(den1 + g, 1.0)
    dJ = S_fg / den1 - (S_fg - f) / den2
    ebar = st / jnp.maximum(cnt_all, 1.0)
    loss_main = jnp.sum(ebar * dJ, axis=1, keepdims=True)
    bif = lax.broadcasted_iota(jnp.int32, (C, NB), 1)
    bmax = jnp.max(jnp.where(cnt_all > 0, bif, -1), axis=1, keepdims=True)
    loss_empty = jnp.sum(jnp.where(bif == bmax, ebar, 0.0), axis=1,
                         keepdims=True)
    loss_c = jnp.where(gts == 0, loss_empty, loss_main)
    out_ref[...] = jnp.sum(loss_c, axis=0, keepdims=True) / float(C)


def _final_reduce(hist):
    return pl.pallas_call(
        _final_body,
        grid=(1,),
        in_specs=[pl.BlockSpec((NTILES, HROWS, NB), lambda i: (0, 0, 0))],
        out_specs=pl.BlockSpec((1, 1), lambda i: (0, 0)),
        out_shape=jax.ShapeDtypeStruct((1, 1), jnp.float32),
    )(hist)


def kernel(prediction, label):
    lbl = _argmax_labels(label)
    hist = _sc_hist(prediction, lbl)
    loss = _final_reduce(hist.reshape(NTILES, HROWS, NB))
    return loss.reshape(())

# --- scband reference (transcript-rebuilt; emitter-appended) ---
"""Pipeline reference for scband-lovasz-softmax-loss-1580547965265 (READ-ONLY COPY).

The authoritative reference and input builder live on the scoring server;
editing this copy changes nothing except your own understanding.
"""

import jax, jax.numpy as jnp
import numpy as np


def setup_inputs(seed: int = 0) -> dict:
    key = jax.random.key(seed)
    k1, k2 = jax.random.split(key)
    prediction = jax.random.uniform(k1, (21, 512, 512), dtype=jnp.float32)
    label = jax.random.uniform(k2, (21, 512, 512), dtype=jnp.float32)
    return {"prediction": prediction, "label": label}


def reference(prediction, label):
    # label.max(dim=0) -> indices (argmax over class axis)
    lbl = jnp.argmax(label, axis=0)
    classes, height, width = prediction.shape
    pred = jnp.transpose(prediction, (1, 2, 0)).reshape(-1, classes)
    lbl = lbl.reshape(-1)
    losses = []
    for c in range(classes):
        fg = (lbl == c).astype(jnp.float32)
        class_prediction = pred[:, c]
        errors = jnp.abs(fg - class_prediction)
        perm = jnp.argsort(-errors)  # descending sort permutation
        errors_sorted = errors[perm]
        fg_sorted = fg[perm]
        gts = jnp.sum(fg_sorted)
        intersection = gts - jnp.cumsum(fg_sorted)
        union = gts + jnp.cumsum(1.0 - fg_sorted)
        jaccard = 1.0 - intersection / union
        jaccard = jnp.concatenate([jaccard[:1], jaccard[1:] - jaccard[:-1]])
        losses.append(jnp.dot(errors_sorted, jaccard))
    return jnp.mean(jnp.stack(losses))

if __name__ == "__main__":
    import jax
    _d = setup_inputs()
    print(jax.jit(kernel)(*tuple(_d.values())))

</pallas_src>

<mosaic_0001>
#map = affine_map<(d0, d1) -> (0, 0, 0)>
#map1 = affine_map<(d0, d1) -> (0, 0)>
module attributes {stable_mosaic.version = 14 : i64} {
  func.func @_sc_hist_kernel(%arg0: i32, %arg1: i32, %arg2: memref<21x512x512xf32, #tpu.memory_space<hbm>>, %arg3: memref<512x512xi32, #tpu.memory_space<hbm>>, %arg4: memref<32x43008xi32, #tpu.memory_space<hbm>>, %arg5: memref<2x21x2x512xf32, #tpu.memory_space<vmem>>, %arg6: memref<2x2x512xi32, #tpu.memory_space<vmem>>, %arg7: memref<43008xi32, #tpu.memory_space<vmem>>, %arg8: memref<!tpu.dma_semaphore, #tpu.memory_space<semaphore_mem>>, %arg9: memref<!tpu.dma_semaphore, #tpu.memory_space<semaphore_mem>>, %arg10: memref<!tpu.dma_semaphore, #tpu.memory_space<semaphore_mem>>, %arg11: memref<!tpu.dma_semaphore, #tpu.memory_space<semaphore_mem>>) attributes {dimension_semantics = [#tpu.dimension_semantics<core_parallel>, #tpu.dimension_semantics<subcore_parallel>], iteration_bounds = array<i64: 2, 16>, scalar_prefetch = 0 : i64, scratch_operands = 7 : i64, tpu.core_type = #tpu.core_type<sc_vector_subcore>, window_params = [{transform_indices = #map}, {transform_indices = #map1}, {transform_indices = #map1}]} {
    %mul3A = arith.constant 2 : i32
    %mul3A_0 = arith.muli %arg1, %mul3A : i32
    %add3A = arith.addi %mul3A_0, %arg0 : i32
    %mul3A_1 = arith.constant 8192 : i32
    %mul3A_2 = arith.muli %add3A, %mul3A_1 : i32
    %parallel_loop3A = arith.constant 0 : i32
    %parallel_loop3A_3 = arith.constant 2688 : i32
    %parallel_loop3A_4 = arith.constant 1 : i32
    scf.for %parallel_loop3A_541 = %parallel_loop3A to %parallel_loop3A_3 step %parallel_loop3A_4  : i32 {
      %parallel_loop3A_542 = arith.constant 0 : i32
      %parallel_loop3A_543 = vector.broadcast %parallel_loop3A_542 : i32 to vector<16xi32>
      %parallel_loop3A_544 = arith.constant 16 : i32
      %parallel_loop3A_545 = arith.muli %parallel_loop3A_541, %parallel_loop3A_544 : i32
      %parallel_loop3A_546 = arith.index_cast %parallel_loop3A_545 : i32 to index
      %parallel_loop3A_547 = tpu.vector_load %arg7[%parallel_loop3A_546] {strides = array<i32>} : memref<43008xi32, #tpu.memory_space<vmem>>, vector<16xi32>,
      tpu.vector_store %arg7[%parallel_loop3A_546], %parallel_loop3A_543 {strides = array<i32>} : memref<43008xi32, #tpu.memory_space<vmem>>, vector<16xi32>,
    } {sc.loop_unroll_factor = 8 : i64, sc.parallel_access}
    %mul3A_5 = arith.constant 16 : i32
    %mul3A_6 = arith.muli %add3A, %mul3A_5 : i32
    %add3A_7 = arith.constant 0 : i32
    %add3A_8 = arith.addi %mul3A_6, %add3A_7 : i32
    %dma_start3A = arith.constant 0 : i32
    %dma_start3A_9 = arith.constant 0 : i32
    %dma_start3A_10 = arith.constant 0 : i32
    %dma_start3A_11 = arith.constant 0 : i32
    %dma_start3A_12 = tpu.memref_slice %arg5[%dma_start3A, %dma_start3A_9, %dma_start3A_10, %dma_start3A_11] : memref<2x21x2x512xf32, #tpu.memory_space<vmem>> -> memref<1x21x2x512xf32, #tpu.memory_space<vmem>>
    %dma_start3A_13 = tpu.memref_squeeze %dma_start3A_12 : memref<1x21x2x512xf32, #tpu.memory_space<vmem>> -> memref<21x2x512xf32, #tpu.memory_space<vmem>>
    %dma_start3A_14 = arith.constant 0 : i32
    %dma_start3A_15 = arith.constant 0 : i32
    %dma_start3A_16 = tpu.memref_slice %arg2[%dma_start3A_14, %add3A_8, %dma_start3A_15] : memref<21x512x512xf32, #tpu.memory_space<hbm>> -> memref<21x2x512xf32, #tpu.memory_space<hbm>>
    %dma_start3A_17 = arith.constant 0 : i32
    %dma_start3A_18 = arith.constant 0 : i32
    %dma_start3A_19 = arith.constant 0 : i32
    %dma_start3A_20 = tpu.memref_slice %arg5[%dma_start3A, %dma_start3A_17, %dma_start3A_18, %dma_start3A_19] : memref<2x21x2x512xf32, #tpu.memory_space<vmem>> -> memref<1x21x2x512xf32, #tpu.memory_space<vmem>>
    %dma_start3A_21 = tpu.memref_squeeze %dma_start3A_20 : memref<1x21x2x512xf32, #tpu.memory_space<vmem>> -> memref<21x2x512xf32, #tpu.memory_space<vmem>>
    %dma_start3A_22 = arith.constant 0 : i32
    %dma_start3A_23 = arith.constant 0 : i32
    %dma_start3A_24 = tpu.memref_slice %arg2[%dma_start3A_22, %add3A_8, %dma_start3A_23] : memref<21x512x512xf32, #tpu.memory_space<hbm>> -> memref<21x2x512xf32, #tpu.memory_space<hbm>>
    tpu.enqueue_dma source(%dma_start3A_24 : memref<21x2x512xf32, #tpu.memory_space<hbm>>) target(%dma_start3A_21 : memref<21x2x512xf32, #tpu.memory_space<vmem>>) target_semaphore(%arg8 : memref<!tpu.dma_semaphore, #tpu.memory_space<semaphore_mem>>)
    %add3A_25 = arith.constant 0 : i32
    %add3A_26 = arith.addi %mul3A_6, %add3A_25 : i32
    %dma_start3A_27 = arith.constant 0 : i32
    %dma_start3A_28 = arith.constant 0 : i32
    %dma_start3A_29 = arith.constant 0 : i32
    %dma_start3A_30 = tpu.memref_slice %arg6[%dma_start3A_27, %dma_start3A_28, %dma_start3A_29] : memref<2x2x512xi32, #tpu.memory_space<vmem>> -> memref<1x2x512xi32, #tpu.memory_space<vmem>>
    %dma_start3A_31 = tpu.memref_squeeze %dma_start3A_30 : memref<1x2x512xi32, #tpu.memory_space<vmem>> -> memref<2x512xi32, #tpu.memory_space<vmem>>
    %dma_start3A_32 = arith.constant 0 : i32
    %dma_start3A_33 = tpu.memref_slice %arg3[%add3A_26, %dma_start3A_32] : memref<512x512xi32, #tpu.memory_space<hbm>> -> memref<2x512xi32, #tpu.memory_space<hbm>>
    %dma_start3A_34 = arith.constant 0 : i32
    %dma_start3A_35 = arith.constant 0 : i32
    %dma_start3A_36 = tpu.memref_slice %arg6[%dma_start3A_27, %dma_start3A_34, %dma_start3A_35] : memref<2x2x512xi32, #tpu.memory_space<vmem>> -> memref<1x2x512xi32, #tpu.memory_space<vmem>>
    %dma_start3A_37 = tpu.memref_squeeze %dma_start3A_36 : memref<1x2x512xi32, #tpu.memory_space<vmem>> -> memref<2x512xi32, #tpu.memory_space<vmem>>
    %dma_start3A_38 = arith.constant 0 : i32
    %dma_start3A_39 = tpu.memref_slice %arg3[%add3A_26, %dma_start3A_38] : memref<512x512xi32, #tpu.memory_space<hbm>> -> memref<2x512xi32, #tpu.memory_space<hbm>>
    tpu.enqueue_dma source(%dma_start3A_39 : memref<2x512xi32, #tpu.memory_space<hbm>>) target(%dma_start3A_37 : memref<2x512xi32, #tpu.memory_space<vmem>>) target_semaphore(%arg10 : memref<!tpu.dma_semaphore, #tpu.memory_space<semaphore_mem>>)
    %dma_wait3A = arith.constant 0 : i32
    %dma_wait3A_40 = arith.constant 0 : i32
    %dma_wait3A_41 = arith.constant 0 : i32
    %dma_wait3A_42 = arith.constant 0 : i32
    %dma_wait3A_43 = tpu.memref_slice %arg5[%dma_wait3A, %dma_wait3A_40, %dma_wait3A_41, %dma_wait3A_42] : memref<2x21x2x512xf32, #tpu.memory_space<vmem>> -> memref<1x21x2x512xf32, #tpu.memory_space<vmem>>
    %dma_wait3A_44 = tpu.memref_squeeze %dma_wait3A_43 : memref<1x21x2x512xf32, #tpu.memory_space<vmem>> -> memref<21x2x512xf32, #tpu.memory_space<vmem>>
    %dma_wait3A_45 = arith.constant 0 : i32
    %dma_wait3A_46 = arith.constant 0 : i32
    %dma_wait3A_47 = tpu.memref_slice %arg2[%dma_wait3A_45, %add3A_8, %dma_wait3A_46] : memref<21x512x512xf32, #tpu.memory_space<hbm>> -> memref<21x2x512xf32, #tpu.memory_space<hbm>>
    %dma_wait3A_48 = arith.constant 0 : i32
    %dma_wait3A_49 = arith.constant 0 : i32
    %dma_wait3A_50 = arith.constant 0 : i32
    %dma_wait3A_51 = tpu.memref_slice %arg5[%dma_wait3A, %dma_wait3A_48, %dma_wait3A_49, %dma_wait3A_50] : memref<2x21x2x512xf32, #tpu.memory_space<vmem>> -> memref<1x21x2x512xf32, #tpu.memory_space<vmem>>
    %dma_wait3A_52 = tpu.memref_squeeze %dma_wait3A_51 : memref<1x21x2x512xf32, #tpu.memory_space<vmem>> -> memref<21x2x512xf32, #tpu.memory_space<vmem>>
    %dma_wait3A_53 = arith.constant 0 : i32
    %dma_wait3A_54 = arith.constant 0 : i32
    %dma_wait3A_55 = tpu.memref_slice %arg2[%dma_wait3A_53, %add3A_8, %dma_wait3A_54] : memref<21x512x512xf32, #tpu.memory_space<hbm>> -> memref<21x2x512xf32, #tpu.memory_space<hbm>>
    tpu.wait_dma2 semaphore(%arg8 : memref<!tpu.dma_semaphore, #tpu.memory_space<semaphore_mem>>) src(%dma_wait3A_55 : memref<21x2x512xf32, #tpu.memory_space<hbm>>) dst(%dma_wait3A_52 : memref<21x2x512xf32, #tpu.memory_space<vmem>>)
    %dma_wait3A_56 = arith.constant 0 : i32
    %dma_wait3A_57 = arith.constant 0 : i32
    %dma_wait3A_58 = arith.constant 0 : i32
    %dma_wait3A_59 = tpu.memref_slice %arg6[%dma_wait3A_56, %dma_wait3A_57, %dma_wait3A_58] : memref<2x2x512xi32, #tpu.memory_space<vmem>> -> memref<1x2x512xi32, #tpu.memory_space<vmem>>
    %dma_wait3A_60 = tpu.memref_squeeze %dma_wait3A_59 : memref<1x2x512xi32, #tpu.memory_space<vmem>> -> memref<2x512xi32, #tpu.memory_space<vmem>>
    %dma_wait3A_61 = arith.constant 0 : i32
    %dma_wait3A_62 = tpu.memref_slice %arg3[%add3A_26, %dma_wait3A_61] : memref<512x512xi32, #tpu.memory_space<hbm>> -> memref<2x512xi32, #tpu.memory_space<hbm>>
    %dma_wait3A_63 = arith.constant 0 : i32
    %dma_wait3A_64 = arith.constant 0 : i32
    %dma_wait3A_65 = tpu.memref_slice %arg6[%dma_wait3A_56, %dma_wait3A_63, %dma_wait3A_64] : memref<2x2x512xi32, #tpu.memory_space<vmem>> -> memref<1x2x512xi32, #tpu.memory_space<vmem>>
    %dma_wait3A_66 = tpu.memref_squeeze %dma_wait3A_65 : memref<1x2x512xi32, #tpu.memory_space<vmem>> -> memref<2x512xi32, #tpu.memory_space<vmem>>
    %dma_wait3A_67 = arith.constant 0 : i32
    %dma_wait3A_68 = tpu.memref_slice %arg3[%add3A_26, %dma_wait3A_67] : memref<512x512xi32, #tpu.memory_space<hbm>> -> memref<2x512xi32, #tpu.memory_space<hbm>>
    tpu.wait_dma2 semaphore(%arg10 : memref<!tpu.dma_semaphore, #tpu.memory_space<semaphore_mem>>) src(%dma_wait3A_68 : memref<2x512xi32, #tpu.memory_space<hbm>>) dst(%dma_wait3A_66 : memref<2x512xi32, #tpu.memory_space<vmem>>)
    %add3A_69 = arith.constant 2 : i32
    %add3A_70 = arith.addi %mul3A_6, %add3A_69 : i32
    %dma_start3A_71 = arith.constant 1 : i32
    %dma_start3A_72 = arith.constant 0 : i32
    %dma_start3A_73 = arith.constant 0 : i32
    %dma_start3A_74 = arith.constant 0 : i32
    %dma_start3A_75 = tpu.memref_slice %arg5[%dma_start3A_71, %dma_start3A_72, %dma_start3A_73, %dma_start3A_74] : memref<2x21x2x512xf32, #tpu.memory_space<vmem>> -> memref<1x21x2x512xf32, #tpu.memory_space<vmem>>
    %dma_start3A_76 = tpu.memref_squeeze %dma_start3A_75 : memref<1x21x2x512xf32, #tpu.memory_space<vmem>> -> memref<21x2x512xf32, #tpu.memory_space<vmem>>
    %dma_start3A_77 = arith.constant 0 : i32
    %dma_start3A_78 = arith.constant 0 : i32
    %dma_start3A_79 = tpu.memref_slice %arg2[%dma_start3A_77, %add3A_70, %dma_start3A_78] : memref<21x512x512xf32, #tpu.memory_space<hbm>> -> memref<21x2x512xf32, #tpu.memory_space<hbm>>
    %dma_start3A_80 = arith.constant 0 : i32
    %dma_start3A_81 = arith.constant 0 : i32
    %dma_start3A_82 = arith.constant 0 : i32
    %dma_start3A_83 = tpu.memref_slice %arg5[%dma_start3A_71, %dma_start3A_80, %dma_start3A_81, %dma_start3A_82] : memref<2x21x2x512xf32, #tpu.memory_space<vmem>> -> memref<1x21x2x512xf32, #tpu.memory_space<vmem>>
    %dma_start3A_84 = tpu.memref_squeeze %dma_start3A_83 : memref<1x21x2x512xf32, #tpu.memory_space<vmem>> -> memref<21x2x512xf32, #tpu.memory_space<vmem>>
    %dma_start3A_85 = arith.constant 0 : i32
    %dma_start3A_86 = arith.constant 0 : i32
    %dma_start3A_87 = tpu.memref_slice %arg2[%dma_start3A_85, %add3A_70, %dma_start3A_86] : memref<21x512x512xf32, #tpu.memory_space<hbm>> -> memref<21x2x512xf32, #tpu.memory_space<hbm>>
    tpu.enqueue_dma source(%dma_start3A_87 : memref<21x2x512xf32, #tpu.memory_space<hbm>>) target(%dma_start3A_84 : memref<21x2x512xf32, #tpu.memory_space<vmem>>) target_semaphore(%arg9 : memref<!tpu.dma_semaphore, #tpu.memory_space<semaphore_mem>>)
    %add3A_88 = arith.constant 2 : i32
    %add3A_89 = arith.addi %mul3A_6, %add3A_88 : i32
    %dma_start3A_90 = arith.constant 1 : i32
    %dma_start3A_91 = arith.constant 0 : i32
    %dma_start3A_92 = arith.constant 0 : i32
    %dma_start3A_93 = tpu.memref_slice %arg6[%dma_start3A_90, %dma_start3A_91, %dma_start3A_92] : memref<2x2x512xi32, #tpu.memory_space<vmem>> -> memref<1x2x512xi32, #tpu.memory_space<vmem>>
    %dma_start3A_94 = tpu.memref_squeeze %dma_start3A_93 : memref<1x2x512xi32, #tpu.memory_space<vmem>> -> memref<2x512xi32, #tpu.memory_space<vmem>>
    %dma_start3A_95 = arith.constant 0 : i32
    %dma_start3A_96 = tpu.memref_slice %arg3[%add3A_89, %dma_start3A_95] : memref<512x512xi32, #tpu.memory_space<hbm>> -> memref<2x512xi32, #tpu.memory_space<hbm>>
    %dma_start3A_97 = arith.constant 0 : i32
    %dma_start3A_98 = arith.constant 0 : i32
    %dma_start3A_99 = tpu.memref_slice %arg6[%dma_start3A_90, %dma_start3A_97, %dma_start3A_98] : memref<2x2x512xi32, #tpu.memory_space<vmem>> -> memref<1x2x512xi32, #tpu.memory_space<vmem>>
    %dma_start3A_100 = tpu.memref_squeeze %dma_start3A_99 : memref<1x2x512xi32, #tpu.memory_space<vmem>> -> memref<2x512xi32, #tpu.memory_space<vmem>>
    %dma_start3A_101 = arith.constant 0 : i32
    %dma_start3A_102 = tpu.memref_slice %arg3[%add3A_89, %dma_start3A_101] : memref<512x512xi32, #tpu.memory_space<hbm>> -> memref<2x512xi32, #tpu.memory_space<hbm>>
    tpu.enqueue_dma source(%dma_start3A_102 : memref<2x512xi32, #tpu.memory_space<hbm>>) target(%dma_start3A_100 : memref<2x512xi32, #tpu.memory_space<vmem>>) target_semaphore(%arg11 : memref<!tpu.dma_semaphore, #tpu.memory_space<semaphore_mem>>)
    %parallel_loop3A_103 = arith.constant 0 : i32
    %parallel_loop3A_104 = arith.constant 1344 : i32
    %parallel_loop3A_105 = arith.constant 1 : i32
    scf.for %parallel_loop3A_541 = %parallel_loop3A_103 to %parallel_loop3A_104 step %parallel_loop3A_105  : i32 {
      %parallel_loop3A_542 = arith.constant 64 : i32
      %parallel_loop3A_543 = arith.divsi %parallel_loop3A_541, %parallel_loop3A_542 : i32
      %parallel_loop3A_544 = arith.constant 0 : i32
      %parallel_loop3A_545 = arith.cmpi sgt, %parallel_loop3A_541, %parallel_loop3A_544 : i32
      %parallel_loop3A_546 = arith.extui %parallel_loop3A_545 : i1 to i32
      %parallel_loop3A_547 = arith.constant 0 : i32
      %parallel_loop3A_548 = arith.cmpi slt, %parallel_loop3A_541, %parallel_loop3A_547 : i32
      %parallel_loop3A_549 = arith.extui %parallel_loop3A_548 : i1 to i32
      %parallel_loop3A_550 = arith.subi %parallel_loop3A_546, %parallel_loop3A_549 : i32
      %parallel_loop3A_551 = arith.constant 0 : i32
      %parallel_loop3A_552 = arith.cmpi sgt, %parallel_loop3A_542, %parallel_loop3A_551 : i32
      %parallel_loop3A_553 = arith.extui %parallel_loop3A_552 : i1 to i32
      %parallel_loop3A_554 = arith.constant 0 : i32
      %parallel_loop3A_555 = arith.cmpi slt, %parallel_loop3A_542, %parallel_loop3A_554 : i32
      %parallel_loop3A_556 = arith.extui %parallel_loop3A_555 : i1 to i32
      %parallel_loop3A_557 = arith.subi %parallel_loop3A_553, %parallel_loop3A_556 : i32
      %parallel_loop3A_558 = arith.cmpi ne, %parallel_loop3A_550, %parallel_loop3A_557 : i32
      %parallel_loop3A_559 = arith.remsi %parallel_loop3A_541, %parallel_loop3A_542 : i32
      %parallel_loop3A_560 = arith.constant 0 : i32
      %parallel_loop3A_561 = arith.cmpi ne, %parallel_loop3A_559, %parallel_loop3A_560 : i32
      %parallel_loop3A_562 = arith.andi %parallel_loop3A_558, %parallel_loop3A_561 : i1
      %parallel_loop3A_563 = arith.constant 1 : i32
      %parallel_loop3A_564 = arith.subi %parallel_loop3A_543, %parallel_loop3A_563 : i32
      %parallel_loop3A_565 = arith.select %parallel_loop3A_562, %parallel_loop3A_564, %parallel_loop3A_543 : i32
      %parallel_loop3A_566 = arith.constant 64 : i32
      %parallel_loop3A_567 = arith.muli %parallel_loop3A_565, %parallel_loop3A_566 : i32
      %parallel_loop3A_568 = arith.subi %parallel_loop3A_541, %parallel_loop3A_567 : i32
      %parallel_loop3A_569 = arith.constant 32 : i32
      %parallel_loop3A_570 = arith.divsi %parallel_loop3A_568, %parallel_loop3A_569 : i32
      %parallel_loop3A_571 = arith.constant 0 : i32
      %parallel_loop3A_572 = arith.cmpi sgt, %parallel_loop3A_568, %parallel_loop3A_571 : i32
      %parallel_loop3A_573 = arith.extui %parallel_loop3A_572 : i1 to i32
      %parallel_loop3A_574 = arith.constant 0 : i32
      %parallel_loop3A_575 = arith.cmpi slt, %parallel_loop3A_568, %parallel_loop3A_574 : i32
      %parallel_loop3A_576 = arith.extui %parallel_loop3A_575 : i1 to i32
      %parallel_loop3A_577 = arith.subi %parallel_loop3A_573, %parallel_loop3A_576 : i32
      %parallel_loop3A_578 = arith.constant 0 : i32
      %parallel_loop3A_579 = arith.cmpi sgt, %parallel_loop3A_569, %parallel_loop3A_578 : i32
      %parallel_loop3A_580 = arith.extui %parallel_loop3A_579 : i1 to i32
      %parallel_loop3A_581 = arith.constant 0 : i32
      %parallel_loop3A_582 = arith.cmpi slt, %parallel_loop3A_569, %parallel_loop3A_581 : i32
      %parallel_loop3A_583 = arith.extui %parallel_loop3A_582 : i1 to i32
      %parallel_loop3A_584 = arith.subi %parallel_loop3A_580, %parallel_loop3A_583 : i32
      %parallel_loop3A_585 = arith.cmpi ne, %parallel_loop3A_577, %parallel_loop3A_584 : i32
      %parallel_loop3A_586 = arith.remsi %parallel_loop3A_568, %parallel_loop3A_569 : i32
      %parallel_loop3A_587 = arith.constant 0 : i32
      %parallel_loop3A_588 = arith.cmpi ne, %parallel_loop3A_586, %parallel_loop3A_587 : i32
      %parallel_loop3A_589 = arith.andi %parallel_loop3A_585, %parallel_loop3A_588 : i1
      %parallel_loop3A_590 = arith.constant 1 : i32
      %parallel_loop3A_591 = arith.subi %parallel_loop3A_570, %parallel_loop3A_590 : i32
      %parallel_loop3A_592 = arith.select %parallel_loop3A_589, %parallel_loop3A_591, %parallel_loop3A_570 : i32
      %parallel_loop3A_593 = arith.constant 32 : i32
      %parallel_loop3A_594 = arith.muli %parallel_loop3A_592, %parallel_loop3A_593 : i32
      %parallel_loop3A_595 = arith.subi %parallel_loop3A_568, %parallel_loop3A_594 : i32
      %parallel_loop3A_596 = arith.constant 16 : i32
      %parallel_loop3A_597 = arith.muli %parallel_loop3A_595, %parallel_loop3A_596 : i32
      %parallel_loop3A_598 = arith.constant 0 : i32
      %parallel_loop3A_599 = arith.index_cast %parallel_loop3A_598 : i32 to index
      %parallel_loop3A_600 = arith.index_cast %parallel_loop3A_592 : i32 to index
      %parallel_loop3A_601 = arith.index_cast %parallel_loop3A_597 : i32 to index
      %parallel_loop3A_602 = tpu.vector_load %arg6[%parallel_loop3A_599, %parallel_loop3A_600, %parallel_loop3A_601] {strides = array<i32>} : memref<2x2x512xi32, #tpu.memory_space<vmem>>, vector<16xi32>,
      %parallel_loop3A_603 = arith.constant 0 : i32
      %parallel_loop3A_604 = arith.index_cast %parallel_loop3A_603 : i32 to index
      %parallel_loop3A_605 = arith.index_cast %parallel_loop3A_565 : i32 to index
      %parallel_loop3A_606 = arith.index_cast %parallel_loop3A_592 : i32 to index
      %parallel_loop3A_607 = arith.index_cast %parallel_loop3A_597 : i32 to index
      %parallel_loop3A_608 = tpu.vector_load %arg5[%parallel_loop3A_604, %parallel_loop3A_605, %parallel_loop3A_606, %parallel_loop3A_607] {strides = array<i32>} : memref<2x21x2x512xf32, #tpu.memory_space<vmem>>, vector<16xf32>,
      %parallel_loop3A_609 = vector.broadcast %parallel_loop3A_565 : i32 to vector<16xi32>
      %parallel_loop3A_610 = arith.cmpi eq, %parallel_loop3A_602, %parallel_loop3A_609 : vector<16xi32>
      %parallel_loop3A_611 = arith.constant 1.000000e+00 : f32
      %parallel_loop3A_612 = vector.broadcast %parallel_loop3A_611 : f32 to vector<16xf32>
      %parallel_loop3A_613 = arith.subf %parallel_loop3A_612, %parallel_loop3A_608 : vector<16xf32>
      %parallel_loop3A_614 = arith.select %parallel_loop3A_610, %parallel_loop3A_613, %parallel_loop3A_608 : vector<16xi1>, vector<16xf32>
      %parallel_loop3A_615 = arith.constant 1.638400e+04 : f32
      %parallel_loop3A_616 = vector.broadcast %parallel_loop3A_615 : f32 to vector<16xf32>
      %parallel_loop3A_617 = arith.mulf %parallel_loop3A_614, %parallel_loop3A_616 : vector<16xf32>
      %parallel_loop3A_618 = arith.fptosi %parallel_loop3A_617 : vector<16xf32> to vector<16xi32>
      %parallel_loop3A_619 = arith.constant 0 : i32
      %parallel_loop3A_620 = vector.broadcast %parallel_loop3A_619 : i32 to vector<16xi32>
      %parallel_loop3A_621 = arith.maxsi %parallel_loop3A_618, %parallel_loop3A_620 : vector<16xi32>
      %parallel_loop3A_622 = arith.constant 16383 : i32
      %parallel_loop3A_623 = vector.broadcast %parallel_loop3A_622 : i32 to vector<16xi32>
      %parallel_loop3A_624 = arith.minsi %parallel_loop3A_621, %parallel_loop3A_623 : vector<16xi32>
      %parallel_loop3A_625 = arith.constant 15 : i32
      %parallel_loop3A_626 = vector.broadcast %parallel_loop3A_625 : i32 to vector<16xi32>
      %parallel_loop3A_627 = arith.andi %parallel_loop3A_624, %parallel_loop3A_626 : vector<16xi32>
      %parallel_loop3A_628 = arith.constant 131072 : i32
      %parallel_loop3A_629 = vector.broadcast %parallel_loop3A_628 : i32 to vector<16xi32>
      %parallel_loop3A_630 = arith.addi %parallel_loop3A_627, %parallel_loop3A_629 : vector<16xi32>
      %parallel_loop3A_631 = arith.constant 1024 : i32
      %parallel_loop3A_632 = arith.muli %parallel_loop3A_565, %parallel_loop3A_631 : i32
      %parallel_loop3A_633 = arith.constant 21 : i32
      %parallel_loop3A_634 = arith.addi %parallel_loop3A_633, %parallel_loop3A_565 : i32
      %parallel_loop3A_635 = arith.constant 1024 : i32
      %parallel_loop3A_636 = arith.muli %parallel_loop3A_634, %parallel_loop3A_635 : i32
      %parallel_loop3A_637 = vector.broadcast %parallel_loop3A_632 : i32 to vector<16xi32>
      %parallel_loop3A_638 = vector.broadcast %parallel_loop3A_636 : i32 to vector<16xi32>
      %parallel_loop3A_639 = arith.select %parallel_loop3A_610, %parallel_loop3A_637, %parallel_loop3A_638 : vector<16xi1>, vector<16xi32>
      %parallel_loop3A_640 = arith.constant 4 : i32
      %parallel_loop3A_641 = vector.broadcast %parallel_loop3A_640 : i32 to vector<16xi32>
      %parallel_loop3A_642 = arith.shrsi %parallel_loop3A_624, %parallel_loop3A_641 : vector<16xi32>
      %parallel_loop3A_643 = arith.addi %parallel_loop3A_639, %parallel_loop3A_642 : vector<16xi32>
      tpu.vector_store_idx %arg7[%parallel_loop3A_643], %parallel_loop3A_630 {add = true} : memref<43008xi32, #tpu.memory_space<vmem>>[vector<16xi32>], vector<16xi32>,
    } {sc.loop_unroll_factor = 8 : i64, sc.parallel_access}
    %dma_wait3A_106 = arith.constant 1 : i32
    %dma_wait3A_107 = arith.constant 0 : i32
    %dma_wait3A_108 = arith.constant 0 : i32
    %dma_wait3A_109 = arith.constant 0 : i32
    %dma_wait3A_110 = tpu.memref_slice %arg5[%dma_wait3A_106, %dma_wait3A_107, %dma_wait3A_108, %dma_wait3A_109] : memref<2x21x2x512xf32, #tpu.memory_space<vmem>> -> memref<1x21x2x512xf32, #tpu.memory_space<vmem>>
    %dma_wait3A_111 = tpu.memref_squeeze %dma_wait3A_110 : memref<1x21x2x512xf32, #tpu.memory_space<vmem>> -> memref<21x2x512xf32, #tpu.memory_space<vmem>>
    %dma_wait3A_112 = arith.constant 0 : i32
    %dma_wait3A_113 = arith.constant 0 : i32
    %dma_wait3A_114 = tpu.memref_slice %arg2[%dma_wait3A_112, %add3A_70, %dma_wait3A_113] : memref<21x512x512xf32, #tpu.memory_space<hbm>> -> memref<21x2x512xf32, #tpu.memory_space<hbm>>
    %dma_wait3A_115 = arith.constant 0 : i32
    %dma_wait3A_116 = arith.constant 0 : i32
    %dma_wait3A_117 = arith.constant 0 : i32
    %dma_wait3A_118 = tpu.memref_slice %arg5[%dma_wait3A_106, %dma_wait3A_115, %dma_wait3A_116, %dma_wait3A_117] : memref<2x21x2x512xf32, #tpu.memory_space<vmem>> -> memref<1x21x2x512xf32, #tpu.memory_space<vmem>>
    %dma_wait3A_119 = tpu.memref_squeeze %dma_wait3A_118 : memref<1x21x2x512xf32, #tpu.memory_space<vmem>> -> memref<21x2x512xf32, #tpu.memory_space<vmem>>
    %dma_wait3A_120 = arith.constant 0 : i32
    %dma_wait3A_121 = arith.constant 0 : i32
    %dma_wait3A_122 = tpu.memref_slice %arg2[%dma_wait3A_120, %add3A_70, %dma_wait3A_121] : memref<21x512x512xf32, #tpu.memory_space<hbm>> -> memref<21x2x512xf32, #tpu.memory_space<hbm>>
    tpu.wait_dma2 semaphore(%arg9 : memref<!tpu.dma_semaphore, #tpu.memory_space<semaphore_mem>>) src(%dma_wait3A_122 : memref<21x2x512xf32, #tpu.memory_space<hbm>>) dst(%dma_wait3A_119 : memref<21x2x512xf32, #tpu.memory_space<vmem>>)
    %dma_wait3A_123 = arith.constant 1 : i32
    %dma_wait3A_124 = arith.constant 0 : i32
    %dma_wait3A_125 = arith.constant 0 : i32
    %dma_wait3A_126 = tpu.memref_slice %arg6[%dma_wait3A_123, %dma_wait3A_124, %dma_wait3A_125] : memref<2x2x512xi32, #tpu.memory_space<vmem>> -> memref<1x2x512xi32, #tpu.memory_space<vmem>>
    %dma_wait3A_127 = tpu.memref_squeeze %dma_wait3A_126 : memref<1x2x512xi32, #tpu.memory_space<vmem>> -> memref<2x512xi32, #tpu.memory_space<vmem>>
    %dma_wait3A_128 = arith.constant 0 : i32
    %dma_wait3A_129 = tpu.memref_slice %arg3[%add3A_89, %dma_wait3A_128] : memref<512x512xi32, #tpu.memory_space<hbm>> -> memref<2x512xi32, #tpu.memory_space<hbm>>
    %dma_wait3A_130 = arith.constant 0 : i32
    %dma_wait3A_131 = arith.constant 0 : i32
    %dma_wait3A_132 = tpu.memref_slice %arg6[%dma_wait3A_123, %dma_wait3A_130, %dma_wait3A_131] : memref<2x2x512xi32, #tpu.memory_space<vmem>> -> memref<1x2x512xi32, #tpu.memory_space<vmem>>
    %dma_wait3A_133 = tpu.memref_squeeze %dma_wait3A_132 : memref<1x2x512xi32, #tpu.memory_space<vmem>> -> memref<2x512xi32, #tpu.memory_space<vmem>>
    %dma_wait3A_134 = arith.constant 0 : i32
    %dma_wait3A_135 = tpu.memref_slice %arg3[%add3A_89, %dma_wait3A_134] : memref<512x512xi32, #tpu.memory_space<hbm>> -> memref<2x512xi32, #tpu.memory_space<hbm>>
    tpu.wait_dma2 semaphore(%arg11 : memref<!tpu.dma_semaphore, #tpu.memory_space<semaphore_mem>>) src(%dma_wait3A_135 : memref<2x512xi32, #tpu.memory_space<hbm>>) dst(%dma_wait3A_133 : memref<2x512xi32, #tpu.memory_space<vmem>>)
    %add3A_136 = arith.constant 4 : i32
    %add3A_137 = arith.addi %mul3A_6, %add3A_136 : i32
    %dma_start3A_138 = arith.constant 0 : i32
    %dma_start3A_139 = arith.constant 0 : i32
    %dma_start3A_140 = arith.constant 0 : i32
    %dma_start3A_141 = arith.constant 0 : i32
    %dma_start3A_142 = tpu.memref_slice %arg5[%dma_start3A_138, %dma_start3A_139, %dma_start3A_140, %dma_start3A_141] : memref<2x21x2x512xf32, #tpu.memory_space<vmem>> -> memref<1x21x2x512xf32, #tpu.memory_space<vmem>>
    %dma_start3A_143 = tpu.memref_squeeze %dma_start3A_142 : memref<1x21x2x512xf32, #tpu.memory_space<vmem>> -> memref<21x2x512xf32, #tpu.memory_space<vmem>>
    %dma_start3A_144 = arith.constant 0 : i32
    %dma_start3A_145 = arith.constant 0 : i32
    %dma_start3A_146 = tpu.memref_slice %arg2[%dma_start3A_144, %add3A_137, %dma_start3A_145] : memref<21x512x512xf32, #tpu.memory_space<hbm>> -> memref<21x2x512xf32, #tpu.memory_space<hbm>>
    %dma_start3A_147 = arith.constant 0 : i32
    %dma_start3A_148 = arith.constant 0 : i32
    %dma_start3A_149 = arith.constant 0 : i32
    %dma_start3A_150 = tpu.memref_slice %arg5[%dma_start3A_138, %dma_start3A_147, %dma_start3A_148, %dma_start3A_149] : memref<2x21x2x512xf32, #tpu.memory_space<vmem>> -> memref<1x21x2x512xf32, #tpu.memory_space<vmem>>
    %dma_start3A_151 = tpu.memref_squeeze %dma_start3A_150 : memref<1x21x2x512xf32, #tpu.memory_space<vmem>> -> memref<21x2x512xf32, #tpu.memory_space<vmem>>
    %dma_start3A_152 = arith.constant 0 : i32
    %dma_start3A_153 = arith.constant 0 : i32
    %dma_start3A_154 = tpu.memref_slice %arg2[%dma_start3A_152, %add3A_137, %dma_start3A_153] : memref<21x512x512xf32, #tpu.memory_space<hbm>> -> memref<21x2x512xf32, #tpu.memory_space<hbm>>
    tpu.enqueue_dma source(%dma_start3A_154 : memref<21x2x512xf32, #tpu.memory_space<hbm>>) target(%dma_start3A_151 : memref<21x2x512xf32, #tpu.memory_space<vmem>>) target_semaphore(%arg8 : memref<!tpu.dma_semaphore, #tpu.memory_space<semaphore_mem>>)
    %add3A_155 = arith.constant 4 : i32
    %add3A_156 = arith.addi %mul3A_6, %add3A_155 : i32
    %dma_start3A_157 = arith.constant 0 : i32
    %dma_start3A_158 = arith.constant 0 : i32
    %dma_start3A_159 = arith.constant 0 : i32
    %dma_start3A_160 = tpu.memref_slice %arg6[%dma_start3A_157, %dma_start3A_158, %dma_start3A_159] : memref<2x2x512xi32, #tpu.memory_space<vmem>> -> memref<1x2x512xi32, #tpu.memory_space<vmem>>
    %dma_start3A_161 = tpu.memref_squeeze %dma_start3A_160 : memref<1x2x512xi32, #tpu.memory_space<vmem>> -> memref<2x512xi32, #tpu.memory_space<vmem>>
    %dma_start3A_162 = arith.constant 0 : i32
    %dma_start3A_163 = tpu.memref_slice %arg3[%add3A_156, %dma_start3A_162] : memref<512x512xi32, #tpu.memory_space<hbm>> -> memref<2x512xi32, #tpu.memory_space<hbm>>
    %dma_start3A_164 = arith.constant 0 : i32
    %dma_start3A_165 = arith.constant 0 : i32
    %dma_start3A_166 = tpu.memref_slice %arg6[%dma_start3A_157, %dma_start3A_164, %dma_start3A_165] : memref<2x2x512xi32, #tpu.memory_space<vmem>> -> memref<1x2x512xi32, #tpu.memory_space<vmem>>
    %dma_start3A_167 = tpu.memref_squeeze %dma_start3A_166 : memref<1x2x512xi32, #tpu.memory_space<vmem>> -> memref<2x512xi32, #tpu.memory_space<vmem>>
    %dma_start3A_168 = arith.constant 0 : i32
    %dma_start3A_169 = tpu.memref_slice %arg3[%add3A_156, %dma_start3A_168] : memref<512x512xi32, #tpu.memory_space<hbm>> -> memref<2x512xi32, #tpu.memory_space<hbm>>
    tpu.enqueue_dma source(%dma_start3A_169 : memref<2x512xi32, #tpu.memory_space<hbm>>) target(%dma_start3A_167 : memref<2x512xi32, #tpu.memory_space<vmem>>) target_semaphore(%arg10 : memref<!tpu.dma_semaphore, #tpu.memory_space<semaphore_mem>>)
    %parallel_loop3A_170 = arith.constant 0 : i32
    %parallel_loop3A_171 = arith.constant 1344 : i32
    %parallel_loop3A_172 = arith.constant 1 : i32
    scf.for %parallel_loop3A_541 = %parallel_loop3A_170 to %parallel_loop3A_171 step %parallel_loop3A_172  : i32 {
      %parallel_loop3A_542 = arith.constant 64 : i32
      %parallel_loop3A_543 = arith.divsi %parallel_loop3A_541, %parallel_loop3A_542 : i32
      %parallel_loop3A_544 = arith.constant 0 : i32
      %parallel_loop3A_545 = arith.cmpi sgt, %parallel_loop3A_541, %parallel_loop3A_544 : i32
      %parallel_loop3A_546 = arith.extui %parallel_loop3A_545 : i1 to i32
      %parallel_loop3A_547 = arith.constant 0 : i32
      %parallel_loop3A_548 = arith.cmpi slt, %parallel_loop3A_541, %parallel_loop3A_547 : i32
      %parallel_loop3A_549 = arith.extui %parallel_loop3A_548 : i1 to i32
      %parallel_loop3A_550 = arith.subi %parallel_loop3A_546, %parallel_loop3A_549 : i32
      %parallel_loop3A_551 = arith.constant 0 : i32
      %parallel_loop3A_552 = arith.cmpi sgt, %parallel_loop3A_542, %parallel_loop3A_551 : i32
      %parallel_loop3A_553 = arith.extui %parallel_loop3A_552 : i1 to i32
      %parallel_loop3A_554 = arith.constant 0 : i32
      %parallel_loop3A_555 = arith.cmpi slt, %parallel_loop3A_542, %parallel_loop3A_554 : i32
      %parallel_loop3A_556 = arith.extui %parallel_loop3A_555 : i1 to i32
      %parallel_loop3A_557 = arith.subi %parallel_loop3A_553, %parallel_loop3A_556 : i32
      %parallel_loop3A_558 = arith.cmpi ne, %parallel_loop3A_550, %parallel_loop3A_557 : i32
      %parallel_loop3A_559 = arith.remsi %parallel_loop3A_541, %parallel_loop3A_542 : i32
      %parallel_loop3A_560 = arith.constant 0 : i32
      %parallel_loop3A_561 = arith.cmpi ne, %parallel_loop3A_559, %parallel_loop3A_560 : i32
      %parallel_loop3A_562 = arith.andi %parallel_loop3A_558, %parallel_loop3A_561 : i1
      %parallel_loop3A_563 = arith.constant 1 : i32
      %parallel_loop3A_564 = arith.subi %parallel_loop3A_543, %parallel_loop3A_563 : i32
      %parallel_loop3A_565 = arith.select %parallel_loop3A_562, %parallel_loop3A_564, %parallel_loop3A_543 : i32
      %parallel_loop3A_566 = arith.constant 64 : i32
      %parallel_loop3A_567 = arith.muli %parallel_loop3A_565, %parallel_loop3A_566 : i32
      %parallel_loop3A_568 = arith.subi %parallel_loop3A_541, %parallel_loop3A_567 : i32
      %parallel_loop3A_569 = arith.constant 32 : i32
      %parallel_loop3A_570 = arith.divsi %parallel_loop3A_568, %parallel_loop3A_569 : i32
      %parallel_loop3A_571 = arith.constant 0 : i32
      %parallel_loop3A_572 = arith.cmpi sgt, %parallel_loop3A_568, %parallel_loop3A_571 : i32
      %parallel_loop3A_573 = arith.extui %parallel_loop3A_572 : i1 to i32
      %parallel_loop3A_574 = arith.constant 0 : i32
      %parallel_loop3A_575 = arith.cmpi slt, %parallel_loop3A_568, %parallel_loop3A_574 : i32
      %parallel_loop3A_576 = arith.extui %parallel_loop3A_575 : i1 to i32
      %parallel_loop3A_577 = arith.subi %parallel_loop3A_573, %parallel_loop3A_576 : i32
      %parallel_loop3A_578 = arith.constant 0 : i32
      %parallel_loop3A_579 = arith.cmpi sgt, %parallel_loop3A_569, %parallel_loop3A_578 : i32
      %parallel_loop3A_580 = arith.extui %parallel_loop3A_579 : i1 to i32
      %parallel_loop3A_581 = arith.constant 0 : i32
      %parallel_loop3A_582 = arith.cmpi slt, %parallel_loop3A_569, %parallel_loop3A_581 : i32
      %parallel_loop3A_583 = arith.extui %parallel_loop3A_582 : i1 to i32
      %parallel_loop3A_584 = arith.subi %parallel_loop3A_580, %parallel_loop3A_583 : i32
      %parallel_loop3A_585 = arith.cmpi ne, %parallel_loop3A_577, %parallel_loop3A_584 : i32
      %parallel_loop3A_586 = arith.remsi %parallel_loop3A_568, %parallel_loop3A_569 : i32
      %parallel_loop3A_587 = arith.constant 0 : i32
      %parallel_loop3A_588 = arith.cmpi ne, %parallel_loop3A_586, %parallel_loop3A_587 : i32
      %parallel_loop3A_589 = arith.andi %parallel_loop3A_585, %parallel_loop3A_588 : i1
      %parallel_loop3A_590 = arith.constant 1 : i32
      %parallel_loop3A_591 = arith.subi %parallel_loop3A_570, %parallel_loop3A_590 : i32
      %parallel_loop3A_592 = arith.select %parallel_loop3A_589, %parallel_loop3A_591, %parallel_loop3A_570 : i32
      %parallel_loop3A_593 = arith.constant 32 : i32
      %parallel_loop3A_594 = arith.muli %parallel_loop3A_592, %parallel_loop3A_593 : i32
      %parallel_loop3A_595 = arith.subi %parallel_loop3A_568, %parallel_loop3A_594 : i32
      %parallel_loop3A_596 = arith.constant 16 : i32
      %parallel_loop3A_597 = arith.muli %parallel_loop3A_595, %parallel_loop3A_596 : i32
      %parallel_loop3A_598 = arith.constant 1 : i32
      %parallel_loop3A_599 = arith.index_cast %parallel_loop3A_598 : i32 to index
      %parallel_loop3A_600 = arith.index_cast %parallel_loop3A_592 : i32 to index
      %parallel_loop3A_601 = arith.index_cast %parallel_loop3A_597 : i32 to index
      %parallel_loop3A_602 = tpu.vector_load %arg6[%parallel_loop3A_599, %parallel_loop3A_600, %parallel_loop3A_601] {strides = array<i32>} : memref<2x2x512xi32, #tpu.memory_space<vmem>>, vector<16xi32>,
      %parallel_loop3A_603 = arith.constant 1 : i32
      %parallel_loop3A_604 = arith.index_cast %parallel_loop3A_603 : i32 to index
      %parallel_loop3A_605 = arith.index_cast %parallel_loop3A_565 : i32 to index
      %parallel_loop3A_606 = arith.index_cast %parallel_loop3A_592 : i32 to index
      %parallel_loop3A_607 = arith.index_cast %parallel_loop3A_597 : i32 to index
      %parallel_loop3A_608 = tpu.vector_load %arg5[%parallel_loop3A_604, %parallel_loop3A_605, %parallel_loop3A_606, %parallel_loop3A_607] {strides = array<i32>} : memref<2x21x2x512xf32, #tpu.memory_space<vmem>>, vector<16xf32>,
      %parallel_loop3A_609 = vector.broadcast %parallel_loop3A_565 : i32 to vector<16xi32>
      %parallel_loop3A_610 = arith.cmpi eq, %parallel_loop3A_602, %parallel_loop3A_609 : vector<16xi32>
      %parallel_loop3A_611 = arith.constant 1.000000e+00 : f32
      %parallel_loop3A_612 = vector.broadcast %parallel_loop3A_611 : f32 to vector<16xf32>
      %parallel_loop3A_613 = arith.subf %parallel_loop3A_612, %parallel_loop3A_608 : vector<16xf32>
      %parallel_loop3A_614 = arith.select %parallel_loop3A_610, %parallel_loop3A_613, %parallel_loop3A_608 : vector<16xi1>, vector<16xf32>
      %parallel_loop3A_615 = arith.constant 1.638400e+04 : f32
      %parallel_loop3A_616 = vector.broadcast %parallel_loop3A_615 : f32 to vector<16xf32>
      %parallel_loop3A_617 = arith.mulf %parallel_loop3A_614, %parallel_loop3A_616 : vector<16xf32>
      %parallel_loop3A_618 = arith.fptosi %parallel_loop3A_617 : vector<16xf32> to vector<16xi32>
      %parallel_loop3A_619 = arith.constant 0 : i32
      %parallel_loop3A_620 = vector.broadcast %parallel_loop3A_619 : i32 to vector<16xi32>
      %parallel_loop3A_621 = arith.maxsi %parallel_loop3A_618, %parallel_loop3A_620 : vector<16xi32>
      %parallel_loop3A_622 = arith.constant 16383 : i32
      %parallel_loop3A_623 = vector.broadcast %parallel_loop3A_622 : i32 to vector<16xi32>
      %parallel_loop3A_624 = arith.minsi %parallel_loop3A_621, %parallel_loop3A_623 : vector<16xi32>
      %parallel_loop3A_625 = arith.constant 15 : i32
      %parallel_loop3A_626 = vector.broadcast %parallel_loop3A_625 : i32 to vector<16xi32>
      %parallel_loop3A_627 = arith.andi %parallel_loop3A_624, %parallel_loop3A_626 : vector<16xi32>
      %parallel_loop3A_628 = arith.constant 131072 : i32
      %parallel_loop3A_629 = vector.broadcast %parallel_loop3A_628 : i32 to vector<16xi32>
      %parallel_loop3A_630 = arith.addi %parallel_loop3A_627, %parallel_loop3A_629 : vector<16xi32>
      %parallel_loop3A_631 = arith.constant 1024 : i32
      %parallel_loop3A_632 = arith.muli %parallel_loop3A_565, %parallel_loop3A_631 : i32
      %parallel_loop3A_633 = arith.constant 21 : i32
      %parallel_loop3A_634 = arith.addi %parallel_loop3A_633, %parallel_loop3A_565 : i32
      %parallel_loop3A_635 = arith.constant 1024 : i32
      %parallel_loop3A_636 = arith.muli %parallel_loop3A_634, %parallel_loop3A_635 : i32
      %parallel_loop3A_637 = vector.broadcast %parallel_loop3A_632 : i32 to vector<16xi32>
      %parallel_loop3A_638 = vector.broadcast %parallel_loop3A_636 : i32 to vector<16xi32>
      %parallel_loop3A_639 = arith.select %parallel_loop3A_610, %parallel_loop3A_637, %parallel_loop3A_638 : vector<16xi1>, vector<16xi32>
      %parallel_loop3A_640 = arith.constant 4 : i32
      %parallel_loop3A_641 = vector.broadcast %parallel_loop3A_640 : i32 to vector<16xi32>
      %parallel_loop3A_642 = arith.shrsi %parallel_loop3A_624, %parallel_loop3A_641 : vector<16xi32>
      %parallel_loop3A_643 = arith.addi %parallel_loop3A_639, %parallel_loop3A_642 : vector<16xi32>
      tpu.vector_store_idx %arg7[%parallel_loop3A_643], %parallel_loop3A_630 {add = true} : memref<43008xi32, #tpu.memory_space<vmem>>[vector<16xi32>], vector<16xi32>,
    } {sc.loop_unroll_factor = 8 : i64, sc.parallel_access}
    %dma_wait3A_173 = arith.constant 0 : i32
    %dma_wait3A_174 = arith.constant 0 : i32
    %dma_wait3A_175 = arith.constant 0 : i32
    %dma_wait3A_176 = arith.constant 0 : i32
    %dma_wait3A_177 = tpu.memref_slice %arg5[%dma_wait3A_173, %dma_wait3A_174, %dma_wait3A_175, %dma_wait3A_176] : memref<2x21x2x512xf32, #tpu.memory_space<vmem>> -> memref<1x21x2x512xf32, #tpu.memory_space<vmem>>
    %dma_wait3A_178 = tpu.memref_squeeze %dma_wait3A_177 : memref<1x21x2x512xf32, #tpu.memory_space<vmem>> -> memref<21x2x512xf32, #tpu.memory_space<vmem>>
    %dma_wait3A_179 = arith.constant 0 : i32
    %dma_wait3A_180 = arith.constant 0 : i32
    %dma_wait3A_181 = tpu.memref_slice %arg2[%dma_wait3A_179, %add3A_137, %dma_wait3A_180] : memref<21x512x512xf32, #tpu.memory_space<hbm>> -> memref<21x2x512xf32, #tpu.memory_space<hbm>>
    %dma_wait3A_182 = arith.constant 0 : i32
    %dma_wait3A_183 = arith.constant 0 : i32
    %dma_wait3A_184 = arith.constant 0 : i32
    %dma_wait3A_185 = tpu.memref_slice %arg5[%dma_wait3A_173, %dma_wait3A_182, %dma_wait3A_183, %dma_wait3A_184] : memref<2x21x2x512xf32, #tpu.memory_space<vmem>> -> memref<1x21x2x512xf32, #tpu.memory_space<vmem>>
    %dma_wait3A_186 = tpu.memref_squeeze %dma_wait3A_185 : memref<1x21x2x512xf32, #tpu.memory_space<vmem>> -> memref<21x2x512xf32, #tpu.memory_space<vmem>>
    %dma_wait3A_187 = arith.constant 0 : i32
    %dma_wait3A_188 = arith.constant 0 : i32
    %dma_wait3A_189 = tpu.memref_slice %arg2[%dma_wait3A_187, %add3A_137, %dma_wait3A_188] : memref<21x512x512xf32, #tpu.memory_space<hbm>> -> memref<21x2x512xf32, #tpu.memory_space<hbm>>
    tpu.wait_dma2 semaphore(%arg8 : memref<!tpu.dma_semaphore, #tpu.memory_space<semaphore_mem>>) src(%dma_wait3A_189 : memref<21x2x512xf32, #tpu.memory_space<hbm>>) dst(%dma_wait3A_186 : memref<21x2x512xf32, #tpu.memory_space<vmem>>)
    %dma_wait3A_190 = arith.constant 0 : i32
    %dma_wait3A_191 = arith.constant 0 : i32
    %dma_wait3A_192 = arith.constant 0 : i32
    %dma_wait3A_193 = tpu.memref_slice %arg6[%dma_wait3A_190, %dma_wait3A_191, %dma_wait3A_192] : memref<2x2x512xi32, #tpu.memory_space<vmem>> -> memref<1x2x512xi32, #tpu.memory_space<vmem>>
    %dma_wait3A_194 = tpu.memref_squeeze %dma_wait3A_193 : memref<1x2x512xi32, #tpu.memory_space<vmem>> -> memref<2x512xi32, #tpu.memory_space<vmem>>
    %dma_wait3A_195 = arith.constant 0 : i32
    %dma_wait3A_196 = tpu.memref_slice %arg3[%add3A_156, %dma_wait3A_195] : memref<512x512xi32, #tpu.memory_space<hbm>> -> memref<2x512xi32, #tpu.memory_space<hbm>>
    %dma_wait3A_197 = arith.constant 0 : i32
    %dma_wait3A_198 = arith.constant 0 : i32
    %dma_wait3A_199 = tpu.memref_slice %arg6[%dma_wait3A_190, %dma_wait3A_197, %dma_wait3A_198] : memref<2x2x512xi32, #tpu.memory_space<vmem>> -> memref<1x2x512xi32, #tpu.memory_space<vmem>>
    %dma_wait3A_200 = tpu.memref_squeeze %dma_wait3A_199 : memref<1x2x512xi32, #tpu.memory_space<vmem>> -> memref<2x512xi32, #tpu.memory_space<vmem>>
    %dma_wait3A_201 = arith.constant 0 : i32
    %dma_wait3A_202 = tpu.memref_slice %arg3[%add3A_156, %dma_wait3A_201] : memref<512x512xi32, #tpu.memory_space<hbm>> -> memref<2x512xi32, #tpu.memory_space<hbm>>
    tpu.wait_dma2 semaphore(%arg10 : memref<!tpu.dma_semaphore, #tpu.memory_space<semaphore_mem>>) src(%dma_wait3A_202 : memref<2x512xi32, #tpu.memory_space<hbm>>) dst(%dma_wait3A_200 : memref<2x512xi32, #tpu.memory_space<vmem>>)
    %add3A_203 = arith.constant 6 : i32
    %add3A_204 = arith.addi %mul3A_6, %add3A_203 : i32
    %dma_start3A_205 = arith.constant 1 : i32
    %dma_start3A_206 = arith.constant 0 : i32
    %dma_start3A_207 = arith.constant 0 : i32
    %dma_start3A_208 = arith.constant 0 : i32
    %dma_start3A_209 = tpu.memref_slice %arg5[%dma_start3A_205, %dma_start3A_206, %dma_start3A_207, %dma_start3A_208] : memref<2x21x2x512xf32, #tpu.memory_space<vmem>> -> memref<1x21x2x512xf32, #tpu.memory_space<vmem>>
    %dma_start3A_210 = tpu.memref_squeeze %dma_start3A_209 : memref<1x21x2x512xf32, #tpu.memory_space<vmem>> -> memref<21x2x512xf32, #tpu.memory_space<vmem>>
    %dma_start3A_211 = arith.constant 0 : i32
    %dma_start3A_212 = arith.constant 0 : i32
    %dma_start3A_213 = tpu.memref_slice %arg2[%dma_start3A_211, %add3A_204, %dma_start3A_212] : memref<21x512x512xf32, #tpu.memory_space<hbm>> -> memref<21x2x512xf32, #tpu.memory_space<hbm>>
    %dma_start3A_214 = arith.constant 0 : i32
    %dma_start3A_215 = arith.constant 0 : i32
    %dma_start3A_216 = arith.constant 0 : i32
    %dma_start3A_217 = tpu.memref_slice %arg5[%dma_start3A_205, %dma_start3A_214, %dma_start3A_215, %dma_start3A_216] : memref<2x21x2x512xf32, #tpu.memory_space<vmem>> -> memref<1x21x2x512xf32, #tpu.memory_space<vmem>>
    %dma_start3A_218 = tpu.memref_squeeze %dma_start3A_217 : memref<1x21x2x512xf32, #tpu.memory_space<vmem>> -> memref<21x2x512xf32, #tpu.memory_space<vmem>>
    %dma_start3A_219 = arith.constant 0 : i32
    %dma_start3A_220 = arith.constant 0 : i32
    %dma_start3A_221 = tpu.memref_slice %arg2[%dma_start3A_219, %add3A_204, %dma_start3A_220] : memref<21x512x512xf32, #tpu.memory_space<hbm>> -> memref<21x2x512xf32, #tpu.memory_space<hbm>>
    tpu.enqueue_dma source(%dma_start3A_221 : memref<21x2x512xf32, #tpu.memory_space<hbm>>) target(%dma_start3A_218 : memref<21x2x512xf32, #tpu.memory_space<vmem>>) target_semaphore(%arg9 : memref<!tpu.dma_semaphore, #tpu.memory_space<semaphore_mem>>)
    %add3A_222 = arith.constant 6 : i32
    %add3A_223 = arith.addi %mul3A_6, %add3A_222 : i32
    %dma_start3A_224 = arith.constant 1 : i32
    %dma_start3A_225 = arith.constant 0 : i32
    %dma_start3A_226 = arith.constant 0 : i32
    %dma_start3A_227 = tpu.memref_slice %arg6[%dma_start3A_224, %dma_start3A_225, %dma_start3A_226] : memref<2x2x512xi32, #tpu.memory_space<vmem>> -> memref<1x2x512xi32, #tpu.memory_space<vmem>>
    %dma_start3A_228 = tpu.memref_squeeze %dma_start3A_227 : memref<1x2x512xi32, #tpu.memory_space<vmem>> -> memref<2x512xi32, #tpu.memory_space<vmem>>
    %dma_start3A_229 = arith.constant 0 : i32
    %dma_start3A_230 = tpu.memref_slice %arg3[%add3A_223, %dma_start3A_229] : memref<512x512xi32, #tpu.memory_space<hbm>> -> memref<2x512xi32, #tpu.memory_space<hbm>>
    %dma_start3A_231 = arith.constant 0 : i32
    %dma_start3A_232 = arith.constant 0 : i32
    %dma_start3A_233 = tpu.memref_slice %arg6[%dma_start3A_224, %dma_start3A_231, %dma_start3A_232] : memref<2x2x512xi32, #tpu.memory_space<vmem>> -> memref<1x2x512xi32, #tpu.memory_space<vmem>>
    %dma_start3A_234 = tpu.memref_squeeze %dma_start3A_233 : memref<1x2x512xi32, #tpu.memory_space<vmem>> -> memref<2x512xi32, #tpu.memory_space<vmem>>
    %dma_start3A_235 = arith.constant 0 : i32
    %dma_start3A_236 = tpu.memref_slice %arg3[%add3A_223, %dma_start3A_235] : memref<512x512xi32, #tpu.memory_space<hbm>> -> memref<2x512xi32, #tpu.memory_space<hbm>>
    tpu.enqueue_dma source(%dma_start3A_236 : memref<2x512xi32, #tpu.memory_space<hbm>>) target(%dma_start3A_234 : memref<2x512xi32, #tpu.memory_space<vmem>>) target_semaphore(%arg11 : memref<!tpu.dma_semaphore, #tpu.memory_space<semaphore_mem>>)
    %parallel_loop3A_237 = arith.constant 0 : i32
    %parallel_loop3A_238 = arith.constant 1344 : i32
    %parallel_loop3A_239 = arith.constant 1 : i32
    scf.for %parallel_loop3A_541 = %parallel_loop3A_237 to %parallel_loop3A_238 step %parallel_loop3A_239  : i32 {
      %parallel_loop3A_542 = arith.constant 64 : i32
      %parallel_loop3A_543 = arith.divsi %parallel_loop3A_541, %parallel_loop3A_542 : i32
      %parallel_loop3A_544 = arith.constant 0 : i32
      %parallel_loop3A_545 = arith.cmpi sgt, %parallel_loop3A_541, %parallel_loop3A_544 : i32
      %parallel_loop3A_546 = arith.extui %parallel_loop3A_545 : i1 to i32
      %parallel_loop3A_547 = arith.constant 0 : i32
      %parallel_loop3A_548 = arith.cmpi slt, %parallel_loop3A_541, %parallel_loop3A_547 : i32
      %parallel_loop3A_549 = arith.extui %parallel_loop3A_548 : i1 to i32
      %parallel_loop3A_550 = arith.subi %parallel_loop3A_546, %parallel_loop3A_549 : i32
      %parallel_loop3A_551 = arith.constant 0 : i32
      %parallel_loop3A_552 = arith.cmpi sgt, %parallel_loop3A_542, %parallel_loop3A_551 : i32
      %parallel_loop3A_553 = arith.extui %parallel_loop3A_552 : i1 to i32
      %parallel_loop3A_554 = arith.constant 0 : i32
      %parallel_loop3A_555 = arith.cmpi slt, %parallel_loop3A_542, %parallel_loop3A_554 : i32
      %parallel_loop3A_556 = arith.extui %parallel_loop3A_555 : i1 to i32
      %parallel_loop3A_557 = arith.subi %parallel_loop3A_553, %parallel_loop3A_556 : i32
      %parallel_loop3A_558 = arith.cmpi ne, %parallel_loop3A_550, %parallel_loop3A_557 : i32
      %parallel_loop3A_559 = arith.remsi %parallel_loop3A_541, %parallel_loop3A_542 : i32
      %parallel_loop3A_560 = arith.constant 0 : i32
      %parallel_loop3A_561 = arith.cmpi ne, %parallel_loop3A_559, %parallel_loop3A_560 : i32
      %parallel_loop3A_562 = arith.andi %parallel_loop3A_558, %parallel_loop3A_561 : i1
      %parallel_loop3A_563 = arith.constant 1 : i32
      %parallel_loop3A_564 = arith.subi %parallel_loop3A_543, %parallel_loop3A_563 : i32
      %parallel_loop3A_565 = arith.select %parallel_loop3A_562, %parallel_loop3A_564, %parallel_loop3A_543 : i32
      %parallel_loop3A_566 = arith.constant 64 : i32
      %parallel_loop3A_567 = arith.muli %parallel_loop3A_565, %parallel_loop3A_566 : i32
      %parallel_loop3A_568 = arith.subi %parallel_loop3A_541, %parallel_loop3A_567 : i32
      %parallel_loop3A_569 = arith.constant 32 : i32
      %parallel_loop3A_570 = arith.divsi %parallel_loop3A_568, %parallel_loop3A_569 : i32
      %parallel_loop3A_571 = arith.constant 0 : i32
      %parallel_loop3A_572 = arith.cmpi sgt, %parallel_loop3A_568, %parallel_loop3A_571 : i32
      %parallel_loop3A_573 = arith.extui %parallel_loop3A_572 : i1 to i32
      %parallel_loop3A_574 = arith.constant 0 : i32
      %parallel_loop3A_575 = arith.cmpi slt, %parallel_loop3A_568, %parallel_loop3A_574 : i32
      %parallel_loop3A_576 = arith.extui %parallel_loop3A_575 : i1 to i32
      %parallel_loop3A_577 = arith.subi %parallel_loop3A_573, %parallel_loop3A_576 : i32
      %parallel_loop3A_578 = arith.constant 0 : i32
      %parallel_loop3A_579 = arith.cmpi sgt, %parallel_loop3A_569, %parallel_loop3A_578 : i32
      %parallel_loop3A_580 = arith.extui %parallel_loop3A_579 : i1 to i32
      %parallel_loop3A_581 = arith.constant 0 : i32
      %parallel_loop3A_582 = arith.cmpi slt, %parallel_loop3A_569, %parallel_loop3A_581 : i32
      %parallel_loop3A_583 = arith.extui %parallel_loop3A_582 : i1 to i32
      %parallel_loop3A_584 = arith.subi %parallel_loop3A_580, %parallel_loop3A_583 : i32
      %parallel_loop3A_585 = arith.cmpi ne, %parallel_loop3A_577, %parallel_loop3A_584 : i32
      %parallel_loop3A_586 = arith.remsi %parallel_loop3A_568, %parallel_loop3A_569 : i32
      %parallel_loop3A_587 = arith.constant 0 : i32
      %parallel_loop3A_588 = arith.cmpi ne, %parallel_loop3A_586, %parallel_loop3A_587 : i32
      %parallel_loop3A_589 = arith.andi %parallel_loop3A_585, %parallel_loop3A_588 : i1
      %parallel_loop3A_590 = arith.constant 1 : i32
      %parallel_loop3A_591 = arith.subi %parallel_loop3A_570, %parallel_loop3A_590 : i32
      %parallel_loop3A_592 = arith.select %parallel_loop3A_589, %parallel_loop3A_591, %parallel_loop3A_570 : i32
      %parallel_loop3A_593 = arith.constant 32 : i32
      %parallel_loop3A_594 = arith.muli %parallel_loop3A_592, %parallel_loop3A_593 : i32
      %parallel_loop3A_595 = arith.subi %parallel_loop3A_568, %parallel_loop3A_594 : i32
      %parallel_loop3A_596 = arith.constant 16 : i32
      %parallel_loop3A_597 = arith.muli %parallel_loop3A_595, %parallel_loop3A_596 : i32
      %parallel_loop3A_598 = arith.constant 0 : i32
      %parallel_loop3A_599 = arith.index_cast %parallel_loop3A_598 : i32 to index
      %parallel_loop3A_600 = arith.index_cast %parallel_loop3A_592 : i32 to index
      %parallel_loop3A_601 = arith.index_cast %parallel_loop3A_597 : i32 to index
      %parallel_loop3A_602 = tpu.vector_load %arg6[%parallel_loop3A_599, %parallel_loop3A_600, %parallel_loop3A_601] {strides = array<i32>} : memref<2x2x512xi32, #tpu.memory_space<vmem>>, vector<16xi32>,
      %parallel_loop3A_603 = arith.constant 0 : i32
      %parallel_loop3A_604 = arith.index_cast %parallel_loop3A_603 : i32 to index
      %parallel_loop3A_605 = arith.index_cast %parallel_loop3A_565 : i32 to index
      %parallel_loop3A_606 = arith.index_cast %parallel_loop3A_592 : i32 to index
      %parallel_loop3A_607 = arith.index_cast %parallel_loop3A_597 : i32 to index
      %parallel_loop3A_608 = tpu.vector_load %arg5[%parallel_loop3A_604, %parallel_loop3A_605, %parallel_loop3A_606, %parallel_loop3A_607] {strides = array<i32>} : memref<2x21x2x512xf32, #tpu.memory_space<vmem>>, vector<16xf32>,
      %parallel_loop3A_609 = vector.broadcast %parallel_loop3A_565 : i32 to vector<16xi32>
      %parallel_loop3A_610 = arith.cmpi eq, %parallel_loop3A_602, %parallel_loop3A_609 : vector<16xi32>
      %parallel_loop3A_611 = arith.constant 1.000000e+00 : f32
      %parallel_loop3A_612 = vector.broadcast %parallel_loop3A_611 : f32 to vector<16xf32>
      %parallel_loop3A_613 = arith.subf %parallel_loop3A_612, %parallel_loop3A_608 : vector<16xf32>
      %parallel_loop3A_614 = arith.select %parallel_loop3A_610, %parallel_loop3A_613, %parallel_loop3A_608 : vector<16xi1>, vector<16xf32>
      %parallel_loop3A_615 = arith.constant 1.638400e+04 : f32
      %parallel_loop3A_616 = vector.broadcast %parallel_loop3A_615 : f32 to vector<16xf32>
      %parallel_loop3A_617 = arith.mulf %parallel_loop3A_614, %parallel_loop3A_616 : vector<16xf32>
      %parallel_loop3A_618 = arith.fptosi %parallel_loop3A_617 : vector<16xf32> to vector<16xi32>
      %parallel_loop3A_619 = arith.constant 0 : i32
      %parallel_loop3A_620 = vector.broadcast %parallel_loop3A_619 : i32 to vector<16xi32>
      %parallel_loop3A_621 = arith.maxsi %parallel_loop3A_618, %parallel_loop3A_620 : vector<16xi32>
      %parallel_loop3A_622 = arith.constant 16383 : i32
      %parallel_loop3A_623 = vector.broadcast %parallel_loop3A_622 : i32 to vector<16xi32>
      %parallel_loop3A_624 = arith.minsi %parallel_loop3A_621, %parallel_loop3A_623 : vector<16xi32>
      %parallel_loop3A_625 = arith.constant 15 : i32
      %parallel_loop3A_626 = vector.broadcast %parallel_loop3A_625 : i32 to vector<16xi32>
      %parallel_loop3A_627 = arith.andi %parallel_loop3A_624, %parallel_loop3A_626 : vector<16xi32>
      %parallel_loop3A_628 = arith.constant 131072 : i32
      %parallel_loop3A_629 = vector.broadcast %parallel_loop3A_628 : i32 to vector<16xi32>
      %parallel_loop3A_630 = arith.addi %parallel_loop3A_627, %parallel_loop3A_629 : vector<16xi32>
      %parallel_loop3A_631 = arith.constant 1024 : i32
      %parallel_loop3A_632 = arith.muli %parallel_loop3A_565, %parallel_loop3A_631 : i32
      %parallel_loop3A_633 = arith.constant 21 : i32
      %parallel_loop3A_634 = arith.addi %parallel_loop3A_633, %parallel_loop3A_565 : i32
      %parallel_loop3A_635 = arith.constant 1024 : i32
      %parallel_loop3A_636 = arith.muli %parallel_loop3A_634, %parallel_loop3A_635 : i32
      %parallel_loop3A_637 = vector.broadcast %parallel_loop3A_632 : i32 to vector<16xi32>
      %parallel_loop3A_638 = vector.broadcast %parallel_loop3A_636 : i32 to vector<16xi32>
      %parallel_loop3A_639 = arith.select %parallel_loop3A_610, %parallel_loop3A_637, %parallel_loop3A_638 : vector<16xi1>, vector<16xi32>
      %parallel_loop3A_640 = arith.constant 4 : i32
      %parallel_loop3A_641 = vector.broadcast %parallel_loop3A_640 : i32 to vector<16xi32>
      %parallel_loop3A_642 = arith.shrsi %parallel_loop3A_624, %parallel_loop3A_641 : vector<16xi32>
      %parallel_loop3A_643 = arith.addi %parallel_loop3A_639, %parallel_loop3A_642 : vector<16xi32>
      tpu.vector_store_idx %arg7[%parallel_loop3A_643], %parallel_loop3A_630 {add = true} : memref<43008xi32, #tpu.memory_space<vmem>>[vector<16xi32>], vector<16xi32>,
    } {sc.loop_unroll_factor = 8 : i64, sc.parallel_access}
    %dma_wait3A_240 = arith.constant 1 : i32
    %dma_wait3A_241 = arith.constant 0 : i32
    %dma_wait3A_242 = arith.constant 0 : i32
    %dma_wait3A_243 = arith.constant 0 : i32
    %dma_wait3A_244 = tpu.memref_slice %arg5[%dma_wait3A_240, %dma_wait3A_241, %dma_wait3A_242, %dma_wait3A_243] : memref<2x21x2x512xf32, #tpu.memory_space<vmem>> -> memref<1x21x2x512xf32, #tpu.memory_space<vmem>>
    %dma_wait3A_245 = tpu.memref_squeeze %dma_wait3A_244 : memref<1x21x2x512xf32, #tpu.memory_space<vmem>> -> memref<21x2x512xf32, #tpu.memory_space<vmem>>
    %dma_wait3A_246 = arith.constant 0 : i32
    %dma_wait3A_247 = arith.constant 0 : i32
    %dma_wait3A_248 = tpu.memref_slice %arg2[%dma_wait3A_246, %add3A_204, %dma_wait3A_247] : memref<21x512x512xf32, #tpu.memory_space<hbm>> -> memref<21x2x512xf32, #tpu.memory_space<hbm>>
    %dma_wait3A_249 = arith.constant 0 : i32
    %dma_wait3A_250 = arith.constant 0 : i32
    %dma_wait3A_251 = arith.constant 0 : i32
    %dma_wait3A_252 = tpu.memref_slice %arg5[%dma_wait3A_240, %dma_wait3A_249, %dma_wait3A_250, %dma_wait3A_251] : memref<2x21x2x512xf32, #tpu.memory_space<vmem>> -> memref<1x21x2x512xf32, #tpu.memory_space<vmem>>
    %dma_wait3A_253 = tpu.memref_squeeze %dma_wait3A_252 : memref<1x21x2x512xf32, #tpu.memory_space<vmem>> -> memref<21x2x512xf32, #tpu.memory_space<vmem>>
    %dma_wait3A_254 = arith.constant 0 : i32
    %dma_wait3A_255 = arith.constant 0 : i32
    %dma_wait3A_256 = tpu.memref_slice %arg2[%dma_wait3A_254, %add3A_204, %dma_wait3A_255] : memref<21x512x512xf32, #tpu.memory_space<hbm>> -> memref<21x2x512xf32, #tpu.memory_space<hbm>>
    tpu.wait_dma2 semaphore(%arg9 : memref<!tpu.dma_semaphore, #tpu.memory_space<semaphore_mem>>) src(%dma_wait3A_256 : memref<21x2x512xf32, #tpu.memory_space<hbm>>) dst(%dma_wait3A_253 : memref<21x2x512xf32, #tpu.memory_space<vmem>>)
    %dma_wait3A_257 = arith.constant 1 : i32
    %dma_wait3A_258 = arith.constant 0 : i32
    %dma_wait3A_259 = arith.constant 0 : i32
    %dma_wait3A_260 = tpu.memref_slice %arg6[%dma_wait3A_257, %dma_wait3A_258, %dma_wait3A_259] : memref<2x2x512xi32, #tpu.memory_space<vmem>> -> memref<1x2x512xi32, #tpu.memory_space<vmem>>
    %dma_wait3A_261 = tpu.memref_squeeze %dma_wait3A_260 : memref<1x2x512xi32, #tpu.memory_space<vmem>> -> memref<2x512xi32, #tpu.memory_space<vmem>>
    %dma_wait3A_262 = arith.constant 0 : i32
    %dma_wait3A_263 = tpu.memref_slice %arg3[%add3A_223, %dma_wait3A_262] : memref<512x512xi32, #tpu.memory_space<hbm>> -> memref<2x512xi32, #tpu.memory_space<hbm>>
    %dma_wait3A_264 = arith.constant 0 : i32
    %dma_wait3A_265 = arith.constant 0 : i32
    %dma_wait3A_266 = tpu.memref_slice %arg6[%dma_wait3A_257, %dma_wait3A_264, %dma_wait3A_265] : memref<2x2x512xi32, #tpu.memory_space<vmem>> -> memref<1x2x512xi32, #tpu.memory_space<vmem>>
    %dma_wait3A_267 = tpu.memref_squeeze %dma_wait3A_266 : memref<1x2x512xi32, #tpu.memory_space<vmem>> -> memref<2x512xi32, #tpu.memory_space<vmem>>
    %dma_wait3A_268 = arith.constant 0 : i32
    %dma_wait3A_269 = tpu.memref_slice %arg3[%add3A_223, %dma_wait3A_268] : memref<512x512xi32, #tpu.memory_space<hbm>> -> memref<2x512xi32, #tpu.memory_space<hbm>>
    tpu.wait_dma2 semaphore(%arg11 : memref<!tpu.dma_semaphore, #tpu.memory_space<semaphore_mem>>) src(%dma_wait3A_269 : memref<2x512xi32, #tpu.memory_space<hbm>>) dst(%dma_wait3A_267 : memref<2x512xi32, #tpu.memory_space<vmem>>)
    %add3A_270 = arith.constant 8 : i32
    %add3A_271 = arith.addi %mul3A_6, %add3A_270 : i32
    %dma_start3A_272 = arith.constant 0 : i32
    %dma_start3A_273 = arith.constant 0 : i32
    %dma_start3A_274 = arith.constant 0 : i32
    %dma_start3A_275 = arith.constant 0 : i32
    %dma_start3A_276 = tpu.memref_slice %arg5[%dma_start3A_272, %dma_start3A_273, %dma_start3A_274, %dma_start3A_275] : memref<2x21x2x512xf32, #tpu.memory_space<vmem>> -> memref<1x21x2x512xf32, #tpu.memory_space<vmem>>
    %dma_start3A_277 = tpu.memref_squeeze %dma_start3A_276 : memref<1x21x2x512xf32, #tpu.memory_space<vmem>> -> memref<21x2x512xf32, #tpu.memory_space<vmem>>
    %dma_start3A_278 = arith.constant 0 : i32
    %dma_start3A_279 = arith.constant 0 : i32
    %dma_start3A_280 = tpu.memref_slice %arg2[%dma_start3A_278, %add3A_271, %dma_start3A_279] : memref<21x512x512xf32, #tpu.memory_space<hbm>> -> memref<21x2x512xf32, #tpu.memory_space<hbm>>
    %dma_start3A_281 = arith.constant 0 : i32
    %dma_start3A_282 = arith.constant 0 : i32
    %dma_start3A_283 = arith.constant 0 : i32
    %dma_start3A_284 = tpu.memref_slice %arg5[%dma_start3A_272, %dma_start3A_281, %dma_start3A_282, %dma_start3A_283] : memref<2x21x2x512xf32, #tpu.memory_space<vmem>> -> memref<1x21x2x512xf32, #tpu.memory_space<vmem>>
    %dma_start3A_285 = tpu.memref_squeeze %dma_start3A_284 : memref<1x21x2x512xf32, #tpu.memory_space<vmem>> -> memref<21x2x512xf32, #tpu.memory_space<vmem>>
    %dma_start3A_286 = arith.constant 0 : i32
    %dma_start3A_287 = arith.constant 0 : i32
    %dma_start3A_288 = tpu.memref_slice %arg2[%dma_start3A_286, %add3A_271, %dma_start3A_287] : memref<21x512x512xf32, #tpu.memory_space<hbm>> -> memref<21x2x512xf32, #tpu.memory_space<hbm>>
    tpu.enqueue_dma source(%dma_start3A_288 : memref<21x2x512xf32, #tpu.memory_space<hbm>>) target(%dma_start3A_285 : memref<21x2x512xf32, #tpu.memory_space<vmem>>) target_semaphore(%arg8 : memref<!tpu.dma_semaphore, #tpu.memory_space<semaphore_mem>>)
    %add3A_289 = arith.constant 8 : i32
    %add3A_290 = arith.addi %mul3A_6, %add3A_289 : i32
    %dma_start3A_291 = arith.constant 0 : i32
    %dma_start3A_292 = arith.constant 0 : i32
    %dma_start3A_293 = arith.constant 0 : i32
    %dma_start3A_294 = tpu.memref_slice %arg6[%dma_start3A_291, %dma_start3A_292, %dma_start3A_293] : memref<2x2x512xi32, #tpu.memory_space<vmem>> -> memref<1x2x512xi32, #tpu.memory_space<vmem>>
    %dma_start3A_295 = tpu.memref_squeeze %dma_start3A_294 : memref<1x2x512xi32, #tpu.memory_space<vmem>> -> memref<2x512xi32, #tpu.memory_space<vmem>>
    %dma_start3A_296 = arith.constant 0 : i32
    %dma_start3A_297 = tpu.memref_slice %arg3[%add3A_290, %dma_start3A_296] : memref<512x512xi32, #tpu.memory_space<hbm>> -> memref<2x512xi32, #tpu.memory_space<hbm>>
    %dma_start3A_298 = arith.constant 0 : i32
    %dma_start3A_299 = arith.constant 0 : i32
    %dma_start3A_300 = tpu.memref_slice %arg6[%dma_start3A_291, %dma_start3A_298, %dma_start3A_299] : memref<2x2x512xi32, #tpu.memory_space<vmem>> -> memref<1x2x512xi32, #tpu.memory_space<vmem>>
    %dma_start3A_301 = tpu.memref_squeeze %dma_start3A_300 : memref<1x2x512xi32, #tpu.memory_space<vmem>> -> memref<2x512xi32, #tpu.memory_space<vmem>>
    %dma_start3A_302 = arith.constant 0 : i32
    %dma_start3A_303 = tpu.memref_slice %arg3[%add3A_290, %dma_start3A_302] : memref<512x512xi32, #tpu.memory_space<hbm>> -> memref<2x512xi32, #tpu.memory_space<hbm>>
    tpu.enqueue_dma source(%dma_start3A_303 : memref<2x512xi32, #tpu.memory_space<hbm>>) target(%dma_start3A_301 : memref<2x512xi32, #tpu.memory_space<vmem>>) target_semaphore(%arg10 : memref<!tpu.dma_semaphore, #tpu.memory_space<semaphore_mem>>)
    %parallel_loop3A_304 = arith.constant 0 : i32
    %parallel_loop3A_305 = arith.constant 1344 : i32
    %parallel_loop3A_306 = arith.constant 1 : i32
    scf.for %parallel_loop3A_541 = %parallel_loop3A_304 to %parallel_loop3A_305 step %parallel_loop3A_306  : i32 {
      %parallel_loop3A_542 = arith.constant 64 : i32
      %parallel_loop3A_543 = arith.divsi %parallel_loop3A_541, %parallel_loop3A_542 : i32
      %parallel_loop3A_544 = arith.constant 0 : i32
      %parallel_loop3A_545 = arith.cmpi sgt, %parallel_loop3A_541, %parallel_loop3A_544 : i32
      %parallel_loop3A_546 = arith.extui %parallel_loop3A_545 : i1 to i32
      %parallel_loop3A_547 = arith.constant 0 : i32
      %parallel_loop3A_548 = arith.cmpi slt, %parallel_loop3A_541, %parallel_loop3A_547 : i32
      %parallel_loop3A_549 = arith.extui %parallel_loop3A_548 : i1 to i32
      %parallel_loop3A_550 = arith.subi %parallel_loop3A_546, %parallel_loop3A_549 : i32
      %parallel_loop3A_551 = arith.constant 0 : i32
      %parallel_loop3A_552 = arith.cmpi sgt, %parallel_loop3A_542, %parallel_loop3A_551 : i32
      %parallel_loop3A_553 = arith.extui %parallel_loop3A_552 : i1 to i32
      %parallel_loop3A_554 = arith.constant 0 : i32
      %parallel_loop3A_555 = arith.cmpi slt, %parallel_loop3A_542, %parallel_loop3A_554 : i32
      %parallel_loop3A_556 = arith.extui %parallel_loop3A_555 : i1 to i32
      %parallel_loop3A_557 = arith.subi %parallel_loop3A_553, %parallel_loop3A_556 : i32
      %parallel_loop3A_558 = arith.cmpi ne, %parallel_loop3A_550, %parallel_loop3A_557 : i32
      %parallel_loop3A_559 = arith.remsi %parallel_loop3A_541, %parallel_loop3A_542 : i32
      %parallel_loop3A_560 = arith.constant 0 : i32
      %parallel_loop3A_561 = arith.cmpi ne, %parallel_loop3A_559, %parallel_loop3A_560 : i32
      %parallel_loop3A_562 = arith.andi %parallel_loop3A_558, %parallel_loop3A_561 : i1
      %parallel_loop3A_563 = arith.constant 1 : i32
      %parallel_loop3A_564 = arith.subi %parallel_loop3A_543, %parallel_loop3A_563 : i32
      %parallel_loop3A_565 = arith.select %parallel_loop3A_562, %parallel_loop3A_564, %parallel_loop3A_543 : i32
      %parallel_loop3A_566 = arith.constant 64 : i32
      %parallel_loop3A_567 = arith.muli %parallel_loop3A_565, %parallel_loop3A_566 : i32
      %parallel_loop3A_568 = arith.subi %parallel_loop3A_541, %parallel_loop3A_567 : i32
      %parallel_loop3A_569 = arith.constant 32 : i32
      %parallel_loop3A_570 = arith.divsi %parallel_loop3A_568, %parallel_loop3A_569 : i32
      %parallel_loop3A_571 = arith.constant 0 : i32
      %parallel_loop3A_572 = arith.cmpi sgt, %parallel_loop3A_568, %parallel_loop3A_571 : i32
      %parallel_loop3A_573 = arith.extui %parallel_loop3A_572 : i1 to i32
      %parallel_loop3A_574 = arith.constant 0 : i32
      %parallel_loop3A_575 = arith.cmpi slt, %parallel_loop3A_568, %parallel_loop3A_574 : i32
      %parallel_loop3A_576 = arith.extui %parallel_loop3A_575 : i1 to i32
      %parallel_loop3A_577 = arith.subi %parallel_loop3A_573, %parallel_loop3A_576 : i32
      %parallel_loop3A_578 = arith.constant 0 : i32
      %parallel_loop3A_579 = arith.cmpi sgt, %parallel_loop3A_569, %parallel_loop3A_578 : i32
      %parallel_loop3A_580 = arith.extui %parallel_loop3A_579 : i1 to i32
      %parallel_loop3A_581 = arith.constant 0 : i32
      %parallel_loop3A_582 = arith.cmpi slt, %parallel_loop3A_569, %parallel_loop3A_581 : i32
      %parallel_loop3A_583 = arith.extui %parallel_loop3A_582 : i1 to i32
      %parallel_loop3A_584 = arith.subi %parallel_loop3A_580, %parallel_loop3A_583 : i32
      %parallel_loop3A_585 = arith.cmpi ne, %parallel_loop3A_577, %parallel_loop3A_584 : i32
      %parallel_loop3A_586 = arith.remsi %parallel_loop3A_568, %parallel_loop3A_569 : i32
      %parallel_loop3A_587 = arith.constant 0 : i32
      %parallel_loop3A_588 = arith.cmpi ne, %parallel_loop3A_586, %parallel_loop3A_587 : i32
      %parallel_loop3A_589 = arith.andi %parallel_loop3A_585, %parallel_loop3A_588 : i1
      %parallel_loop3A_590 = arith.constant 1 : i32
      %parallel_loop3A_591 = arith.subi %parallel_loop3A_570, %parallel_loop3A_590 : i32
      %parallel_loop3A_592 = arith.select %parallel_loop3A_589, %parallel_loop3A_591, %parallel_loop3A_570 : i32
      %parallel_loop3A_593 = arith.constant 32 : i32
      %parallel_loop3A_594 = arith.muli %parallel_loop3A_592, %parallel_loop3A_593 : i32
      %parallel_loop3A_595 = arith.subi %parallel_loop3A_568, %parallel_loop3A_594 : i32
      %parallel_loop3A_596 = arith.constant 16 : i32
      %parallel_loop3A_597 = arith.muli %parallel_loop3A_595, %parallel_loop3A_596 : i32
      %parallel_loop3A_598 = arith.constant 1 : i32
      %parallel_loop3A_599 = arith.index_cast %parallel_loop3A_598 : i32 to index
      %parallel_loop3A_600 = arith.index_cast %parallel_loop3A_592 : i32 to index
      %parallel_loop3A_601 = arith.index_cast %parallel_loop3A_597 : i32 to index
      %parallel_loop3A_602 = tpu.vector_load %arg6[%parallel_loop3A_599, %parallel_loop3A_600, %parallel_loop3A_601] {strides = array<i32>} : memref<2x2x512xi32, #tpu.memory_space<vmem>>, vector<16xi32>,
      %parallel_loop3A_603 = arith.constant 1 : i32
      %parallel_loop3A_604 = arith.index_cast %parallel_loop3A_603 : i32 to index
      %parallel_loop3A_605 = arith.index_cast %parallel_loop3A_565 : i32 to index
      %parallel_loop3A_606 = arith.index_cast %parallel_loop3A_592 : i32 to index
      %parallel_loop3A_607 = arith.index_cast %parallel_loop3A_597 : i32 to index
      %parallel_loop3A_608 = tpu.vector_load %arg5[%parallel_loop3A_604, %parallel_loop3A_605, %parallel_loop3A_606, %parallel_loop3A_607] {strides = array<i32>} : memref<2x21x2x512xf32, #tpu.memory_space<vmem>>, vector<16xf32>,
      %parallel_loop3A_609 = vector.broadcast %parallel_loop3A_565 : i32 to vector<16xi32>
      %parallel_loop3A_610 = arith.cmpi eq, %parallel_loop3A_602, %parallel_loop3A_609 : vector<16xi32>
      %parallel_loop3A_611 = arith.constant 1.000000e+00 : f32
      %parallel_loop3A_612 = vector.broadcast %parallel_loop3A_611 : f32 to vector<16xf32>
      %parallel_loop3A_613 = arith.subf %parallel_loop3A_612, %parallel_loop3A_608 : vector<16xf32>
      %parallel_loop3A_614 = arith.select %parallel_loop3A_610, %parallel_loop3A_613, %parallel_loop3A_608 : vector<16xi1>, vector<16xf32>
      %parallel_loop3A_615 = arith.constant 1.638400e+04 : f32
      %parallel_loop3A_616 = vector.broadcast %parallel_loop3A_615 : f32 to vector<16xf32>
      %parallel_loop3A_617 = arith.mulf %parallel_loop3A_614, %parallel_loop3A_616 : vector<16xf32>
      %parallel_loop3A_618 = arith.fptosi %parallel_loop3A_617 : vector<16xf32> to vector<16xi32>
      %parallel_loop3A_619 = arith.constant 0 : i32
      %parallel_loop3A_620 = vector.broadcast %parallel_loop3A_619 : i32 to vector<16xi32>
      %parallel_loop3A_621 = arith.maxsi %parallel_loop3A_618, %parallel_loop3A_620 : vector<16xi32>
      %parallel_loop3A_622 = arith.constant 16383 : i32
      %parallel_loop3A_623 = vector.broadcast %parallel_loop3A_622 : i32 to vector<16xi32>
      %parallel_loop3A_624 = arith.minsi %parallel_loop3A_621, %parallel_loop3A_623 : vector<16xi32>
      %parallel_loop3A_625 = arith.constant 15 : i32
      %parallel_loop3A_626 = vector.broadcast %parallel_loop3A_625 : i32 to vector<16xi32>
      %parallel_loop3A_627 = arith.andi %parallel_loop3A_624, %parallel_loop3A_626 : vector<16xi32>
      %parallel_loop3A_628 = arith.constant 131072 : i32
      %parallel_loop3A_629 = vector.broadcast %parallel_loop3A_628 : i32 to vector<16xi32>
      %parallel_loop3A_630 = arith.addi %parallel_loop3A_627, %parallel_loop3A_629 : vector<16xi32>
      %parallel_loop3A_631 = arith.constant 1024 : i32
      %parallel_loop3A_632 = arith.muli %parallel_loop3A_565, %parallel_loop3A_631 : i32
      %parallel_loop3A_633 = arith.constant 21 : i32
      %parallel_loop3A_634 = arith.addi %parallel_loop3A_633, %parallel_loop3A_565 : i32
      %parallel_loop3A_635 = arith.constant 1024 : i32
      %parallel_loop3A_636 = arith.muli %parallel_loop3A_634, %parallel_loop3A_635 : i32
      %parallel_loop3A_637 = vector.broadcast %parallel_loop3A_632 : i32 to vector<16xi32>
      %parallel_loop3A_638 = vector.broadcast %parallel_loop3A_636 : i32 to vector<16xi32>
      %parallel_loop3A_639 = arith.select %parallel_loop3A_610, %parallel_loop3A_637, %parallel_loop3A_638 : vector<16xi1>, vector<16xi32>
      %parallel_loop3A_640 = arith.constant 4 : i32
      %parallel_loop3A_641 = vector.broadcast %parallel_loop3A_640 : i32 to vector<16xi32>
      %parallel_loop3A_642 = arith.shrsi %parallel_loop3A_624, %parallel_loop3A_641 : vector<16xi32>
      %parallel_loop3A_643 = arith.addi %parallel_loop3A_639, %parallel_loop3A_642 : vector<16xi32>
      tpu.vector_store_idx %arg7[%parallel_loop3A_643], %parallel_loop3A_630 {add = true} : memref<43008xi32, #tpu.memory_space<vmem>>[vector<16xi32>], vector<16xi32>,
    } {sc.loop_unroll_factor = 8 : i64, sc.parallel_access}
    %dma_wait3A_307 = arith.constant 0 : i32
    %dma_wait3A_308 = arith.constant 0 : i32
    %dma_wait3A_309 = arith.constant 0 : i32
    %dma_wait3A_310 = arith.constant 0 : i32
    %dma_wait3A_311 = tpu.memref_slice %arg5[%dma_wait3A_307, %dma_wait3A_308, %dma_wait3A_309, %dma_wait3A_310] : memref<2x21x2x512xf32, #tpu.memory_space<vmem>> -> memref<1x21x2x512xf32, #tpu.memory_space<vmem>>
    %dma_wait3A_312 = tpu.memref_squeeze %dma_wait3A_311 : memref<1x21x2x512xf32, #tpu.memory_space<vmem>> -> memref<21x2x512xf32, #tpu.memory_space<vmem>>
    %dma_wait3A_313 = arith.constant 0 : i32
    %dma_wait3A_314 = arith.constant 0 : i32
    %dma_wait3A_315 = tpu.memref_slice %arg2[%dma_wait3A_313, %add3A_271, %dma_wait3A_314] : memref<21x512x512xf32, #tpu.memory_space<hbm>> -> memref<21x2x512xf32, #tpu.memory_space<hbm>>
    %dma_wait3A_316 = arith.constant 0 : i32
    %dma_wait3A_317 = arith.constant 0 : i32
    %dma_wait3A_318 = arith.constant 0 : i32
    %dma_wait3A_319 = tpu.memref_slice %arg5[%dma_wait3A_307, %dma_wait3A_316, %dma_wait3A_317, %dma_wait3A_318] : memref<2x21x2x512xf32, #tpu.memory_space<vmem>> -> memref<1x21x2x512xf32, #tpu.memory_space<vmem>>
    %dma_wait3A_320 = tpu.memref_squeeze %dma_wait3A_319 : memref<1x21x2x512xf32, #tpu.memory_space<vmem>> -> memref<21x2x512xf32, #tpu.memory_space<vmem>>
    %dma_wait3A_321 = arith.constant 0 : i32
    %dma_wait3A_322 = arith.constant 0 : i32
    %dma_wait3A_323 = tpu.memref_slice %arg2[%dma_wait3A_321, %add3A_271, %dma_wait3A_322] : memref<21x512x512xf32, #tpu.memory_space<hbm>> -> memref<21x2x512xf32, #tpu.memory_space<hbm>>
    tpu.wait_dma2 semaphore(%arg8 : memref<!tpu.dma_semaphore, #tpu.memory_space<semaphore_mem>>) src(%dma_wait3A_323 : memref<21x2x512xf32, #tpu.memory_space<hbm>>) dst(%dma_wait3A_320 : memref<21x2x512xf32, #tpu.memory_space<vmem>>)
    %dma_wait3A_324 = arith.constant 0 : i32
    %dma_wait3A_325 = arith.constant 0 : i32
    %dma_wait3A_326 = arith.constant 0 : i32
    %dma_wait3A_327 = tpu.memref_slice %arg6[%dma_wait3A_324, %dma_wait3A_325, %dma_wait3A_326] : memref<2x2x512xi32, #tpu.memory_space<vmem>> -> memref<1x2x512xi32, #tpu.memory_space<vmem>>
    %dma_wait3A_328 = tpu.memref_squeeze %dma_wait3A_327 : memref<1x2x512xi32, #tpu.memory_space<vmem>> -> memref<2x512xi32, #tpu.memory_space<vmem>>
    %dma_wait3A_329 = arith.constant 0 : i32
    %dma_wait3A_330 = tpu.memref_slice %arg3[%add3A_290, %dma_wait3A_329] : memref<512x512xi32, #tpu.memory_space<hbm>> -> memref<2x512xi32, #tpu.memory_space<hbm>>
    %dma_wait3A_331 = arith.constant 0 : i32
    %dma_wait3A_332 = arith.constant 0 : i32
    %dma_wait3A_333 = tpu.memref_slice %arg6[%dma_wait3A_324, %dma_wait3A_331, %dma_wait3A_332] : memref<2x2x512xi32, #tpu.memory_space<vmem>> -> memref<1x2x512xi32, #tpu.memory_space<vmem>>
    %dma_wait3A_334 = tpu.memref_squeeze %dma_wait3A_333 : memref<1x2x512xi32, #tpu.memory_space<vmem>> -> memref<2x512xi32, #tpu.memory_space<vmem>>
    %dma_wait3A_335 = arith.constant 0 : i32
    %dma_wait3A_336 = tpu.memref_slice %arg3[%add3A_290, %dma_wait3A_335] : memref<512x512xi32, #tpu.memory_space<hbm>> -> memref<2x512xi32, #tpu.memory_space<hbm>>
    tpu.wait_dma2 semaphore(%arg10 : memref<!tpu.dma_semaphore, #tpu.memory_space<semaphore_mem>>) src(%dma_wait3A_336 : memref<2x512xi32, #tpu.memory_space<hbm>>) dst(%dma_wait3A_334 : memref<2x512xi32, #tpu.memory_space<vmem>>)
    %add3A_337 = arith.constant 10 : i32
    %add3A_338 = arith.addi %mul3A_6, %add3A_337 : i32
    %dma_start3A_339 = arith.constant 1 : i32
    %dma_start3A_340 = arith.constant 0 : i32
    %dma_start3A_341 = arith.constant 0 : i32
    %dma_start3A_342 = arith.constant 0 : i32
    %dma_start3A_343 = tpu.memref_slice %arg5[%dma_start3A_339, %dma_start3A_340, %dma_start3A_341, %dma_start3A_342] : memref<2x21x2x512xf32, #tpu.memory_space<vmem>> -> memref<1x21x2x512xf32, #tpu.memory_space<vmem>>
    %dma_start3A_344 = tpu.memref_squeeze %dma_start3A_343 : memref<1x21x2x512xf32, #tpu.memory_space<vmem>> -> memref<21x2x512xf32, #tpu.memory_space<vmem>>
    %dma_start3A_345 = arith.constant 0 : i32
    %dma_start3A_346 = arith.constant 0 : i32
    %dma_start3A_347 = tpu.memref_slice %arg2[%dma_start3A_345, %add3A_338, %dma_start3A_346] : memref<21x512x512xf32, #tpu.memory_space<hbm>> -> memref<21x2x512xf32, #tpu.memory_space<hbm>>
    %dma_start3A_348 = arith.constant 0 : i32
    %dma_start3A_349 = arith.constant 0 : i32
    %dma_start3A_350 = arith.constant 0 : i32
    %dma_start3A_351 = tpu.memref_slice %arg5[%dma_start3A_339, %dma_start3A_348, %dma_start3A_349, %dma_start3A_350] : memref<2x21x2x512xf32, #tpu.memory_space<vmem>> -> memref<1x21x2x512xf32, #tpu.memory_space<vmem>>
    %dma_start3A_352 = tpu.memref_squeeze %dma_start3A_351 : memref<1x21x2x512xf32, #tpu.memory_space<vmem>> -> memref<21x2x512xf32, #tpu.memory_space<vmem>>
    %dma_start3A_353 = arith.constant 0 : i32
    %dma_start3A_354 = arith.constant 0 : i32
    %dma_start3A_355 = tpu.memref_slice %arg2[%dma_start3A_353, %add3A_338, %dma_start3A_354] : memref<21x512x512xf32, #tpu.memory_space<hbm>> -> memref<21x2x512xf32, #tpu.memory_space<hbm>>
    tpu.enqueue_dma source(%dma_start3A_355 : memref<21x2x512xf32, #tpu.memory_space<hbm>>) target(%dma_start3A_352 : memref<21x2x512xf32, #tpu.memory_space<vmem>>) target_semaphore(%arg9 : memref<!tpu.dma_semaphore, #tpu.memory_space<semaphore_mem>>)
    %add3A_356 = arith.constant 10 : i32
    %add3A_357 = arith.addi %mul3A_6, %add3A_356 : i32
    %dma_start3A_358 = arith.constant 1 : i32
    %dma_start3A_359 = arith.constant 0 : i32
    %dma_start3A_360 = arith.constant 0 : i32
    %dma_start3A_361 = tpu.memref_slice %arg6[%dma_start3A_358, %dma_start3A_359, %dma_start3A_360] : memref<2x2x512xi32, #tpu.memory_space<vmem>> -> memref<1x2x512xi32, #tpu.memory_space<vmem>>
    %dma_start3A_362 = tpu.memref_squeeze %dma_start3A_361 : memref<1x2x512xi32, #tpu.memory_space<vmem>> -> memref<2x512xi32, #tpu.memory_space<vmem>>
    %dma_start3A_363 = arith.constant 0 : i32
    %dma_start3A_364 = tpu.memref_slice %arg3[%add3A_357, %dma_start3A_363] : memref<512x512xi32, #tpu.memory_space<hbm>> -> memref<2x512xi32, #tpu.memory_space<hbm>>
    %dma_start3A_365 = arith.constant 0 : i32
    %dma_start3A_366 = arith.constant 0 : i32
    %dma_start3A_367 = tpu.memref_slice %arg6[%dma_start3A_358, %dma_start3A_365, %dma_start3A_366] : memref<2x2x512xi32, #tpu.memory_space<vmem>> -> memref<1x2x512xi32, #tpu.memory_space<vmem>>
    %dma_start3A_368 = tpu.memref_squeeze %dma_start3A_367 : memref<1x2x512xi32, #tpu.memory_space<vmem>> -> memref<2x512xi32, #tpu.memory_space<vmem>>
    %dma_start3A_369 = arith.constant 0 : i32
    %dma_start3A_370 = tpu.memref_slice %arg3[%add3A_357, %dma_start3A_369] : memref<512x512xi32, #tpu.memory_space<hbm>> -> memref<2x512xi32, #tpu.memory_space<hbm>>
    tpu.enqueue_dma source(%dma_start3A_370 : memref<2x512xi32, #tpu.memory_space<hbm>>) target(%dma_start3A_368 : memref<2x512xi32, #tpu.memory_space<vmem>>) target_semaphore(%arg11 : memref<!tpu.dma_semaphore, #tpu.memory_space<semaphore_mem>>)
    %parallel_loop3A_371 = arith.constant 0 : i32
    %parallel_loop3A_372 = arith.constant 1344 : i32
    %parallel_loop3A_373 = arith.constant 1 : i32
    scf.for %parallel_loop3A_541 = %parallel_loop3A_371 to %parallel_loop3A_372 step %parallel_loop3A_373  : i32 {
      %parallel_loop3A_542 = arith.constant 64 : i32
      %parallel_loop3A_543 = arith.divsi %parallel_loop3A_541, %parallel_loop3A_542 : i32
      %parallel_loop3A_544 = arith.constant 0 : i32
      %parallel_loop3A_545 = arith.cmpi sgt, %parallel_loop3A_541, %parallel_loop3A_544 : i32
      %parallel_loop3A_546 = arith.extui %parallel_loop3A_545 : i1 to i32
      %parallel_loop3A_547 = arith.constant 0 : i32
      %parallel_loop3A_548 = arith.cmpi slt, %parallel_loop3A_541, %parallel_loop3A_547 : i32
      %parallel_loop3A_549 = arith.extui %parallel_loop3A_548 : i1 to i32
      %parallel_loop3A_550 = arith.subi %parallel_loop3A_546, %parallel_loop3A_549 : i32
      %parallel_loop3A_551 = arith.constant 0 : i32
      %parallel_loop3A_552 = arith.cmpi sgt, %parallel_loop3A_542, %parallel_loop3A_551 : i32
      %parallel_loop3A_553 = arith.extui %parallel_loop3A_552 : i1 to i32
      %parallel_loop3A_554 = arith.constant 0 : i32
      %parallel_loop3A_555 = arith.cmpi slt, %parallel_loop3A_542, %parallel_loop3A_554 : i32
      %parallel_loop3A_556 = arith.extui %parallel_loop3A_555 : i1 to i32
      %parallel_loop3A_557 = arith.subi %parallel_loop3A_553, %parallel_loop3A_556 : i32
      %parallel_loop3A_558 = arith.cmpi ne, %parallel_loop3A_550, %parallel_loop3A_557 : i32
      %parallel_loop3A_559 = arith.remsi %parallel_loop3A_541, %parallel_loop3A_542 : i32
      %parallel_loop3A_560 = arith.constant 0 : i32
      %parallel_loop3A_561 = arith.cmpi ne, %parallel_loop3A_559, %parallel_loop3A_560 : i32
      %parallel_loop3A_562 = arith.andi %parallel_loop3A_558, %parallel_loop3A_561 : i1
      %parallel_loop3A_563 = arith.constant 1 : i32
      %parallel_loop3A_564 = arith.subi %parallel_loop3A_543, %parallel_loop3A_563 : i32
      %parallel_loop3A_565 = arith.select %parallel_loop3A_562, %parallel_loop3A_564, %parallel_loop3A_543 : i32
      %parallel_loop3A_566 = arith.constant 64 : i32
      %parallel_loop3A_567 = arith.muli %parallel_loop3A_565, %parallel_loop3A_566 : i32
      %parallel_loop3A_568 = arith.subi %parallel_loop3A_541, %parallel_loop3A_567 : i32
      %parallel_loop3A_569 = arith.constant 32 : i32
      %parallel_loop3A_570 = arith.divsi %parallel_loop3A_568, %parallel_loop3A_569 : i32
      %parallel_loop3A_571 = arith.constant 0 : i32
      %parallel_loop3A_572 = arith.cmpi sgt, %parallel_loop3A_568, %parallel_loop3A_571 : i32
      %parallel_loop3A_573 = arith.extui %parallel_loop3A_572 : i1 to i32
      %parallel_loop3A_574 = arith.constant 0 : i32
      %parallel_loop3A_575 = arith.cmpi slt, %parallel_loop3A_568, %parallel_loop3A_574 : i32
      %parallel_loop3A_576 = arith.extui %parallel_loop3A_575 : i1 to i32
      %parallel_loop3A_577 = arith.subi %parallel_loop3A_573, %parallel_loop3A_576 : i32
      %parallel_loop3A_578 = arith.constant 0 : i32
      %parallel_loop3A_579 = arith.cmpi sgt, %parallel_loop3A_569, %parallel_loop3A_578 : i32
      %parallel_loop3A_580 = arith.extui %parallel_loop3A_579 : i1 to i32
      %parallel_loop3A_581 = arith.constant 0 : i32
      %parallel_loop3A_582 = arith.cmpi slt, %parallel_loop3A_569, %parallel_loop3A_581 : i32
      %parallel_loop3A_583 = arith.extui %parallel_loop3A_582 : i1 to i32
      %parallel_loop3A_584 = arith.subi %parallel_loop3A_580, %parallel_loop3A_583 : i32
      %parallel_loop3A_585 = arith.cmpi ne, %parallel_loop3A_577, %parallel_loop3A_584 : i32
      %parallel_loop3A_586 = arith.remsi %parallel_loop3A_568, %parallel_loop3A_569 : i32
      %parallel_loop3A_587 = arith.constant 0 : i32
      %parallel_loop3A_588 = arith.cmpi ne, %parallel_loop3A_586, %parallel_loop3A_587 : i32
      %parallel_loop3A_589 = arith.andi %parallel_loop3A_585, %parallel_loop3A_588 : i1
      %parallel_loop3A_590 = arith.constant 1 : i32
      %parallel_loop3A_591 = arith.subi %parallel_loop3A_570, %parallel_loop3A_590 : i32
      %parallel_loop3A_592 = arith.select %parallel_loop3A_589, %parallel_loop3A_591, %parallel_loop3A_570 : i32
      %parallel_loop3A_593 = arith.constant 32 : i32
      %parallel_loop3A_594 = arith.muli %parallel_loop3A_592, %parallel_loop3A_593 : i32
      %parallel_loop3A_595 = arith.subi %parallel_loop3A_568, %parallel_loop3A_594 : i32
      %parallel_loop3A_596 = arith.constant 16 : i32
      %parallel_loop3A_597 = arith.muli %parallel_loop3A_595, %parallel_loop3A_596 : i32
      %parallel_loop3A_598 = arith.constant 0 : i32
      %parallel_loop3A_599 = arith.index_cast %parallel_loop3A_598 : i32 to index
      %parallel_loop3A_600 = arith.index_cast %parallel_loop3A_592 : i32 to index
      %parallel_loop3A_601 = arith.index_cast %parallel_loop3A_597 : i32 to index
      %parallel_loop3A_602 = tpu.vector_load %arg6[%parallel_loop3A_599, %parallel_loop3A_600, %parallel_loop3A_601] {strides = array<i32>} : memref<2x2x512xi32, #tpu.memory_space<vmem>>, vector<16xi32>,
      %parallel_loop3A_603 = arith.constant 0 : i32
      %parallel_loop3A_604 = arith.index_cast %parallel_loop3A_603 : i32 to index
      %parallel_loop3A_605 = arith.index_cast %parallel_loop3A_565 : i32 to index
      %parallel_loop3A_606 = arith.index_cast %parallel_loop3A_592 : i32 to index
      %parallel_loop3A_607 = arith.index_cast %parallel_loop3A_597 : i32 to index
      %parallel_loop3A_608 = tpu.vector_load %arg5[%parallel_loop3A_604, %parallel_loop3A_605, %parallel_loop3A_606, %parallel_loop3A_607] {strides = array<i32>} : memref<2x21x2x512xf32, #tpu.memory_space<vmem>>, vector<16xf32>,
      %parallel_loop3A_609 = vector.broadcast %parallel_loop3A_565 : i32 to vector<16xi32>
      %parallel_loop3A_610 = arith.cmpi eq, %parallel_loop3A_602, %parallel_loop3A_609 : vector<16xi32>
      %parallel_loop3A_611 = arith.constant 1.000000e+00 : f32
      %parallel_loop3A_612 = vector.broadcast %parallel_loop3A_611 : f32 to vector<16xf32>
      %parallel_loop3A_613 = arith.subf %parallel_loop3A_612, %parallel_loop3A_608 : vector<16xf32>
      %parallel_loop3A_614 = arith.select %parallel_loop3A_610, %parallel_loop3A_613, %parallel_loop3A_608 : vector<16xi1>, vector<16xf32>
      %parallel_loop3A_615 = arith.constant 1.638400e+04 : f32
      %parallel_loop3A_616 = vector.broadcast %parallel_loop3A_615 : f32 to vector<16xf32>
      %parallel_loop3A_617 = arith.mulf %parallel_loop3A_614, %parallel_loop3A_616 : vector<16xf32>
      %parallel_loop3A_618 = arith.fptosi %parallel_loop3A_617 : vector<16xf32> to vector<16xi32>
      %parallel_loop3A_619 = arith.constant 0 : i32
      %parallel_loop3A_620 = vector.broadcast %parallel_loop3A_619 : i32 to vector<16xi32>
      %parallel_loop3A_621 = arith.maxsi %parallel_loop3A_618, %parallel_loop3A_620 : vector<16xi32>
      %parallel_loop3A_622 = arith.constant 16383 : i32
      %parallel_loop3A_623 = vector.broadcast %parallel_loop3A_622 : i32 to vector<16xi32>
      %parallel_loop3A_624 = arith.minsi %parallel_loop3A_621, %parallel_loop3A_623 : vector<16xi32>
      %parallel_loop3A_625 = arith.constant 15 : i32
      %parallel_loop3A_626 = vector.broadcast %parallel_loop3A_625 : i32 to vector<16xi32>
      %parallel_loop3A_627 = arith.andi %parallel_loop3A_624, %parallel_loop3A_626 : vector<16xi32>
      %parallel_loop3A_628 = arith.constant 131072 : i32
      %parallel_loop3A_629 = vector.broadcast %parallel_loop3A_628 : i32 to vector<16xi32>
      %parallel_loop3A_630 = arith.addi %parallel_loop3A_627, %parallel_loop3A_629 : vector<16xi32>
      %parallel_loop3A_631 = arith.constant 1024 : i32
      %parallel_loop3A_632 = arith.muli %parallel_loop3A_565, %parallel_loop3A_631 : i32
      %parallel_loop3A_633 = arith.constant 21 : i32
      %parallel_loop3A_634 = arith.addi %parallel_loop3A_633, %parallel_loop3A_565 : i32
      %parallel_loop3A_635 = arith.constant 1024 : i32
      %parallel_loop3A_636 = arith.muli %parallel_loop3A_634, %parallel_loop3A_635 : i32
      %parallel_loop3A_637 = vector.broadcast %parallel_loop3A_632 : i32 to vector<16xi32>
      %parallel_loop3A_638 = vector.broadcast %parallel_loop3A_636 : i32 to vector<16xi32>
      %parallel_loop3A_639 = arith.select %parallel_loop3A_610, %parallel_loop3A_637, %parallel_loop3A_638 : vector<16xi1>, vector<16xi32>
      %parallel_loop3A_640 = arith.constant 4 : i32
      %parallel_loop3A_641 = vector.broadcast %parallel_loop3A_640 : i32 to vector<16xi32>
      %parallel_loop3A_642 = arith.shrsi %parallel_loop3A_624, %parallel_loop3A_641 : vector<16xi32>
      %parallel_loop3A_643 = arith.addi %parallel_loop3A_639, %parallel_loop3A_642 : vector<16xi32>
      tpu.vector_store_idx %arg7[%parallel_loop3A_643], %parallel_loop3A_630 {add = true} : memref<43008xi32, #tpu.memory_space<vmem>>[vector<16xi32>], vector<16xi32>,
    } {sc.loop_unroll_factor = 8 : i64, sc.parallel_access}
    %dma_wait3A_374 = arith.constant 1 : i32
    %dma_wait3A_375 = arith.constant 0 : i32
    %dma_wait3A_376 = arith.constant 0 : i32
    %dma_wait3A_377 = arith.constant 0 : i32
    %dma_wait3A_378 = tpu.memref_slice %arg5[%dma_wait3A_374, %dma_wait3A_375, %dma_wait3A_376, %dma_wait3A_377] : memref<2x21x2x512xf32, #tpu.memory_space<vmem>> -> memref<1x21x2x512xf32, #tpu.memory_space<vmem>>
    %dma_wait3A_379 = tpu.memref_squeeze %dma_wait3A_378 : memref<1x21x2x512xf32, #tpu.memory_space<vmem>> -> memref<21x2x512xf32, #tpu.memory_space<vmem>>
    %dma_wait3A_380 = arith.constant 0 : i32
    %dma_wait3A_381 = arith.constant 0 : i32
    %dma_wait3A_382 = tpu.memref_slice %arg2[%dma_wait3A_380, %add3A_338, %dma_wait3A_381] : memref<21x512x512xf32, #tpu.memory_space<hbm>> -> memref<21x2x512xf32, #tpu.memory_space<hbm>>
    %dma_wait3A_383 = arith.constant 0 : i32
    %dma_wait3A_384 = arith.constant 0 : i32
    %dma_wait3A_385 = arith.constant 0 : i32
    %dma_wait3A_386 = tpu.memref_slice %arg5[%dma_wait3A_374, %dma_wait3A_383, %dma_wait3A_384, %dma_wait3A_385] : memref<2x21x2x512xf32, #tpu.memory_space<vmem>> -> memref<1x21x2x512xf32, #tpu.memory_space<vmem>>
    %dma_wait3A_387 = tpu.memref_squeeze %dma_wait3A_386 : memref<1x21x2x512xf32, #tpu.memory_space<vmem>> -> memref<21x2x512xf32, #tpu.memory_space<vmem>>
    %dma_wait3A_388 = arith.constant 0 : i32
    %dma_wait3A_389 = arith.constant 0 : i32
    %dma_wait3A_390 = tpu.memref_slice %arg2[%dma_wait3A_388, %add3A_338, %dma_wait3A_389] : memref<21x512x512xf32, #tpu.memory_space<hbm>> -> memref<21x2x512xf32, #tpu.memory_space<hbm>>
    tpu.wait_dma2 semaphore(%arg9 : memref<!tpu.dma_semaphore, #tpu.memory_space<semaphore_mem>>) src(%dma_wait3A_390 : memref<21x2x512xf32, #tpu.memory_space<hbm>>) dst(%dma_wait3A_387 : memref<21x2x512xf32, #tpu.memory_space<vmem>>)
    %dma_wait3A_391 = arith.constant 1 : i32
    %dma_wait3A_392 = arith.constant 0 : i32
    %dma_wait3A_393 = arith.constant 0 : i32
    %dma_wait3A_394 = tpu.memref_slice %arg6[%dma_wait3A_391, %dma_wait3A_392, %dma_wait3A_393] : memref<2x2x512xi32, #tpu.memory_space<vmem>> -> memref<1x2x512xi32, #tpu.memory_space<vmem>>
    %dma_wait3A_395 = tpu.memref_squeeze %dma_wait3A_394 : memref<1x2x512xi32, #tpu.memory_space<vmem>> -> memref<2x512xi32, #tpu.memory_space<vmem>>
    %dma_wait3A_396 = arith.constant 0 : i32
    %dma_wait3A_397 = tpu.memref_slice %arg3[%add3A_357, %dma_wait3A_396] : memref<512x512xi32, #tpu.memory_space<hbm>> -> memref<2x512xi32, #tpu.memory_space<hbm>>
    %dma_wait3A_398 = arith.constant 0 : i32
    %dma_wait3A_399 = arith.constant 0 : i32
    %dma_wait3A_400 = tpu.memref_slice %arg6[%dma_wait3A_391, %dma_wait3A_398, %dma_wait3A_399] : memref<2x2x512xi32, #tpu.memory_space<vmem>> -> memref<1x2x512xi32, #tpu.memory_space<vmem>>
    %dma_wait3A_401 = tpu.memref_squeeze %dma_wait3A_400 : memref<1x2x512xi32, #tpu.memory_space<vmem>> -> memref<2x512xi32, #tpu.memory_space<vmem>>
    %dma_wait3A_402 = arith.constant 0 : i32
    %dma_wait3A_403 = tpu.memref_slice %arg3[%add3A_357, %dma_wait3A_402] : memref<512x512xi32, #tpu.memory_space<hbm>> -> memref<2x512xi32, #tpu.memory_space<hbm>>
    tpu.wait_dma2 semaphore(%arg11 : memref<!tpu.dma_semaphore, #tpu.memory_space<semaphore_mem>>) src(%dma_wait3A_403 : memref<2x512xi32, #tpu.memory_space<hbm>>) dst(%dma_wait3A_401 : memref<2x512xi32, #tpu.memory_space<vmem>>)
    %add3A_404 = arith.constant 12 : i32
    %add3A_405 = arith.addi %mul3A_6, %add3A_404 : i32
    %dma_start3A_406 = arith.constant 0 : i32
    %dma_start3A_407 = arith.constant 0 : i32
    %dma_start3A_408 = arith.constant 0 : i32
    %dma_start3A_409 = arith.constant 0 : i32
    %dma_start3A_410 = tpu.memref_slice %arg5[%dma_start3A_406, %dma_start3A_407, %dma_start3A_408, %dma_start3A_409] : memref<2x21x2x512xf32, #tpu.memory_space<vmem>> -> memref<1x21x2x512xf32, #tpu.memory_space<vmem>>
    %dma_start3A_411 = tpu.memref_squeeze %dma_start3A_410 : memref<1x21x2x512xf32, #tpu.memory_space<vmem>> -> memref<21x2x512xf32, #tpu.memory_space<vmem>>
    %dma_start3A_412 = arith.constant 0 : i32
    %dma_start3A_413 = arith.constant 0 : i32
    %dma_start3A_414 = tpu.memref_slice %arg2[%dma_start3A_412, %add3A_405, %dma_start3A_413] : memref<21x512x512xf32, #tpu.memory_space<hbm>> -> memref<21x2x512xf32, #tpu.memory_space<hbm>>
    %dma_start3A_415 = arith.constant 0 : i32
    %dma_start3A_416 = arith.constant 0 : i32
    %dma_start3A_417 = arith.constant 0 : i32
    %dma_start3A_418 = tpu.memref_slice %arg5[%dma_start3A_406, %dma_start3A_415, %dma_start3A_416, %dma_start3A_417] : memref<2x21x2x512xf32, #tpu.memory_space<vmem>> -> memref<1x21x2x512xf32, #tpu.memory_space<vmem>>
    %dma_start3A_419 = tpu.memref_squeeze %dma_start3A_418 : memref<1x21x2x512xf32, #tpu.memory_space<vmem>> -> memref<21x2x512xf32, #tpu.memory_space<vmem>>
    %dma_start3A_420 = arith.constant 0 : i32
    %dma_start3A_421 = arith.constant 0 : i32
    %dma_start3A_422 = tpu.memref_slice %arg2[%dma_start3A_420, %add3A_405, %dma_start3A_421] : memref<21x512x512xf32, #tpu.memory_space<hbm>> -> memref<21x2x512xf32, #tpu.memory_space<hbm>>
    tpu.enqueue_dma source(%dma_start3A_422 : memref<21x2x512xf32, #tpu.memory_space<hbm>>) target(%dma_start3A_419 : memref<21x2x512xf32, #tpu.memory_space<vmem>>) target_semaphore(%arg8 : memref<!tpu.dma_semaphore, #tpu.memory_space<semaphore_mem>>)
    %add3A_423 = arith.constant 12 : i32
    %add3A_424 = arith.addi %mul3A_6, %add3A_423 : i32
    %dma_start3A_425 = arith.constant 0 : i32
    %dma_start3A_426 = arith.constant 0 : i32
    %dma_start3A_427 = arith.constant 0 : i32
    %dma_start3A_428 = tpu.memref_slice %arg6[%dma_start3A_425, %dma_start3A_426, %dma_start3A_427] : memref<2x2x512xi32, #tpu.memory_space<vmem>> -> memref<1x2x512xi32, #tpu.memory_space<vmem>>
    %dma_start3A_429 = tpu.memref_squeeze %dma_start3A_428 : memref<1x2x512xi32, #tpu.memory_space<vmem>> -> memref<2x512xi32, #tpu.memory_space<vmem>>
    %dma_start3A_430 = arith.constant 0 : i32
    %dma_start3A_431 = tpu.memref_slice %arg3[%add3A_424, %dma_start3A_430] : memref<512x512xi32, #tpu.memory_space<hbm>> -> memref<2x512xi32, #tpu.memory_space<hbm>>
    %dma_start3A_432 = arith.constant 0 : i32
    %dma_start3A_433 = arith.constant 0 : i32
    %dma_start3A_434 = tpu.memref_slice %arg6[%dma_start3A_425, %dma_start3A_432, %dma_start3A_433] : memref<2x2x512xi32, #tpu.memory_space<vmem>> -> memref<1x2x512xi32, #tpu.memory_space<vmem>>
    %dma_start3A_435 = tpu.memref_squeeze %dma_start3A_434 : memref<1x2x512xi32, #tpu.memory_space<vmem>> -> memref<2x512xi32, #tpu.memory_space<vmem>>
    %dma_start3A_436 = arith.constant 0 : i32
    %dma_start3A_437 = tpu.memref_slice %arg3[%add3A_424, %dma_start3A_436] : memref<512x512xi32, #tpu.memory_space<hbm>> -> memref<2x512xi32, #tpu.memory_space<hbm>>
    tpu.enqueue_dma source(%dma_start3A_437 : memref<2x512xi32, #tpu.memory_space<hbm>>) target(%dma_start3A_435 : memref<2x512xi32, #tpu.memory_space<vmem>>) target_semaphore(%arg10 : memref<!tpu.dma_semaphore, #tpu.memory_space<semaphore_mem>>)
    %parallel_loop3A_438 = arith.constant 0 : i32
    %parallel_loop3A_439 = arith.constant 1344 : i32
    %parallel_loop3A_440 = arith.constant 1 : i32
    scf.for %parallel_loop3A_541 = %parallel_loop3A_438 to %parallel_loop3A_439 step %parallel_loop3A_440  : i32 {
      %parallel_loop3A_542 = arith.constant 64 : i32
      %parallel_loop3A_543 = arith.divsi %parallel_loop3A_541, %parallel_loop3A_542 : i32
      %parallel_loop3A_544 = arith.constant 0 : i32
      %parallel_loop3A_545 = arith.cmpi sgt, %parallel_loop3A_541, %parallel_loop3A_544 : i32
      %parallel_loop3A_546 = arith.extui %parallel_loop3A_545 : i1 to i32
      %parallel_loop3A_547 = arith.constant 0 : i32
      %parallel_loop3A_548 = arith.cmpi slt, %parallel_loop3A_541, %parallel_loop3A_547 : i32
      %parallel_loop3A_549 = arith.extui %parallel_loop3A_548 : i1 to i32
      %parallel_loop3A_550 = arith.subi %parallel_loop3A_546, %parallel_loop3A_549 : i32
      %parallel_loop3A_551 = arith.constant 0 : i32
      %parallel_loop3A_552 = arith.cmpi sgt, %parallel_loop3A_542, %parallel_loop3A_551 : i32
      %parallel_loop3A_553 = arith.extui %parallel_loop3A_552 : i1 to i32
      %parallel_loop3A_554 = arith.constant 0 : i32
      %parallel_loop3A_555 = arith.cmpi slt, %parallel_loop3A_542, %parallel_loop3A_554 : i32
      %parallel_loop3A_556 = arith.extui %parallel_loop3A_555 : i1 to i32
      %parallel_loop3A_557 = arith.subi %parallel_loop3A_553, %parallel_loop3A_556 : i32
      %parallel_loop3A_558 = arith.cmpi ne, %parallel_loop3A_550, %parallel_loop3A_557 : i32
      %parallel_loop3A_559 = arith.remsi %parallel_loop3A_541, %parallel_loop3A_542 : i32
      %parallel_loop3A_560 = arith.constant 0 : i32
      %parallel_loop3A_561 = arith.cmpi ne, %parallel_loop3A_559, %parallel_loop3A_560 : i32
      %parallel_loop3A_562 = arith.andi %parallel_loop3A_558, %parallel_loop3A_561 : i1
      %parallel_loop3A_563 = arith.constant 1 : i32
      %parallel_loop3A_564 = arith.subi %parallel_loop3A_543, %parallel_loop3A_563 : i32
      %parallel_loop3A_565 = arith.select %parallel_loop3A_562, %parallel_loop3A_564, %parallel_loop3A_543 : i32
      %parallel_loop3A_566 = arith.constant 64 : i32
      %parallel_loop3A_567 = arith.muli %parallel_loop3A_565, %parallel_loop3A_566 : i32
      %parallel_loop3A_568 = arith.subi %parallel_loop3A_541, %parallel_loop3A_567 : i32
      %parallel_loop3A_569 = arith.constant 32 : i32
      %parallel_loop3A_570 = arith.divsi %parallel_loop3A_568, %parallel_loop3A_569 : i32
      %parallel_loop3A_571 = arith.constant 0 : i32
      %parallel_loop3A_572 = arith.cmpi sgt, %parallel_loop3A_568, %parallel_loop3A_571 : i32
      %parallel_loop3A_573 = arith.extui %parallel_loop3A_572 : i1 to i32
      %parallel_loop3A_574 = arith.constant 0 : i32
      %parallel_loop3A_575 = arith.cmpi slt, %parallel_loop3A_568, %parallel_loop3A_574 : i32
      %parallel_loop3A_576 = arith.extui %parallel_loop3A_575 : i1 to i32
      %parallel_loop3A_577 = arith.subi %parallel_loop3A_573, %parallel_loop3A_576 : i32
      %parallel_loop3A_578 = arith.constant 0 : i32
      %parallel_loop3A_579 = arith.cmpi sgt, %parallel_loop3A_569, %parallel_loop3A_578 : i32
      %parallel_loop3A_580 = arith.extui %parallel_loop3A_579 : i1 to i32
      %parallel_loop3A_581 = arith.constant 0 : i32
      %parallel_loop3A_582 = arith.cmpi slt, %parallel_loop3A_569, %parallel_loop3A_581 : i32
      %parallel_loop3A_583 = arith.extui %parallel_loop3A_582 : i1 to i32
      %parallel_loop3A_584 = arith.subi %parallel_loop3A_580, %parallel_loop3A_583 : i32
      %parallel_loop3A_585 = arith.cmpi ne, %parallel_loop3A_577, %parallel_loop3A_584 : i32
      %parallel_loop3A_586 = arith.remsi %parallel_loop3A_568, %parallel_loop3A_569 : i32
      %parallel_loop3A_587 = arith.constant 0 : i32
      %parallel_loop3A_588 = arith.cmpi ne, %parallel_loop3A_586, %parallel_loop3A_587 : i32
      %parallel_loop3A_589 = arith.andi %parallel_loop3A_585, %parallel_loop3A_588 : i1
      %parallel_loop3A_590 = arith.constant 1 : i32
      %parallel_loop3A_591 = arith.subi %parallel_loop3A_570, %parallel_loop3A_590 : i32
      %parallel_loop3A_592 = arith.select %parallel_loop3A_589, %parallel_loop3A_591, %parallel_loop3A_570 : i32
      %parallel_loop3A_593 = arith.constant 32 : i32
      %parallel_loop3A_594 = arith.muli %parallel_loop3A_592, %parallel_loop3A_593 : i32
      %parallel_loop3A_595 = arith.subi %parallel_loop3A_568, %parallel_loop3A_594 : i32
      %parallel_loop3A_596 = arith.constant 16 : i32
      %parallel_loop3A_597 = arith.muli %parallel_loop3A_595, %parallel_loop3A_596 : i32
      %parallel_loop3A_598 = arith.constant 1 : i32
      %parallel_loop3A_599 = arith.index_cast %parallel_loop3A_598 : i32 to index
      %parallel_loop3A_600 = arith.index_cast %parallel_loop3A_592 : i32 to index
      %parallel_loop3A_601 = arith.index_cast %parallel_loop3A_597 : i32 to index
      %parallel_loop3A_602 = tpu.vector_load %arg6[%parallel_loop3A_599, %parallel_loop3A_600, %parallel_loop3A_601] {strides = array<i32>} : memref<2x2x512xi32, #tpu.memory_space<vmem>>, vector<16xi32>,
      %parallel_loop3A_603 = arith.constant 1 : i32
      %parallel_loop3A_604 = arith.index_cast %parallel_loop3A_603 : i32 to index
      %parallel_loop3A_605 = arith.index_cast %parallel_loop3A_565 : i32 to index
      %parallel_loop3A_606 = arith.index_cast %parallel_loop3A_592 : i32 to index
      %parallel_loop3A_607 = arith.index_cast %parallel_loop3A_597 : i32 to index
      %parallel_loop3A_608 = tpu.vector_load %arg5[%parallel_loop3A_604, %parallel_loop3A_605, %parallel_loop3A_606, %parallel_loop3A_607] {strides = array<i32>} : memref<2x21x2x512xf32, #tpu.memory_space<vmem>>, vector<16xf32>,
      %parallel_loop3A_609 = vector.broadcast %parallel_loop3A_565 : i32 to vector<16xi32>
      %parallel_loop3A_610 = arith.cmpi eq, %parallel_loop3A_602, %parallel_loop3A_609 : vector<16xi32>
      %parallel_loop3A_611 = arith.constant 1.000000e+00 : f32
      %parallel_loop3A_612 = vector.broadcast %parallel_loop3A_611 : f32 to vector<16xf32>
      %parallel_loop3A_613 = arith.subf %parallel_loop3A_612, %parallel_loop3A_608 : vector<16xf32>
      %parallel_loop3A_614 = arith.select %parallel_loop3A_610, %parallel_loop3A_613, %parallel_loop3A_608 : vector<16xi1>, vector<16xf32>
      %parallel_loop3A_615 = arith.constant 1.638400e+04 : f32
      %parallel_loop3A_616 = vector.broadcast %parallel_loop3A_615 : f32 to vector<16xf32>
      %parallel_loop3A_617 = arith.mulf %parallel_loop3A_614, %parallel_loop3A_616 : vector<16xf32>
      %parallel_loop3A_618 = arith.fptosi %parallel_loop3A_617 : vector<16xf32> to vector<16xi32>
      %parallel_loop3A_619 = arith.constant 0 : i32
      %parallel_loop3A_620 = vector.broadcast %parallel_loop3A_619 : i32 to vector<16xi32>
      %parallel_loop3A_621 = arith.maxsi %parallel_loop3A_618, %parallel_loop3A_620 : vector<16xi32>
      %parallel_loop3A_622 = arith.constant 16383 : i32
      %parallel_loop3A_623 = vector.broadcast %parallel_loop3A_622 : i32 to vector<16xi32>
      %parallel_loop3A_624 = arith.minsi %parallel_loop3A_621, %parallel_loop3A_623 : vector<16xi32>
      %parallel_loop3A_625 = arith.constant 15 : i32
      %parallel_loop3A_626 = vector.broadcast %parallel_loop3A_625 : i32 to vector<16xi32>
      %parallel_loop3A_627 = arith.andi %parallel_loop3A_624, %parallel_loop3A_626 : vector<16xi32>
      %parallel_loop3A_628 = arith.constant 131072 : i32
      %parallel_loop3A_629 = vector.broadcast %parallel_loop3A_628 : i32 to vector<16xi32>
      %parallel_loop3A_630 = arith.addi %parallel_loop3A_627, %parallel_loop3A_629 : vector<16xi32>
      %parallel_loop3A_631 = arith.constant 1024 : i32
      %parallel_loop3A_632 = arith.muli %parallel_loop3A_565, %parallel_loop3A_631 : i32
      %parallel_loop3A_633 = arith.constant 21 : i32
      %parallel_loop3A_634 = arith.addi %parallel_loop3A_633, %parallel_loop3A_565 : i32
      %parallel_loop3A_635 = arith.constant 1024 : i32
      %parallel_loop3A_636 = arith.muli %parallel_loop3A_634, %parallel_loop3A_635 : i32
      %parallel_loop3A_637 = vector.broadcast %parallel_loop3A_632 : i32 to vector<16xi32>
      %parallel_loop3A_638 = vector.broadcast %parallel_loop3A_636 : i32 to vector<16xi32>
      %parallel_loop3A_639 = arith.select %parallel_loop3A_610, %parallel_loop3A_637, %parallel_loop3A_638 : vector<16xi1>, vector<16xi32>
      %parallel_loop3A_640 = arith.constant 4 : i32
      %parallel_loop3A_641 = vector.broadcast %parallel_loop3A_640 : i32 to vector<16xi32>
      %parallel_loop3A_642 = arith.shrsi %parallel_loop3A_624, %parallel_loop3A_641 : vector<16xi32>
      %parallel_loop3A_643 = arith.addi %parallel_loop3A_639, %parallel_loop3A_642 : vector<16xi32>
      tpu.vector_store_idx %arg7[%parallel_loop3A_643], %parallel_loop3A_630 {add = true} : memref<43008xi32, #tpu.memory_space<vmem>>[vector<16xi32>], vector<16xi32>,
    } {sc.loop_unroll_factor = 8 : i64, sc.parallel_access}
    %dma_wait3A_441 = arith.constant 0 : i32
    %dma_wait3A_442 = arith.constant 0 : i32
    %dma_wait3A_443 = arith.constant 0 : i32
    %dma_wait3A_444 = arith.constant 0 : i32
    %dma_wait3A_445 = tpu.memref_slice %arg5[%dma_wait3A_441, %dma_wait3A_442, %dma_wait3A_443, %dma_wait3A_444] : memref<2x21x2x512xf32, #tpu.memory_space<vmem>> -> memref<1x21x2x512xf32, #tpu.memory_space<vmem>>
    %dma_wait3A_446 = tpu.memref_squeeze %dma_wait3A_445 : memref<1x21x2x512xf32, #tpu.memory_space<vmem>> -> memref<21x2x512xf32, #tpu.memory_space<vmem>>
    %dma_wait3A_447 = arith.constant 0 : i32
    %dma_wait3A_448 = arith.constant 0 : i32
    %dma_wait3A_449 = tpu.memref_slice %arg2[%dma_wait3A_447, %add3A_405, %dma_wait3A_448] : memref<21x512x512xf32, #tpu.memory_space<hbm>> -> memref<21x2x512xf32, #tpu.memory_space<hbm>>
    %dma_wait3A_450 = arith.constant 0 : i32
    %dma_wait3A_451 = arith.constant 0 : i32
    %dma_wait3A_452 = arith.constant 0 : i32
    %dma_wait3A_453 = tpu.memref_slice %arg5[%dma_wait3A_441, %dma_wait3A_450, %dma_wait3A_451, %dma_wait3A_452] : memref<2x21x2x512xf32, #tpu.memory_space<vmem>> -> memref<1x21x2x512xf32, #tpu.memory_space<vmem>>
    %dma_wait3A_454 = tpu.memref_squeeze %dma_wait3A_453 : memref<1x21x2x512xf32, #tpu.memory_space<vmem>> -> memref<21x2x512xf32, #tpu.memory_space<vmem>>
    %dma_wait3A_455 = arith.constant 0 : i32
    %dma_wait3A_456 = arith.constant 0 : i32
    %dma_wait3A_457 = tpu.memref_slice %arg2[%dma_wait3A_455, %add3A_405, %dma_wait3A_456] : memref<21x512x512xf32, #tpu.memory_space<hbm>> -> memref<21x2x512xf32, #tpu.memory_space<hbm>>
    tpu.wait_dma2 semaphore(%arg8 : memref<!tpu.dma_semaphore, #tpu.memory_space<semaphore_mem>>) src(%dma_wait3A_457 : memref<21x2x512xf32, #tpu.memory_space<hbm>>) dst(%dma_wait3A_454 : memref<21x2x512xf32, #tpu.memory_space<vmem>>)
    %dma_wait3A_458 = arith.constant 0 : i32
    %dma_wait3A_459 = arith.constant 0 : i32
    %dma_wait3A_460 = arith.constant 0 : i32
    %dma_wait3A_461 = tpu.memref_slice %arg6[%dma_wait3A_458, %dma_wait3A_459, %dma_wait3A_460] : memref<2x2x512xi32, #tpu.memory_space<vmem>> -> memref<1x2x512xi32, #tpu.memory_space<vmem>>
    %dma_wait3A_462 = tpu.memref_squeeze %dma_wait3A_461 : memref<1x2x512xi32, #tpu.memory_space<vmem>> -> memref<2x512xi32, #tpu.memory_space<vmem>>
    %dma_wait3A_463 = arith.constant 0 : i32
    %dma_wait3A_464 = tpu.memref_slice %arg3[%add3A_424, %dma_wait3A_463] : memref<512x512xi32, #tpu.memory_space<hbm>> -> memref<2x512xi32, #tpu.memory_space<hbm>>
    %dma_wait3A_465 = arith.constant 0 : i32
    %dma_wait3A_466 = arith.constant 0 : i32
    %dma_wait3A_467 = tpu.memref_slice %arg6[%dma_wait3A_458, %dma_wait3A_465, %dma_wait3A_466] : memref<2x2x512xi32, #tpu.memory_space<vmem>> -> memref<1x2x512xi32, #tpu.memory_space<vmem>>
    %dma_wait3A_468 = tpu.memref_squeeze %dma_wait3A_467 : memref<1x2x512xi32, #tpu.memory_space<vmem>> -> memref<2x512xi32, #tpu.memory_space<vmem>>
    %dma_wait3A_469 = arith.constant 0 : i32
    %dma_wait3A_470 = tpu.memref_slice %arg3[%add3A_424, %dma_wait3A_469] : memref<512x512xi32, #tpu.memory_space<hbm>> -> memref<2x512xi32, #tpu.memory_space<hbm>>
    tpu.wait_dma2 semaphore(%arg10 : memref<!tpu.dma_semaphore, #tpu.memory_space<semaphore_mem>>) src(%dma_wait3A_470 : memref<2x512xi32, #tpu.memory_space<hbm>>) dst(%dma_wait3A_468 : memref<2x512xi32, #tpu.memory_space<vmem>>)
    %add3A_471 = arith.constant 14 : i32
    %add3A_472 = arith.addi %mul3A_6, %add3A_471 : i32
    %dma_start3A_473 = arith.constant 1 : i32
    %dma_start3A_474 = arith.constant 0 : i32
    %dma_start3A_475 = arith.constant 0 : i32
    %dma_start3A_476 = arith.constant 0 : i32
    %dma_start3A_477 = tpu.memref_slice %arg5[%dma_start3A_473, %dma_start3A_474, %dma_start3A_475, %dma_start3A_476] : memref<2x21x2x512xf32, #tpu.memory_space<vmem>> -> memref<1x21x2x512xf32, #tpu.memory_space<vmem>>
    %dma_start3A_478 = tpu.memref_squeeze %dma_start3A_477 : memref<1x21x2x512xf32, #tpu.memory_space<vmem>> -> memref<21x2x512xf32, #tpu.memory_space<vmem>>
    %dma_start3A_479 = arith.constant 0 : i32
    %dma_start3A_480 = arith.constant 0 : i32
    %dma_start3A_481 = tpu.memref_slice %arg2[%dma_start3A_479, %add3A_472, %dma_start3A_480] : memref<21x512x512xf32, #tpu.memory_space<hbm>> -> memref<21x2x512xf32, #tpu.memory_space<hbm>>
    %dma_start3A_482 = arith.constant 0 : i32
    %dma_start3A_483 = arith.constant 0 : i32
    %dma_start3A_484 = arith.constant 0 : i32
    %dma_start3A_485 = tpu.memref_slice %arg5[%dma_start3A_473, %dma_start3A_482, %dma_start3A_483, %dma_start3A_484] : memref<2x21x2x512xf32, #tpu.memory_space<vmem>> -> memref<1x21x2x512xf32, #tpu.memory_space<vmem>>
    %dma_start3A_486 = tpu.memref_squeeze %dma_start3A_485 : memref<1x21x2x512xf32, #tpu.memory_space<vmem>> -> memref<21x2x512xf32, #tpu.memory_space<vmem>>
    %dma_start3A_487 = arith.constant 0 : i32
    %dma_start3A_488 = arith.constant 0 : i32
    %dma_start3A_489 = tpu.memref_slice %arg2[%dma_start3A_487, %add3A_472, %dma_start3A_488] : memref<21x512x512xf32, #tpu.memory_space<hbm>> -> memref<21x2x512xf32, #tpu.memory_space<hbm>>
    tpu.enqueue_dma source(%dma_start3A_489 : memref<21x2x512xf32, #tpu.memory_space<hbm>>) target(%dma_start3A_486 : memref<21x2x512xf32, #tpu.memory_space<vmem>>) target_semaphore(%arg9 : memref<!tpu.dma_semaphore, #tpu.memory_space<semaphore_mem>>)
    %add3A_490 = arith.constant 14 : i32
    %add3A_491 = arith.addi %mul3A_6, %add3A_490 : i32
    %dma_start3A_492 = arith.constant 1 : i32
    %dma_start3A_493 = arith.constant 0 : i32
    %dma_start3A_494 = arith.constant 0 : i32
    %dma_start3A_495 = tpu.memref_slice %arg6[%dma_start3A_492, %dma_start3A_493, %dma_start3A_494] : memref<2x2x512xi32, #tpu.memory_space<vmem>> -> memref<1x2x512xi32, #tpu.memory_space<vmem>>
    %dma_start3A_496 = tpu.memref_squeeze %dma_start3A_495 : memref<1x2x512xi32, #tpu.memory_space<vmem>> -> memref<2x512xi32, #tpu.memory_space<vmem>>
    %dma_start3A_497 = arith.constant 0 : i32
    %dma_start3A_498 = tpu.memref_slice %arg3[%add3A_491, %dma_start3A_497] : memref<512x512xi32, #tpu.memory_space<hbm>> -> memref<2x512xi32, #tpu.memory_space<hbm>>
    %dma_start3A_499 = arith.constant 0 : i32
    %dma_start3A_500 = arith.constant 0 : i32
    %dma_start3A_501 = tpu.memref_slice %arg6[%dma_start3A_492, %dma_start3A_499, %dma_start3A_500] : memref<2x2x512xi32, #tpu.memory_space<vmem>> -> memref<1x2x512xi32, #tpu.memory_space<vmem>>
    %dma_start3A_502 = tpu.memref_squeeze %dma_start3A_501 : memref<1x2x512xi32, #tpu.memory_space<vmem>> -> memref<2x512xi32, #tpu.memory_space<vmem>>
    %dma_start3A_503 = arith.constant 0 : i32
    %dma_start3A_504 = tpu.memref_slice %arg3[%add3A_491, %dma_start3A_503] : memref<512x512xi32, #tpu.memory_space<hbm>> -> memref<2x512xi32, #tpu.memory_space<hbm>>
    tpu.enqueue_dma source(%dma_start3A_504 : memref<2x512xi32, #tpu.memory_space<hbm>>) target(%dma_start3A_502 : memref<2x512xi32, #tpu.memory_space<vmem>>) target_semaphore(%arg11 : memref<!tpu.dma_semaphore, #tpu.memory_space<semaphore_mem>>)
    %parallel_loop3A_505 = arith.constant 0 : i32
    %parallel_loop3A_506 = arith.constant 1344 : i32
    %parallel_loop3A_507 = arith.constant 1 : i32
    scf.for %parallel_loop3A_541 = %parallel_loop3A_505 to %parallel_loop3A_506 step %parallel_loop3A_507  : i32 {
      %parallel_loop3A_542 = arith.constant 64 : i32
      %parallel_loop3A_543 = arith.divsi %parallel_loop3A_541, %parallel_loop3A_542 : i32
      %parallel_loop3A_544 = arith.constant 0 : i32
      %parallel_loop3A_545 = arith.cmpi sgt, %parallel_loop3A_541, %parallel_loop3A_544 : i32
      %parallel_loop3A_546 = arith.extui %parallel_loop3A_545 : i1 to i32
      %parallel_loop3A_547 = arith.constant 0 : i32
      %parallel_loop3A_548 = arith.cmpi slt, %parallel_loop3A_541, %parallel_loop3A_547 : i32
      %parallel_loop3A_549 = arith.extui %parallel_loop3A_548 : i1 to i32
      %parallel_loop3A_550 = arith.subi %parallel_loop3A_546, %parallel_loop3A_549 : i32
      %parallel_loop3A_551 = arith.constant 0 : i32
      %parallel_loop3A_552 = arith.cmpi sgt, %parallel_loop3A_542, %parallel_loop3A_551 : i32
      %parallel_loop3A_553 = arith.extui %parallel_loop3A_552 : i1 to i32
      %parallel_loop3A_554 = arith.constant 0 : i32
      %parallel_loop3A_555 = arith.cmpi slt, %parallel_loop3A_542, %parallel_loop3A_554 : i32
      %parallel_loop3A_556 = arith.extui %parallel_loop3A_555 : i1 to i32
      %parallel_loop3A_557 = arith.subi %parallel_loop3A_553, %parallel_loop3A_556 : i32
      %parallel_loop3A_558 = arith.cmpi ne, %parallel_loop3A_550, %parallel_loop3A_557 : i32
      %parallel_loop3A_559 = arith.remsi %parallel_loop3A_541, %parallel_loop3A_542 : i32
      %parallel_loop3A_560 = arith.constant 0 : i32
      %parallel_loop3A_561 = arith.cmpi ne, %parallel_loop3A_559, %parallel_loop3A_560 : i32
      %parallel_loop3A_562 = arith.andi %parallel_loop3A_558, %parallel_loop3A_561 : i1
      %parallel_loop3A_563 = arith.constant 1 : i32
      %parallel_loop3A_564 = arith.subi %parallel_loop3A_543, %parallel_loop3A_563 : i32
      %parallel_loop3A_565 = arith.select %parallel_loop3A_562, %parallel_loop3A_564, %parallel_loop3A_543 : i32
      %parallel_loop3A_566 = arith.constant 64 : i32
      %parallel_loop3A_567 = arith.muli %parallel_loop3A_565, %parallel_loop3A_566 : i32
      %parallel_loop3A_568 = arith.subi %parallel_loop3A_541, %parallel_loop3A_567 : i32
      %parallel_loop3A_569 = arith.constant 32 : i32
      %parallel_loop3A_570 = arith.divsi %parallel_loop3A_568, %parallel_loop3A_569 : i32
      %parallel_loop3A_571 = arith.constant 0 : i32
      %parallel_loop3A_572 = arith.cmpi sgt, %parallel_loop3A_568, %parallel_loop3A_571 : i32
      %parallel_loop3A_573 = arith.extui %parallel_loop3A_572 : i1 to i32
      %parallel_loop3A_574 = arith.constant 0 : i32
      %parallel_loop3A_575 = arith.cmpi slt, %parallel_loop3A_568, %parallel_loop3A_574 : i32
      %parallel_loop3A_576 = arith.extui %parallel_loop3A_575 : i1 to i32
      %parallel_loop3A_577 = arith.subi %parallel_loop3A_573, %parallel_loop3A_576 : i32
      %parallel_loop3A_578 = arith.constant 0 : i32
      %parallel_loop3A_579 = arith.cmpi sgt, %parallel_loop3A_569, %parallel_loop3A_578 : i32
      %parallel_loop3A_580 = arith.extui %parallel_loop3A_579 : i1 to i32
      %parallel_loop3A_581 = arith.constant 0 : i32
      %parallel_loop3A_582 = arith.cmpi slt, %parallel_loop3A_569, %parallel_loop3A_581 : i32
      %parallel_loop3A_583 = arith.extui %parallel_loop3A_582 : i1 to i32
      %parallel_loop3A_584 = arith.subi %parallel_loop3A_580, %parallel_loop3A_583 : i32
      %parallel_loop3A_585 = arith.cmpi ne, %parallel_loop3A_577, %parallel_loop3A_584 : i32
      %parallel_loop3A_586 = arith.remsi %parallel_loop3A_568, %parallel_loop3A_569 : i32
      %parallel_loop3A_587 = arith.constant 0 : i32
      %parallel_loop3A_588 = arith.cmpi ne, %parallel_loop3A_586, %parallel_loop3A_587 : i32
      %parallel_loop3A_589 = arith.andi %parallel_loop3A_585, %parallel_loop3A_588 : i1
      %parallel_loop3A_590 = arith.constant 1 : i32
      %parallel_loop3A_591 = arith.subi %parallel_loop3A_570, %parallel_loop3A_590 : i32
      %parallel_loop3A_592 = arith.select %parallel_loop3A_589, %parallel_loop3A_591, %parallel_loop3A_570 : i32
      %parallel_loop3A_593 = arith.constant 32 : i32
      %parallel_loop3A_594 = arith.muli %parallel_loop3A_592, %parallel_loop3A_593 : i32
      %parallel_loop3A_595 = arith.subi %parallel_loop3A_568, %parallel_loop3A_594 : i32
      %parallel_loop3A_596 = arith.constant 16 : i32
      %parallel_loop3A_597 = arith.muli %parallel_loop3A_595, %parallel_loop3A_596 : i32
      %parallel_loop3A_598 = arith.constant 0 : i32
      %parallel_loop3A_599 = arith.index_cast %parallel_loop3A_598 : i32 to index
      %parallel_loop3A_600 = arith.index_cast %parallel_loop3A_592 : i32 to index
      %parallel_loop3A_601 = arith.index_cast %parallel_loop3A_597 : i32 to index
      %parallel_loop3A_602 = tpu.vector_load %arg6[%parallel_loop3A_599, %parallel_loop3A_600, %parallel_loop3A_601] {strides = array<i32>} : memref<2x2x512xi32, #tpu.memory_space<vmem>>, vector<16xi32>,
      %parallel_loop3A_603 = arith.constant 0 : i32
      %parallel_loop3A_604 = arith.index_cast %parallel_loop3A_603 : i32 to index
      %parallel_loop3A_605 = arith.index_cast %parallel_loop3A_565 : i32 to index
      %parallel_loop3A_606 = arith.index_cast %parallel_loop3A_592 : i32 to index
      %parallel_loop3A_607 = arith.index_cast %parallel_loop3A_597 : i32 to index
      %parallel_loop3A_608 = tpu.vector_load %arg5[%parallel_loop3A_604, %parallel_loop3A_605, %parallel_loop3A_606, %parallel_loop3A_607] {strides = array<i32>} : memref<2x21x2x512xf32, #tpu.memory_space<vmem>>, vector<16xf32>,
      %parallel_loop3A_609 = vector.broadcast %parallel_loop3A_565 : i32 to vector<16xi32>
      %parallel_loop3A_610 = arith.cmpi eq, %parallel_loop3A_602, %parallel_loop3A_609 : vector<16xi32>
      %parallel_loop3A_611 = arith.constant 1.000000e+00 : f32
      %parallel_loop3A_612 = vector.broadcast %parallel_loop3A_611 : f32 to vector<16xf32>
      %parallel_loop3A_613 = arith.subf %parallel_loop3A_612, %parallel_loop3A_608 : vector<16xf32>
      %parallel_loop3A_614 = arith.select %parallel_loop3A_610, %parallel_loop3A_613, %parallel_loop3A_608 : vector<16xi1>, vector<16xf32>
      %parallel_loop3A_615 = arith.constant 1.638400e+04 : f32
      %parallel_loop3A_616 = vector.broadcast %parallel_loop3A_615 : f32 to vector<16xf32>
      %parallel_loop3A_617 = arith.mulf %parallel_loop3A_614, %parallel_loop3A_616 : vector<16xf32>
      %parallel_loop3A_618 = arith.fptosi %parallel_loop3A_617 : vector<16xf32> to vector<16xi32>
      %parallel_loop3A_619 = arith.constant 0 : i32
      %parallel_loop3A_620 = vector.broadcast %parallel_loop3A_619 : i32 to vector<16xi32>
      %parallel_loop3A_621 = arith.maxsi %parallel_loop3A_618, %parallel_loop3A_620 : vector<16xi32>
      %parallel_loop3A_622 = arith.constant 16383 : i32
      %parallel_loop3A_623 = vector.broadcast %parallel_loop3A_622 : i32 to vector<16xi32>
      %parallel_loop3A_624 = arith.minsi %parallel_loop3A_621, %parallel_loop3A_623 : vector<16xi32>
      %parallel_loop3A_625 = arith.constant 15 : i32
      %parallel_loop3A_626 = vector.broadcast %parallel_loop3A_625 : i32 to vector<16xi32>
      %parallel_loop3A_627 = arith.andi %parallel_loop3A_624, %parallel_loop3A_626 : vector<16xi32>
      %parallel_loop3A_628 = arith.constant 131072 : i32
      %parallel_loop3A_629 = vector.broadcast %parallel_loop3A_628 : i32 to vector<16xi32>
      %parallel_loop3A_630 = arith.addi %parallel_loop3A_627, %parallel_loop3A_629 : vector<16xi32>
      %parallel_loop3A_631 = arith.constant 1024 : i32
      %parallel_loop3A_632 = arith.muli %parallel_loop3A_565, %parallel_loop3A_631 : i32
      %parallel_loop3A_633 = arith.constant 21 : i32
      %parallel_loop3A_634 = arith.addi %parallel_loop3A_633, %parallel_loop3A_565 : i32
      %parallel_loop3A_635 = arith.constant 1024 : i32
      %parallel_loop3A_636 = arith.muli %parallel_loop3A_634, %parallel_loop3A_635 : i32
      %parallel_loop3A_637 = vector.broadcast %parallel_loop3A_632 : i32 to vector<16xi32>
      %parallel_loop3A_638 = vector.broadcast %parallel_loop3A_636 : i32 to vector<16xi32>
      %parallel_loop3A_639 = arith.select %parallel_loop3A_610, %parallel_loop3A_637, %parallel_loop3A_638 : vector<16xi1>, vector<16xi32>
      %parallel_loop3A_640 = arith.constant 4 : i32
      %parallel_loop3A_641 = vector.broadcast %parallel_loop3A_640 : i32 to vector<16xi32>
      %parallel_loop3A_642 = arith.shrsi %parallel_loop3A_624, %parallel_loop3A_641 : vector<16xi32>
      %parallel_loop3A_643 = arith.addi %parallel_loop3A_639, %parallel_loop3A_642 : vector<16xi32>
      tpu.vector_store_idx %arg7[%parallel_loop3A_643], %parallel_loop3A_630 {add = true} : memref<43008xi32, #tpu.memory_space<vmem>>[vector<16xi32>], vector<16xi32>,
    } {sc.loop_unroll_factor = 8 : i64, sc.parallel_access}
    %dma_wait3A_508 = arith.constant 1 : i32
    %dma_wait3A_509 = arith.constant 0 : i32
    %dma_wait3A_510 = arith.constant 0 : i32
    %dma_wait3A_511 = arith.constant 0 : i32
    %dma_wait3A_512 = tpu.memref_slice %arg5[%dma_wait3A_508, %dma_wait3A_509, %dma_wait3A_510, %dma_wait3A_511] : memref<2x21x2x512xf32, #tpu.memory_space<vmem>> -> memref<1x21x2x512xf32, #tpu.memory_space<vmem>>
    %dma_wait3A_513 = tpu.memref_squeeze %dma_wait3A_512 : memref<1x21x2x512xf32, #tpu.memory_space<vmem>> -> memref<21x2x512xf32, #tpu.memory_space<vmem>>
    %dma_wait3A_514 = arith.constant 0 : i32
    %dma_wait3A_515 = arith.constant 0 : i32
    %dma_wait3A_516 = tpu.memref_slice %arg2[%dma_wait3A_514, %add3A_472, %dma_wait3A_515] : memref<21x512x512xf32, #tpu.memory_space<hbm>> -> memref<21x2x512xf32, #tpu.memory_space<hbm>>
    %dma_wait3A_517 = arith.constant 0 : i32
    %dma_wait3A_518 = arith.constant 0 : i32
    %dma_wait3A_519 = arith.constant 0 : i32
    %dma_wait3A_520 = tpu.memref_slice %arg5[%dma_wait3A_508, %dma_wait3A_517, %dma_wait3A_518, %dma_wait3A_519] : memref<2x21x2x512xf32, #tpu.memory_space<vmem>> -> memref<1x21x2x512xf32, #tpu.memory_space<vmem>>
    %dma_wait3A_521 = tpu.memref_squeeze %dma_wait3A_520 : memref<1x21x2x512xf32, #tpu.memory_space<vmem>> -> memref<21x2x512xf32, #tpu.memory_space<vmem>>
    %dma_wait3A_522 = arith.constant 0 : i32
    %dma_wait3A_523 = arith.constant 0 : i32
    %dma_wait3A_524 = tpu.memref_slice %arg2[%dma_wait3A_522, %add3A_472, %dma_wait3A_523] : memref<21x512x512xf32, #tpu.memory_space<hbm>> -> memref<21x2x512xf32, #tpu.memory_space<hbm>>
    tpu.wait_dma2 semaphore(%arg9 : memref<!tpu.dma_semaphore, #tpu.memory_space<semaphore_mem>>) src(%dma_wait3A_524 : memref<21x2x512xf32, #tpu.memory_space<hbm>>) dst(%dma_wait3A_521 : memref<21x2x512xf32, #tpu.memory_space<vmem>>)
    %dma_wait3A_525 = arith.constant 1 : i32
    %dma_wait3A_526 = arith.constant 0 : i32
    %dma_wait3A_527 = arith.constant 0 : i32
    %dma_wait3A_528 = tpu.memref_slice %arg6[%dma_wait3A_525, %dma_wait3A_526, %dma_wait3A_527] : memref<2x2x512xi32, #tpu.memory_space<vmem>> -> memref<1x2x512xi32, #tpu.memory_space<vmem>>
    %dma_wait3A_529 = tpu.memref_squeeze %dma_wait3A_528 : memref<1x2x512xi32, #tpu.memory_space<vmem>> -> memref<2x512xi32, #tpu.memory_space<vmem>>
    %dma_wait3A_530 = arith.constant 0 : i32
    %dma_wait3A_531 = tpu.memref_slice %arg3[%add3A_491, %dma_wait3A_530] : memref<512x512xi32, #tpu.memory_space<hbm>> -> memref<2x512xi32, #tpu.memory_space<hbm>>
    %dma_wait3A_532 = arith.constant 0 : i32
    %dma_wait3A_533 = arith.constant 0 : i32
    %dma_wait3A_534 = tpu.memref_slice %arg6[%dma_wait3A_525, %dma_wait3A_532, %dma_wait3A_533] : memref<2x2x512xi32, #tpu.memory_space<vmem>> -> memref<1x2x512xi32, #tpu.memory_space<vmem>>
    %dma_wait3A_535 = tpu.memref_squeeze %dma_wait3A_534 : memref<1x2x512xi32, #tpu.memory_space<vmem>> -> memref<2x512xi32, #tpu.memory_space<vmem>>
    %dma_wait3A_536 = arith.constant 0 : i32
    %dma_wait3A_537 = tpu.memref_slice %arg3[%add3A_491, %dma_wait3A_536] : memref<512x512xi32, #tpu.memory_space<hbm>> -> memref<2x512xi32, #tpu.memory_space<hbm>>
    tpu.wait_dma2 semaphore(%arg11 : memref<!tpu.dma_semaphore, #tpu.memory_space<semaphore_mem>>) src(%dma_wait3A_537 : memref<2x512xi32, #tpu.memory_space<hbm>>) dst(%dma_wait3A_535 : memref<2x512xi32, #tpu.memory_space<vmem>>)
    %parallel_loop3A_538 = arith.constant 0 : i32
    %parallel_loop3A_539 = arith.constant 1344 : i32
    %parallel_loop3A_540 = arith.constant 1 : i32
    scf.for %parallel_loop3A_541 = %parallel_loop3A_538 to %parallel_loop3A_539 step %parallel_loop3A_540  : i32 {
      %parallel_loop3A_542 = arith.constant 64 : i32
      %parallel_loop3A_543 = arith.divsi %parallel_loop3A_541, %parallel_loop3A_542 : i32
      %parallel_loop3A_544 = arith.constant 0 : i32
      %parallel_loop3A_545 = arith.cmpi sgt, %parallel_loop3A_541, %parallel_loop3A_544 : i32
      %parallel_loop3A_546 = arith.extui %parallel_loop3A_545 : i1 to i32
      %parallel_loop3A_547 = arith.constant 0 : i32
      %parallel_loop3A_548 = arith.cmpi slt, %parallel_loop3A_541, %parallel_loop3A_547 : i32
      %parallel_loop3A_549 = arith.extui %parallel_loop3A_548 : i1 to i32
      %parallel_loop3A_550 = arith.subi %parallel_loop3A_546, %parallel_loop3A_549 : i32
      %parallel_loop3A_551 = arith.constant 0 : i32
      %parallel_loop3A_552 = arith.cmpi sgt, %parallel_loop3A_542, %parallel_loop3A_551 : i32
      %parallel_loop3A_553 = arith.extui %parallel_loop3A_552 : i1 to i32
      %parallel_loop3A_554 = arith.constant 0 : i32
      %parallel_loop3A_555 = arith.cmpi slt, %parallel_loop3A_542, %parallel_loop3A_554 : i32
      %parallel_loop3A_556 = arith.extui %parallel_loop3A_555 : i1 to i32
      %parallel_loop3A_557 = arith.subi %parallel_loop3A_553, %parallel_loop3A_556 : i32
      %parallel_loop3A_558 = arith.cmpi ne, %parallel_loop3A_550, %parallel_loop3A_557 : i32
      %parallel_loop3A_559 = arith.remsi %parallel_loop3A_541, %parallel_loop3A_542 : i32
      %parallel_loop3A_560 = arith.constant 0 : i32
      %parallel_loop3A_561 = arith.cmpi ne, %parallel_loop3A_559, %parallel_loop3A_560 : i32
      %parallel_loop3A_562 = arith.andi %parallel_loop3A_558, %parallel_loop3A_561 : i1
      %parallel_loop3A_563 = arith.constant 1 : i32
      %parallel_loop3A_564 = arith.subi %parallel_loop3A_543, %parallel_loop3A_563 : i32
      %parallel_loop3A_565 = arith.select %parallel_loop3A_562, %parallel_loop3A_564, %parallel_loop3A_543 : i32
      %parallel_loop3A_566 = arith.constant 64 : i32
      %parallel_loop3A_567 = arith.muli %parallel_loop3A_565, %parallel_loop3A_566 : i32
      %parallel_loop3A_568 = arith.subi %parallel_loop3A_541, %parallel_loop3A_567 : i32
      %parallel_loop3A_569 = arith.constant 32 : i32
      %parallel_loop3A_570 = arith.divsi %parallel_loop3A_568, %parallel_loop3A_569 : i32
      %parallel_loop3A_571 = arith.constant 0 : i32
      %parallel_loop3A_572 = arith.cmpi sgt, %parallel_loop3A_568, %parallel_loop3A_571 : i32
      %parallel_loop3A_573 = arith.extui %parallel_loop3A_572 : i1 to i32
      %parallel_loop3A_574 = arith.constant 0 : i32
      %parallel_loop3A_575 = arith.cmpi slt, %parallel_loop3A_568, %parallel_loop3A_574 : i32
      %parallel_loop3A_576 = arith.extui %parallel_loop3A_575 : i1 to i32
      %parallel_loop3A_577 = arith.subi %parallel_loop3A_573, %parallel_loop3A_576 : i32
      %parallel_loop3A_578 = arith.constant 0 : i32
      %parallel_loop3A_579 = arith.cmpi sgt, %parallel_loop3A_569, %parallel_loop3A_578 : i32
      %parallel_loop3A_580 = arith.extui %parallel_loop3A_579 : i1 to i32
      %parallel_loop3A_581 = arith.constant 0 : i32
      %parallel_loop3A_582 = arith.cmpi slt, %parallel_loop3A_569, %parallel_loop3A_581 : i32
      %parallel_loop3A_583 = arith.extui %parallel_loop3A_582 : i1 to i32
      %parallel_loop3A_584 = arith.subi %parallel_loop3A_580, %parallel_loop3A_583 : i32
      %parallel_loop3A_585 = arith.cmpi ne, %parallel_loop3A_577, %parallel_loop3A_584 : i32
      %parallel_loop3A_586 = arith.remsi %parallel_loop3A_568, %parallel_loop3A_569 : i32
      %parallel_loop3A_587 = arith.constant 0 : i32
      %parallel_loop3A_588 = arith.cmpi ne, %parallel_loop3A_586, %parallel_loop3A_587 : i32
      %parallel_loop3A_589 = arith.andi %parallel_loop3A_585, %parallel_loop3A_588 : i1
      %parallel_loop3A_590 = arith.constant 1 : i32
      %parallel_loop3A_591 = arith.subi %parallel_loop3A_570, %parallel_loop3A_590 : i32
      %parallel_loop3A_592 = arith.select %parallel_loop3A_589, %parallel_loop3A_591, %parallel_loop3A_570 : i32
      %parallel_loop3A_593 = arith.constant 32 : i32
      %parallel_loop3A_594 = arith.muli %parallel_loop3A_592, %parallel_loop3A_593 : i32
      %parallel_loop3A_595 = arith.subi %parallel_loop3A_568, %parallel_loop3A_594 : i32
      %parallel_loop3A_596 = arith.constant 16 : i32
      %parallel_loop3A_597 = arith.muli %parallel_loop3A_595, %parallel_loop3A_596 : i32
      %parallel_loop3A_598 = arith.constant 1 : i32
      %parallel_loop3A_599 = arith.index_cast %parallel_loop3A_598 : i32 to index
      %parallel_loop3A_600 = arith.index_cast %parallel_loop3A_592 : i32 to index
      %parallel_loop3A_601 = arith.index_cast %parallel_loop3A_597 : i32 to index
      %parallel_loop3A_602 = tpu.vector_load %arg6[%parallel_loop3A_599, %parallel_loop3A_600, %parallel_loop3A_601] {strides = array<i32>} : memref<2x2x512xi32, #tpu.memory_space<vmem>>, vector<16xi32>,
      %parallel_loop3A_603 = arith.constant 1 : i32
      %parallel_loop3A_604 = arith.index_cast %parallel_loop3A_603 : i32 to index
      %parallel_loop3A_605 = arith.index_cast %parallel_loop3A_565 : i32 to index
      %parallel_loop3A_606 = arith.index_cast %parallel_loop3A_592 : i32 to index
      %parallel_loop3A_607 = arith.index_cast %parallel_loop3A_597 : i32 to index
      %parallel_loop3A_608 = tpu.vector_load %arg5[%parallel_loop3A_604, %parallel_loop3A_605, %parallel_loop3A_606, %parallel_loop3A_607] {strides = array<i32>} : memref<2x21x2x512xf32, #tpu.memory_space<vmem>>, vector<16xf32>,
      %parallel_loop3A_609 = vector.broadcast %parallel_loop3A_565 : i32 to vector<16xi32>
      %parallel_loop3A_610 = arith.cmpi eq, %parallel_loop3A_602, %parallel_loop3A_609 : vector<16xi32>
      %parallel_loop3A_611 = arith.constant 1.000000e+00 : f32
      %parallel_loop3A_612 = vector.broadcast %parallel_loop3A_611 : f32 to vector<16xf32>
      %parallel_loop3A_613 = arith.subf %parallel_loop3A_612, %parallel_loop3A_608 : vector<16xf32>
      %parallel_loop3A_614 = arith.select %parallel_loop3A_610, %parallel_loop3A_613, %parallel_loop3A_608 : vector<16xi1>, vector<16xf32>
      %parallel_loop3A_615 = arith.constant 1.638400e+04 : f32
      %parallel_loop3A_616 = vector.broadcast %parallel_loop3A_615 : f32 to vector<16xf32>
      %parallel_loop3A_617 = arith.mulf %parallel_loop3A_614, %parallel_loop3A_616 : vector<16xf32>
      %parallel_loop3A_618 = arith.fptosi %parallel_loop3A_617 : vector<16xf32> to vector<16xi32>
      %parallel_loop3A_619 = arith.constant 0 : i32
      %parallel_loop3A_620 = vector.broadcast %parallel_loop3A_619 : i32 to vector<16xi32>
      %parallel_loop3A_621 = arith.maxsi %parallel_loop3A_618, %parallel_loop3A_620 : vector<16xi32>
      %parallel_loop3A_622 = arith.constant 16383 : i32
      %parallel_loop3A_623 = vector.broadcast %parallel_loop3A_622 : i32 to vector<16xi32>
      %parallel_loop3A_624 = arith.minsi %parallel_loop3A_621, %parallel_loop3A_623 : vector<16xi32>
      %parallel_loop3A_625 = arith.constant 15 : i32
      %parallel_loop3A_626 = vector.broadcast %parallel_loop3A_625 : i32 to vector<16xi32>
      %parallel_loop3A_627 = arith.andi %parallel_loop3A_624, %parallel_loop3A_626 : vector<16xi32>
      %parallel_loop3A_628 = arith.constant 131072 : i32
      %parallel_loop3A_629 = vector.broadcast %parallel_loop3A_628 : i32 to vector<16xi32>
      %parallel_loop3A_630 = arith.addi %parallel_loop3A_627, %parallel_loop3A_629 : vector<16xi32>
      %parallel_loop3A_631 = arith.constant 1024 : i32
      %parallel_loop3A_632 = arith.muli %parallel_loop3A_565, %parallel_loop3A_631 : i32
      %parallel_loop3A_633 = arith.constant 21 : i32
      %parallel_loop3A_634 = arith.addi %parallel_loop3A_633, %parallel_loop3A_565 : i32
      %parallel_loop3A_635 = arith.constant 1024 : i32
      %parallel_loop3A_636 = arith.muli %parallel_loop3A_634, %parallel_loop3A_635 : i32
      %parallel_loop3A_637 = vector.broadcast %parallel_loop3A_632 : i32 to vector<16xi32>
      %parallel_loop3A_638 = vector.broadcast %parallel_loop3A_636 : i32 to vector<16xi32>
      %parallel_loop3A_639 = arith.select %parallel_loop3A_610, %parallel_loop3A_637, %parallel_loop3A_638 : vector<16xi1>, vector<16xi32>
      %parallel_loop3A_640 = arith.constant 4 : i32
      %parallel_loop3A_641 = vector.broadcast %parallel_loop3A_640 : i32 to vector<16xi32>
      %parallel_loop3A_642 = arith.shrsi %parallel_loop3A_624, %parallel_loop3A_641 : vector<16xi32>
      %parallel_loop3A_643 = arith.addi %parallel_loop3A_639, %parallel_loop3A_642 : vector<16xi32>
      tpu.vector_store_idx %arg7[%parallel_loop3A_643], %parallel_loop3A_630 {add = true} : memref<43008xi32, #tpu.memory_space<vmem>>[vector<16xi32>], vector<16xi32>,
    } {sc.loop_unroll_factor = 8 : i64, sc.parallel_access}
    "tpu.region"() ({
      %run_scoped3A = tpu.sem_alloc : memref<!tpu.dma_semaphore, #tpu.memory_space<semaphore_mem>>
      %dma_start3A_541 = arith.constant 0 : i32
      %dma_start3A_542 = tpu.memref_slice %arg4[%add3A, %dma_start3A_541] : memref<32x43008xi32, #tpu.memory_space<hbm>> -> memref<1x43008xi32, #tpu.memory_space<hbm>>
      %dma_start3A_543 = tpu.memref_squeeze %dma_start3A_542 : memref<1x43008xi32, #tpu.memory_space<hbm>> -> memref<43008xi32, #tpu.memory_space<hbm>>
      %dma_start3A_544 = arith.constant 0 : i32
      %dma_start3A_545 = tpu.memref_slice %arg4[%add3A, %dma_start3A_544] : memref<32x43008xi32, #tpu.memory_space<hbm>> -> memref<1x43008xi32, #tpu.memory_space<hbm>>
      %dma_start3A_546 = tpu.memref_squeeze %dma_start3A_545 : memref<1x43008xi32, #tpu.memory_space<hbm>> -> memref<43008xi32, #tpu.memory_space<hbm>>
      tpu.enqueue_dma source(%arg7 : memref<43008xi32, #tpu.memory_space<vmem>>) target(%dma_start3A_546 : memref<43008xi32, #tpu.memory_space<hbm>>) target_semaphore(%run_scoped3A : memref<!tpu.dma_semaphore, #tpu.memory_space<semaphore_mem>>)
      %dma_wait3A_547 = arith.constant 0 : i32
      %dma_wait3A_548 = tpu.memref_slice %arg4[%add3A, %dma_wait3A_547] : memref<32x43008xi32, #tpu.memory_space<hbm>> -> memref<1x43008xi32, #tpu.memory_space<hbm>>
      %dma_wait3A_549 = tpu.memref_squeeze %dma_wait3A_548 : memref<1x43008xi32, #tpu.memory_space<hbm>> -> memref<43008xi32, #tpu.memory_space<hbm>>
      %dma_wait3A_550 = arith.constant 0 : i32
      %dma_wait3A_551 = tpu.memref_slice %arg4[%add3A, %dma_wait3A_550] : memref<32x43008xi32, #tpu.memory_space<hbm>> -> memref<1x43008xi32, #tpu.memory_space<hbm>>
      %dma_wait3A_552 = tpu.memref_squeeze %dma_wait3A_551 : memref<1x43008xi32, #tpu.memory_space<hbm>> -> memref<43008xi32, #tpu.memory_space<hbm>>
      tpu.wait_dma2 semaphore(%run_scoped3A : memref<!tpu.dma_semaphore, #tpu.memory_space<semaphore_mem>>) src(%arg7 : memref<43008xi32, #tpu.memory_space<vmem>>) dst(%dma_wait3A_552 : memref<43008xi32, #tpu.memory_space<hbm>>)
      tpu.yield
    }) : () -> ()
    return
  }
}

module attributes {stable_mosaic.version = 14 : i64} {
  func.func @_argmax_body(%arg0: i32, %arg1: memref<21x32x512xf32, #tpu.memory_space<vmem>>, %arg2: memref<32x512xi32, #tpu.memory_space<vmem>>) attributes {dimension_semantics = [#tpu.dimension_semantics<arbitrary>], iteration_bounds = array<i64: 16>, scalar_prefetch = 0 : i64, scratch_operands = 0 : i64, tpu.core_type = #tpu.core_type<tc>, window_params = [{transform_indices = @transform_0, window_bounds = array<i64: 21, 32, 512>}, {transform_indices = @transform_1, window_bounds = array<i64: 32, 512>}]} {
    %get3A = arith.constant 0 : index
    %get3A_0 = arith.constant 0 : index
    %get3A_1 = arith.constant 0 : index
    %get3A_2 = vector.load %arg1[%get3A, %get3A_0, %get3A_1] : memref<21x32x512xf32, #tpu.memory_space<vmem>>, vector<21x32x512xf32>
    %slice3A = vector.extract_strided_slice %get3A_2 {offsets = [0, 0, 0], sizes = [1, 32, 512], strides = [1, 1, 1]} : vector<21x32x512xf32> to vector<1x32x512xf32>
    %broadcast_in_dim3A = arith.constant 0 : i32
    %broadcast_in_dim3A_3 = vector.broadcast %broadcast_in_dim3A : i32 to vector<1x32x512xi32>
    %slice3A_4 = vector.extract_strided_slice %get3A_2 {offsets = [1, 0, 0], sizes = [1, 32, 512], strides = [1, 1, 1]} : vector<21x32x512xf32> to vector<1x32x512xf32>
    %gt3A = arith.cmpf ogt, %slice3A_4, %slice3A : vector<1x32x512xf32>
    %select_n3A = arith.select %gt3A, %slice3A_4, %slice3A : vector<1x32x512xi1>, vector<1x32x512xf32>
    %jit3A = arith.constant 1 : i32
    %broadcast_in_dim3A_5 = vector.broadcast %jit3A : i32 to vector<1x32x512xi32>
    %select_n3A_6 = arith.select %gt3A, %broadcast_in_dim3A_5, %broadcast_in_dim3A_3 : vector<1x32x512xi1>, vector<1x32x512xi32>
    %slice3A_7 = vector.extract_strided_slice %get3A_2 {offsets = [2, 0, 0], sizes = [1, 32, 512], strides = [1, 1, 1]} : vector<21x32x512xf32> to vector<1x32x512xf32>
    %gt3A_8 = arith.cmpf ogt, %slice3A_7, %select_n3A : vector<1x32x512xf32>
    %select_n3A_9 = arith.select %gt3A_8, %slice3A_7, %select_n3A : vector<1x32x512xi1>, vector<1x32x512xf32>
    %jit3A_10 = arith.constant 2 : i32
    %broadcast_in_dim3A_11 = vector.broadcast %jit3A_10 : i32 to vector<1x32x512xi32>
    %select_n3A_12 = arith.select %gt3A_8, %broadcast_in_dim3A_11, %select_n3A_6 : vector<1x32x512xi1>, vector<1x32x512xi32>
    %slice3A_13 = vector.extract_strided_slice %get3A_2 {offsets = [3, 0, 0], sizes = [1, 32, 512], strides = [1, 1, 1]} : vector<21x32x512xf32> to vector<1x32x512xf32>
    %gt3A_14 = arith.cmpf ogt, %slice3A_13, %select_n3A_9 : vector<1x32x512xf32>
    %select_n3A_15 = arith.select %gt3A_14, %slice3A_13, %select_n3A_9 : vector<1x32x512xi1>, vector<1x32x512xf32>
    %jit3A_16 = arith.constant 3 : i32
    %broadcast_in_dim3A_17 = vector.broadcast %jit3A_16 : i32 to vector<1x32x512xi32>
    %select_n3A_18 = arith.select %gt3A_14, %broadcast_in_dim3A_17, %select_n3A_12 : vector<1x32x512xi1>, vector<1x32x512xi32>
    %slice3A_19 = vector.extract_strided_slice %get3A_2 {offsets = [4, 0, 0], sizes = [1, 32, 512], strides = [1, 1, 1]} : vector<21x32x512xf32> to vector<1x32x512xf32>
    %gt3A_20 = arith.cmpf ogt, %slice3A_19, %select_n3A_15 : vector<1x32x512xf32>
    %select_n3A_21 = arith.select %gt3A_20, %slice3A_19, %select_n3A_15 : vector<1x32x512xi1>, vector<1x32x512xf32>
    %jit3A_22 = arith.constant 4 : i32
    %broadcast_in_dim3A_23 = vector.broadcast %jit3A_22 : i32 to vector<1x32x512xi32>
    %select_n3A_24 = arith.select %gt3A_20, %broadcast_in_dim3A_23, %select_n3A_18 : vector<1x32x512xi1>, vector<1x32x512xi32>
    %slice3A_25 = vector.extract_strided_slice %get3A_2 {offsets = [5, 0, 0], sizes = [1, 32, 512], strides = [1, 1, 1]} : vector<21x32x512xf32> to vector<1x32x512xf32>
    %gt3A_26 = arith.cmpf ogt, %slice3A_25, %select_n3A_21 : vector<1x32x512xf32>
    %select_n3A_27 = arith.select %gt3A_26, %slice3A_25, %select_n3A_21 : vector<1x32x512xi1>, vector<1x32x512xf32>
    %jit3A_28 = arith.constant 5 : i32
    %broadcast_in_dim3A_29 = vector.broadcast %jit3A_28 : i32 to vector<1x32x512xi32>
    %select_n3A_30 = arith.select %gt3A_26, %broadcast_in_dim3A_29, %select_n3A_24 : vector<1x32x512xi1>, vector<1x32x512xi32>
    %slice3A_31 = vector.extract_strided_slice %get3A_2 {offsets = [6, 0, 0], sizes = [1, 32, 512], strides = [1, 1, 1]} : vector<21x32x512xf32> to vector<1x32x512xf32>
    %gt3A_32 = arith.cmpf ogt, %slice3A_31, %select_n3A_27 : vector<1x32x512xf32>
    %select_n3A_33 = arith.select %gt3A_32, %slice3A_31, %select_n3A_27 : vector<1x32x512xi1>, vector<1x32x512xf32>
    %jit3A_34 = arith.constant 6 : i32
    %broadcast_in_dim3A_35 = vector.broadcast %jit3A_34 : i32 to vector<1x32x512xi32>
    %select_n3A_36 = arith.select %gt3A_32, %broadcast_in_dim3A_35, %select_n3A_30 : vector<1x32x512xi1>, vector<1x32x512xi32>
    %slice3A_37 = vector.extract_strided_slice %get3A_2 {offsets = [7, 0, 0], sizes = [1, 32, 512], strides = [1, 1, 1]} : vector<21x32x512xf32> to vector<1x32x512xf32>
    %gt3A_38 = arith.cmpf ogt, %slice3A_37, %select_n3A_33 : vector<1x32x512xf32>
    %select_n3A_39 = arith.select %gt3A_38, %slice3A_37, %select_n3A_33 : vector<1x32x512xi1>, vector<1x32x512xf32>
    %jit3A_40 = arith.constant 7 : i32
    %broadcast_in_dim3A_41 = vector.broadcast %jit3A_40 : i32 to vector<1x32x512xi32>
    %select_n3A_42 = arith.select %gt3A_38, %broadcast_in_dim3A_41, %select_n3A_36 : vector<1x32x512xi1>, vector<1x32x512xi32>
    %slice3A_43 = vector.extract_strided_slice %get3A_2 {offsets = [8, 0, 0], sizes = [1, 32, 512], strides = [1, 1, 1]} : vector<21x32x512xf32> to vector<1x32x512xf32>
    %gt3A_44 = arith.cmpf ogt, %slice3A_43, %select_n3A_39 : vector<1x32x512xf32>
    %select_n3A_45 = arith.select %gt3A_44, %slice3A_43, %select_n3A_39 : vector<1x32x512xi1>, vector<1x32x512xf32>
    %jit3A_46 = arith.constant 8 : i32
    %broadcast_in_dim3A_47 = vector.broadcast %jit3A_46 : i32 to vector<1x32x512xi32>
    %select_n3A_48 = arith.select %gt3A_44, %broadcast_in_dim3A_47, %select_n3A_42 : vector<1x32x512xi1>, vector<1x32x512xi32>
    %slice3A_49 = vector.extract_strided_slice %get3A_2 {offsets = [9, 0, 0], sizes = [1, 32, 512], strides = [1, 1, 1]} : vector<21x32x512xf32> to vector<1x32x512xf32>
    %gt3A_50 = arith.cmpf ogt, %slice3A_49, %select_n3A_45 : vector<1x32x512xf32>
    %select_n3A_51 = arith.select %gt3A_50, %slice3A_49, %select_n3A_45 : vector<1x32x512xi1>, vector<1x32x512xf32>
    %jit3A_52 = arith.constant 9 : i32
    %broadcast_in_dim3A_53 = vector.broadcast %jit3A_52 : i32 to vector<1x32x512xi32>
    %select_n3A_54 = arith.select %gt3A_50, %broadcast_in_dim3A_53, %select_n3A_48 : vector<1x32x512xi1>, vector<1x32x512xi32>
    %slice3A_55 = vector.extract_strided_slice %get3A_2 {offsets = [10, 0, 0], sizes = [1, 32, 512], strides = [1, 1, 1]} : vector<21x32x512xf32> to vector<1x32x512xf32>
    %gt3A_56 = arith.cmpf ogt, %slice3A_55, %select_n3A_51 : vector<1x32x512xf32>
    %select_n3A_57 = arith.select %gt3A_56, %slice3A_55, %select_n3A_51 : vector<1x32x512xi1>, vector<1x32x512xf32>
    %jit3A_58 = arith.constant 10 : i32
    %broadcast_in_dim3A_59 = vector.broadcast %jit3A_58 : i32 to vector<1x32x512xi32>
    %select_n3A_60 = arith.select %gt3A_56, %broadcast_in_dim3A_59, %select_n3A_54 : vector<1x32x512xi1>, vector<1x32x512xi32>
    %slice3A_61 = vector.extract_strided_slice %get3A_2 {offsets = [11, 0, 0], sizes = [1, 32, 512], strides = [1, 1, 1]} : vector<21x32x512xf32> to vector<1x32x512xf32>
    %gt3A_62 = arith.cmpf ogt, %slice3A_61, %select_n3A_57 : vector<1x32x512xf32>
    %select_n3A_63 = arith.select %gt3A_62, %slice3A_61, %select_n3A_57 : vector<1x32x512xi1>, vector<1x32x512xf32>
    %jit3A_64 = arith.constant 11 : i32
    %broadcast_in_dim3A_65 = vector.broadcast %jit3A_64 : i32 to vector<1x32x512xi32>
    %select_n3A_66 = arith.select %gt3A_62, %broadcast_in_dim3A_65, %select_n3A_60 : vector<1x32x512xi1>, vector<1x32x512xi32>
    %slice3A_67 = vector.extract_strided_slice %get3A_2 {offsets = [12, 0, 0], sizes = [1, 32, 512], strides = [1, 1, 1]} : vector<21x32x512xf32> to vector<1x32x512xf32>
    %gt3A_68 = arith.cmpf ogt, %slice3A_67, %select_n3A_63 : vector<1x32x512xf32>
    %select_n3A_69 = arith.select %gt3A_68, %slice3A_67, %select_n3A_63 : vector<1x32x512xi1>, vector<1x32x512xf32>
    %jit3A_70 = arith.constant 12 : i32
    %broadcast_in_dim3A_71 = vector.broadcast %jit3A_70 : i32 to vector<1x32x512xi32>
    %select_n3A_72 = arith.select %gt3A_68, %broadcast_in_dim3A_71, %select_n3A_66 : vector<1x32x512xi1>, vector<1x32x512xi32>
    %slice3A_73 = vector.extract_strided_slice %get3A_2 {offsets = [13, 0, 0], sizes = [1, 32, 512], strides = [1, 1, 1]} : vector<21x32x512xf32> to vector<1x32x512xf32>
    %gt3A_74 = arith.cmpf ogt, %slice3A_73, %select_n3A_69 : vector<1x32x512xf32>
    %select_n3A_75 = arith.select %gt3A_74, %slice3A_73, %select_n3A_69 : vector<1x32x512xi1>, vector<1x32x512xf32>
    %jit3A_76 = arith.constant 13 : i32
    %broadcast_in_dim3A_77 = vector.broadcast %jit3A_76 : i32 to vector<1x32x512xi32>
    %select_n3A_78 = arith.select %gt3A_74, %broadcast_in_dim3A_77, %select_n3A_72 : vector<1x32x512xi1>, vector<1x32x512xi32>
    %slice3A_79 = vector.extract_strided_slice %get3A_2 {offsets = [14, 0, 0], sizes = [1, 32, 512], strides = [1, 1, 1]} : vector<21x32x512xf32> to vector<1x32x512xf32>
    %gt3A_80 = arith.cmpf ogt, %slice3A_79, %select_n3A_75 : vector<1x32x512xf32>
    %select_n3A_81 = arith.select %gt3A_80, %slice3A_79, %select_n3A_75 : vector<1x32x512xi1>, vector<1x32x512xf32>
    %jit3A_82 = arith.constant 14 : i32
    %broadcast_in_dim3A_83 = vector.broadcast %jit3A_82 : i32 to vector<1x32x512xi32>
    %select_n3A_84 = arith.select %gt3A_80, %broadcast_in_dim3A_83, %select_n3A_78 : vector<1x32x512xi1>, vector<1x32x512xi32>
    %slice3A_85 = vector.extract_strided_slice %get3A_2 {offsets = [15, 0, 0], sizes = [1, 32, 512], strides = [1, 1, 1]} : vector<21x32x512xf32> to vector<1x32x512xf32>
    %gt3A_86 = arith.cmpf ogt, %slice3A_85, %select_n3A_81 : vector<1x32x512xf32>
    %select_n3A_87 = arith.select %gt3A_86, %slice3A_85, %select_n3A_81 : vector<1x32x512xi1>, vector<1x32x512xf32>
    %jit3A_88 = arith.constant 15 : i32
    %broadcast_in_dim3A_89 = vector.broadcast %jit3A_88 : i32 to vector<1x32x512xi32>
    %select_n3A_90 = arith.select %gt3A_86, %broadcast_in_dim3A_89, %select_n3A_84 : vector<1x32x512xi1>, vector<1x32x512xi32>
    %slice3A_91 = vector.extract_strided_slice %get3A_2 {offsets = [16, 0, 0], sizes = [1, 32, 512], strides = [1, 1, 1]} : vector<21x32x512xf32> to vector<1x32x512xf32>
    %gt3A_92 = arith.cmpf ogt, %slice3A_91, %select_n3A_87 : vector<1x32x512xf32>
    %select_n3A_93 = arith.select %gt3A_92, %slice3A_91, %select_n3A_87 : vector<1x32x512xi1>, vector<1x32x512xf32>
    %jit3A_94 = arith.constant 16 : i32
    %broadcast_in_dim3A_95 = vector.broadcast %jit3A_94 : i32 to vector<1x32x512xi32>
    %select_n3A_96 = arith.select %gt3A_92, %broadcast_in_dim3A_95, %select_n3A_90 : vector<1x32x512xi1>, vector<1x32x512xi32>
    %slice3A_97 = vector.extract_strided_slice %get3A_2 {offsets = [17, 0, 0], sizes = [1, 32, 512], strides = [1, 1, 1]} : vector<21x32x512xf32> to vector<1x32x512xf32>
    %gt3A_98 = arith.cmpf ogt, %slice3A_97, %select_n3A_93 : vector<1x32x512xf32>
    %select_n3A_99 = arith.select %gt3A_98, %slice3A_97, %select_n3A_93 : vector<1x32x512xi1>, vector<1x32x512xf32>
    %jit3A_100 = arith.constant 17 : i32
    %broadcast_in_dim3A_101 = vector.broadcast %jit3A_100 : i32 to vector<1x32x512xi32>
    %select_n3A_102 = arith.select %gt3A_98, %broadcast_in_dim3A_101, %select_n3A_96 : vector<1x32x512xi1>, vector<1x32x512xi32>
    %slice3A_103 = vector.extract_strided_slice %get3A_2 {offsets = [18, 0, 0], sizes = [1, 32, 512], strides = [1, 1, 1]} : vector<21x32x512xf32> to vector<1x32x512xf32>
    %gt3A_104 = arith.cmpf ogt, %slice3A_103, %select_n3A_99 : vector<1x32x512xf32>
    %select_n3A_105 = arith.select %gt3A_104, %slice3A_103, %select_n3A_99 : vector<1x32x512xi1>, vector<1x32x512xf32>
    %jit3A_106 = arith.constant 18 : i32
    %broadcast_in_dim3A_107 = vector.broadcast %jit3A_106 : i32 to vector<1x32x512xi32>
    %select_n3A_108 = arith.select %gt3A_104, %broadcast_in_dim3A_107, %select_n3A_102 : vector<1x32x512xi1>, vector<1x32x512xi32>
    %slice3A_109 = vector.extract_strided_slice %get3A_2 {offsets = [19, 0, 0], sizes = [1, 32, 512], strides = [1, 1, 1]} : vector<21x32x512xf32> to vector<1x32x512xf32>
    %gt3A_110 = arith.cmpf ogt, %slice3A_109, %select_n3A_105 : vector<1x32x512xf32>
    %select_n3A_111 = arith.select %gt3A_110, %slice3A_109, %select_n3A_105 : vector<1x32x512xi1>, vector<1x32x512xf32>
    %jit3A_112 = arith.constant 19 : i32
    %broadcast_in_dim3A_113 = vector.broadcast %jit3A_112 : i32 to vector<1x32x512xi32>
    %select_n3A_114 = arith.select %gt3A_110, %broadcast_in_dim3A_113, %select_n3A_108 : vector<1x32x512xi1>, vector<1x32x512xi32>
    %slice3A_115 = vector.extract_strided_slice %get3A_2 {offsets = [20, 0, 0], sizes = [1, 32, 512], strides = [1, 1, 1]} : vector<21x32x512xf32> to vector<1x32x512xf32>
    %gt3A_116 = arith.cmpf ogt, %slice3A_115, %select_n3A_111 : vector<1x32x512xf32>
    %jit3A_117 = arith.constant 20 : i32
    %broadcast_in_dim3A_118 = vector.broadcast %jit3A_117 : i32 to vector<1x32x512xi32>
    %select_n3A_119 = arith.select %gt3A_116, %broadcast_in_dim3A_118, %select_n3A_114 : vector<1x32x512xi1>, vector<1x32x512xi32>
    %squeeze3A = vector.shape_cast %select_n3A_119 : vector<1x32x512xi32> to vector<32x512xi32>
    %swap3A = arith.constant 0 : index
    %swap3A_120 = arith.constant 0 : index
    %swap3A_121 = vector.load %arg2[%swap3A, %swap3A_120] : memref<32x512xi32, #tpu.memory_space<vmem>>, vector<32x512xi32>
    tpu.vector_store %arg2[%swap3A, %swap3A_120], %squeeze3A {strides = array<i32>} : memref<32x512xi32, #tpu.memory_space<vmem>>, vector<32x512xi32>,
    return
  }
  func.func @transform_0(%arg0: i32) -> (i32, i32, i32) {
    %c0_i32 = arith.constant 0 : i32
    %c0_i32_0 = arith.constant 0 : i32
    %c0_i32_1 = arith.constant 0 : i32
    return %c0_i32, %arg0, %c0_i32_0 : i32, i32, i32
  }
  func.func @transform_1(%arg0: i32) -> (i32, i32) {
    %c0_i32 = arith.constant 0 : i32
    %c0_i32_0 = arith.constant 0 : i32
    return %arg0, %c0_i32 : i32, i32
  }
}

module attributes {stable_mosaic.version = 14 : i64} {
  func.func @_final_body(%arg0: i32, %arg1: memref<32x42x1024xi32, #tpu.memory_space<vmem>>, %arg2: memref<1x1xf32, #tpu.memory_space<vmem>>) attributes {dimension_semantics = [#tpu.dimension_semantics<arbitrary>], iteration_bounds = array<i64: 1>, scalar_prefetch = 0 : i64, scratch_operands = 0 : i64, tpu.core_type = #tpu.core_type<tc>, window_params = [{pipeline_mode = #tpu.pipeline_mode<synchronous>, transform_indices = @transform_0, window_bounds = array<i64: 32, 42, 1024>}, {pipeline_mode = #tpu.pipeline_mode<synchronous>, transform_indices = @transform_1, window_bounds = array<i64: 1, 1>}]} {
    %broadcast_in_dim3A = arith.constant 0.000000e+00 : f32
    %broadcast_in_dim3A_0 = vector.broadcast %broadcast_in_dim3A : f32 to vector<42x1024xf32>
    %broadcast_in_dim3A_1 = arith.constant 0.000000e+00 : f32
    %broadcast_in_dim3A_2 = vector.broadcast %broadcast_in_dim3A_1 : f32 to vector<42x1024xf32>
    %get3A = arith.constant 0 : index
    %get3A_3 = arith.constant 0 : index
    %get3A_4 = arith.constant 0 : index
    %get3A_5 = vector.load %arg1[%get3A, %get3A_3, %get3A_4] : memref<32x42x1024xi32, #tpu.memory_space<vmem>>, vector<1x42x1024xi32>
    %get3A_6 = vector.shape_cast %get3A_5 : vector<1x42x1024xi32> to vector<42x1024xi32>
    %shift_right_arithmetic3A = arith.constant 17 : i32
    %shift_right_arithmetic3A_7 = vector.broadcast %shift_right_arithmetic3A : i32 to vector<42x1024xi32>
    %shift_right_arithmetic3A_8 = arith.shrsi %get3A_6, %shift_right_arithmetic3A_7 : vector<42x1024xi32>
    %convert_element_type3A = arith.sitofp %shift_right_arithmetic3A_8 : vector<42x1024xi32> to vector<42x1024xf32>
    %add3A = arith.addf %broadcast_in_dim3A_0, %convert_element_type3A : vector<42x1024xf32>
    %and3A = arith.constant 131071 : i32
    %and3A_9 = vector.broadcast %and3A : i32 to vector<42x1024xi32>
    %and3A_10 = arith.andi %get3A_6, %and3A_9 : vector<42x1024xi32>
    %convert_element_type3A_11 = arith.sitofp %and3A_10 : vector<42x1024xi32> to vector<42x1024xf32>
    %add3A_12 = arith.addf %broadcast_in_dim3A_2, %convert_element_type3A_11 : vector<42x1024xf32>
    %get3A_13 = arith.constant 1 : index
    %get3A_14 = arith.constant 0 : index
    %get3A_15 = arith.constant 0 : index
    %get3A_16 = vector.load %arg1[%get3A_13, %get3A_14, %get3A_15] : memref<32x42x1024xi32, #tpu.memory_space<vmem>>, vector<1x42x1024xi32>
    %get3A_17 = vector.shape_cast %get3A_16 : vector<1x42x1024xi32> to vector<42x1024xi32>
    %shift_right_arithmetic3A_18 = arith.constant 17 : i32
    %shift_right_arithmetic3A_19 = vector.broadcast %shift_right_arithmetic3A_18 : i32 to vector<42x1024xi32>
    %shift_right_arithmetic3A_20 = arith.shrsi %get3A_17, %shift_right_arithmetic3A_19 : vector<42x1024xi32>
    %convert_element_type3A_21 = arith.sitofp %shift_right_arithmetic3A_20 : vector<42x1024xi32> to vector<42x1024xf32>
    %add3A_22 = arith.addf %add3A, %convert_element_type3A_21 : vector<42x1024xf32>
    %and3A_23 = arith.constant 131071 : i32
    %and3A_24 = vector.broadcast %and3A_23 : i32 to vector<42x1024xi32>
    %and3A_25 = arith.andi %get3A_17, %and3A_24 : vector<42x1024xi32>
    %convert_element_type3A_26 = arith.sitofp %and3A_25 : vector<42x1024xi32> to vector<42x1024xf32>
    %add3A_27 = arith.addf %add3A_12, %convert_element_type3A_26 : vector<42x1024xf32>
    %get3A_28 = arith.constant 2 : index
    %get3A_29 = arith.constant 0 : index
    %get3A_30 = arith.constant 0 : index
    %get3A_31 = vector.load %arg1[%get3A_28, %get3A_29, %get3A_30] : memref<32x42x1024xi32, #tpu.memory_space<vmem>>, vector<1x42x1024xi32>
    %get3A_32 = vector.shape_cast %get3A_31 : vector<1x42x1024xi32> to vector<42x1024xi32>
    %shift_right_arithmetic3A_33 = arith.constant 17 : i32
    %shift_right_arithmetic3A_34 = vector.broadcast %shift_right_arithmetic3A_33 : i32 to vector<42x1024xi32>
    %shift_right_arithmetic3A_35 = arith.shrsi %get3A_32, %shift_right_arithmetic3A_34 : vector<42x1024xi32>
    %convert_element_type3A_36 = arith.sitofp %shift_right_arithmetic3A_35 : vector<42x1024xi32> to vector<42x1024xf32>
    %add3A_37 = arith.addf %add3A_22, %convert_element_type3A_36 : vector<42x1024xf32>
    %and3A_38 = arith.constant 131071 : i32
    %and3A_39 = vector.broadcast %and3A_38 : i32 to vector<42x1024xi32>
    %and3A_40 = arith.andi %get3A_32, %and3A_39 : vector<42x1024xi32>
    %convert_element_type3A_41 = arith.sitofp %and3A_40 : vector<42x1024xi32> to vector<42x1024xf32>
    %add3A_42 = arith.addf %add3A_27, %convert_element_type3A_41 : vector<42x1024xf32>
    %get3A_43 = arith.constant 3 : index
    %get3A_44 = arith.constant 0 : index
    %get3A_45 = arith.constant 0 : index
    %get3A_46 = vector.load %arg1[%get3A_43, %get3A_44, %get3A_45] : memref<32x42x1024xi32, #tpu.memory_space<vmem>>, vector<1x42x1024xi32>
    %get3A_47 = vector.shape_cast %get3A_46 : vector<1x42x1024xi32> to vector<42x1024xi32>
    %shift_right_arithmetic3A_48 = arith.constant 17 : i32
    %shift_right_arithmetic3A_49 = vector.broadcast %shift_right_arithmetic3A_48 : i32 to vector<42x1024xi32>
    %shift_right_arithmetic3A_50 = arith.shrsi %get3A_47, %shift_right_arithmetic3A_49 : vector<42x1024xi32>
    %convert_element_type3A_51 = arith.sitofp %shift_right_arithmetic3A_50 : vector<42x1024xi32> to vector<42x1024xf32>
    %add3A_52 = arith.addf %add3A_37, %convert_element_type3A_51 : vector<42x1024xf32>
    %and3A_53 = arith.constant 131071 : i32
    %and3A_54 = vector.broadcast %and3A_53 : i32 to vector<42x1024xi32>
    %and3A_55 = arith.andi %get3A_47, %and3A_54 : vector<42x1024xi32>
    %convert_element_type3A_56 = arith.sitofp %and3A_55 : vector<42x1024xi32> to vector<42x1024xf32>
    %add3A_57 = arith.addf %add3A_42, %convert_element_type3A_56 : vector<42x1024xf32>
    %get3A_58 = arith.constant 4 : index
    %get3A_59 = arith.constant 0 : index
    %get3A_60 = arith.constant 0 : index
    %get3A_61 = vector.load %arg1[%get3A_58, %get3A_59, %get3A_60] : memref<32x42x1024xi32, #tpu.memory_space<vmem>>, vector<1x42x1024xi32>
    %get3A_62 = vector.shape_cast %get3A_61 : vector<1x42x1024xi32> to vector<42x1024xi32>
    %shift_right_arithmetic3A_63 = arith.constant 17 : i32
    %shift_right_arithmetic3A_64 = vector.broadcast %shift_right_arithmetic3A_63 : i32 to vector<42x1024xi32>
    %shift_right_arithmetic3A_65 = arith.shrsi %get3A_62, %shift_right_arithmetic3A_64 : vector<42x1024xi32>
    %convert_element_type3A_66 = arith.sitofp %shift_right_arithmetic3A_65 : vector<42x1024xi32> to vector<42x1024xf32>
    %add3A_67 = arith.addf %add3A_52, %convert_element_type3A_66 : vector<42x1024xf32>
    %and3A_68 = arith.constant 131071 : i32
    %and3A_69 = vector.broadcast %and3A_68 : i32 to vector<42x1024xi32>
    %and3A_70 = arith.andi %get3A_62, %and3A_69 : vector<42x1024xi32>
    %convert_element_type3A_71 = arith.sitofp %and3A_70 : vector<42x1024xi32> to vector<42x1024xf32>
    %add3A_72 = arith.addf %add3A_57, %convert_element_type3A_71 : vector<42x1024xf32>
    %get3A_73 = arith.constant 5 : index
    %get3A_74 = arith.constant 0 : index
    %get3A_75 = arith.constant 0 : index
    %get3A_76 = vector.load %arg1[%get3A_73, %get3A_74, %get3A_75] : memref<32x42x1024xi32, #tpu.memory_space<vmem>>, vector<1x42x1024xi32>
    %get3A_77 = vector.shape_cast %get3A_76 : vector<1x42x1024xi32> to vector<42x1024xi32>
    %shift_right_arithmetic3A_78 = arith.constant 17 : i32
    %shift_right_arithmetic3A_79 = vector.broadcast %shift_right_arithmetic3A_78 : i32 to vector<42x1024xi32>
    %shift_right_arithmetic3A_80 = arith.shrsi %get3A_77, %shift_right_arithmetic3A_79 : vector<42x1024xi32>
    %convert_element_type3A_81 = arith.sitofp %shift_right_arithmetic3A_80 : vector<42x1024xi32> to vector<42x1024xf32>
    %add3A_82 = arith.addf %add3A_67, %convert_element_type3A_81 : vector<42x1024xf32>
    %and3A_83 = arith.constant 131071 : i32
    %and3A_84 = vector.broadcast %and3A_83 : i32 to vector<42x1024xi32>
    %and3A_85 = arith.andi %get3A_77, %and3A_84 : vector<42x1024xi32>
    %convert_element_type3A_86 = arith.sitofp %and3A_85 : vector<42x1024xi32> to vector<42x1024xf32>
    %add3A_87 = arith.addf %add3A_72, %convert_element_type3A_86 : vector<42x1024xf32>
    %get3A_88 = arith.constant 6 : index
    %get3A_89 = arith.constant 0 : index
    %get3A_90 = arith.constant 0 : index
    %get3A_91 = vector.load %arg1[%get3A_88, %get3A_89, %get3A_90] : memref<32x42x1024xi32, #tpu.memory_space<vmem>>, vector<1x42x1024xi32>
    %get3A_92 = vector.shape_cast %get3A_91 : vector<1x42x1024xi32> to vector<42x1024xi32>
    %shift_right_arithmetic3A_93 = arith.constant 17 : i32
    %shift_right_arithmetic3A_94 = vector.broadcast %shift_right_arithmetic3A_93 : i32 to vector<42x1024xi32>
    %shift_right_arithmetic3A_95 = arith.shrsi %get3A_92, %shift_right_arithmetic3A_94 : vector<42x1024xi32>
    %convert_element_type3A_96 = arith.sitofp %shift_right_arithmetic3A_95 : vector<42x1024xi32> to vector<42x1024xf32>
    %add3A_97 = arith.addf %add3A_82, %convert_element_type3A_96 : vector<42x1024xf32>
    %and3A_98 = arith.constant 131071 : i32
    %and3A_99 = vector.broadcast %and3A_98 : i32 to vector<42x1024xi32>
    %and3A_100 = arith.andi %get3A_92, %and3A_99 : vector<42x1024xi32>
    %convert_element_type3A_101 = arith.sitofp %and3A_100 : vector<42x1024xi32> to vector<42x1024xf32>
    %add3A_102 = arith.addf %add3A_87, %convert_element_type3A_101 : vector<42x1024xf32>
    %get3A_103 = arith.constant 7 : index
    %get3A_104 = arith.constant 0 : index
    %get3A_105 = arith.constant 0 : index
    %get3A_106 = vector.load %arg1[%get3A_103, %get3A_104, %get3A_105] : memref<32x42x1024xi32, #tpu.memory_space<vmem>>, vector<1x42x1024xi32>
    %get3A_107 = vector.shape_cast %get3A_106 : vector<1x42x1024xi32> to vector<42x1024xi32>
    %shift_right_arithmetic3A_108 = arith.constant 17 : i32
    %shift_right_arithmetic3A_109 = vector.broadcast %shift_right_arithmetic3A_108 : i32 to vector<42x1024xi32>
    %shift_right_arithmetic3A_110 = arith.shrsi %get3A_107, %shift_right_arithmetic3A_109 : vector<42x1024xi32>
    %convert_element_type3A_111 = arith.sitofp %shift_right_arithmetic3A_110 : vector<42x1024xi32> to vector<42x1024xf32>
    %add3A_112 = arith.addf %add3A_97, %convert_element_type3A_111 : vector<42x1024xf32>
    %and3A_113 = arith.constant 131071 : i32
    %and3A_114 = vector.broadcast %and3A_113 : i32 to vector<42x1024xi32>
    %and3A_115 = arith.andi %get3A_107, %and3A_114 : vector<42x1024xi32>
    %convert_element_type3A_116 = arith.sitofp %and3A_115 : vector<42x1024xi32> to vector<42x1024xf32>
    %add3A_117 = arith.addf %add3A_102, %convert_element_type3A_116 : vector<42x1024xf32>
    %get3A_118 = arith.constant 8 : index
    %get3A_119 = arith.constant 0 : index
    %get3A_120 = arith.constant 0 : index
    %get3A_121 = vector.load %arg1[%get3A_118, %get3A_119, %get3A_120] : memref<32x42x1024xi32, #tpu.memory_space<vmem>>, vector<1x42x1024xi32>
    %get3A_122 = vector.shape_cast %get3A_121 : vector<1x42x1024xi32> to vector<42x1024xi32>
    %shift_right_arithmetic3A_123 = arith.constant 17 : i32
    %shift_right_arithmetic3A_124 = vector.broadcast %shift_right_arithmetic3A_123 : i32 to vector<42x1024xi32>
    %shift_right_arithmetic3A_125 = arith.shrsi %get3A_122, %shift_right_arithmetic3A_124 : vector<42x1024xi32>
    %convert_element_type3A_126 = arith.sitofp %shift_right_arithmetic3A_125 : vector<42x1024xi32> to vector<42x1024xf32>
    %add3A_127 = arith.addf %add3A_112, %convert_element_type3A_126 : vector<42x1024xf32>
    %and3A_128 = arith.constant 131071 : i32
    %and3A_129 = vector.broadcast %and3A_128 : i32 to vector<42x1024xi32>
    %and3A_130 = arith.andi %get3A_122, %and3A_129 : vector<42x1024xi32>
    %convert_element_type3A_131 = arith.sitofp %and3A_130 : vector<42x1024xi32> to vector<42x1024xf32>
    %add3A_132 = arith.addf %add3A_117, %convert_element_type3A_131 : vector<42x1024xf32>
    %get3A_133 = arith.constant 9 : index
    %get3A_134 = arith.constant 0 : index
    %get3A_135 = arith.constant 0 : index
    %get3A_136 = vector.load %arg1[%get3A_133, %get3A_134, %get3A_135] : memref<32x42x1024xi32, #tpu.memory_space<vmem>>, vector<1x42x1024xi32>
    %get3A_137 = vector.shape_cast %get3A_136 : vector<1x42x1024xi32> to vector<42x1024xi32>
    %shift_right_arithmetic3A_138 = arith.constant 17 : i32
    %shift_right_arithmetic3A_139 = vector.broadcast %shift_right_arithmetic3A_138 : i32 to vector<42x1024xi32>
    %shift_right_arithmetic3A_140 = arith.shrsi %get3A_137, %shift_right_arithmetic3A_139 : vector<42x1024xi32>
    %convert_element_type3A_141 = arith.sitofp %shift_right_arithmetic3A_140 : vector<42x1024xi32> to vector<42x1024xf32>
    %add3A_142 = arith.addf %add3A_127, %convert_element_type3A_141 : vector<42x1024xf32>
    %and3A_143 = arith.constant 131071 : i32
    %and3A_144 = vector.broadcast %and3A_143 : i32 to vector<42x1024xi32>
    %and3A_145 = arith.andi %get3A_137, %and3A_144 : vector<42x1024xi32>
    %convert_element_type3A_146 = arith.sitofp %and3A_145 : vector<42x1024xi32> to vector<42x1024xf32>
    %add3A_147 = arith.addf %add3A_132, %convert_element_type3A_146 : vector<42x1024xf32>
    %get3A_148 = arith.constant 10 : index
    %get3A_149 = arith.constant 0 : index
    %get3A_150 = arith.constant 0 : index
    %get3A_151 = vector.load %arg1[%get3A_148, %get3A_149, %get3A_150] : memref<32x42x1024xi32, #tpu.memory_space<vmem>>, vector<1x42x1024xi32>
    %get3A_152 = vector.shape_cast %get3A_151 : vector<1x42x1024xi32> to vector<42x1024xi32>
    %shift_right_arithmetic3A_153 = arith.constant 17 : i32
    %shift_right_arithmetic3A_154 = vector.broadcast %shift_right_arithmetic3A_153 : i32 to vector<42x1024xi32>
    %shift_right_arithmetic3A_155 = arith.shrsi %get3A_152, %shift_right_arithmetic3A_154 : vector<42x1024xi32>
    %convert_element_type3A_156 = arith.sitofp %shift_right_arithmetic3A_155 : vector<42x1024xi32> to vector<42x1024xf32>
    %add3A_157 = arith.addf %add3A_142, %convert_element_type3A_156 : vector<42x1024xf32>
    %and3A_158 = arith.constant 131071 : i32
    %and3A_159 = vector.broadcast %and3A_158 : i32 to vector<42x1024xi32>
    %and3A_160 = arith.andi %get3A_152, %and3A_159 : vector<42x1024xi32>
    %convert_element_type3A_161 = arith.sitofp %and3A_160 : vector<42x1024xi32> to vector<42x1024xf32>
    %add3A_162 = arith.addf %add3A_147, %convert_element_type3A_161 : vector<42x1024xf32>
    %get3A_163 = arith.constant 11 : index
    %get3A_164 = arith.constant 0 : index
    %get3A_165 = arith.constant 0 : index
    %get3A_166 = vector.load %arg1[%get3A_163, %get3A_164, %get3A_165] : memref<32x42x1024xi32, #tpu.memory_space<vmem>>, vector<1x42x1024xi32>
    %get3A_167 = vector.shape_cast %get3A_166 : vector<1x42x1024xi32> to vector<42x1024xi32>
    %shift_right_arithmetic3A_168 = arith.constant 17 : i32
    %shift_right_arithmetic3A_169 = vector.broadcast %shift_right_arithmetic3A_168 : i32 to vector<42x1024xi32>
    %shift_right_arithmetic3A_170 = arith.shrsi %get3A_167, %shift_right_arithmetic3A_169 : vector<42x1024xi32>
    %convert_element_type3A_171 = arith.sitofp %shift_right_arithmetic3A_170 : vector<42x1024xi32> to vector<42x1024xf32>
    %add3A_172 = arith.addf %add3A_157, %convert_element_type3A_171 : vector<42x1024xf32>
    %and3A_173 = arith.constant 131071 : i32
    %and3A_174 = vector.broadcast %and3A_173 : i32 to vector<42x1024xi32>
    %and3A_175 = arith.andi %get3A_167, %and3A_174 : vector<42x1024xi32>
    %convert_element_type3A_176 = arith.sitofp %and3A_175 : vector<42x1024xi32> to vector<42x1024xf32>
    %add3A_177 = arith.addf %add3A_162, %convert_element_type3A_176 : vector<42x1024xf32>
    %get3A_178 = arith.constant 12 : index
    %get3A_179 = arith.constant 0 : index
    %get3A_180 = arith.constant 0 : index
    %get3A_181 = vector.load %arg1[%get3A_178, %get3A_179, %get3A_180] : memref<32x42x1024xi32, #tpu.memory_space<vmem>>, vector<1x42x1024xi32>
    %get3A_182 = vector.shape_cast %get3A_181 : vector<1x42x1024xi32> to vector<42x1024xi32>
    %shift_right_arithmetic3A_183 = arith.constant 17 : i32
    %shift_right_arithmetic3A_184 = vector.broadcast %shift_right_arithmetic3A_183 : i32 to vector<42x1024xi32>
    %shift_right_arithmetic3A_185 = arith.shrsi %get3A_182, %shift_right_arithmetic3A_184 : vector<42x1024xi32>
    %convert_element_type3A_186 = arith.sitofp %shift_right_arithmetic3A_185 : vector<42x1024xi32> to vector<42x1024xf32>
    %add3A_187 = arith.addf %add3A_172, %convert_element_type3A_186 : vector<42x1024xf32>
    %and3A_188 = arith.constant 131071 : i32
    %and3A_189 = vector.broadcast %and3A_188 : i32 to vector<42x1024xi32>
    %and3A_190 = arith.andi %get3A_182, %and3A_189 : vector<42x1024xi32>
    %convert_element_type3A_191 = arith.sitofp %and3A_190 : vector<42x1024xi32> to vector<42x1024xf32>
    %add3A_192 = arith.addf %add3A_177, %convert_element_type3A_191 : vector<42x1024xf32>
    %get3A_193 = arith.constant 13 : index
    %get3A_194 = arith.constant 0 : index
    %get3A_195 = arith.constant 0 : index
    %get3A_196 = vector.load %arg1[%get3A_193, %get3A_194, %get3A_195] : memref<32x42x1024xi32, #tpu.memory_space<vmem>>, vector<1x42x1024xi32>
    %get3A_197 = vector.shape_cast %get3A_196 : vector<1x42x1024xi32> to vector<42x1024xi32>
    %shift_right_arithmetic3A_198 = arith.constant 17 : i32
    %shift_right_arithmetic3A_199 = vector.broadcast %shift_right_arithmetic3A_198 : i32 to vector<42x1024xi32>
    %shift_right_arithmetic3A_200 = arith.shrsi %get3A_197, %shift_right_arithmetic3A_199 : vector<42x1024xi32>
    %convert_element_type3A_201 = arith.sitofp %shift_right_arithmetic3A_200 : vector<42x1024xi32> to vector<42x1024xf32>
    %add3A_202 = arith.addf %add3A_187, %convert_element_type3A_201 : vector<42x1024xf32>
    %and3A_203 = arith.constant 131071 : i32
    %and3A_204 = vector.broadcast %and3A_203 : i32 to vector<42x1024xi32>
    %and3A_205 = arith.andi %get3A_197, %and3A_204 : vector<42x1024xi32>
    %convert_element_type3A_206 = arith.sitofp %and3A_205 : vector<42x1024xi32> to vector<42x1024xf32>
    %add3A_207 = arith.addf %add3A_192, %convert_element_type3A_206 : vector<42x1024xf32>
    %get3A_208 = arith.constant 14 : index
    %get3A_209 = arith.constant 0 : index
    %get3A_210 = arith.constant 0 : index
    %get3A_211 = vector.load %arg1[%get3A_208, %get3A_209, %get3A_210] : memref<32x42x1024xi32, #tpu.memory_space<vmem>>, vector<1x42x1024xi32>
    %get3A_212 = vector.shape_cast %get3A_211 : vector<1x42x1024xi32> to vector<42x1024xi32>
    %shift_right_arithmetic3A_213 = arith.constant 17 : i32
    %shift_right_arithmetic3A_214 = vector.broadcast %shift_right_arithmetic3A_213 : i32 to vector<42x1024xi32>
    %shift_right_arithmetic3A_215 = arith.shrsi %get3A_212, %shift_right_arithmetic3A_214 : vector<42x1024xi32>
    %convert_element_type3A_216 = arith.sitofp %shift_right_arithmetic3A_215 : vector<42x1024xi32> to vector<42x1024xf32>
    %add3A_217 = arith.addf %add3A_202, %convert_element_type3A_216 : vector<42x1024xf32>
    %and3A_218 = arith.constant 131071 : i32
    %and3A_219 = vector.broadcast %and3A_218 : i32 to vector<42x1024xi32>
    %and3A_220 = arith.andi %get3A_212, %and3A_219 : vector<42x1024xi32>
    %convert_element_type3A_221 = arith.sitofp %and3A_220 : vector<42x1024xi32> to vector<42x1024xf32>
    %add3A_222 = arith.addf %add3A_207, %convert_element_type3A_221 : vector<42x1024xf32>
    %get3A_223 = arith.constant 15 : index
    %get3A_224 = arith.constant 0 : index
    %get3A_225 = arith.constant 0 : index
    %get3A_226 = vector.load %arg1[%get3A_223, %get3A_224, %get3A_225] : memref<32x42x1024xi32, #tpu.memory_space<vmem>>, vector<1x42x1024xi32>
    %get3A_227 = vector.shape_cast %get3A_226 : vector<1x42x1024xi32> to vector<42x1024xi32>
    %shift_right_arithmetic3A_228 = arith.constant 17 : i32
    %shift_right_arithmetic3A_229 = vector.broadcast %shift_right_arithmetic3A_228 : i32 to vector<42x1024xi32>
    %shift_right_arithmetic3A_230 = arith.shrsi %get3A_227, %shift_right_arithmetic3A_229 : vector<42x1024xi32>
    %convert_element_type3A_231 = arith.sitofp %shift_right_arithmetic3A_230 : vector<42x1024xi32> to vector<42x1024xf32>
    %add3A_232 = arith.addf %add3A_217, %convert_element_type3A_231 : vector<42x1024xf32>
    %and3A_233 = arith.constant 131071 : i32
    %and3A_234 = vector.broadcast %and3A_233 : i32 to vector<42x1024xi32>
    %and3A_235 = arith.andi %get3A_227, %and3A_234 : vector<42x1024xi32>
    %convert_element_type3A_236 = arith.sitofp %and3A_235 : vector<42x1024xi32> to vector<42x1024xf32>
    %add3A_237 = arith.addf %add3A_222, %convert_element_type3A_236 : vector<42x1024xf32>
    %get3A_238 = arith.constant 16 : index
    %get3A_239 = arith.constant 0 : index
    %get3A_240 = arith.constant 0 : index
    %get3A_241 = vector.load %arg1[%get3A_238, %get3A_239, %get3A_240] : memref<32x42x1024xi32, #tpu.memory_space<vmem>>, vector<1x42x1024xi32>
    %get3A_242 = vector.shape_cast %get3A_241 : vector<1x42x1024xi32> to vector<42x1024xi32>
    %shift_right_arithmetic3A_243 = arith.constant 17 : i32
    %shift_right_arithmetic3A_244 = vector.broadcast %shift_right_arithmetic3A_243 : i32 to vector<42x1024xi32>
    %shift_right_arithmetic3A_245 = arith.shrsi %get3A_242, %shift_right_arithmetic3A_244 : vector<42x1024xi32>
    %convert_element_type3A_246 = arith.sitofp %shift_right_arithmetic3A_245 : vector<42x1024xi32> to vector<42x1024xf32>
    %add3A_247 = arith.addf %add3A_232, %convert_element_type3A_246 : vector<42x1024xf32>
    %and3A_248 = arith.constant 131071 : i32
    %and3A_249 = vector.broadcast %and3A_248 : i32 to vector<42x1024xi32>
    %and3A_250 = arith.andi %get3A_242, %and3A_249 : vector<42x1024xi32>
    %convert_element_type3A_251 = arith.sitofp %and3A_250 : vector<42x1024xi32> to vector<42x1024xf32>
    %add3A_252 = arith.addf %add3A_237, %convert_element_type3A_251 : vector<42x1024xf32>
    %get3A_253 = arith.constant 17 : index
    %get3A_254 = arith.constant 0 : index
    %get3A_255 = arith.constant 0 : index
    %get3A_256 = vector.load %arg1[%get3A_253, %get3A_254, %get3A_255] : memref<32x42x1024xi32, #tpu.memory_space<vmem>>, vector<1x42x1024xi32>
    %get3A_257 = vector.shape_cast %get3A_256 : vector<1x42x1024xi32> to vector<42x1024xi32>
    %shift_right_arithmetic3A_258 = arith.constant 17 : i32
    %shift_right_arithmetic3A_259 = vector.broadcast %shift_right_arithmetic3A_258 : i32 to vector<42x1024xi32>
    %shift_right_arithmetic3A_260 = arith.shrsi %get3A_257, %shift_right_arithmetic3A_259 : vector<42x1024xi32>
    %convert_element_type3A_261 = arith.sitofp %shift_right_arithmetic3A_260 : vector<42x1024xi32> to vector<42x1024xf32>
    %add3A_262 = arith.addf %add3A_247, %convert_element_type3A_261 : vector<42x1024xf32>
    %and3A_263 = arith.constant 131071 : i32
    %and3A_264 = vector.broadcast %and3A_263 : i32 to vector<42x1024xi32>
    %and3A_265 = arith.andi %get3A_257, %and3A_264 : vector<42x1024xi32>
    %convert_element_type3A_266 = arith.sitofp %and3A_265 : vector<42x1024xi32> to vector<42x1024xf32>
    %add3A_267 = arith.addf %add3A_252, %convert_element_type3A_266 : vector<42x1024xf32>
    %get3A_268 = arith.constant 18 : index
    %get3A_269 = arith.constant 0 : index
    %get3A_270 = arith.constant 0 : index
    %get3A_271 = vector.load %arg1[%get3A_268, %get3A_269, %get3A_270] : memref<32x42x1024xi32, #tpu.memory_space<vmem>>, vector<1x42x1024xi32>
    %get3A_272 = vector.shape_cast %get3A_271 : vector<1x42x1024xi32> to vector<42x1024xi32>
    %shift_right_arithmetic3A_273 = arith.constant 17 : i32
    %shift_right_arithmetic3A_274 = vector.broadcast %shift_right_arithmetic3A_273 : i32 to vector<42x1024xi32>
    %shift_right_arithmetic3A_275 = arith.shrsi %get3A_272, %shift_right_arithmetic3A_274 : vector<42x1024xi32>
    %convert_element_type3A_276 = arith.sitofp %shift_right_arithmetic3A_275 : vector<42x1024xi32> to vector<42x1024xf32>
    %add3A_277 = arith.addf %add3A_262, %convert_element_type3A_276 : vector<42x1024xf32>
    %and3A_278 = arith.constant 131071 : i32
    %and3A_279 = vector.broadcast %and3A_278 : i32 to vector<42x1024xi32>
    %and3A_280 = arith.andi %get3A_272, %and3A_279 : vector<42x1024xi32>
    %convert_element_type3A_281 = arith.sitofp %and3A_280 : vector<42x1024xi32> to vector<42x1024xf32>
    %add3A_282 = arith.addf %add3A_267, %convert_element_type3A_281 : vector<42x1024xf32>
    %get3A_283 = arith.constant 19 : index
    %get3A_284 = arith.constant 0 : index
    %get3A_285 = arith.constant 0 : index
    %get3A_286 = vector.load %arg1[%get3A_283, %get3A_284, %get3A_285] : memref<32x42x1024xi32, #tpu.memory_space<vmem>>, vector<1x42x1024xi32>
    %get3A_287 = vector.shape_cast %get3A_286 : vector<1x42x1024xi32> to vector<42x1024xi32>
    %shift_right_arithmetic3A_288 = arith.constant 17 : i32
    %shift_right_arithmetic3A_289 = vector.broadcast %shift_right_arithmetic3A_288 : i32 to vector<42x1024xi32>
    %shift_right_arithmetic3A_290 = arith.shrsi %get3A_287, %shift_right_arithmetic3A_289 : vector<42x1024xi32>
    %convert_element_type3A_291 = arith.sitofp %shift_right_arithmetic3A_290 : vector<42x1024xi32> to vector<42x1024xf32>
    %add3A_292 = arith.addf %add3A_277, %convert_element_type3A_291 : vector<42x1024xf32>
    %and3A_293 = arith.constant 131071 : i32
    %and3A_294 = vector.broadcast %and3A_293 : i32 to vector<42x1024xi32>
    %and3A_295 = arith.andi %get3A_287, %and3A_294 : vector<42x1024xi32>
    %convert_element_type3A_296 = arith.sitofp %and3A_295 : vector<42x1024xi32> to vector<42x1024xf32>
    %add3A_297 = arith.addf %add3A_282, %convert_element_type3A_296 : vector<42x1024xf32>
    %get3A_298 = arith.constant 20 : index
    %get3A_299 = arith.constant 0 : index
    %get3A_300 = arith.constant 0 : index
    %get3A_301 = vector.load %arg1[%get3A_298, %get3A_299, %get3A_300] : memref<32x42x1024xi32, #tpu.memory_space<vmem>>, vector<1x42x1024xi32>
    %get3A_302 = vector.shape_cast %get3A_301 : vector<1x42x1024xi32> to vector<42x1024xi32>
    %shift_right_arithmetic3A_303 = arith.constant 17 : i32
    %shift_right_arithmetic3A_304 = vector.broadcast %shift_right_arithmetic3A_303 : i32 to vector<42x1024xi32>
    %shift_right_arithmetic3A_305 = arith.shrsi %get3A_302, %shift_right_arithmetic3A_304 : vector<42x1024xi32>
    %convert_element_type3A_306 = arith.sitofp %shift_right_arithmetic3A_305 : vector<42x1024xi32> to vector<42x1024xf32>
    %add3A_307 = arith.addf %add3A_292, %convert_element_type3A_306 : vector<42x1024xf32>
    %and3A_308 = arith.constant 131071 : i32
    %and3A_309 = vector.broadcast %and3A_308 : i32 to vector<42x1024xi32>
    %and3A_310 = arith.andi %get3A_302, %and3A_309 : vector<42x1024xi32>
    %convert_element_type3A_311 = arith.sitofp %and3A_310 : vector<42x1024xi32> to vector<42x1024xf32>
    %add3A_312 = arith.addf %add3A_297, %convert_element_type3A_311 : vector<42x1024xf32>
    %get3A_313 = arith.constant 21 : index
    %get3A_314 = arith.constant 0 : index
    %get3A_315 = arith.constant 0 : index
    %get3A_316 = vector.load %arg1[%get3A_313, %get3A_314, %get3A_315] : memref<32x42x1024xi32, #tpu.memory_space<vmem>>, vector<1x42x1024xi32>
    %get3A_317 = vector.shape_cast %get3A_316 : vector<1x42x1024xi32> to vector<42x1024xi32>
    %shift_right_arithmetic3A_318 = arith.constant 17 : i32
    %shift_right_arithmetic3A_319 = vector.broadcast %shift_right_arithmetic3A_318 : i32 to vector<42x1024xi32>
    %shift_right_arithmetic3A_320 = arith.shrsi %get3A_317, %shift_right_arithmetic3A_319 : vector<42x1024xi32>
    %convert_element_type3A_321 = arith.sitofp %shift_right_arithmetic3A_320 : vector<42x1024xi32> to vector<42x1024xf32>
    %add3A_322 = arith.addf %add3A_307, %convert_element_type3A_321 : vector<42x1024xf32>
    %and3A_323 = arith.constant 131071 : i32
    %and3A_324 = vector.broadcast %and3A_323 : i32 to vector<42x1024xi32>
    %and3A_325 = arith.andi %get3A_317, %and3A_324 : vector<42x1024xi32>
    %convert_element_type3A_326 = arith.sitofp %and3A_325 : vector<42x1024xi32> to vector<42x1024xf32>
    %add3A_327 = arith.addf %add3A_312, %convert_element_type3A_326 : vector<42x1024xf32>
    %get3A_328 = arith.constant 22 : index
    %get3A_329 = arith.constant 0 : index
    %get3A_330 = arith.constant 0 : index
    %get3A_331 = vector.load %arg1[%get3A_328, %get3A_329, %get3A_330] : memref<32x42x1024xi32, #tpu.memory_space<vmem>>, vector<1x42x1024xi32>
    %get3A_332 = vector.shape_cast %get3A_331 : vector<1x42x1024xi32> to vector<42x1024xi32>
    %shift_right_arithmetic3A_333 = arith.constant 17 : i32
    %shift_right_arithmetic3A_334 = vector.broadcast %shift_right_arithmetic3A_333 : i32 to vector<42x1024xi32>
    %shift_right_arithmetic3A_335 = arith.shrsi %get3A_332, %shift_right_arithmetic3A_334 : vector<42x1024xi32>
    %convert_element_type3A_336 = arith.sitofp %shift_right_arithmetic3A_335 : vector<42x1024xi32> to vector<42x1024xf32>
    %add3A_337 = arith.addf %add3A_322, %convert_element_type3A_336 : vector<42x1024xf32>
    %and3A_338 = arith.constant 131071 : i32
    %and3A_339 = vector.broadcast %and3A_338 : i32 to vector<42x1024xi32>
    %and3A_340 = arith.andi %get3A_332, %and3A_339 : vector<42x1024xi32>
    %convert_element_type3A_341 = arith.sitofp %and3A_340 : vector<42x1024xi32> to vector<42x1024xf32>
    %add3A_342 = arith.addf %add3A_327, %convert_element_type3A_341 : vector<42x1024xf32>
    %get3A_343 = arith.constant 23 : index
    %get3A_344 = arith.constant 0 : index
    %get3A_345 = arith.constant 0 : index
    %get3A_346 = vector.load %arg1[%get3A_343, %get3A_344, %get3A_345] : memref<32x42x1024xi32, #tpu.memory_space<vmem>>, vector<1x42x1024xi32>
    %get3A_347 = vector.shape_cast %get3A_346 : vector<1x42x1024xi32> to vector<42x1024xi32>
    %shift_right_arithmetic3A_348 = arith.constant 17 : i32
    %shift_right_arithmetic3A_349 = vector.broadcast %shift_right_arithmetic3A_348 : i32 to vector<42x1024xi32>
    %shift_right_arithmetic3A_350 = arith.shrsi %get3A_347, %shift_right_arithmetic3A_349 : vector<42x1024xi32>
    %convert_element_type3A_351 = arith.sitofp %shift_right_arithmetic3A_350 : vector<42x1024xi32> to vector<42x1024xf32>
    %add3A_352 = arith.addf %add3A_337, %convert_element_type3A_351 : vector<42x1024xf32>
    %and3A_353 = arith.constant 131071 : i32
    %and3A_354 = vector.broadcast %and3A_353 : i32 to vector<42x1024xi32>
    %and3A_355 = arith.andi %get3A_347, %and3A_354 : vector<42x1024xi32>
    %convert_element_type3A_356 = arith.sitofp %and3A_355 : vector<42x1024xi32> to vector<42x1024xf32>
    %add3A_357 = arith.addf %add3A_342, %convert_element_type3A_356 : vector<42x1024xf32>
    %get3A_358 = arith.constant 24 : index
    %get3A_359 = arith.constant 0 : index
    %get3A_360 = arith.constant 0 : index
    %get3A_361 = vector.load %arg1[%get3A_358, %get3A_359, %get3A_360] : memref<32x42x1024xi32, #tpu.memory_space<vmem>>, vector<1x42x1024xi32>
    %get3A_362 = vector.shape_cast %get3A_361 : vector<1x42x1024xi32> to vector<42x1024xi32>
    %shift_right_arithmetic3A_363 = arith.constant 17 : i32
    %shift_right_arithmetic3A_364 = vector.broadcast %shift_right_arithmetic3A_363 : i32 to vector<42x1024xi32>
    %shift_right_arithmetic3A_365 = arith.shrsi %get3A_362, %shift_right_arithmetic3A_364 : vector<42x1024xi32>
    %convert_element_type3A_366 = arith.sitofp %shift_right_arithmetic3A_365 : vector<42x1024xi32> to vector<42x1024xf32>
    %add3A_367 = arith.addf %add3A_352, %convert_element_type3A_366 : vector<42x1024xf32>
    %and3A_368 = arith.constant 131071 : i32
    %and3A_369 = vector.broadcast %and3A_368 : i32 to vector<42x1024xi32>
    %and3A_370 = arith.andi %get3A_362, %and3A_369 : vector<42x1024xi32>
    %convert_element_type3A_371 = arith.sitofp %and3A_370 : vector<42x1024xi32> to vector<42x1024xf32>
    %add3A_372 = arith.addf %add3A_357, %convert_element_type3A_371 : vector<42x1024xf32>
    %get3A_373 = arith.constant 25 : index
    %get3A_374 = arith.constant 0 : index
    %get3A_375 = arith.constant 0 : index
    %get3A_376 = vector.load %arg1[%get3A_373, %get3A_374, %get3A_375] : memref<32x42x1024xi32, #tpu.memory_space<vmem>>, vector<1x42x1024xi32>
    %get3A_377 = vector.shape_cast %get3A_376 : vector<1x42x1024xi32> to vector<42x1024xi32>
    %shift_right_arithmetic3A_378 = arith.constant 17 : i32
    %shift_right_arithmetic3A_379 = vector.broadcast %shift_right_arithmetic3A_378 : i32 to vector<42x1024xi32>
    %shift_right_arithmetic3A_380 = arith.shrsi %get3A_377, %shift_right_arithmetic3A_379 : vector<42x1024xi32>
    %convert_element_type3A_381 = arith.sitofp %shift_right_arithmetic3A_380 : vector<42x1024xi32> to vector<42x1024xf32>
    %add3A_382 = arith.addf %add3A_367, %convert_element_type3A_381 : vector<42x1024xf32>
    %and3A_383 = arith.constant 131071 : i32
    %and3A_384 = vector.broadcast %and3A_383 : i32 to vector<42x1024xi32>
    %and3A_385 = arith.andi %get3A_377, %and3A_384 : vector<42x1024xi32>
    %convert_element_type3A_386 = arith.sitofp %and3A_385 : vector<42x1024xi32> to vector<42x1024xf32>
    %add3A_387 = arith.addf %add3A_372, %convert_element_type3A_386 : vector<42x1024xf32>
    %get3A_388 = arith.constant 26 : index
    %get3A_389 = arith.constant 0 : index
    %get3A_390 = arith.constant 0 : index
    %get3A_391 = vector.load %arg1[%get3A_388, %get3A_389, %get3A_390] : memref<32x42x1024xi32, #tpu.memory_space<vmem>>, vector<1x42x1024xi32>
    %get3A_392 = vector.shape_cast %get3A_391 : vector<1x42x1024xi32> to vector<42x1024xi32>
    %shift_right_arithmetic3A_393 = arith.constant 17 : i32
    %shift_right_arithmetic3A_394 = vector.broadcast %shift_right_arithmetic3A_393 : i32 to vector<42x1024xi32>
    %shift_right_arithmetic3A_395 = arith.shrsi %get3A_392, %shift_right_arithmetic3A_394 : vector<42x1024xi32>
    %convert_element_type3A_396 = arith.sitofp %shift_right_arithmetic3A_395 : vector<42x1024xi32> to vector<42x1024xf32>
    %add3A_397 = arith.addf %add3A_382, %convert_element_type3A_396 : vector<42x1024xf32>
    %and3A_398 = arith.constant 131071 : i32
    %and3A_399 = vector.broadcast %and3A_398 : i32 to vector<42x1024xi32>
    %and3A_400 = arith.andi %get3A_392, %and3A_399 : vector<42x1024xi32>
    %convert_element_type3A_401 = arith.sitofp %and3A_400 : vector<42x1024xi32> to vector<42x1024xf32>
    %add3A_402 = arith.addf %add3A_387, %convert_element_type3A_401 : vector<42x1024xf32>
    %get3A_403 = arith.constant 27 : index
    %get3A_404 = arith.constant 0 : index
    %get3A_405 = arith.constant 0 : index
    %get3A_406 = vector.load %arg1[%get3A_403, %get3A_404, %get3A_405] : memref<32x42x1024xi32, #tpu.memory_space<vmem>>, vector<1x42x1024xi32>
    %get3A_407 = vector.shape_cast %get3A_406 : vector<1x42x1024xi32> to vector<42x1024xi32>
    %shift_right_arithmetic3A_408 = arith.constant 17 : i32
    %shift_right_arithmetic3A_409 = vector.broadcast %shift_right_arithmetic3A_408 : i32 to vector<42x1024xi32>
    %shift_right_arithmetic3A_410 = arith.shrsi %get3A_407, %shift_right_arithmetic3A_409 : vector<42x1024xi32>
    %convert_element_type3A_411 = arith.sitofp %shift_right_arithmetic3A_410 : vector<42x1024xi32> to vector<42x1024xf32>
    %add3A_412 = arith.addf %add3A_397, %convert_element_type3A_411 : vector<42x1024xf32>
    %and3A_413 = arith.constant 131071 : i32
    %and3A_414 = vector.broadcast %and3A_413 : i32 to vector<42x1024xi32>
    %and3A_415 = arith.andi %get3A_407, %and3A_414 : vector<42x1024xi32>
    %convert_element_type3A_416 = arith.sitofp %and3A_415 : vector<42x1024xi32> to vector<42x1024xf32>
    %add3A_417 = arith.addf %add3A_402, %convert_element_type3A_416 : vector<42x1024xf32>
    %get3A_418 = arith.constant 28 : index
    %get3A_419 = arith.constant 0 : index
    %get3A_420 = arith.constant 0 : index
    %get3A_421 = vector.load %arg1[%get3A_418, %get3A_419, %get3A_420] : memref<32x42x1024xi32, #tpu.memory_space<vmem>>, vector<1x42x1024xi32>
    %get3A_422 = vector.shape_cast %get3A_421 : vector<1x42x1024xi32> to vector<42x1024xi32>
    %shift_right_arithmetic3A_423 = arith.constant 17 : i32
    %shift_right_arithmetic3A_424 = vector.broadcast %shift_right_arithmetic3A_423 : i32 to vector<42x1024xi32>
    %shift_right_arithmetic3A_425 = arith.shrsi %get3A_422, %shift_right_arithmetic3A_424 : vector<42x1024xi32>
    %convert_element_type3A_426 = arith.sitofp %shift_right_arithmetic3A_425 : vector<42x1024xi32> to vector<42x1024xf32>
    %add3A_427 = arith.addf %add3A_412, %convert_element_type3A_426 : vector<42x1024xf32>
    %and3A_428 = arith.constant 131071 : i32
    %and3A_429 = vector.broadcast %and3A_428 : i32 to vector<42x1024xi32>
    %and3A_430 = arith.andi %get3A_422, %and3A_429 : vector<42x1024xi32>
    %convert_element_type3A_431 = arith.sitofp %and3A_430 : vector<42x1024xi32> to vector<42x1024xf32>
    %add3A_432 = arith.addf %add3A_417, %convert_element_type3A_431 : vector<42x1024xf32>
    %get3A_433 = arith.constant 29 : index
    %get3A_434 = arith.constant 0 : index
    %get3A_435 = arith.constant 0 : index
    %get3A_436 = vector.load %arg1[%get3A_433, %get3A_434, %get3A_435] : memref<32x42x1024xi32, #tpu.memory_space<vmem>>, vector<1x42x1024xi32>
    %get3A_437 = vector.shape_cast %get3A_436 : vector<1x42x1024xi32> to vector<42x1024xi32>
    %shift_right_arithmetic3A_438 = arith.constant 17 : i32
    %shift_right_arithmetic3A_439 = vector.broadcast %shift_right_arithmetic3A_438 : i32 to vector<42x1024xi32>
    %shift_right_arithmetic3A_440 = arith.shrsi %get3A_437, %shift_right_arithmetic3A_439 : vector<42x1024xi32>
    %convert_element_type3A_441 = arith.sitofp %shift_right_arithmetic3A_440 : vector<42x1024xi32> to vector<42x1024xf32>
    %add3A_442 = arith.addf %add3A_427, %convert_element_type3A_441 : vector<42x1024xf32>
    %and3A_443 = arith.constant 131071 : i32
    %and3A_444 = vector.broadcast %and3A_443 : i32 to vector<42x1024xi32>
    %and3A_445 = arith.andi %get3A_437, %and3A_444 : vector<42x1024xi32>
    %convert_element_type3A_446 = arith.sitofp %and3A_445 : vector<42x1024xi32> to vector<42x1024xf32>
    %add3A_447 = arith.addf %add3A_432, %convert_element_type3A_446 : vector<42x1024xf32>
    %get3A_448 = arith.constant 30 : index
    %get3A_449 = arith.constant 0 : index
    %get3A_450 = arith.constant 0 : index
    %get3A_451 = vector.load %arg1[%get3A_448, %get3A_449, %get3A_450] : memref<32x42x1024xi32, #tpu.memory_space<vmem>>, vector<1x42x1024xi32>
    %get3A_452 = vector.shape_cast %get3A_451 : vector<1x42x1024xi32> to vector<42x1024xi32>
    %shift_right_arithmetic3A_453 = arith.constant 17 : i32
    %shift_right_arithmetic3A_454 = vector.broadcast %shift_right_arithmetic3A_453 : i32 to vector<42x1024xi32>
    %shift_right_arithmetic3A_455 = arith.shrsi %get3A_452, %shift_right_arithmetic3A_454 : vector<42x1024xi32>
    %convert_element_type3A_456 = arith.sitofp %shift_right_arithmetic3A_455 : vector<42x1024xi32> to vector<42x1024xf32>
    %add3A_457 = arith.addf %add3A_442, %convert_element_type3A_456 : vector<42x1024xf32>
    %and3A_458 = arith.constant 131071 : i32
    %and3A_459 = vector.broadcast %and3A_458 : i32 to vector<42x1024xi32>
    %and3A_460 = arith.andi %get3A_452, %and3A_459 : vector<42x1024xi32>
    %convert_element_type3A_461 = arith.sitofp %and3A_460 : vector<42x1024xi32> to vector<42x1024xf32>
    %add3A_462 = arith.addf %add3A_447, %convert_element_type3A_461 : vector<42x1024xf32>
    %get3A_463 = arith.constant 31 : index
    %get3A_464 = arith.constant 0 : index
    %get3A_465 = arith.constant 0 : index
    %get3A_466 = vector.load %arg1[%get3A_463, %get3A_464, %get3A_465] : memref<32x42x1024xi32, #tpu.memory_space<vmem>>, vector<1x42x1024xi32>
    %get3A_467 = vector.shape_cast %get3A_466 : vector<1x42x1024xi32> to vector<42x1024xi32>
    %shift_right_arithmetic3A_468 = arith.constant 17 : i32
    %shift_right_arithmetic3A_469 = vector.broadcast %shift_right_arithmetic3A_468 : i32 to vector<42x1024xi32>
    %shift_right_arithmetic3A_470 = arith.shrsi %get3A_467, %shift_right_arithmetic3A_469 : vector<42x1024xi32>
    %convert_element_type3A_471 = arith.sitofp %shift_right_arithmetic3A_470 : vector<42x1024xi32> to vector<42x1024xf32>
    %add3A_472 = arith.addf %add3A_457, %convert_element_type3A_471 : vector<42x1024xf32>
    %and3A_473 = arith.constant 131071 : i32
    %and3A_474 = vector.broadcast %and3A_473 : i32 to vector<42x1024xi32>
    %and3A_475 = arith.andi %get3A_467, %and3A_474 : vector<42x1024xi32>
    %convert_element_type3A_476 = arith.sitofp %and3A_475 : vector<42x1024xi32> to vector<42x1024xf32>
    %add3A_477 = arith.addf %add3A_462, %convert_element_type3A_476 : vector<42x1024xf32>
    %slice3A = vector.extract_strided_slice %add3A_472 {offsets = [0, 0], sizes = [21, 1024], strides = [1, 1]} : vector<42x1024xf32> to vector<21x1024xf32>
    %slice3A_478 = vector.extract_strided_slice %add3A_472 {offsets = [21, 0], sizes = [21, 1024], strides = [1, 1]} : vector<42x1024xf32> to vector<21x1024xf32>
    %slice3A_479 = vector.extract_strided_slice %add3A_477 {offsets = [0, 0], sizes = [21, 1024], strides = [1, 1]} : vector<42x1024xf32> to vector<21x1024xf32>
    %slice3A_480 = vector.extract_strided_slice %add3A_477 {offsets = [21, 0], sizes = [21, 1024], strides = [1, 1]} : vector<42x1024xf32> to vector<21x1024xf32>
    %add3A_481 = arith.addf %slice3A_479, %slice3A_480 : vector<21x1024xf32>
    %add3A_482 = arith.addf %slice3A, %slice3A_478 : vector<21x1024xf32>
    %iota3A = tpu.iota {dimensions = array<i32: 1>} : vector<21x1024xi32>
    %convert_element_type3A_483 = arith.sitofp %iota3A : vector<21x1024xi32> to vector<21x1024xf32>
    %mul3A = arith.mulf %convert_element_type3A_483, %add3A_482 : vector<21x1024xf32>
    %mul3A_484 = arith.constant 5.000000e-01 : f32
    %mul3A_485 = vector.broadcast %mul3A_484 : f32 to vector<21x1024xf32>
    %mul3A_486 = arith.mulf %mul3A_485, %add3A_482 : vector<21x1024xf32>
    %add3A_487 = arith.addf %add3A_481, %mul3A_486 : vector<21x1024xf32>
    %div3A = arith.constant 1.600000e+01 : f32
    %div3A_488 = vector.broadcast %div3A : f32 to vector<21x1024xf32>
    %div3A_489 = arith.divf %add3A_487, %div3A_488 : vector<21x1024xf32>
    %add3A_490 = arith.addf %mul3A, %div3A_489 : vector<21x1024xf32>
    %div3A_491 = arith.constant 1.024000e+03 : f32
    %div3A_492 = vector.broadcast %div3A_491 : f32 to vector<21x1024xf32>
    %div3A_493 = arith.divf %add3A_490, %div3A_492 : vector<21x1024xf32>
    %iota3A_494 = tpu.iota {dimensions = array<i32: 0>} : vector<1024x1024xi32>
    %iota3A_495 = tpu.iota {dimensions = array<i32: 1>} : vector<1024x1024xi32>
    %le3A = arith.cmpi sle, %iota3A_494, %iota3A_495 : vector<1024x1024xi32>
    %convert_element_type3A_496 = arith.extui %le3A : vector<1024x1024xi1> to vector<1024x1024xi32>
    %convert_element_type3A_497 = arith.sitofp %convert_element_type3A_496 : vector<1024x1024xi32> to vector<1024x1024xf32>
    %dot_general3A = arith.constant dense<0.000000e+00> : vector<21x1024xf32>
    %dot_general3A_498 = tpu.matmul %slice3A, %convert_element_type3A_497, %dot_general3A {dimension_numbers = #tpu.dot_dimension_numbers<[1], [0], [0], [1], [0, 0, 1, 1], [], []>, precision = #tpu.contract_precision<fp32>, transpose_lhs_hint = false} : vector<21x1024xf32>, vector<1024x1024xf32>, vector<21x1024xf32> -> vector<21x1024xf32>
    %dot_general3A_499 = arith.constant dense<0.000000e+00> : vector<21x1024xf32>
    %dot_general3A_500 = tpu.matmul %slice3A_478, %convert_element_type3A_497, %dot_general3A_499 {dimension_numbers = #tpu.dot_dimension_numbers<[1], [0], [0], [1], [0, 0, 1, 1], [], []>, precision = #tpu.contract_precision<fp32>, transpose_lhs_hint = false} : vector<21x1024xf32>, vector<1024x1024xf32>, vector<21x1024xf32> -> vector<21x1024xf32>
    %reduce_sum3A = arith.constant dense<0.000000e+00> : vector<21xf32>
    %reduce_sum3A_501 = vector.multi_reduction <add>, %slice3A, %reduce_sum3A [1] : vector<21x1024xf32> to vector<21xf32>
    %broadcast_in_dim3A_502 = vector.shape_cast %reduce_sum3A_501 : vector<21xf32> to vector<21x1xf32>
    %reduce_sum3A_503 = arith.constant dense<0.000000e+00> : vector<21xf32>
    %reduce_sum3A_504 = vector.multi_reduction <add>, %slice3A_478, %reduce_sum3A_503 [1] : vector<21x1024xf32> to vector<21xf32>
    %broadcast_in_dim3A_505 = vector.shape_cast %reduce_sum3A_504 : vector<21xf32> to vector<21x1xf32>
    %add3A_506 = arith.addf %broadcast_in_dim3A_502, %broadcast_in_dim3A_505 : vector<21x1xf32>
    %sub3A = vector.broadcast %add3A_506 : vector<21x1xf32> to vector<21x1024xf32>
    %sub3A_507 = arith.subf %sub3A, %dot_general3A_500 : vector<21x1024xf32>
    %max3A = arith.constant 1.000000e+00 : f32
    %max3A_508 = vector.broadcast %max3A : f32 to vector<21x1024xf32>
    %max3A_509 = arith.maximumf %sub3A_507, %max3A_508 : vector<21x1024xf32>
    %add3A_510 = arith.addf %max3A_509, %slice3A_478 : vector<21x1024xf32>
    %max3A_511 = arith.constant 1.000000e+00 : f32
    %max3A_512 = vector.broadcast %max3A_511 : f32 to vector<21x1024xf32>
    %max3A_513 = arith.maximumf %add3A_510, %max3A_512 : vector<21x1024xf32>
    %div3A_514 = arith.divf %dot_general3A_498, %max3A_509 : vector<21x1024xf32>
    %sub3A_515 = arith.subf %dot_general3A_498, %slice3A : vector<21x1024xf32>
    %div3A_516 = arith.divf %sub3A_515, %max3A_513 : vector<21x1024xf32>
    %sub3A_517 = arith.subf %div3A_514, %div3A_516 : vector<21x1024xf32>
    %max3A_518 = arith.constant 1.000000e+00 : f32
    %max3A_519 = vector.broadcast %max3A_518 : f32 to vector<21x1024xf32>
    %max3A_520 = arith.maximumf %add3A_482, %max3A_519 : vector<21x1024xf32>
    %div3A_521 = arith.divf %div3A_493, %max3A_520 : vector<21x1024xf32>
    %mul3A_522 = arith.mulf %div3A_521, %sub3A_517 : vector<21x1024xf32>
    %reduce_sum3A_523 = arith.constant dense<0.000000e+00> : vector<21xf32>
    %reduce_sum3A_524 = vector.multi_reduction <add>, %mul3A_522, %reduce_sum3A_523 [1] : vector<21x1024xf32> to vector<21xf32>
    %broadcast_in_dim3A_525 = vector.shape_cast %reduce_sum3A_524 : vector<21xf32> to vector<21x1xf32>
    %iota3A_526 = tpu.iota {dimensions = array<i32: 1>} : vector<21x1024xi32>
    %gt3A = arith.constant 0.000000e+00 : f32
    %gt3A_527 = vector.broadcast %gt3A : f32 to vector<21x1024xf32>
    %gt3A_528 = arith.cmpf ogt, %add3A_482, %gt3A_527 : vector<21x1024xf32>
    %jit3A = arith.constant -1 : i32
    %broadcast_in_dim3A_529 = vector.broadcast %jit3A : i32 to vector<21x1024xi32>
    %select_n3A = arith.select %gt3A_528, %iota3A_526, %broadcast_in_dim3A_529 : vector<21x1024xi1>, vector<21x1024xi32>
    %reduce_max3A = arith.constant dense<-2147483648> : vector<21xi32>
    %reduce_max3A_530 = vector.multi_reduction <maxsi>, %select_n3A, %reduce_max3A [1] : vector<21x1024xi32> to vector<21xi32>
    %broadcast_in_dim3A_531 = vector.shape_cast %reduce_max3A_530 : vector<21xi32> to vector<21x1xi32>
    %eq3A = vector.broadcast %broadcast_in_dim3A_531 : vector<21x1xi32> to vector<21x1024xi32>
    %eq3A_532 = arith.cmpi eq, %iota3A_526, %eq3A : vector<21x1024xi32>
    %jit3A_533 = arith.constant 0.000000e+00 : f32
    %broadcast_in_dim3A_534 = vector.broadcast %jit3A_533 : f32 to vector<21x1024xf32>
    %select_n3A_535 = arith.select %eq3A_532, %div3A_521, %broadcast_in_dim3A_534 : vector<21x1024xi1>, vector<21x1024xf32>
    %reduce_sum3A_536 = arith.constant dense<0.000000e+00> : vector<21xf32>
    %reduce_sum3A_537 = vector.multi_reduction <add>, %select_n3A_535, %reduce_sum3A_536 [1] : vector<21x1024xf32> to vector<21xf32>
    %broadcast_in_dim3A_538 = vector.shape_cast %reduce_sum3A_537 : vector<21xf32> to vector<21x1xf32>
    %eq3A_539 = arith.constant 0.000000e+00 : f32
    %eq3A_540 = vector.broadcast %eq3A_539 : f32 to vector<21x1xf32>
    %eq3A_541 = arith.cmpf oeq, %broadcast_in_dim3A_502, %eq3A_540 : vector<21x1xf32>
    %select_n3A_542 = arith.select %eq3A_541, %broadcast_in_dim3A_538, %broadcast_in_dim3A_525 : vector<21x1xi1>, vector<21x1xf32>
    %reduce_sum3A_543 = arith.constant dense<0.000000e+00> : vector<1xf32>
    %reduce_sum3A_544 = vector.multi_reduction <add>, %select_n3A_542, %reduce_sum3A_543 [0] : vector<21x1xf32> to vector<1xf32>
    %broadcast_in_dim3A_545 = vector.shape_cast %reduce_sum3A_544 : vector<1xf32> to vector<1x1xf32>
    %div3A_546 = arith.constant 2.100000e+01 : f32
    %div3A_547 = vector.broadcast %div3A_546 : f32 to vector<1x1xf32>
    %div3A_548 = arith.divf %broadcast_in_dim3A_545, %div3A_547 : vector<1x1xf32>
    %swap3A = arith.constant 0 : index
    %swap3A_549 = arith.constant 0 : index
    %swap3A_550 = vector.load %arg2[%swap3A, %swap3A_549] : memref<1x1xf32, #tpu.memory_space<vmem>>, vector<1x1xf32>
    tpu.vector_store %arg2[%swap3A, %swap3A_549], %div3A_548 {strides = array<i32>} : memref<1x1xf32, #tpu.memory_space<vmem>>, vector<1x1xf32>,
    return
  }
  func.func @transform_0(%arg0: i32) -> (i32, i32, i32) {
    %c0_i32 = arith.constant 0 : i32
    %c0_i32_0 = arith.constant 0 : i32
    %c0_i32_1 = arith.constant 0 : i32
    %c0_i32_2 = arith.constant 0 : i32
    return %c0_i32, %c0_i32_0, %c0_i32_1 : i32, i32, i32
  }
  func.func @transform_1(%arg0: i32) -> (i32, i32) {
    %c0_i32 = arith.constant 0 : i32
    %c0_i32_0 = arith.constant 0 : i32
    %c0_i32_1 = arith.constant 0 : i32
    return %c0_i32, %c0_i32_0 : i32, i32
  }
}

</mosaic_0001>

<sc_bundles>
// kernel: kernel.5.cloned.1.call-start
scs
__scs_entry_jumppad:
0x0: {  	(pc) =	sbr.rel $0x88, $3  }
0x1: {  	(tag) =	ssettag $0x0;
	lr =	simm.s32 $0x1  }
0x2: {  	[smem:$0x3F9F] =	sst lr;
	_ =	strace $0xD0000000  }
0x3: {  	_ = 	snop  }
0x4: {  	_ = 	snop  }
0x5: {  	_ = 	snop  }
0x6: {  	_ = 	snop  }
0x7: {  	_ = 	snop  }
__scs_overlays_trampoline_lowered:
0x8: {  	[smem:$0x3FAE] =	sst s0  }
0x9: {  	[smem:$0x3FAF] =	sst s1  }
0xa: {  	[smem:$0x3FB0] =	sst s2  }
0xb: {  	[smem:$0x3FB1] =	sst s3  }
0xc: {  	[smem:$0x3FB2] =	sst s4  }
0xd: {  	[smem:$0x3FB3] =	sst s5  }
0xe: {  	[smem:$0x3FB4] =	sst s6  }
0xf: {  	[smem:$0x3FB5] =	sst s7  }
0x10: {  	[smem:$0x3FB6] =	sst s8  }
0x11: {  	[smem:$0x3FB7] =	sst s9;
	s0 =	simm.s32 @!p0 $0x0  }
0x12: {  	s1 =	sld [smem:$0x3F9D];
	s0 =	simm.s32 @p0 $0x1  }
0x13: {  	[smem:$0x3FB8] =	sst s0;
	s0 =	simm.s32 @!p1 $0x0  }
0x14: {  	s2 =	sld [smem:$0x3F9C];
	s0 =	simm.s32 @p1 $0x1  }
0x15: {  	[smem:$0x3FB9] =	sst s0;
	s0 =	simm.s32 @!p2 $0x0  }
0x16: {  	s3 =	sld [smem:$0x3FDB];
	s0 =	simm.s32 @p2 $0x1  }
0x17: {  	s4 =	simm.s32 $0x1BF5;
	[smem:$0x3FBB] =	sst s0  }
0x18: {  	s0 =	sld [smem:$0x3F9E];
	_ =	swait.ge [sflag:s4], $0x0  }
0x19: {  	s7 =	sld [smem:$0x3F9F]  }
0x1a: {  	s8 =	sadd.s32 $0xFFFFE003, lr  }
0x1b: {  	s9 =	sadd.s32 $0xFFFFFEF7, lr;
	s5 =	simm.s32 $0xFFFFFFFF;
	p2 =	slt.u32 s8, $0xFFFFF086  }
0x1c: {  	p1 =	slt.u32 s9, $0xF7A;
	s5 =	simm.s32 @!p2 $0x0  }
0x1d: {  	s5 =	simm.s32 @p1 $0x1;
	p0 =	seq.s32 s7, s2  }
0x1e: {  	s7 =	smul.u32 @!p0 $0xF7A, s2;
	p2 =	seq.s32 @!p0 s5, $0x0  }
0x1f: {  	s9 =	smul.u32 $0xF7A, s1;
	s8 =	simm.s32 @!p0 $0x1BF5;
	p2 =	por !p2, p0  }
0x20: {  	[sflag:s8] =	ssyncset.s32 @!p0 $0xFFFFF086;
	s6 =	sadd.s32 @!p0 s3, s7;
	s7 =	simm.s32 @!p0 $0x108  }
0x21: {  	s3 =	sadd.s32 s3, s9;
	s6 =	sadd.s32 @!p0 $0x88, s6;
	s7 =	simm.s32 @p2 $0x1082  }
0x22: {  	[simem:s7], [sflag:s8] =	dma.local @!p0 [hbm:s6], $0xF7A  }
0x23: {  	s9 =	sor.u32 $0xD0000000, s2;
	s6 =	simm.s32 $0x108;
	_ =	swait.ge @!p0 [sflag:s8], $0x0  }
0x24: {  	s3 =	sadd.s32 $0x88, s3;
	s6 =	simm.s32 @!p1 $0x1082;
	[sflag:s4] =	ssyncset.s32 $0xFFFFF086  }
0x25: {  	[simem:s6], [sflag:s4] =	dma.local [hbm:s3], $0xF7A  }
0x26: {  	[smem:$0x3F9F] =	sst s1;
	(tag) =	ssettag s2;
	_ =	strace s9  }
0x27: {  	s1 =	sld [smem:$0x3FAF]  }
0x28: {  	s2 =	sld [smem:$0x3FB0]  }
0x29: {  	s4 =	sld [smem:$0x3FB2]  }
0x2a: {  	p0 =	seq.s32 s5, $0x0;
	s5 =	sld [smem:$0x3FB3]  }
0x2b: {  	s6 =	sld [smem:$0x3FB4]  }
0x2c: {  	s7 =	sld [smem:$0x3FB5]  }
0x2d: {  	s3 =	simm.s32 $0x108;
	s8 =	sld [smem:$0x3FB6]  }
0x2e: {  	s3 =	simm.s32 @!p0 $0x1082;
	s9 =	sld [smem:$0x3FB7]  }
0x2f: {  	lr =	sadd.s32 s0, s3;
	s0 =	sld [smem:$0x3FAE]  }
0x30: {  	s3 =	sld [smem:$0x3FB1]  }
0x31: {  	[smem:$0x3FBA] =	sst s10  }
0x32: {  	s10 =	sld [smem:$0x3FB8];
	_ =	sdelay $0x3  }
0x33: {  	p0 =	seq.s32 s10, $0x1;
	s10 =	sld [smem:$0x3FBA];
	_ =	sdelay $0x3  }
0x34: {  	[smem:$0x3FBA] =	sst s10  }
0x35: {  	s10 =	sld [smem:$0x3FB9];
	_ =	sdelay $0x3  }
0x36: {  	p1 =	seq.s32 s10, $0x1;
	s10 =	sld [smem:$0x3FBA];
	_ =	sdelay $0x3  }
0x37: {  	[smem:$0x3FBA] =	sst s10  }
0x38: {  	s10 =	sld [smem:$0x3FBB]  }
0x39: {  	_ = 	snop;
	(pc) =	sbr.ind lr, $3  }
0x3a: {  	_ = 	snop  }
0x3b: {  	_ = 	snop  }
0x3c: {  	p2 =	seq.s32 s10, $0x1;
	s10 =	sld [smem:$0x3FBA]  }
0x3d: {  	_ =	shalt  }
0x3e: {  	_ =	shalt  }
0x3f: {  	_ =	shalt  }
0x40: {  	_ =	shalt  }
0x41: {  	_ =	shalt  }
0x42: {  	_ =	shalt  }
0x43: {  	_ =	shalt  }
0x44: {  	_ =	shalt  }
0x45: {  	_ =	shalt  }
0x46: {  	_ =	shalt  }
0x47: {  	_ =	shalt  }
0x48: {  	_ =	shalt  }
0x49: {  	_ =	shalt  }
0x4a: {  	_ =	shalt  }
0x4b: {  	_ =	shalt  }
0x4c: {  	_ =	shalt  }
0x4d: {  	_ =	shalt  }
0x4e: {  	_ =	shalt  }
0x4f: {  	_ =	shalt  }
0x50: {  	_ =	shalt  }
0x51: {  	_ =	shalt  }
0x52: {  	_ =	shalt  }
0x53: {  	_ =	shalt  }
0x54: {  	_ =	shalt  }
0x55: {  	_ =	shalt  }
0x56: {  	_ =	shalt  }
0x57: {  	_ =	shalt  }
0x58: {  	_ =	shalt  }
0x59: {  	_ =	shalt  }
0x5a: {  	_ =	shalt  }
0x5b: {  	_ =	shalt  }
0x5c: {  	_ =	shalt  }
0x5d: {  	_ =	shalt  }
0x5e: {  	_ =	shalt  }
0x5f: {  	_ =	shalt  }
0x60: {  	_ =	shalt  }
0x61: {  	_ =	shalt  }
0x62: {  	_ =	shalt  }
0x63: {  	_ =	shalt  }
0x64: {  	_ =	shalt  }
0x65: {  	_ =	shalt  }
0x66: {  	_ =	shalt  }
0x67: {  	_ =	shalt  }
0x68: {  	_ =	shalt  }
0x69: {  	_ =	shalt  }
0x6a: {  	_ =	shalt  }
0x6b: {  	_ =	shalt  }
0x6c: {  	_ =	shalt  }
0x6d: {  	_ =	shalt  }
0x6e: {  	_ =	shalt  }
0x6f: {  	_ =	shalt  }
0x70: {  	_ =	shalt  }
0x71: {  	_ =	shalt  }
0x72: {  	_ =	shalt  }
0x73: {  	_ =	shalt  }
0x74: {  	_ =	shalt  }
0x75: {  	_ =	shalt  }
0x76: {  	_ =	shalt  }
0x77: {  	_ =	shalt  }
0x78: {  	_ =	shalt  }
0x79: {  	_ =	shalt  }
0x7a: {  	_ =	shalt  }
0x7b: {  	_ =	shalt  }
0x7c: {  	_ =	shalt  }
0x7d: {  	_ =	shalt  }
0x7e: {  	_ =	shalt  }
0x7f: {  	_ =	shalt  }
0x80: {  	_ =	shalt  }
0x81: {  	_ =	shalt  }
0x82: {  	_ =	shalt  }
0x83: {  	_ =	shalt  }
0x84: {  	_ =	shalt  }
0x85: {  	_ =	shalt  }
0x86: {  	_ =	shalt  }
0x87: {  	_ =	shalt  }
.Lfunc_end0:
.L_simem_size_0:
called_computation_lowered:
.L_overlay_start_0:
0x88: {  	s2 =	sld [smem:$0x3FD9]  }
0x89: {  	s3 =	sld [smem:$0x3FFE];
	_ =	sdelay $0x1  }
0x8a: {  	s1 =	srdreg.scid  }
0x8b: {  	s0 =	sand.u32 $0x1, s1  }
0x8c: {  	s17 =	sshll.u32 s0, $0xA;
	s2 =	sadd.s32 s3, s2  }
0x8d: {  	s2 =	sadd.s32 s2, s17  }
0x8e: {  	[smem:$0x3FC6] =	sst s2  }
0x8f: {  	_ = 	snop  }
0x90: {  	s2 =	sld [smem:$0x3FC9];
	(tm) =	ssettm $0x1  }
0x91: {  	s18 =	sld [smem:$0x3FFB];
	_ =	sdelay $0x3  }
0x92: {  	_ =	strace s18  }
0x93: {  	s3 =	sld [smem:$0x3FFC];
	_ =	sdelay $0x3  }
0x94: {  	_ =	strace s3  }
0x95: {  	s3 =	sld [smem:$0x3FFD];
	_ =	sdelay $0x3  }
0x96: {  	_ =	strace s3  }
0x97: {  	_ =	strace $0x8FFFFFFF  }
0x98: {  	s19 =	sld [smem:$0x3FDB];
	_ =	sdelay $0x1  }
0x99: {  	s4 =	simm.s32 $_scs_section_size  }
0x9a: {  	s5 =	simm.s32 $_size__tile_overlayer_lowered;
	s6 =	simm.s32 $_tile_overlayer_lowered  }
0x9b: {  	s22 =	simm.s32 $0x1BFF;
	s21 =	sshll.u32 s6, $0x1;
	s3 =	sadd.s32 s4, s19  }
0x9c: {  	s7 =	simm.s32 $0x0;
	s20 =	sshll.u32 s5, $0x1;
	s5 =	sadd.s32 s21, s3  }
0x9d: {  	[timem:s7], [sflag:s22] =	dma.local [hbm:s5], s20  }
0x9e: {  	_ =	swait.ge [sflag:s22], s20  }
0x9f: {  	s4 =	ssub.s32 $0x0, s20;
	[sflag:s22] =	ssyncset.done $0x0  }
0xa0: {  	[sflag:s22] =	ssyncadd.s32 s4;
	_ =	sdelay $0x1  }
0xa1: {  	s23 =	simm.s32 $0x1B8B  }
0xa2: {  	_ =	swait.ge [sflag:s23], $0x1  }
0xa3: {  	[sflag:s23] =	ssyncset.done $0x0  }
0xa4: {  	s25 =	simm.s32 $0x1B8E;
	s24 =	sld [smem:$0x3FFE];
	[sflag:s23] =	ssyncadd.s32 $0xFFFFFFFF  }
0xa5: {  	s26 =	simm.s32 $execute0_lowered;
	[smem:$0x3FD2] =	sst s25  }
0xa6: {  	s5 =	sshll.u32 s26, $0x1;
	_ =	strace $0x80000046;
	[dreg:$0x1] =	wrdreg $0xFFFFFFFF  }
0xa7: {  	s28 =	simm.s32 $_size_execute0_lowered;
	s3 =	sadd.s32 s3, s5;
	[dreg:$0x0] =	wrdreg $0x0  }
0xa8: {  	s5 =	sshll.u32 s28, $0x1;
	[dreg:$0x2] =	wrdreg s3  }
0xa9: {  	[dreg:$0x3] =	wrdreg s5  }
0xaa: {  	[dreg:$0x4] =	wrdreg $0xC0  }
0xab: {  	_ =	task [dreg:s7], $0x5FFFF  }
0xac: {  	[dreg:$0x1] =	wrdreg $0xFFFFFFFF  }
0xad: {  	[dreg:$0x0] =	wrdreg $0x60  }
0xae: {  	[dreg:$0x2] =	wrdreg s2  }
0xaf: {  	[dreg:$0x3] =	wrdreg s24  }
0xb0: {  	[dreg:$0x4] =	wrdreg $0x9  }
0xb1: {  	_ =	task.clear_ibuf [dreg:s7], $0x5FFFF;
	_ =	strace $0x90000046  }
0xb2: {  	s29 =	simm.s32 $0x9;
	_ =	strace $0x80000048  }
0xb3: {  	_ =	swait.ge [sflag:s29], $0x1  }
0xb4: {  	[sflag:s29] =	ssyncadd.s32 $0xFFFFFFFF  }
0xb5: {  	_ =	strace $0x90000048  }
0xb6: {  	_ =	sfence  }
0xb7: {  	s30 =	sld [smem:$0x0];
	_ =	sdelay $0x2  }
0xb8: {  	s31 =	sshll.u32 s1, $0xD;
	s1 =	sshrl.u32 s1, $0x2  }
0xb9: {  	s3 =	sand.u32 $0x4000, s31;
	s1 =	sadd.s32 s1, s30  }
0xba: {  	s0 =	sor.u32 s3, s0;
	s1 =	sshll.u32 s1, $0x11  }
0xbb: {  	s0 =	sor.u32 s1, s0  }
0xbc: {  	s0 =	sadd.s32 $0x8F2B, s0  }
0xbd: {  	[sflag:s0] =	ssyncadd.remote.s32 $0x1  }
0xbe: {  	_ =	sfence.sel $0xFFFF  }
0xbf: {  	[dreg:$0x0] =	wrdreg $0xFFFFFFFF;
	(pc) =	sbr.abs _section_cstart, $3  }
0xc0: {  	[dreg:$0x1] =	wrdreg $0xFFFFFFFF  }
0xc1: {  	_ =	task.clear_ibuf [dreg:s7], $0x2FFFF;
	_ =	strace $0x9FFFFFFF  }
0xc2: {  	(tm) =	ssettm $0x7FFFFFFF  }
0xc3: {  	_ =	shalt  }
tec
execute0_lowered:
.L_overlay_start_1:
0x0: {  	(tag) =	ssettag $0x1  }
0x1: {  	s1 =	srdreg.scid;
	s5 =	stileid.u32  }
0x2: {  	s3 =	rddreg [dreg:$0x1];
	s1 =	sand.u32 $0x1, s1;
	s2 =	sshll.u32 s5, $0x1  }
0x3: {  	s0 =	rddreg [dreg:$0x0];
	s31 =	sadd.s32 $0x600, s3;
	s4 =	sor.u32 s1, s2  }
0x4: {  	s2 =	simm.s32 $0x0;
	s1 =	ssub.s32 $0x2, s1;
	s6 =	sshll.u32 s4, $0x7  }
0x5: {  	[smem:$0x7FF] =	sst s2;
	s7 =	sshrl.u32 s1, $0x1;
	s4 =	sshll.u32 s4, $0xA  }
0x6: {  	_ =	strace $0x80000047;
	s1 =	ssub.s32 s1, s7;
	s7 =	sadd.s32 s0, s4  }
0x7: {  	s9 =	sadd.s32 s31, s4;
	s10 =	sor.u32 $0x20, s4;
	[dreg:$0x3] =	wrdreg s7  }
0x8: {  	[dreg:$0x4] =	wrdreg s9;
	s11 =	sadd.s32 s0, s10  }
0x9: {  	s17 =	sor.u32 $0x200, s4;
	s12 =	sadd.s32 s31, s10;
	[dreg:$0x5] =	wrdreg s11  }
0xa: {  	s18 =	sadd.s32 s0, s17;
	[dreg:$0x6] =	wrdreg s12  }
0xb: {  	s20 =	sor.u32 $0x220, s4;
	s19 =	sadd.s32 s31, s17;
	[dreg:$0xb] =	wrdreg s18  }
0xc: {  	s28 =	simm.s32 $0xB000;
	s21 =	sadd.s32 s0, s20;
	[dreg:$0xc] =	wrdreg s19  }
0xd: {  	s23 =	sor.u32 $0x240, s4;
	s22 =	sadd.s32 s31, s20;
	[dreg:$0xd] =	wrdreg s21  }
0xe: {  	s5 =	sshrl.u32 s5, $0x2;
	s24 =	sadd.s32 s0, s23;
	[dreg:$0xe] =	wrdreg s22  }
0xf: {  	s9 =	sor.u32 $0x40, s4;
	s25 =	sadd.s32 s31, s23;
	[dreg:$0xf] =	wrdreg s24  }
0x10: {  	s5 =	smul.u32 $0x54000, s5;
	s13 =	sadd.s32 s0, s9;
	[dreg:$0x10] =	wrdreg s25  }
0x11: {  	s10 =	sor.u32 $0x60, s4;
	s14 =	sadd.s32 s31, s9;
	[dreg:$0x7] =	wrdreg s13  }
0x12: {  	s6 =	sand.u32 $0x380, s6;
	s15 =	sadd.s32 s0, s10;
	[dreg:$0x8] =	wrdreg s14  }
0x13: {  	s4 =	sor.u32 $0x260, s4;
	s16 =	sadd.s32 s31, s10;
	[dreg:$0x9] =	wrdreg s15  }
0x14: {  	s5 =	sor.u32 s5, s6;
	s0 =	sadd.s32 s0, s4;
	[dreg:$0xa] =	wrdreg s16  }
0x15: {  	s5 =	sshrl.u32 s5, $0x3;
	s26 =	sadd.s32 s31, s4;
	[dreg:$0x11] =	wrdreg s0  }
0x16: {  	s31 =	smax.u32 s1, $0x1;
	s8 =	sadd.s32 s5, s3;
	[dreg:$0x12] =	wrdreg s26  }
0x17: {  	s30 =	simm.s32 $0x4;
	[dreg:$0x14] =	wrdreg s31;
	s29 =	sadd.s32 $0x8600, s8  }
0x18: {  	v0 =	vimm.s32 $0x0;
	s21 =	simm.s32 $0x100;
	s22 =	simm.s32 $0x400;
	[dreg:$0x13] =	wrdreg s29  }
.LBB2_1:
0x19: {  	s0 =	simm.s32 $0xB040  }
0x1a: {  	[tilespmem:s0+$0xFFFFFFC0] =	vst v0  }
0x1b: {  	[tilespmem:s0+$0x30] =	vst v0  }
0x1c: {  	[tilespmem:s0+$0x20] =	vst v0  }
0x1d: {  	[tilespmem:s0+$0x10] =	vst v0  }
0x1e: {  	[tilespmem:s0+$0x0] =	vst v0  }
0x1f: {  	[tilespmem:s0+$0xFFFFFFF0] =	vst v0  }
0x20: {  	s1 =	simm.s32 $0x0;
	[tilespmem:s0+$0xFFFFFFE0] =	vst v0  }
.LBB2_2:
0x21: {  	s1 =	sadd.s32 $0x8, s1;
	[tilespmem:s0+$0xFFFFFFD0] =	vst v0;
	s0 =	sadd.s32 $0x80, s0  }
0x22: {  	[tilespmem:s0+$0xFFFFFFC0] =	vst v0;
	p0 =	slt.u32 s1, $0xA78  }
0x23: {  	[tilespmem:s0+$0x30] =	vst v0  }
.Ltmp0:
0x24: {  	[tilespmem:s0+$0x20] =	vst v0;
	(pc) =	sbr.rel @p0 .LBB2_2-.Ltmp0, $4  }
0x25: {  	[tilespmem:s0+$0x10] =	vst v0  }
0x26: {  	[tilespmem:s0+$0x0] =	vst v0  }
0x27: {  	[tilespmem:s0+$0xFFFFFFF0] =	vst v0  }
0x28: {  	[tilespmem:s0+$0xFFFFFFE0] =	vst v0  }
0x29: {  	[tilespmem:s0+$0xFFFFFFD0] =	vst v0  }
0x2a: {  	s4 =	rddreg [dreg:$0x3]  }
0x2b: {  	s0 =	simm.s32 $0x1000;
	s6 =	simm.s32 $0x0;
	s1 =	sadd.s32 $0x8000, s4  }
.LBB2_4:
0x2c: {  	[tilespmem:s6], [sflag:$0x1] =	stream.strided.gather [hbm4b:s4+s21], $0x400, s22, s21, $0x38;
	[tilespmem:$0x15800] =	vst v63  }
0x2d: {  	s6 =	smov.u32 s0;
	s4 =	smov.u32 s1;
	p0 =	sne.s32 s0, $0x14000  }
.Ltmp1:
0x2e: {  	s0 =	sadd.s32 $0x1000, s0;
	(pc) =	sbr.rel @p0 .LBB2_4-.Ltmp1, $2  }
0x2f: {  	_ =	sdelay $0x2  }
0x30: {  	s1 =	sadd.s32 $0x8000, s1;
	s6 =	sshra.s32 s6, $0x2  }
0x31: {  	[tilespmem:s6], [sflag:$0x1] =	stream.strided.gather [hbm4b:s4+s21], $0x400, s22, s21, $0x38;
	[tilespmem:$0x15800] =	vst v63  }
0x32: {  	s0 =	rddreg [dreg:$0x4];
	s1 =	simm.s32 $0xA800;
	s26 =	simm.s32 $0x1  }
0x33: {  	[tilespmem:s1], [sflag:$0x3] =	stream.strided.gather [hbm4b:s0+s21], $0x400, s22, s21, $0x38;
	[tilespmem:$0x15800] =	vst v63  }
0x34: {  	_ =	swait.ge [sflag:s26], $0x5400  }
0x35: {  	[sflag:s26] =	ssyncset.done $0x0  }
0x36: {  	s29 =	simm.s32 $0x3;
	[sflag:s26] =	ssyncadd.s32 $0xFFFFAC00  }
0x37: {  	_ =	swait.ge [sflag:s29], $0x400  }
0x38: {  	s31 =	simm.s32 $0x5400;
	[sflag:s29] =	ssyncset.done $0x0  }
0x39: {  	s0 =	simm.s32 $0x1000;
	s1 =	rddreg [dreg:$0x5];
	[sflag:s29] =	ssyncadd.s32 $0xFFFFFC00  }
0x3a: {  	[tilespmem:s31], [sflag:$0x2] =	stream.strided.gather [hbm4b:s1+s21], $0x400, s22, s21, $0x38;
	[tilespmem:$0x15800] =	vst v63  }
.LBB2_6:
0x3b: {  	p0 =	sne.s32 s0, $0x14000  }
.Ltmp2:
0x3c: {  	_ = 	snop;
	(pc) =	sbr.rel @p0 .LBB2_6-.Ltmp2, $4  }
0x3d: {  	_ = 	snop  }
0x3e: {  	s4 =	sshra.s32 s0, $0x2;
	s0 =	sadd.s32 $0x1000, s0  }
0x3f: {  	s1 =	sadd.s32 $0x8000, s1;
	s4 =	sadd.s32 $0x5400, s4  }
0x40: {  	[tilespmem:s4], [sflag:$0x2] =	stream.strided.gather [hbm4b:s1+s21], $0x400, s22, s21, $0x38;
	[tilespmem:$0x15800] =	vst v63  }
0x41: {  	s0 =	rddreg [dreg:$0x6];
	s1 =	simm.s32 $0xAC00;
	s8 =	simm.s32 $0x0  }
0x42: {  	[tilespmem:s1], [sflag:$0x4] =	stream.strided.gather [hbm4b:s0+s21], $0x400, s22, s21, $0x38;
	[tilespmem:$0x15800] =	vst v63  }
0x43: {  	s3 =	simm.s32 $0x0;
	s4 =	sand.u32 $0xFFFFFFC0, s8  }
0x44: {  	s0 =	simm.s32 $0x0;
	s3 =	sand.u32 $0xFFFFF800, s3;
	s6 =	ssub.s32 $0x0, s4  }
0x45: {  	s1 =	sand.u32 $0x38, s0;
	s4 =	ssub.s32 $0xFFFFFFF8, s4;
	s12 =	sadd.s32 $0x1, s6  }
0x46: {  	s18 =	sadd.s32 $0x6, s6;
	s8 =	sadd.s32 $0x2, s6;
	s10 =	sadd.s32 $0xB, s4  }
0x47: {  	s14 =	sadd.s32 $0xC, s4;
	s5 =	sadd.s32 $0xF, s4;
	s16 =	sshll.u32 s18, $0x10  }
0x48: {  	s19 =	sshll.u32 s12, $0x10;
	s23 =	sshll.u32 s8, $0x10;
	s11 =	sshll.u32 s10, $0x10  }
0x49: {  	s26 =	sshll.u32 s14, $0x10;
	s20 =	sshra.s32 s16, $0x1F;
	s16 =	sadd.s32 $0x5, s6  }
0x4a: {  	s19 =	sshra.s32 s19, $0x1F;
	s13 =	sshra.s32 s23, $0x1F;
	s17 =	sshra.s32 s26, $0x1F  }
0x4b: {  	s9 =	sand.u32 $0x1F, s20;
	s31 =	sshll.u32 s16, $0x10;
	s20 =	sshra.s32 s11, $0x1F  }
0x4c: {  	s11 =	sshll.u32 s5, $0x10;
	s19 =	sand.u32 $0x1F, s19;
	s23 =	sand.u32 $0x1F, s17  }
0x4d: {  	s17 =	sshra.s32 s16, $0x1F;
	s6 =	sadd.s32 s9, s18;
	s18 =	sshra.s32 s18, $0x1F  }
0x4e: {  	s24 =	sshra.s32 s31, $0x1F;
	s31 =	simm.s32 $0x0;
	s20 =	sand.u32 $0x1F, s20  }
0x4f: {  	s11 =	sshra.s32 s11, $0x1F;
	s23 =	sadd.s32 s23, s14;
	s14 =	sshra.s32 s14, $0x1F  }
0x50: {  	s6 =	sshll.u32 s6, $0x10;
	s20 =	sadd.s32 s20, s10;
	s11 =	sand.u32 $0x1F, s11  }
0x51: {  	s23 =	sshll.u32 s23, $0x10;
	s10 =	sshra.s32 s10, $0x1F;
	s6 =	sshra.s32 s6, $0x15  }
0x52: {  	s20 =	sshll.u32 s20, $0x10;
	s11 =	sadd.s32 s11, s5;
	s23 =	sshra.s32 s23, $0x15  }
0x53: {  	s5 =	sshra.s32 s5, $0x1F;
	s18 =	sadd.s32 s6, s18;
	s6 =	ssub.s32 $0xE0, s3  }
0x54: {  	s3 =	sand.u32 $0x1F, s13;
	s13 =	sadd.s32 s19, s12;
	s20 =	sshra.s32 s20, $0x15  }
0x55: {  	s12 =	sshra.s32 s12, $0x1F;
	s11 =	sshll.u32 s11, $0x10;
	s14 =	sadd.s32 s23, s14  }
0x56: {  	s15 =	sshll.u32 s18, $0xA;
	s7 =	sshll.u32 s18, $0x9;
	s18 =	sshll.u32 s18, $0x7  }
0x57: {  	s3 =	sadd.s32 s3, s8;
	s8 =	sshra.s32 s8, $0x1F;
	s4 =	ssub.s32 s6, s15  }
0x58: {  	s7 =	sand.u32 $0xFFFFFC00, s7;
	s25 =	sand.u32 $0x80, s18;
	s15 =	sand.u32 $0x1F, s24  }
0x59: {  	s3 =	sshll.u32 s3, $0x10;
	s24 =	sshra.s32 s11, $0x15;
	s4 =	sadd.s32 $0xFFFFFFE0, s4  }
0x5a: {  	s19 =	sadd.s32 s15, s16;
	s3 =	sshra.s32 s3, $0x15;
	s5 =	sadd.s32 s24, s5  }
0x5b: {  	s9 =	sand.u32 $0xFFFFFF00, s4;
	s4 =	simm.s32 $0x0;
	s19 =	sshll.u32 s19, $0x10  }
0x5c: {  	s3 =	sadd.s32 s3, s8;
	s15 =	sshll.u32 s5, $0xA;
	s7 =	sadd.s32 s9, s7  }
0x5d: {  	s9 =	sshll.u32 s13, $0x10;
	s19 =	sshra.s32 s19, $0x15;
	s29 =	sadd.s32 $0x0, s7  }
0x5e: {  	s7 =	sor.u32 s25, s7;
	s9 =	sshra.s32 s9, $0x15;
	s16 =	sadd.s32 s19, s17  }
0x5f: {  	s18 =	sor.u32 s25, s29;
	s9 =	sadd.s32 s9, s12;
	s12 =	sadd.s32 s20, s10  }
0x60: {  	s25 =	sshll.u32 s3, $0xA;
	s29 =	sshll.u32 s14, $0xA;
	s13 =	sshll.u32 s16, $0xA  }
0x61: {  	s10 =	simm.s32 $0x5400;
	v2 =	vld [tilespmem:s7+$0xA860];
	s7 =	ssub.s32 s6, s15;
	s23 =	sshll.u32 s9, $0xA  }
0x62: {  	s26 =	sshll.u32 s12, $0xA;
	s11 =	ssub.s32 s6, s25;
	s20 =	ssub.s32 s6, s29  }
0x63: {  	s17 =	sshll.u32 s9, $0x9;
	s29 =	sshll.u32 s12, $0x9;
	s7 =	sand.u32 $0xFFFFFF00, s7  }
0x64: {  	s9 =	sshll.u32 s9, $0x7;
	s12 =	sshll.u32 s12, $0x7;
	s8 =	ssub.s32 s6, s23  }
0x65: {  	v1 =	vld [tilespmem:s18+$0x60];
	s19 =	ssub.s32 s6, s26;
	s23 =	ssub.s32 s6, s13;
	s11 =	sadd.s32 $0xFFFFFF60, s11  }
0x66: {  	s18 =	sadd.s32 $0xFFFFFFA0, s20;
	s25 =	sand.u32 $0xFFFFFC00, s17;
	s26 =	sshll.u32 s3, $0x9  }
0x67: {  	s13 =	sshll.u32 s14, $0x9;
	s17 =	sshll.u32 s16, $0x9;
	s3 =	sshll.u32 s3, $0x7  }
0x68: {  	s14 =	sshll.u32 s14, $0x7;
	s16 =	sshll.u32 s16, $0x7;
	s9 =	sand.u32 $0x80, s9  }
0x69: {  	s12 =	sand.u32 $0x80, s12;
	s8 =	sadd.s32 $0xFFFFFF40, s8;
	s19 =	sadd.s32 $0xFFFFFF80, s19  }
0x6a: {  	s20 =	sadd.s32 $0xFFFFFFC0, s23;
	s11 =	sand.u32 $0xFFFFFF00, s11;
	s15 =	sand.u32 $0xFFFFFC00, s26;
	v3 =	vsub.f32 $1.000000000e+00, v1  }
0x6b: {  	s18 =	sand.u32 $0xFFFFFF00, s18;
	s13 =	sand.u32 $0xFFFFFC00, s13;
	s3 =	sand.u32 $0x80, s3;
	vm0 =	veq.s32 v2, s31  }
0x6c: {  	s14 =	sand.u32 $0x80, s14;
	s24 =	sand.u32 $0xFFFFFF00, s8;
	s8 =	sadd.s32 s11, s15;
	v1 =	vsel vm0, v3, v1  }
0x6d: {  	s19 =	sand.u32 $0xFFFFFF00, s19;
	s13 =	sadd.s32 s18, s13;
	s18 =	sshrl.u32 s1, $0x5;
	v1 =	vmul.f32 $1.638400000e+04, v1  }
0x6e: {  	s20 =	sand.u32 $0xFFFFFF00, s20;
	s11 =	sand.u32 $0xFFFFFC00, s17;
	s1 =	sshll.u32 s1, $0x5  }
0x6f: {  	s6 =	sadd.s32 s24, s25;
	s24 =	sand.u32 $0xFFFFFC00, s29;
	s25 =	sshll.u32 s5, $0x9;
	v1 =	vtrunc.f32 v1  }
0x70: {  	s11 =	sadd.s32 s20, s11;
	s26 =	sshll.u32 s18, $0xA;
	s15 =	sadd.s32 $0x0, s8;
	v1 =	vcvt.f32.s32 v1  }
0x71: {  	s19 =	sadd.s32 s19, s24;
	s29 =	sadd.s32 $0x0, s6;
	s6 =	sor.u32 s9, s6  }
0x72: {  	s23 =	sand.u32 $0xFFFFFC00, s25;
	s20 =	ssub.s32 s1, s26;
	s1 =	sor.u32 s9, s29;
	v13 =	vld [tilespmem:s6+$0xA810];
	vm1 =	vgt.s32 v1, $0x0  }
0x73: {  	s7 =	sadd.s32 s7, s23;
	s17 =	sadd.s32 $0x0, s19;
	s23 =	sor.u32 s3, s15;
	v2 =	vld [tilespmem:s1+$0x10];
	v3 =	vnsel vm1, $0x0, v1  }
0x74: {  	s16 =	sand.u32 $0x80, s16;
	s24 =	sadd.s32 $0x0, s13;
	v8 =	vld [tilespmem:s23+$0x20];
	s1 =	sor.u32 s12, s17;
	v1 =	vmov s10;
	v9 =	vmin.u32 v3, $0x3FFF  }
0x75: {  	s5 =	sshll.u32 s5, $0x7;
	s25 =	sadd.s32 $0x0, s11;
	v6 =	vld [tilespmem:s1+$0x30];
	s10 =	sor.u32 s14, s24;
	v3 =	vsel vm0, s4, v1;
	v4 =	vshrl.u32 v9, $0x4  }
0x76: {  	s5 =	sand.u32 $0x80, s5;
	s26 =	sadd.s32 $0x0, s7;
	s1 =	sor.u32 s16, s25;
	v7 =	vld [tilespmem:s10+$0x40];
	v10 =	vor.u32 v3, v4  }
0x77: {  	s18 =	sshll.u32 s18, $0x7;
	s29 =	sadd.s32 $0x0, s20;
	v5 =	vld [tilespmem:s1+$0x50];
	s10 =	sor.u32 s5, s26  }
0x78: {  	s1 =	sor.u32 s18, s29;
	v4 =	vld [tilespmem:s10+$0x70]  }
0x79: {  	s3 =	sor.u32 s3, s8;
	s6 =	simm.s32 $0xE0;
	v9 =	vand.u32 $0xF, v9;
	v3 =	vld [tilespmem:s1+$0x0]  }
0x7a: {  	s8 =	simm.s32 $0x8;
	v14 =	vld [tilespmem:s3+$0xA820];
	v12 =	vsub.f32 $1.000000000e+00, v2;
	v11 =	vsub.f32 $1.000000000e+00, v8;
	s10 =	sor.u32 s12, s19;
	v9 =	vor.u32 $0x20000, v9;
	s1 =	sor.u32 s14, s13  }
0x7b: {  	s19 =	sor.u32 s16, s11;
	s14 =	sor.u32 s18, s20;
	s18 =	sor.u32 s5, s7;
	[tilespmem:v10+s28+$0x0] =	vst.idx.add.s32.msk $0xffff, v9;
	v10 =	vsub.f32 $1.000000000e+00, v6;
	v9 =	vsub.f32 $1.000000000e+00, v7  }
.LBB2_8:
0x7c: {  	s3 =	sand.u32 $0xFFFFFFC0, s8;
	v15 =	vld [tilespmem:s10+$0xA830];
	v16 =	vsub.f32 $1.000000000e+00, v5;
	s5 =	smov.u32 s0;
	s0 =	sadd.s32 $0x8, s0  }
0x7d: {  	s10 =	sand.u32 $0x38, s0;
	s7 =	ssub.s32 s0, s3;
	s3 =	ssub.s32 s5, s3;
	v17 =	vld [tilespmem:s1+$0xA840];
	v18 =	vsub.f32 $1.000000000e+00, v4  }
0x7e: {  	s1 =	sadd.s32 $0x1, s7;
	s16 =	sadd.s32 $0x2, s7;
	s5 =	sadd.s32 $0x6, s7;
	v19 =	vsub.f32 $1.000000000e+00, v3;
	v20 =	vld [tilespmem:s19+$0xA850]  }
0x7f: {  	s19 =	sadd.s32 $0xB, s3;
	s20 =	sadd.s32 $0xC, s3;
	s9 =	sshll.u32 s5, $0x10;
	vm0 =	veq.s32 v13, s31;
	v13 =	vld [tilespmem:s18+$0xA870]  }
0x80: {  	s11 =	sshll.u32 s1, $0x10;
	s18 =	sadd.s32 $0x5, s7;
	s7 =	sshra.s32 s9, $0x1F;
	v21 =	vld [tilespmem:s14+$0xA800];
	v12 =	vsel vm0, v12, v2;
	v2 =	vsel vm0, s4, v1;
	vm1 =	veq.s32 v14, s31  }
0x81: {  	s12 =	sshll.u32 s19, $0x10;
	s9 =	sshll.u32 s16, $0x10;
	s7 =	sand.u32 $0x1F, s7;
	v12 =	vmul.f32 $1.638400000e+04, v12;
	v8 =	vsel vm1, v11, v8;
	vm4 =	veq.s32 v15, s31  }
0x82: {  	s13 =	sshll.u32 s20, $0x10;
	s15 =	sshll.u32 s18, $0x10;
	s7 =	sadd.s32 s7, s5;
	v8 =	vmul.f32 $1.638400000e+04, v8;
	v6 =	vsel vm4, v10, v6;
	vm5 =	veq.s32 v17, s31  }
0x83: {  	s23 =	sadd.s32 $0xF, s3;
	s26 =	sshra.s32 s11, $0x1F;
	s7 =	sshll.u32 s7, $0x10;
	v6 =	vmul.f32 $1.638400000e+04, v6;
	v7 =	vsel vm5, v9, v7;
	vm2 =	veq.s32 v20, s31  }
0x84: {  	s3 =	sshll.u32 s8, $0x5;
	s5 =	sshra.s32 s5, $0x1F;
	s7 =	sshra.s32 s7, $0x15;
	v7 =	vmul.f32 $1.638400000e+04, v7;
	v5 =	vsel vm2, v16, v5;
	vm3 =	veq.s32 v13, s31  }
0x85: {  	s6 =	sadd.s32 $0x100, s6;
	s3 =	sand.u32 $0xFFFFF800, s3;
	s5 =	sadd.s32 s7, s5;
	vm0 =	veq.s32 v21, s31;
	v9 =	vmul.f32 $1.638400000e+04, v5;
	v4 =	vsel vm3, v18, v4  }
0x86: {  	s14 =	ssub.s32 s6, s3;
	s3 =	sshra.s32 s9, $0x1F;
	v10 =	vtrunc.f32 v12;
	s7 =	sshll.u32 s5, $0xA;
	v3 =	vsel vm0, v19, v3;
	v11 =	vmul.f32 $1.638400000e+04, v4  }
0x87: {  	s11 =	sshra.s32 s13, $0x1F;
	s9 =	sshra.s32 s12, $0x1F;
	v8 =	vtrunc.f32 v8;
	s7 =	ssub.s32 s14, s7;
	v12 =	vmul.f32 $1.638400000e+04, v3;
	v3 =	vsel vm1, s4, v1  }
0x88: {  	s13 =	sshra.s32 s15, $0x1F;
	v13 =	vtrunc.f32 v6;
	s12 =	sshll.u32 s5, $0x9;
	v4 =	vsel vm4, s4, v1;
	v14 =	vtrunc.f32 v7;
	s7 =	sadd.s32 $0xFFFFFFE0, s7  }
0x89: {  	s31 =	sshrl.u32 s0, $0x6;
	v5 =	vsel vm5, s4, v1;
	s15 =	sand.u32 $0xFFFFFC00, s12;
	v9 =	vtrunc.f32 v9;
	v11 =	vtrunc.f32 v11;
	s7 =	sand.u32 $0xFFFFFF00, s7  }
0x8a: {  	v10 =	vcvt.f32.s32 v10;
	v6 =	vsel vm2, s4, v1;
	s5 =	sshll.u32 s5, $0x7;
	s12 =	sshll.u32 s31, $0xA;
	v12 =	vtrunc.f32 v12;
	s7 =	sadd.s32 s7, s15  }
0x8b: {  	s17 =	sshll.u32 s23, $0x10;
	v8 =	vcvt.f32.s32 v8;
	v13 =	vcvt.f32.s32 v13;
	v7 =	vsel vm3, s4, v1;
	s5 =	sand.u32 $0x80, s5;
	s15 =	sadd.s32 s12, s7  }
0x8c: {  	s26 =	sand.u32 $0x1F, s26;
	s3 =	sand.u32 $0x1F, s3;
	vm1 =	vgt.s32 v10, $0x0;
	v14 =	vcvt.f32.s32 v14;
	v9 =	vcvt.f32.s32 v9;
	s15 =	sor.u32 s5, s15  }
0x8d: {  	s11 =	sand.u32 $0x1F, s11;
	s9 =	sand.u32 $0x1F, s9;
	vm2 =	vgt.s32 v8, $0x0;
	v11 =	vcvt.f32.s32 v11;
	v12 =	vcvt.f32.s32 v12;
	s5 =	sor.u32 s5, s7;
	v15 =	vld [tilespmem:s15+$0x60]  }
0x8e: {  	s13 =	sand.u32 $0x1F, s13;
	vm3 =	vgt.s32 v13, $0x0;
	vm4 =	vgt.s32 v14, $0x0;
	vm5 =	vgt.s32 v9, $0x0;
	s7 =	sadd.s32 s26, s1;
	v16 =	vld [tilespmem:s5+$0xA860];
	s5 =	sshra.s32 s17, $0x1F  }
0x8f: {  	s11 =	sadd.s32 s11, s20;
	s3 =	sadd.s32 s3, s16;
	s9 =	sadd.s32 s9, s19;
	v10 =	vnsel vm1, $0x0, v10;
	vm1 =	vgt.s32 v11, $0x0;
	vm6 =	vgt.s32 v12, $0x0  }
0x90: {  	s13 =	sadd.s32 s13, s18;
	v8 =	vnsel vm2, $0x0, v8;
	v13 =	vnsel vm3, $0x0, v13;
	v14 =	vnsel vm4, $0x0, v14;
	s7 =	sshll.u32 s7, $0x10;
	s5 =	sand.u32 $0x1F, s5  }
0x91: {  	s11 =	sshll.u32 s11, $0x10;
	s3 =	sshll.u32 s3, $0x10;
	s9 =	sshll.u32 s9, $0x10;
	v9 =	vnsel vm5, $0x0, v9;
	v11 =	vnsel vm1, $0x0, v11;
	v12 =	vnsel vm6, $0x0, v12  }
0x92: {  	s13 =	sshll.u32 s13, $0x10;
	v10 =	vmin.u32 v10, $0x3FFF;
	v8 =	vmin.u32 v8, $0x3FFF;
	s7 =	sshra.s32 s7, $0x15;
	s5 =	sadd.s32 s5, s23;
	v17 =	vsub.f32 $1.000000000e+00, v15  }
0x93: {  	s11 =	sshra.s32 s11, $0x15;
	s3 =	sshra.s32 s3, $0x15;
	s9 =	sshra.s32 s9, $0x15;
	v13 =	vmin.u32 v13, $0x3FFF;
	v14 =	vmin.u32 v14, $0x3FFF;
	vm1 =	veq.s32 v16, s31  }
0x94: {  	s13 =	sshra.s32 s13, $0x15;
	s1 =	sshra.s32 s1, $0x1F;
	v9 =	vmin.u32 v9, $0x3FFF;
	v11 =	vmin.u32 v11, $0x3FFF;
	s5 =	sshll.u32 s5, $0x10;
	v15 =	vsel vm1, v17, v15  }
0x95: {  	s15 =	sshra.s32 s16, $0x1F;
	s17 =	sshra.s32 s19, $0x1F;
	s19 =	sshra.s32 s20, $0x1F;
	v12 =	vmin.u32 v12, $0x3FFF;
	v16 =	vshrl.u32 v10, $0x4;
	v15 =	vmul.f32 $1.638400000e+04, v15  }
0x96: {  	v18 =	vshrl.u32 v13, $0x4;
	v19 =	vshrl.u32 v14, $0x4;
	s16 =	sadd.s32 s3, s15;
	s3 =	sshra.s32 s18, $0x1F;
	s1 =	sadd.s32 s7, s1;
	v17 =	vshrl.u32 v8, $0x4  }
0x97: {  	v20 =	vshrl.u32 v9, $0x4;
	v21 =	vshrl.u32 v11, $0x4;
	s20 =	sadd.s32 s9, s17;
	s18 =	sadd.s32 s11, s19;
	s19 =	sadd.s32 s13, s3;
	v15 =	vtrunc.f32 v15  }
0x98: {  	s7 =	sshra.s32 s23, $0x1F;
	s3 =	sshll.u32 s1, $0xA;
	s5 =	sshra.s32 s5, $0x15;
	v10 =	vand.u32 $0xF, v10;
	v8 =	vand.u32 $0xF, v8;
	v15 =	vcvt.f32.s32 v15  }
0x99: {  	v13 =	vand.u32 $0xF, v13;
	v14 =	vand.u32 $0xF, v14;
	v9 =	vand.u32 $0xF, v9;
	s9 =	sshll.u32 s16, $0xA;
	s11 =	sshll.u32 s20, $0xA;
	s13 =	sshll.u32 s18, $0xA  }
0x9a: {  	v11 =	vand.u32 $0xF, v11;
	v22 =	vshrl.u32 v12, $0x4;
	s15 =	sshll.u32 s19, $0xA;
	s3 =	ssub.s32 s14, s3;
	s23 =	sadd.s32 s5, s7;
	vm2 =	vgt.s32 v15, $0x0  }
0x9b: {  	v23 =	vsel vm0, s4, v1;
	v12 =	vand.u32 $0xF, v12;
	s5 =	sadd.s32 $0x5400, s12;
	s7 =	ssub.s32 s14, s9;
	s9 =	ssub.s32 s14, s11;
	v15 =	vnsel vm2, $0x0, v15  }
0x9c: {  	s4 =	ssub.s32 s14, s13;
	v1 =	vmov s5;
	s5 =	ssub.s32 s14, s15;
	s11 =	sshll.u32 s23, $0xA;
	v2 =	vor.u32 v2, v16;
	v15 =	vmin.u32 v15, $0x3FFF  }
0x9d: {  	s3 =	sadd.s32 $0xFFFFFF40, s3;
	s7 =	sadd.s32 $0xFFFFFF60, s7;
	s9 =	sadd.s32 $0xFFFFFF80, s9;
	v16 =	vsel vm1, s12, v1;
	v3 =	vor.u32 v3, v17;
	v24 =	vshrl.u32 v15, $0x4  }
0x9e: {  	v4 =	vor.u32 v4, v18;
	v5 =	vor.u32 v5, v19;
	s13 =	sadd.s32 $0xFFFFFFA0, s4;
	s5 =	sadd.s32 $0xFFFFFFC0, s5;
	s11 =	ssub.s32 s14, s11;
	v16 =	vor.u32 v16, v24  }
0x9f: {  	v6 =	vor.u32 v6, v20;
	v7 =	vor.u32 v7, v21;
	s17 =	sshll.u32 s20, $0x9;
	s15 =	sshll.u32 s16, $0x9;
	v10 =	vor.u32 $0x20000, v10;
	s14 =	sshll.u32 s1, $0x9  }
0xa0: {  	v13 =	vor.u32 $0x20000, v13;
	v14 =	vor.u32 $0x20000, v14;
	s26 =	sshll.u32 s18, $0x9;
	s24 =	sshll.u32 s19, $0x9;
	s25 =	sshll.u32 s23, $0x9;
	v8 =	vor.u32 $0x20000, v8  }
0xa1: {  	s4 =	sshrl.u32 s10, $0x5;
	s3 =	sand.u32 $0xFFFFFF00, s3;
	s7 =	sand.u32 $0xFFFFFF00, s7;
	v15 =	vand.u32 $0xF, v15;
	[tilespmem:v2+s28+$0x0] =	vst.idx.add.s32.msk $0xffff, v10;
	v2 =	vor.u32 $0x20000, v9;
	v9 =	vor.u32 $0x20000, v11  }
0xa2: {  	s13 =	sand.u32 $0xFFFFFF00, s13;
	s9 =	sand.u32 $0xFFFFFF00, s9;
	s5 =	sand.u32 $0xFFFFFF00, s5;
	v10 =	vor.u32 $0x20000, v15;
	v11 =	vor.u32 $0x20000, v12;
	v12 =	vor.u32 v23, v22;
	[tilespmem:v3+s28+$0x0] =	vst.idx.add.s32.msk $0xffff, v8  }
0xa3: {  	s15 =	sand.u32 $0xFFFFFC00, s15;
	s14 =	sand.u32 $0xFFFFFC00, s14;
	s11 =	sand.u32 $0xFFFFFF00, s11;
	[tilespmem:v16+s28+$0x0] =	vst.idx.add.s32.msk $0xffff, v10  }
0xa4: {  	s17 =	sand.u32 $0xFFFFFC00, s17;
	s26 =	sand.u32 $0xFFFFFC00, s26;
	s24 =	sand.u32 $0xFFFFFC00, s24;
	[tilespmem:v4+s28+$0x0] =	vst.idx.add.s32.msk $0xffff, v13  }
0xa5: {  	s10 =	sshll.u32 s10, $0x5;
	s29 =	sshll.u32 s4, $0xA;
	s25 =	sand.u32 $0xFFFFFC00, s25;
	[tilespmem:v5+s28+$0x0] =	vst.idx.add.s32.msk $0xffff, v14  }
0xa6: {  	s7 =	sadd.s32 s7, s15;
	s9 =	sadd.s32 s9, s17;
	s3 =	sadd.s32 s3, s14;
	[tilespmem:v6+s28+$0x0] =	vst.idx.add.s32.msk $0xffff, v2  }
0xa7: {  	s13 =	sadd.s32 s13, s26;
	s5 =	sadd.s32 s5, s24;
	s11 =	sadd.s32 s11, s25;
	[tilespmem:v7+s28+$0x0] =	vst.idx.add.s32.msk $0xffff, v9  }
0xa8: {  	s1 =	sshll.u32 s1, $0x7;
	s15 =	sshll.u32 s20, $0x7;
	s14 =	sshll.u32 s16, $0x7;
	[tilespmem:v12+s28+$0x0] =	vst.idx.add.s32.msk $0xffff, v11  }
0xa9: {  	s17 =	sshll.u32 s19, $0x7;
	s16 =	sshll.u32 s18, $0x7;
	s18 =	sshll.u32 s23, $0x7  }
0xaa: {  	s20 =	ssub.s32 s10, s29;
	s19 =	sadd.s32 s12, s7;
	s10 =	sadd.s32 s12, s3  }
0xab: {  	s23 =	sadd.s32 s12, s9;
	s24 =	sadd.s32 s12, s13;
	s25 =	sadd.s32 s12, s5  }
0xac: {  	s1 =	sand.u32 $0x80, s1;
	s14 =	sand.u32 $0x80, s14;
	s26 =	sadd.s32 s12, s11  }
0xad: {  	s15 =	sand.u32 $0x80, s15;
	s17 =	sand.u32 $0x80, s17;
	s16 =	sand.u32 $0x80, s16  }
0xae: {  	s4 =	sshll.u32 s4, $0x7;
	s29 =	sadd.s32 s20, s12;
	s18 =	sand.u32 $0x80, s18  }
0xaf: {  	s23 =	sor.u32 s15, s23;
	s10 =	sor.u32 s1, s10;
	s19 =	sor.u32 s14, s19  }
0xb0: {  	s24 =	sor.u32 s16, s24;
	s25 =	sor.u32 s17, s25;
	s26 =	sor.u32 s18, s26;
	v2 =	vld [tilespmem:s10+$0x10]  }
0xb1: {  	s29 =	sor.u32 s4, s29;
	s3 =	sor.u32 s1, s3;
	s7 =	sor.u32 s14, s7;
	v8 =	vld [tilespmem:s19+$0x20]  }
0xb2: {  	s1 =	sor.u32 s16, s13;
	s10 =	sor.u32 s15, s9;
	s19 =	sor.u32 s17, s5;
	v6 =	vld [tilespmem:s23+$0x30]  }
0xb3: {  	p0 =	slt.u32 s0, $0x538;
	s14 =	sor.u32 s4, s20;
	s18 =	sor.u32 s18, s11;
	v7 =	vld [tilespmem:s24+$0x40]  }
.Ltmp3:
0xb4: {  	s4 =	smov.u32 s12;
	v5 =	vld [tilespmem:s25+$0x50];
	(pc) =	sbr.rel @p0 .LBB2_8-.Ltmp3, $4  }
0xb5: {  	v12 =	vsub.f32 $1.000000000e+00, v2;
	v4 =	vld [tilespmem:s26+$0x70]  }
0xb6: {  	v3 =	vld [tilespmem:s29+$0x0];
	v11 =	vsub.f32 $1.000000000e+00, v8  }
0xb7: {  	v13 =	vld [tilespmem:s3+$0xA810];
	v10 =	vsub.f32 $1.000000000e+00, v6  }
0xb8: {  	s8 =	sadd.s32 $0x8, s8;
	v14 =	vld [tilespmem:s7+$0xA820];
	v9 =	vsub.f32 $1.000000000e+00, v7  }
0xb9: {  	v15 =	vld [tilespmem:s10+$0xA830]  }
0xba: {  	v16 =	vld [tilespmem:s1+$0xA840]  }
0xbb: {  	v17 =	vld [tilespmem:s19+$0xA850]  }
0xbc: {  	v50 =	vld [tilespmem:s18+$0xA870]  }
0xbd: {  	v21 =	vld [tilespmem:s14+$0xA800]  }
0xbe: {  	v18 =	vsub.f32 $1.000000000e+00, v5;
	v19 =	vsub.f32 $1.000000000e+00, v4;
	vm1 =	veq.s32 v13, s31  }
0xbf: {  	v20 =	vsub.f32 $1.000000000e+00, v3;
	v2 =	vsel vm1, v12, v2;
	vm2 =	veq.s32 v14, s31  }
0xc0: {  	v51 =	vsel vm1, s4, v1;
	v2 =	vmul.f32 $1.638400000e+04, v2;
	v8 =	vsel vm2, v11, v8  }
0xc1: {  	vm3 =	veq.s32 v15, s31;
	vm4 =	veq.s32 v16, s31;
	vm5 =	veq.s32 v17, s31  }
0xc2: {  	vm6 =	veq.s32 v50, s31;
	vm0 =	veq.s32 v21, s31;
	v8 =	vmul.f32 $1.638400000e+04, v8  }
0xc3: {  	v6 =	vsel vm3, v10, v6;
	v7 =	vsel vm4, v9, v7;
	v5 =	vsel vm5, v18, v5  }
0xc4: {  	v4 =	vsel vm6, v19, v4;
	v6 =	vmul.f32 $1.638400000e+04, v6;
	v7 =	vmul.f32 $1.638400000e+04, v7  }
0xc5: {  	v3 =	vsel vm0, v20, v3;
	v5 =	vmul.f32 $1.638400000e+04, v5;
	v2 =	vtrunc.f32 v2  }
0xc6: {  	v52 =	vsel vm2, s4, v1;
	v4 =	vmul.f32 $1.638400000e+04, v4;
	v3 =	vmul.f32 $1.638400000e+04, v3  }
0xc7: {  	v53 =	vsel vm3, s4, v1;
	v8 =	vtrunc.f32 v8;
	v2 =	vcvt.f32.s32 v2  }
0xc8: {  	v54 =	vsel vm4, s4, v1;
	v6 =	vtrunc.f32 v6;
	v7 =	vtrunc.f32 v7  }
0xc9: {  	v55 =	vsel vm5, s4, v1;
	v5 =	vtrunc.f32 v5;
	v4 =	vtrunc.f32 v4  }
0xca: {  	v56 =	vsel vm6, s4, v1;
	v3 =	vtrunc.f32 v3;
	v8 =	vcvt.f32.s32 v8  }
0xcb: {  	v1 =	vsel vm0, s4, v1;
	v6 =	vcvt.f32.s32 v6;
	v7 =	vcvt.f32.s32 v7  }
0xcc: {  	vm9 =	vgt.s32 v2, $0x0;
	v5 =	vcvt.f32.s32 v5;
	v3 =	vcvt.f32.s32 v3  }
0xcd: {  	v4 =	vcvt.f32.s32 v4;
	vm10 =	vgt.s32 v8, $0x0;
	v2 =	vnsel vm9, $0x0, v2  }
0xce: {  	vm11 =	vgt.s32 v6, $0x0;
	vm12 =	vgt.s32 v7, $0x0;
	vm13 =	vgt.s32 v5, $0x0  }
0xcf: {  	vm14 =	vgt.s32 v3, $0x0;
	vm15 =	vgt.s32 v4, $0x0;
	v8 =	vnsel vm10, $0x0, v8  }
0xd0: {  	v2 =	vmin.u32 v2, $0x3FFF;
	v6 =	vnsel vm11, $0x0, v6;
	v7 =	vnsel vm12, $0x0, v7  }
0xd1: {  	v3 =	vnsel vm14, $0x0, v3;
	v5 =	vnsel vm13, $0x0, v5;
	v4 =	vnsel vm15, $0x0, v4  }
0xd2: {  	v8 =	vmin.u32 v8, $0x3FFF;
	v57 =	vshrl.u32 v2, $0x4;
	v2 =	vand.u32 $0xF, v2  }
0xd3: {  	v6 =	vmin.u32 v6, $0x3FFF;
	v7 =	vmin.u32 v7, $0x3FFF;
	v5 =	vmin.u32 v5, $0x3FFF  }
0xd4: {  	v4 =	vmin.u32 v4, $0x3FFF;
	v58 =	vshrl.u32 v8, $0x4;
	v9 =	vor.u32 v51, v57  }
0xd5: {  	v3 =	vmin.u32 v3, $0x3FFF;
	v59 =	vshrl.u32 v6, $0x4;
	v10 =	vor.u32 v52, v58  }
0xd6: {  	v8 =	vand.u32 $0xF, v8;
	v60 =	vshrl.u32 v7, $0x4;
	v11 =	vor.u32 v53, v59  }
0xd7: {  	v2 =	vor.u32 $0x20000, v2;
	v61 =	vshrl.u32 v5, $0x4;
	v12 =	vor.u32 v54, v60  }
0xd8: {  	v62 =	vshrl.u32 v4, $0x4;
	v6 =	vand.u32 $0xF, v6;
	v13 =	vor.u32 v55, v61  }
0xd9: {  	v63 =	vshrl.u32 v3, $0x4;
	v8 =	vor.u32 $0x20000, v8;
	v14 =	vor.u32 v56, v62;
	[tilespmem:v9+s28+$0x0] =	vst.idx.add.s32.msk $0xffff, v2  }
0xda: {  	v6 =	vor.u32 $0x20000, v6;
	v1 =	vor.u32 v1, v63;
	v2 =	vand.u32 $0xF, v7;
	[tilespmem:v10+s28+$0x0] =	vst.idx.add.s32.msk $0xffff, v8  }
0xdb: {  	v5 =	vand.u32 $0xF, v5;
	v2 =	vor.u32 $0x20000, v2;
	[tilespmem:v11+s28+$0x0] =	vst.idx.add.s32.msk $0xffff, v6  }
0xdc: {  	v4 =	vand.u32 $0xF, v4;
	v5 =	vor.u32 $0x20000, v5;
	[tilespmem:v12+s28+$0x0] =	vst.idx.add.s32.msk $0xffff, v2  }
0xdd: {  	v2 =	vand.u32 $0xF, v3;
	v3 =	vor.u32 $0x20000, v4;
	[tilespmem:v13+s28+$0x0] =	vst.idx.add.s32.msk $0xffff, v5  }
0xde: {  	v2 =	vor.u32 $0x20000, v2;
	[tilespmem:v14+s28+$0x0] =	vst.idx.add.s32.msk $0xffff, v3  }
0xdf: {  	s0 =	simm.s32 $0x2;
	[tilespmem:v1+s28+$0x0] =	vst.idx.add.s32.msk $0xffff, v2  }
0xe0: {  	_ =	swait.ge [sflag:s0], $0x5400  }
0xe1: {  	[sflag:s0] =	ssyncset.done $0x0  }
0xe2: {  	[sflag:s0] =	ssyncadd.s32 $0xFFFFAC00  }
0xe3: {  	_ =	swait.ge [sflag:s30], $0x400  }
0xe4: {  	s6 =	simm.s32 $0x0;
	[sflag:s30] =	ssyncset.done $0x0;
	s4 =	rddreg [dreg:$0x7]  }
0xe5: {  	s0 =	simm.s32 $0x1000;
	[sflag:s30] =	ssyncadd.s32 $0xFFFFFC00;
	s1 =	sadd.s32 $0x8000, s4  }
.LBB2_10:
0xe6: {  	[tilespmem:s6], [sflag:$0x1] =	stream.strided.gather [hbm4b:s4+s21], $0x400, s22, s21, $0x38;
	[tilespmem:$0x15800] =	vst v63  }
0xe7: {  	s3 =	smov.u32 s0;
	s4 =	smov.u32 s1;
	p0 =	sne.s32 s0, $0x14000  }
.Ltmp4:
0xe8: {  	s0 =	sadd.s32 $0x1000, s0;
	(pc) =	sbr.rel @p0 .LBB2_10-.Ltmp4, $2  }
0xe9: {  	_ =	sdelay $0x2  }
0xea: {  	s1 =	sadd.s32 $0x8000, s1;
	s6 =	sshra.s32 s3, $0x2  }
0xeb: {  	[tilespmem:s6], [sflag:$0x1] =	stream.strided.gather [hbm4b:s4+s21], $0x400, s22, s21, $0x38;
	[tilespmem:$0x15800] =	vst v63  }
0xec: {  	s0 =	rddreg [dreg:$0x8];
	s1 =	simm.s32 $0xA800  }
0xed: {  	s19 =	simm.s32 $0x0;
	s15 =	simm.s32 $0x0;
	s31 =	simm.s32 $0x0  }
0xee: {  	[tilespmem:s1], [sflag:$0x3] =	stream.strided.gather [hbm4b:s0+s21], $0x400, s22, s21, $0x38;
	[tilespmem:$0x15800] =	vst v63  }
0xef: {  	s3 =	sand.u32 $0xFFFFFFC0, s19;
	s15 =	sand.u32 $0xFFFFF800, s15;
	s0 =	simm.s32 $0x0  }
0xf0: {  	s20 =	ssub.s32 $0x0, s3;
	s3 =	ssub.s32 $0xFFFFFFF8, s3;
	s1 =	sand.u32 $0x38, s0  }
0xf1: {  	s12 =	sadd.s32 $0x1, s20;
	s5 =	sadd.s32 $0x6, s20;
	s8 =	sadd.s32 $0x2, s20  }
0xf2: {  	s10 =	sadd.s32 $0xB, s3;
	s14 =	sadd.s32 $0xC, s3;
	s16 =	sadd.s32 $0x5, s20  }
0xf3: {  	s3 =	sadd.s32 $0xF, s3;
	s23 =	sshll.u32 s5, $0x10;
	s7 =	sshll.u32 s12, $0x10  }
0xf4: {  	s24 =	sshll.u32 s8, $0x10;
	s9 =	sshll.u32 s10, $0x10;
	s11 =	sshll.u32 s14, $0x10  }
0xf5: {  	s13 =	sshll.u32 s16, $0x10;
	s19 =	sshll.u32 s3, $0x10;
	s6 =	sshra.s32 s23, $0x1F  }
0xf6: {  	s7 =	sshra.s32 s7, $0x1F;
	s25 =	sshra.s32 s24, $0x1F;
	s9 =	sshra.s32 s9, $0x1F  }
0xf7: {  	s11 =	sshra.s32 s11, $0x1F;
	s13 =	sshra.s32 s13, $0x1F;
	s29 =	sshra.s32 s19, $0x1F  }
0xf8: {  	s6 =	sand.u32 $0x1F, s6;
	s7 =	sand.u32 $0x1F, s7;
	s9 =	sand.u32 $0x1F, s9  }
0xf9: {  	s11 =	sand.u32 $0x1F, s11;
	s13 =	sand.u32 $0x1F, s13;
	s6 =	sadd.s32 s6, s5  }
0xfa: {  	s5 =	sshra.s32 s5, $0x1F;
	s7 =	sadd.s32 s7, s12;
	s9 =	sadd.s32 s9, s10  }
0xfb: {  	s11 =	sadd.s32 s11, s14;
	s13 =	sadd.s32 s13, s16;
	s12 =	sshra.s32 s12, $0x1F  }
0xfc: {  	s10 =	sshra.s32 s10, $0x1F;
	s14 =	sshra.s32 s14, $0x1F;
	s6 =	sshll.u32 s6, $0x10  }
0xfd: {  	s7 =	sshll.u32 s7, $0x10;
	s9 =	sshll.u32 s9, $0x10;
	s11 =	sshll.u32 s11, $0x10  }
0xfe: {  	s13 =	sshll.u32 s13, $0x10;
	s6 =	sshra.s32 s6, $0x15;
	s7 =	sshra.s32 s7, $0x15  }
0xff: {  	s9 =	sshra.s32 s9, $0x15;
	s11 =	sshra.s32 s11, $0x15;
	s13 =	sshra.s32 s13, $0x15  }
0x100: {  	s5 =	sadd.s32 s6, s5;
	s6 =	ssub.s32 $0xE0, s15;
	s15 =	sand.u32 $0x1F, s25  }
0x101: {  	s7 =	sadd.s32 s7, s12;
	s9 =	sadd.s32 s9, s10;
	s11 =	sadd.s32 s11, s14  }
0x102: {  	s10 =	simm.s32 $0x5400;
	s26 =	sshll.u32 s5, $0xA;
	s17 =	sshll.u32 s5, $0x9  }
0x103: {  	s5 =	sshll.u32 s5, $0x7;
	s15 =	sadd.s32 s15, s8;
	s8 =	sshra.s32 s8, $0x1F  }
0x104: {  	s23 =	sshll.u32 s9, $0xA;
	s24 =	sshll.u32 s11, $0xA;
	s4 =	ssub.s32 s6, s26  }
0x105: {  	s17 =	sand.u32 $0xFFFFFC00, s17;
	s15 =	sshll.u32 s15, $0x10;
	s4 =	sadd.s32 $0xFFFFFFE0, s4  }
0x106: {  	s5 =	sand.u32 $0x80, s5;
	s15 =	sshra.s32 s15, $0x15;
	s18 =	sand.u32 $0xFFFFFF00, s4  }
0x107: {  	s4 =	simm.s32 $0x0;
	s12 =	sadd.s32 s15, s8;
	s15 =	sshra.s32 s16, $0x1F  }
0x108: {  	s16 =	sshll.u32 s7, $0xA;
	s17 =	sadd.s32 s18, s17;
	s13 =	sadd.s32 s13, s15  }
0x109: {  	s20 =	sshll.u32 s12, $0xA;
	s8 =	ssub.s32 s6, s16;
	s15 =	ssub.s32 s6, s23  }
0x10a: {  	s16 =	ssub.s32 s6, s24;
	s23 =	sshll.u32 s12, $0x9;
	s24 =	sshll.u32 s9, $0x9  }
0x10b: {  	s12 =	sshll.u32 s12, $0x7;
	s9 =	sshll.u32 s9, $0x7;
	s18 =	sadd.s32 $0x0, s17  }
0x10c: {  	s25 =	sshll.u32 s13, $0xA;
	s14 =	ssub.s32 s6, s20;
	s8 =	sadd.s32 $0xFFFFFF40, s8  }
0x10d: {  	s15 =	sadd.s32 $0xFFFFFF80, s15;
	s16 =	sadd.s32 $0xFFFFFFA0, s16;
	s12 =	sand.u32 $0x80, s12  }
0x10e: {  	s9 =	sand.u32 $0x80, s9;
	s18 =	sor.u32 s5, s18;
	s5 =	sor.u32 s5, s17  }
0x10f: {  	s17 =	sand.u32 $0x1F, s29;
	s14 =	sadd.s32 $0xFFFFFF60, s14;
	s29 =	sshll.u32 s7, $0x9  }
0x110: {  	s15 =	sand.u32 $0xFFFFFF00, s15;
	s16 =	sand.u32 $0xFFFFFF00, s16;
	s7 =	sshll.u32 s7, $0x7;
	v1 =	vld [tilespmem:s18+$0x5460]  }
0x111: {  	s17 =	sadd.s32 s17, s3;
	s3 =	sshra.s32 s3, $0x1F;
	v2 =	vld [tilespmem:s5+$0xAC60];
	s20 =	sand.u32 $0xFFFFFC00, s29  }
0x112: {  	s29 =	sshll.u32 s13, $0x9;
	s13 =	sshll.u32 s13, $0x7;
	s17 =	sshll.u32 s17, $0x10  }
0x113: {  	s7 =	sand.u32 $0x80, s7;
	s13 =	sand.u32 $0x80, s13;
	s19 =	sshra.s32 s17, $0x15  }
0x114: {  	s17 =	ssub.s32 s6, s25;
	s25 =	sand.u32 $0xFFFFFF00, s14;
	s3 =	sadd.s32 s19, s3  }
0x115: {  	s14 =	sand.u32 $0xFFFFFC00, s29;
	s17 =	sadd.s32 $0xFFFFFFC0, s17;
	s26 =	sshll.u32 s3, $0xA;
	v3 =	vsub.f32 $1.000000000e+00, v1  }
0x116: {  	s19 =	sand.u32 $0xFFFFFF00, s8;
	s17 =	sand.u32 $0xFFFFFF00, s17;
	s5 =	ssub.s32 s6, s26;
	vm0 =	veq.s32 v2, s31  }
0x117: {  	s6 =	sadd.s32 s19, s20;
	s20 =	sshll.u32 s11, $0x9;
	s26 =	sand.u32 $0xFFFFFC00, s23;
	v1 =	vsel vm0, v3, v1  }
0x118: {  	s19 =	sand.u32 $0xFFFFFC00, s24;
	s23 =	sshll.u32 s3, $0x9;
	s14 =	sadd.s32 s17, s14;
	v1 =	vmul.f32 $1.638400000e+04, v1  }
0x119: {  	s11 =	sshll.u32 s11, $0x7;
	s8 =	sadd.s32 s25, s26;
	s20 =	sand.u32 $0xFFFFFC00, s20  }
0x11a: {  	s15 =	sadd.s32 s15, s19;
	s19 =	sshrl.u32 s1, $0x5;
	s5 =	sand.u32 $0xFFFFFF00, s5;
	v1 =	vtrunc.f32 v1  }
0x11b: {  	s18 =	sand.u32 $0xFFFFFC00, s23;
	s1 =	sshll.u32 s1, $0x5;
	s25 =	sadd.s32 $0x0, s6;
	v1 =	vcvt.f32.s32 v1  }
0x11c: {  	s6 =	sor.u32 s7, s6;
	s16 =	sadd.s32 s16, s20;
	s24 =	sshll.u32 s19, $0xA  }
0x11d: {  	s26 =	sadd.s32 $0x0, s8;
	v13 =	vld [tilespmem:s6+$0xAC10];
	s17 =	ssub.s32 s1, s24;
	s1 =	sor.u32 s7, s25;
	vm1 =	vgt.s32 v1, $0x0  }
0x11e: {  	s5 =	sadd.s32 s5, s18;
	s29 =	sadd.s32 $0x0, s15;
	s18 =	sor.u32 s12, s26;
	v2 =	vld [tilespmem:s1+$0x5410];
	v3 =	vnsel vm1, $0x0, v1  }
0x11f: {  	s11 =	sand.u32 $0x80, s11;
	s20 =	sadd.s32 $0x0, s16;
	v8 =	vld [tilespmem:s18+$0x5420];
	s1 =	sor.u32 s9, s29;
	v1 =	vmov s10;
	v9 =	vmin.u32 v3, $0x3FFF  }
0x120: {  	s3 =	sshll.u32 s3, $0x7;
	s23 =	sadd.s32 $0x0, s14;
	v6 =	vld [tilespmem:s1+$0x5430];
	s10 =	sor.u32 s11, s20;
	v3 =	vsel vm0, s4, v1;
	v4 =	vshrl.u32 v9, $0x4  }
0x121: {  	s3 =	sand.u32 $0x80, s3;
	s24 =	sadd.s32 $0x0, s5;
	s1 =	sor.u32 s13, s23;
	v7 =	vld [tilespmem:s10+$0x5440];
	v10 =	vor.u32 v3, v4  }
0x122: {  	s25 =	sshll.u32 s19, $0x7;
	s26 =	sadd.s32 $0x0, s17;
	v5 =	vld [tilespmem:s1+$0x5450];
	s10 =	sor.u32 s3, s24  }
0x123: {  	s1 =	sor.u32 s25, s26;
	v4 =	vld [tilespmem:s10+$0x5470]  }
0x124: {  	s6 =	simm.s32 $0xE0;
	s29 =	sor.u32 s12, s8;
	v9 =	vand.u32 $0xF, v9;
	v3 =	vld [tilespmem:s1+$0x5400]  }
0x125: {  	s19 =	sor.u32 s13, s14;
	s14 =	sor.u32 s25, s17;
	s18 =	sor.u32 s3, s5;
	v14 =	vld [tilespmem:s29+$0xAC20];
	v12 =	vsub.f32 $1.000000000e+00, v2;
	v11 =	vsub.f32 $1.000000000e+00, v8;
	v9 =	vor.u32 $0x20000, v9  }
0x126: {  	s8 =	simm.s32 $0x8;
	s10 =	sor.u32 s9, s15;
	s1 =	sor.u32 s11, s16;
	[tilespmem:v10+s28+$0x0] =	vst.idx.add.s32.msk $0xffff, v9;
	v10 =	vsub.f32 $1.000000000e+00, v6;
	v9 =	vsub.f32 $1.000000000e+00, v7  }
.LBB2_12:
0x127: {  	s3 =	sand.u32 $0xFFFFFFC0, s8;
	v15 =	vld [tilespmem:s10+$0xAC30];
	v16 =	vsub.f32 $1.000000000e+00, v5;
	s5 =	smov.u32 s0;
	s0 =	sadd.s32 $0x8, s0  }
0x128: {  	s10 =	sand.u32 $0x38, s0;
	s7 =	ssub.s32 s0, s3;
	s3 =	ssub.s32 s5, s3;
	v17 =	vld [tilespmem:s1+$0xAC40];
	v18 =	vsub.f32 $1.000000000e+00, v4  }
0x129: {  	s1 =	sadd.s32 $0x1, s7;
	s16 =	sadd.s32 $0x2, s7;
	s5 =	sadd.s32 $0x6, s7;
	v19 =	vsub.f32 $1.000000000e+00, v3;
	v20 =	vld [tilespmem:s19+$0xAC50]  }
0x12a: {  	s19 =	sadd.s32 $0xB, s3;
	s20 =	sadd.s32 $0xC, s3;
	s9 =	sshll.u32 s5, $0x10;
	vm0 =	veq.s32 v13, s31;
	v13 =	vld [tilespmem:s18+$0xAC70]  }
0x12b: {  	s11 =	sshll.u32 s1, $0x10;
	s18 =	sadd.s32 $0x5, s7;
	s7 =	sshra.s32 s9, $0x1F;
	v21 =	vld [tilespmem:s14+$0xAC00];
	v12 =	vsel vm0, v12, v2;
	v2 =	vsel vm0, s4, v1;
	vm1 =	veq.s32 v14, s31  }
0x12c: {  	s12 =	sshll.u32 s19, $0x10;
	s9 =	sshll.u32 s16, $0x10;
	s7 =	sand.u32 $0x1F, s7;
	v12 =	vmul.f32 $1.638400000e+04, v12;
	v8 =	vsel vm1, v11, v8;
	vm4 =	veq.s32 v15, s31  }
0x12d: {  	s13 =	sshll.u32 s20, $0x10;
	s15 =	sshll.u32 s18, $0x10;
	s7 =	sadd.s32 s7, s5;
	v8 =	vmul.f32 $1.638400000e+04, v8;
	v6 =	vsel vm4, v10, v6;
	vm5 =	veq.s32 v17, s31  }
0x12e: {  	s23 =	sadd.s32 $0xF, s3;
	s26 =	sshra.s32 s11, $0x1F;
	s7 =	sshll.u32 s7, $0x10;
	v6 =	vmul.f32 $1.638400000e+04, v6;
	v7 =	vsel vm5, v9, v7;
	vm2 =	veq.s32 v20, s31  }
0x12f: {  	s3 =	sshll.u32 s8, $0x5;
	s5 =	sshra.s32 s5, $0x1F;
	s7 =	sshra.s32 s7, $0x15;
	v7 =	vmul.f32 $1.638400000e+04, v7;
	v5 =	vsel vm2, v16, v5;
	vm3 =	veq.s32 v13, s31  }
0x130: {  	s6 =	sadd.s32 $0x100, s6;
	s3 =	sand.u32 $0xFFFFF800, s3;
	s5 =	sadd.s32 s7, s5;
	vm0 =	veq.s32 v21, s31;
	v9 =	vmul.f32 $1.638400000e+04, v5;
	v4 =	vsel vm3, v18, v4  }
0x131: {  	s14 =	ssub.s32 s6, s3;
	s3 =	sshra.s32 s9, $0x1F;
	v10 =	vtrunc.f32 v12;
	s7 =	sshll.u32 s5, $0xA;
	v3 =	vsel vm0, v19, v3;
	v11 =	vmul.f32 $1.638400000e+04, v4  }
0x132: {  	s11 =	sshra.s32 s13, $0x1F;
	s9 =	sshra.s32 s12, $0x1F;
	v8 =	vtrunc.f32 v8;
	s7 =	ssub.s32 s14, s7;
	v12 =	vmul.f32 $1.638400000e+04, v3;
	v3 =	vsel vm1, s4, v1  }
0x133: {  	s13 =	sshra.s32 s15, $0x1F;
	v13 =	vtrunc.f32 v6;
	s12 =	sshll.u32 s5, $0x9;
	v4 =	vsel vm4, s4, v1;
	v14 =	vtrunc.f32 v7;
	s7 =	sadd.s32 $0xFFFFFFE0, s7  }
0x134: {  	s31 =	sshrl.u32 s0, $0x6;
	v5 =	vsel vm5, s4, v1;
	s15 =	sand.u32 $0xFFFFFC00, s12;
	v9 =	vtrunc.f32 v9;
	v11 =	vtrunc.f32 v11;
	s7 =	sand.u32 $0xFFFFFF00, s7  }
0x135: {  	v10 =	vcvt.f32.s32 v10;
	v6 =	vsel vm2, s4, v1;
	s5 =	sshll.u32 s5, $0x7;
	s12 =	sshll.u32 s31, $0xA;
	v12 =	vtrunc.f32 v12;
	s7 =	sadd.s32 s7, s15  }
0x136: {  	s17 =	sshll.u32 s23, $0x10;
	v8 =	vcvt.f32.s32 v8;
	v13 =	vcvt.f32.s32 v13;
	v7 =	vsel vm3, s4, v1;
	s5 =	sand.u32 $0x80, s5;
	s15 =	sadd.s32 s12, s7  }
0x137: {  	s24 =	sand.u32 $0x1F, s26;
	s3 =	sand.u32 $0x1F, s3;
	vm1 =	vgt.s32 v10, $0x0;
	v14 =	vcvt.f32.s32 v14;
	v9 =	vcvt.f32.s32 v9;
	s15 =	sor.u32 s5, s15  }
0x138: {  	s11 =	sand.u32 $0x1F, s11;
	s9 =	sand.u32 $0x1F, s9;
	vm2 =	vgt.s32 v8, $0x0;
	v11 =	vcvt.f32.s32 v11;
	v12 =	vcvt.f32.s32 v12;
	s5 =	sor.u32 s5, s7;
	v15 =	vld [tilespmem:s15+$0x5460]  }
0x139: {  	s13 =	sand.u32 $0x1F, s13;
	vm3 =	vgt.s32 v13, $0x0;
	vm4 =	vgt.s32 v14, $0x0;
	vm5 =	vgt.s32 v9, $0x0;
	s7 =	sadd.s32 s24, s1;
	v16 =	vld [tilespmem:s5+$0xAC60];
	s5 =	sshra.s32 s17, $0x1F  }
0x13a: {  	s11 =	sadd.s32 s11, s20;
	s3 =	sadd.s32 s3, s16;
	s9 =	sadd.s32 s9, s19;
	v10 =	vnsel vm1, $0x0, v10;
	vm1 =	vgt.s32 v11, $0x0;
	vm6 =	vgt.s32 v12, $0x0  }
0x13b: {  	s13 =	sadd.s32 s13, s18;
	v8 =	vnsel vm2, $0x0, v8;
	v13 =	vnsel vm3, $0x0, v13;
	v14 =	vnsel vm4, $0x0, v14;
	s7 =	sshll.u32 s7, $0x10;
	s5 =	sand.u32 $0x1F, s5  }
0x13c: {  	s11 =	sshll.u32 s11, $0x10;
	s3 =	sshll.u32 s3, $0x10;
	s9 =	sshll.u32 s9, $0x10;
	v9 =	vnsel vm5, $0x0, v9;
	v11 =	vnsel vm1, $0x0, v11;
	v12 =	vnsel vm6, $0x0, v12  }
0x13d: {  	s13 =	sshll.u32 s13, $0x10;
	v10 =	vmin.u32 v10, $0x3FFF;
	v8 =	vmin.u32 v8, $0x3FFF;
	s7 =	sshra.s32 s7, $0x15;
	s5 =	sadd.s32 s5, s23;
	v17 =	vsub.f32 $1.000000000e+00, v15  }
0x13e: {  	s11 =	sshra.s32 s11, $0x15;
	s3 =	sshra.s32 s3, $0x15;
	s9 =	sshra.s32 s9, $0x15;
	v13 =	vmin.u32 v13, $0x3FFF;
	v14 =	vmin.u32 v14, $0x3FFF;
	vm1 =	veq.s32 v16, s31  }
0x13f: {  	s13 =	sshra.s32 s13, $0x15;
	s1 =	sshra.s32 s1, $0x1F;
	v9 =	vmin.u32 v9, $0x3FFF;
	v11 =	vmin.u32 v11, $0x3FFF;
	s5 =	sshll.u32 s5, $0x10;
	v15 =	vsel vm1, v17, v15  }
0x140: {  	s15 =	sshra.s32 s16, $0x1F;
	s17 =	sshra.s32 s19, $0x1F;
	s19 =	sshra.s32 s20, $0x1F;
	v12 =	vmin.u32 v12, $0x3FFF;
	v16 =	vshrl.u32 v10, $0x4;
	v15 =	vmul.f32 $1.638400000e+04, v15  }
0x141: {  	v18 =	vshrl.u32 v13, $0x4;
	v19 =	vshrl.u32 v14, $0x4;
	s16 =	sadd.s32 s3, s15;
	s3 =	sshra.s32 s18, $0x1F;
	s1 =	sadd.s32 s7, s1;
	v17 =	vshrl.u32 v8, $0x4  }
0x142: {  	v20 =	vshrl.u32 v9, $0x4;
	v21 =	vshrl.u32 v11, $0x4;
	s20 =	sadd.s32 s9, s17;
	s18 =	sadd.s32 s11, s19;
	s19 =	sadd.s32 s13, s3;
	v15 =	vtrunc.f32 v15  }
0x143: {  	s7 =	sshra.s32 s23, $0x1F;
	s3 =	sshll.u32 s1, $0xA;
	s5 =	sshra.s32 s5, $0x15;
	v10 =	vand.u32 $0xF, v10;
	v8 =	vand.u32 $0xF, v8;
	v15 =	vcvt.f32.s32 v15  }
0x144: {  	v13 =	vand.u32 $0xF, v13;
	v14 =	vand.u32 $0xF, v14;
	v9 =	vand.u32 $0xF, v9;
	s9 =	sshll.u32 s16, $0xA;
	s11 =	sshll.u32 s20, $0xA;
	s13 =	sshll.u32 s18, $0xA  }
0x145: {  	v11 =	vand.u32 $0xF, v11;
	v22 =	vshrl.u32 v12, $0x4;
	s15 =	sshll.u32 s19, $0xA;
	s3 =	ssub.s32 s14, s3;
	s23 =	sadd.s32 s5, s7;
	vm2 =	vgt.s32 v15, $0x0  }
0x146: {  	v23 =	vsel vm0, s4, v1;
	v12 =	vand.u32 $0xF, v12;
	s5 =	sadd.s32 $0x5400, s12;
	s7 =	ssub.s32 s14, s9;
	s9 =	ssub.s32 s14, s11;
	v15 =	vnsel vm2, $0x0, v15  }
0x147: {  	s4 =	ssub.s32 s14, s13;
	v1 =	vmov s5;
	s5 =	ssub.s32 s14, s15;
	s11 =	sshll.u32 s23, $0xA;
	v2 =	vor.u32 v2, v16;
	v15 =	vmin.u32 v15, $0x3FFF  }
0x148: {  	s3 =	sadd.s32 $0xFFFFFF40, s3;
	s7 =	sadd.s32 $0xFFFFFF60, s7;
	s9 =	sadd.s32 $0xFFFFFF80, s9;
	v16 =	vsel vm1, s12, v1;
	v3 =	vor.u32 v3, v17;
	v24 =	vshrl.u32 v15, $0x4  }
0x149: {  	v4 =	vor.u32 v4, v18;
	v5 =	vor.u32 v5, v19;
	s13 =	sadd.s32 $0xFFFFFFA0, s4;
	s5 =	sadd.s32 $0xFFFFFFC0, s5;
	s11 =	ssub.s32 s14, s11;
	v16 =	vor.u32 v16, v24  }
0x14a: {  	v6 =	vor.u32 v6, v20;
	v7 =	vor.u32 v7, v21;
	s17 =	sshll.u32 s20, $0x9;
	s15 =	sshll.u32 s16, $0x9;
	v10 =	vor.u32 $0x20000, v10;
	s14 =	sshll.u32 s1, $0x9  }
0x14b: {  	v13 =	vor.u32 $0x20000, v13;
	v14 =	vor.u32 $0x20000, v14;
	s24 =	sshll.u32 s18, $0x9;
	s25 =	sshll.u32 s19, $0x9;
	s26 =	sshll.u32 s23, $0x9;
	v8 =	vor.u32 $0x20000, v8  }
0x14c: {  	s4 =	sshrl.u32 s10, $0x5;
	s3 =	sand.u32 $0xFFFFFF00, s3;
	s7 =	sand.u32 $0xFFFFFF00, s7;
	v15 =	vand.u32 $0xF, v15;
	[tilespmem:v2+s28+$0x0] =	vst.idx.add.s32.msk $0xffff, v10;
	v2 =	vor.u32 $0x20000, v9;
	v9 =	vor.u32 $0x20000, v11  }
0x14d: {  	s13 =	sand.u32 $0xFFFFFF00, s13;
	s9 =	sand.u32 $0xFFFFFF00, s9;
	s5 =	sand.u32 $0xFFFFFF00, s5;
	v10 =	vor.u32 $0x20000, v15;
	v11 =	vor.u32 $0x20000, v12;
	v12 =	vor.u32 v23, v22;
	[tilespmem:v3+s28+$0x0] =	vst.idx.add.s32.msk $0xffff, v8  }
0x14e: {  	s15 =	sand.u32 $0xFFFFFC00, s15;
	s14 =	sand.u32 $0xFFFFFC00, s14;
	s11 =	sand.u32 $0xFFFFFF00, s11;
	[tilespmem:v16+s28+$0x0] =	vst.idx.add.s32.msk $0xffff, v10  }
0x14f: {  	s17 =	sand.u32 $0xFFFFFC00, s17;
	s24 =	sand.u32 $0xFFFFFC00, s24;
	s25 =	sand.u32 $0xFFFFFC00, s25;
	[tilespmem:v4+s28+$0x0] =	vst.idx.add.s32.msk $0xffff, v13  }
0x150: {  	s10 =	sshll.u32 s10, $0x5;
	s29 =	sshll.u32 s4, $0xA;
	s26 =	sand.u32 $0xFFFFFC00, s26;
	[tilespmem:v5+s28+$0x0] =	vst.idx.add.s32.msk $0xffff, v14  }
0x151: {  	s7 =	sadd.s32 s7, s15;
	s9 =	sadd.s32 s9, s17;
	s3 =	sadd.s32 s3, s14;
	[tilespmem:v6+s28+$0x0] =	vst.idx.add.s32.msk $0xffff, v2  }
0x152: {  	s13 =	sadd.s32 s13, s24;
	s5 =	sadd.s32 s5, s25;
	s11 =	sadd.s32 s11, s26;
	[tilespmem:v7+s28+$0x0] =	vst.idx.add.s32.msk $0xffff, v9  }
0x153: {  	s1 =	sshll.u32 s1, $0x7;
	s15 =	sshll.u32 s20, $0x7;
	s14 =	sshll.u32 s16, $0x7;
	[tilespmem:v12+s28+$0x0] =	vst.idx.add.s32.msk $0xffff, v11  }
0x154: {  	s17 =	sshll.u32 s19, $0x7;
	s16 =	sshll.u32 s18, $0x7;
	s18 =	sshll.u32 s23, $0x7  }
0x155: {  	s20 =	ssub.s32 s10, s29;
	s19 =	sadd.s32 s12, s7;
	s10 =	sadd.s32 s12, s3  }
0x156: {  	s24 =	sadd.s32 s12, s13;
	s23 =	sadd.s32 s12, s9;
	s25 =	sadd.s32 s12, s5  }
0x157: {  	s1 =	sand.u32 $0x80, s1;
	s14 =	sand.u32 $0x80, s14;
	s26 =	sadd.s32 s12, s11  }
0x158: {  	s15 =	sand.u32 $0x80, s15;
	s17 =	sand.u32 $0x80, s17;
	s16 =	sand.u32 $0x80, s16  }
0x159: {  	s4 =	sshll.u32 s4, $0x7;
	s29 =	sadd.s32 s20, s12;
	s18 =	sand.u32 $0x80, s18  }
0x15a: {  	s23 =	sor.u32 s15, s23;
	s10 =	sor.u32 s1, s10;
	s19 =	sor.u32 s14, s19  }
0x15b: {  	s24 =	sor.u32 s16, s24;
	s25 =	sor.u32 s17, s25;
	s26 =	sor.u32 s18, s26;
	v2 =	vld [tilespmem:s10+$0x5410]  }
0x15c: {  	s29 =	sor.u32 s4, s29;
	s3 =	sor.u32 s1, s3;
	s7 =	sor.u32 s14, s7;
	v8 =	vld [tilespmem:s19+$0x5420]  }
0x15d: {  	s1 =	sor.u32 s16, s13;
	s10 =	sor.u32 s15, s9;
	s19 =	sor.u32 s17, s5;
	v6 =	vld [tilespmem:s23+$0x5430]  }
0x15e: {  	p0 =	slt.u32 s0, $0x538;
	s14 =	sor.u32 s4, s20;
	s18 =	sor.u32 s18, s11;
	v7 =	vld [tilespmem:s24+$0x5440]  }
.Ltmp5:
0x15f: {  	s4 =	smov.u32 s12;
	v5 =	vld [tilespmem:s25+$0x5450];
	(pc) =	sbr.rel @p0 .LBB2_12-.Ltmp5, $4  }
0x160: {  	v12 =	vsub.f32 $1.000000000e+00, v2;
	v4 =	vld [tilespmem:s26+$0x5470]  }
0x161: {  	v3 =	vld [tilespmem:s29+$0x5400];
	v11 =	vsub.f32 $1.000000000e+00, v8  }
0x162: {  	v13 =	vld [tilespmem:s3+$0xAC10];
	v10 =	vsub.f32 $1.000000000e+00, v6  }
0x163: {  	s8 =	sadd.s32 $0x8, s8;
	v14 =	vld [tilespmem:s7+$0xAC20];
	v9 =	vsub.f32 $1.000000000e+00, v7  }
0x164: {  	v15 =	vld [tilespmem:s10+$0xAC30]  }
0x165: {  	v16 =	vld [tilespmem:s1+$0xAC40]  }
0x166: {  	v17 =	vld [tilespmem:s19+$0xAC50]  }
0x167: {  	v50 =	vld [tilespmem:s18+$0xAC70]  }
0x168: {  	v21 =	vld [tilespmem:s14+$0xAC00]  }
0x169: {  	v18 =	vsub.f32 $1.000000000e+00, v5;
	v19 =	vsub.f32 $1.000000000e+00, v4;
	vm1 =	veq.s32 v13, s31  }
0x16a: {  	v20 =	vsub.f32 $1.000000000e+00, v3;
	v2 =	vsel vm1, v12, v2;
	vm2 =	veq.s32 v14, s31  }
0x16b: {  	v51 =	vsel vm1, s4, v1;
	v2 =	vmul.f32 $1.638400000e+04, v2;
	v8 =	vsel vm2, v11, v8  }
0x16c: {  	vm3 =	veq.s32 v15, s31;
	vm4 =	veq.s32 v16, s31;
	vm5 =	veq.s32 v17, s31  }
0x16d: {  	vm6 =	veq.s32 v50, s31;
	vm0 =	veq.s32 v21, s31;
	v8 =	vmul.f32 $1.638400000e+04, v8  }
0x16e: {  	v6 =	vsel vm3, v10, v6;
	v7 =	vsel vm4, v9, v7;
	v5 =	vsel vm5, v18, v5  }
0x16f: {  	v4 =	vsel vm6, v19, v4;
	v6 =	vmul.f32 $1.638400000e+04, v6;
	v7 =	vmul.f32 $1.638400000e+04, v7  }
0x170: {  	v3 =	vsel vm0, v20, v3;
	v5 =	vmul.f32 $1.638400000e+04, v5;
	v2 =	vtrunc.f32 v2  }
0x171: {  	v52 =	vsel vm2, s4, v1;
	v4 =	vmul.f32 $1.638400000e+04, v4;
	v3 =	vmul.f32 $1.638400000e+04, v3  }
0x172: {  	v53 =	vsel vm3, s4, v1;
	v8 =	vtrunc.f32 v8;
	v2 =	vcvt.f32.s32 v2  }
0x173: {  	v54 =	vsel vm4, s4, v1;
	v6 =	vtrunc.f32 v6;
	v7 =	vtrunc.f32 v7  }
0x174: {  	v55 =	vsel vm5, s4, v1;
	v5 =	vtrunc.f32 v5;
	v4 =	vtrunc.f32 v4  }
0x175: {  	v56 =	vsel vm6, s4, v1;
	v3 =	vtrunc.f32 v3;
	v8 =	vcvt.f32.s32 v8  }
0x176: {  	v1 =	vsel vm0, s4, v1;
	v6 =	vcvt.f32.s32 v6;
	v7 =	vcvt.f32.s32 v7  }
0x177: {  	vm9 =	vgt.s32 v2, $0x0;
	v5 =	vcvt.f32.s32 v5;
	v3 =	vcvt.f32.s32 v3  }
0x178: {  	v4 =	vcvt.f32.s32 v4;
	vm10 =	vgt.s32 v8, $0x0;
	v2 =	vnsel vm9, $0x0, v2  }
0x179: {  	vm11 =	vgt.s32 v6, $0x0;
	vm12 =	vgt.s32 v7, $0x0;
	vm13 =	vgt.s32 v5, $0x0  }
0x17a: {  	vm14 =	vgt.s32 v3, $0x0;
	vm15 =	vgt.s32 v4, $0x0;
	v8 =	vnsel vm10, $0x0, v8  }
0x17b: {  	v2 =	vmin.u32 v2, $0x3FFF;
	v6 =	vnsel vm11, $0x0, v6;
	v7 =	vnsel vm12, $0x0, v7  }
0x17c: {  	v3 =	vnsel vm14, $0x0, v3;
	v5 =	vnsel vm13, $0x0, v5;
	v4 =	vnsel vm15, $0x0, v4  }
0x17d: {  	v8 =	vmin.u32 v8, $0x3FFF;
	v57 =	vshrl.u32 v2, $0x4;
	v2 =	vand.u32 $0xF, v2  }
0x17e: {  	v6 =	vmin.u32 v6, $0x3FFF;
	v7 =	vmin.u32 v7, $0x3FFF;
	v5 =	vmin.u32 v5, $0x3FFF  }
0x17f: {  	v4 =	vmin.u32 v4, $0x3FFF;
	v58 =	vshrl.u32 v8, $0x4;
	v9 =	vor.u32 v51, v57  }
0x180: {  	v3 =	vmin.u32 v3, $0x3FFF;
	v59 =	vshrl.u32 v6, $0x4;
	v10 =	vor.u32 v52, v58  }
0x181: {  	v8 =	vand.u32 $0xF, v8;
	v60 =	vshrl.u32 v7, $0x4;
	v11 =	vor.u32 v53, v59  }
0x182: {  	v2 =	vor.u32 $0x20000, v2;
	v61 =	vshrl.u32 v5, $0x4;
	v12 =	vor.u32 v54, v60  }
0x183: {  	v62 =	vshrl.u32 v4, $0x4;
	v6 =	vand.u32 $0xF, v6;
	v13 =	vor.u32 v55, v61  }
0x184: {  	v63 =	vshrl.u32 v3, $0x4;
	v8 =	vor.u32 $0x20000, v8;
	v14 =	vor.u32 v56, v62;
	[tilespmem:v9+s28+$0x0] =	vst.idx.add.s32.msk $0xffff, v2  }
0x185: {  	v6 =	vor.u32 $0x20000, v6;
	v1 =	vor.u32 v1, v63;
	v2 =	vand.u32 $0xF, v7;
	[tilespmem:v10+s28+$0x0] =	vst.idx.add.s32.msk $0xffff, v8  }
0x186: {  	v5 =	vand.u32 $0xF, v5;
	v2 =	vor.u32 $0x20000, v2;
	[tilespmem:v11+s28+$0x0] =	vst.idx.add.s32.msk $0xffff, v6  }
0x187: {  	v4 =	vand.u32 $0xF, v4;
	v5 =	vor.u32 $0x20000, v5;
	[tilespmem:v12+s28+$0x0] =	vst.idx.add.s32.msk $0xffff, v2  }
0x188: {  	v2 =	vand.u32 $0xF, v3;
	v3 =	vor.u32 $0x20000, v4;
	[tilespmem:v13+s28+$0x0] =	vst.idx.add.s32.msk $0xffff, v5  }
0x189: {  	v2 =	vor.u32 $0x20000, v2;
	[tilespmem:v14+s28+$0x0] =	vst.idx.add.s32.msk $0xffff, v3  }
0x18a: {  	s0 =	simm.s32 $0x1;
	[tilespmem:v1+s28+$0x0] =	vst.idx.add.s32.msk $0xffff, v2  }
0x18b: {  	_ =	swait.ge [sflag:s0], $0x5400  }
0x18c: {  	[sflag:s0] =	ssyncset.done $0x0  }
0x18d: {  	s29 =	simm.s32 $0x3;
	[sflag:s0] =	ssyncadd.s32 $0xFFFFAC00  }
0x18e: {  	_ =	swait.ge [sflag:s29], $0x400  }
0x18f: {  	s31 =	simm.s32 $0x5400;
	[sflag:s29] =	ssyncset.done $0x0  }
0x190: {  	s0 =	simm.s32 $0x1000;
	s1 =	rddreg [dreg:$0x9];
	[sflag:s29] =	ssyncadd.s32 $0xFFFFFC00  }
0x191: {  	[tilespmem:s31], [sflag:$0x2] =	stream.strided.gather [hbm4b:s1+s21], $0x400, s22, s21, $0x38;
	[tilespmem:$0x15800] =	vst v63  }
.LBB2_14:
0x192: {  	p0 =	sne.s32 s0, $0x14000  }
.Ltmp6:
0x193: {  	_ = 	snop;
	(pc) =	sbr.rel @p0 .LBB2_14-.Ltmp6, $4  }
0x194: {  	_ = 	snop  }
0x195: {  	s3 =	sshra.s32 s0, $0x2;
	s0 =	sadd.s32 $0x1000, s0  }
0x196: {  	s1 =	sadd.s32 $0x8000, s1;
	s3 =	sadd.s32 $0x5400, s3  }
0x197: {  	[tilespmem:s3], [sflag:$0x2] =	stream.strided.gather [hbm4b:s1+s21], $0x400, s22, s21, $0x38;
	[tilespmem:$0x15800] =	vst v63  }
0x198: {  	s0 =	rddreg [dreg:$0xa];
	s1 =	simm.s32 $0xAC00  }
0x199: {  	s23 =	simm.s32 $0x0;
	s15 =	simm.s32 $0x0;
	s31 =	simm.s32 $0x0  }
0x19a: {  	[tilespmem:s1], [sflag:$0x4] =	stream.strided.gather [hbm4b:s0+s21], $0x400, s22, s21, $0x38;
	[tilespmem:$0x15800] =	vst v63  }
0x19b: {  	s3 =	sand.u32 $0xFFFFFFC0, s23;
	s0 =	simm.s32 $0x0;
	s15 =	sand.u32 $0xFFFFF800, s15  }
0x19c: {  	s1 =	sand.u32 $0x38, s0;
	s4 =	ssub.s32 $0x0, s3;
	s3 =	ssub.s32 $0xFFFFFFF8, s3  }
0x19d: {  	s12 =	sadd.s32 $0x1, s4;
	s5 =	sadd.s32 $0x6, s4;
	s8 =	sadd.s32 $0x2, s4  }
0x19e: {  	s10 =	sadd.s32 $0xB, s3;
	s14 =	sadd.s32 $0xC, s3;
	s16 =	sadd.s32 $0x5, s4  }
0x19f: {  	s3 =	sadd.s32 $0xF, s3;
	s6 =	sshll.u32 s5, $0x10;
	s7 =	sshll.u32 s12, $0x10  }
0x1a0: {  	s24 =	sshll.u32 s8, $0x10;
	s9 =	sshll.u32 s10, $0x10;
	s11 =	sshll.u32 s14, $0x10  }
0x1a1: {  	s13 =	sshll.u32 s16, $0x10;
	s19 =	sshll.u32 s3, $0x10;
	s6 =	sshra.s32 s6, $0x1F  }
0x1a2: {  	s7 =	sshra.s32 s7, $0x1F;
	s25 =	sshra.s32 s24, $0x1F;
	s9 =	sshra.s32 s9, $0x1F  }
0x1a3: {  	s11 =	sshra.s32 s11, $0x1F;
	s13 =	sshra.s32 s13, $0x1F;
	s29 =	sshra.s32 s19, $0x1F  }
0x1a4: {  	s6 =	sand.u32 $0x1F, s6;
	s7 =	sand.u32 $0x1F, s7;
	s9 =	sand.u32 $0x1F, s9  }
0x1a5: {  	s11 =	sand.u32 $0x1F, s11;
	s13 =	sand.u32 $0x1F, s13;
	s6 =	sadd.s32 s6, s5  }
0x1a6: {  	s5 =	sshra.s32 s5, $0x1F;
	s7 =	sadd.s32 s7, s12;
	s9 =	sadd.s32 s9, s10  }
0x1a7: {  	s11 =	sadd.s32 s11, s14;
	s13 =	sadd.s32 s13, s16;
	s12 =	sshra.s32 s12, $0x1F  }
0x1a8: {  	s10 =	sshra.s32 s10, $0x1F;
	s14 =	sshra.s32 s14, $0x1F;
	s6 =	sshll.u32 s6, $0x10  }
0x1a9: {  	s7 =	sshll.u32 s7, $0x10;
	s9 =	sshll.u32 s9, $0x10;
	s11 =	sshll.u32 s11, $0x10  }
0x1aa: {  	s13 =	sshll.u32 s13, $0x10;
	s6 =	sshra.s32 s6, $0x15;
	s7 =	sshra.s32 s7, $0x15  }
0x1ab: {  	s9 =	sshra.s32 s9, $0x15;
	s11 =	sshra.s32 s11, $0x15;
	s13 =	sshra.s32 s13, $0x15  }
0x1ac: {  	s5 =	sadd.s32 s6, s5;
	s6 =	ssub.s32 $0xE0, s15;
	s15 =	sand.u32 $0x1F, s25  }
0x1ad: {  	s7 =	sadd.s32 s7, s12;
	s9 =	sadd.s32 s9, s10;
	s11 =	sadd.s32 s11, s14  }
0x1ae: {  	s10 =	simm.s32 $0x5400;
	s26 =	sshll.u32 s5, $0xA;
	s17 =	sshll.u32 s5, $0x9  }
0x1af: {  	s5 =	sshll.u32 s5, $0x7;
	s15 =	sadd.s32 s15, s8;
	s8 =	sshra.s32 s8, $0x1F  }
0x1b0: {  	s23 =	sshll.u32 s9, $0xA;
	s24 =	sshll.u32 s11, $0xA;
	s4 =	ssub.s32 s6, s26  }
0x1b1: {  	s17 =	sand.u32 $0xFFFFFC00, s17;
	s15 =	sshll.u32 s15, $0x10;
	s4 =	sadd.s32 $0xFFFFFFE0, s4  }
0x1b2: {  	s5 =	sand.u32 $0x80, s5;
	s15 =	sshra.s32 s15, $0x15;
	s18 =	sand.u32 $0xFFFFFF00, s4  }
0x1b3: {  	s4 =	simm.s32 $0x0;
	s12 =	sadd.s32 s15, s8;
	s15 =	sshra.s32 s16, $0x1F  }
0x1b4: {  	s16 =	sshll.u32 s7, $0xA;
	s17 =	sadd.s32 s18, s17;
	s13 =	sadd.s32 s13, s15  }
0x1b5: {  	s20 =	sshll.u32 s12, $0xA;
	s8 =	ssub.s32 s6, s16;
	s15 =	ssub.s32 s6, s23  }
0x1b6: {  	s16 =	ssub.s32 s6, s24;
	s23 =	sshll.u32 s12, $0x9;
	s24 =	sshll.u32 s9, $0x9  }
0x1b7: {  	s12 =	sshll.u32 s12, $0x7;
	s9 =	sshll.u32 s9, $0x7;
	s18 =	sadd.s32 $0x0, s17  }
0x1b8: {  	s25 =	sshll.u32 s13, $0xA;
	s14 =	ssub.s32 s6, s20;
	s8 =	sadd.s32 $0xFFFFFF40, s8  }
0x1b9: {  	s15 =	sadd.s32 $0xFFFFFF80, s15;
	s16 =	sadd.s32 $0xFFFFFFA0, s16;
	s12 =	sand.u32 $0x80, s12  }
0x1ba: {  	s9 =	sand.u32 $0x80, s9;
	s18 =	sor.u32 s5, s18;
	s5 =	sor.u32 s5, s17  }
0x1bb: {  	s17 =	sand.u32 $0x1F, s29;
	s14 =	sadd.s32 $0xFFFFFF60, s14;
	s29 =	sshll.u32 s7, $0x9  }
0x1bc: {  	s15 =	sand.u32 $0xFFFFFF00, s15;
	s16 =	sand.u32 $0xFFFFFF00, s16;
	s7 =	sshll.u32 s7, $0x7;
	v1 =	vld [tilespmem:s18+$0x60]  }
0x1bd: {  	s17 =	sadd.s32 s17, s3;
	s3 =	sshra.s32 s3, $0x1F;
	v2 =	vld [tilespmem:s5+$0xA860];
	s20 =	sand.u32 $0xFFFFFC00, s29  }
0x1be: {  	s29 =	sshll.u32 s13, $0x9;
	s13 =	sshll.u32 s13, $0x7;
	s17 =	sshll.u32 s17, $0x10  }
0x1bf: {  	s7 =	sand.u32 $0x80, s7;
	s13 =	sand.u32 $0x80, s13;
	s19 =	sshra.s32 s17, $0x15  }
0x1c0: {  	s17 =	ssub.s32 s6, s25;
	s25 =	sand.u32 $0xFFFFFF00, s14;
	s3 =	sadd.s32 s19, s3  }
0x1c1: {  	s14 =	sand.u32 $0xFFFFFC00, s29;
	s17 =	sadd.s32 $0xFFFFFFC0, s17;
	s26 =	sshll.u32 s3, $0xA;
	v3 =	vsub.f32 $1.000000000e+00, v1  }
0x1c2: {  	s19 =	sand.u32 $0xFFFFFF00, s8;
	s17 =	sand.u32 $0xFFFFFF00, s17;
	s5 =	ssub.s32 s6, s26;
	vm0 =	veq.s32 v2, s31  }
0x1c3: {  	s6 =	sadd.s32 s19, s20;
	s20 =	sshll.u32 s11, $0x9;
	s26 =	sand.u32 $0xFFFFFC00, s23;
	v1 =	vsel vm0, v3, v1  }
0x1c4: {  	s19 =	sand.u32 $0xFFFFFC00, s24;
	s23 =	sshll.u32 s3, $0x9;
	s14 =	sadd.s32 s17, s14;
	v1 =	vmul.f32 $1.638400000e+04, v1  }
0x1c5: {  	s11 =	sshll.u32 s11, $0x7;
	s8 =	sadd.s32 s25, s26;
	s20 =	sand.u32 $0xFFFFFC00, s20  }
0x1c6: {  	s15 =	sadd.s32 s15, s19;
	s19 =	sshrl.u32 s1, $0x5;
	s5 =	sand.u32 $0xFFFFFF00, s5;
	v1 =	vtrunc.f32 v1  }
0x1c7: {  	s18 =	sand.u32 $0xFFFFFC00, s23;
	s1 =	sshll.u32 s1, $0x5;
	s25 =	sadd.s32 $0x0, s6;
	v1 =	vcvt.f32.s32 v1  }
0x1c8: {  	s6 =	sor.u32 s7, s6;
	s16 =	sadd.s32 s16, s20;
	s24 =	sshll.u32 s19, $0xA  }
0x1c9: {  	s26 =	sadd.s32 $0x0, s8;
	v13 =	vld [tilespmem:s6+$0xA810];
	s17 =	ssub.s32 s1, s24;
	s1 =	sor.u32 s7, s25;
	vm1 =	vgt.s32 v1, $0x0  }
0x1ca: {  	s5 =	sadd.s32 s5, s18;
	s29 =	sadd.s32 $0x0, s15;
	s18 =	sor.u32 s12, s26;
	v2 =	vld [tilespmem:s1+$0x10];
	v3 =	vnsel vm1, $0x0, v1  }
0x1cb: {  	s11 =	sand.u32 $0x80, s11;
	s20 =	sadd.s32 $0x0, s16;
	v8 =	vld [tilespmem:s18+$0x20];
	s1 =	sor.u32 s9, s29;
	v1 =	vmov s10;
	v9 =	vmin.u32 v3, $0x3FFF  }
0x1cc: {  	s3 =	sshll.u32 s3, $0x7;
	s23 =	sadd.s32 $0x0, s14;
	v6 =	vld [tilespmem:s1+$0x30];
	s10 =	sor.u32 s11, s20;
	v3 =	vsel vm0, s4, v1;
	v4 =	vshrl.u32 v9, $0x4  }
0x1cd: {  	s3 =	sand.u32 $0x80, s3;
	s24 =	sadd.s32 $0x0, s5;
	s1 =	sor.u32 s13, s23;
	v7 =	vld [tilespmem:s10+$0x40];
	v10 =	vor.u32 v3, v4  }
0x1ce: {  	s25 =	sshll.u32 s19, $0x7;
	s26 =	sadd.s32 $0x0, s17;
	v5 =	vld [tilespmem:s1+$0x50];
	s10 =	sor.u32 s3, s24  }
0x1cf: {  	s1 =	sor.u32 s25, s26;
	v4 =	vld [tilespmem:s10+$0x70]  }
0x1d0: {  	s6 =	simm.s32 $0xE0;
	s29 =	sor.u32 s12, s8;
	v9 =	vand.u32 $0xF, v9;
	v3 =	vld [tilespmem:s1+$0x0]  }
0x1d1: {  	s19 =	sor.u32 s13, s14;
	s14 =	sor.u32 s25, s17;
	s18 =	sor.u32 s3, s5;
	v14 =	vld [tilespmem:s29+$0xA820];
	v12 =	vsub.f32 $1.000000000e+00, v2;
	v11 =	vsub.f32 $1.000000000e+00, v8;
	v9 =	vor.u32 $0x20000, v9  }
0x1d2: {  	s8 =	simm.s32 $0x8;
	s10 =	sor.u32 s9, s15;
	s1 =	sor.u32 s11, s16;
	[tilespmem:v10+s28+$0x0] =	vst.idx.add.s32.msk $0xffff, v9;
	v10 =	vsub.f32 $1.000000000e+00, v6;
	v9 =	vsub.f32 $1.000000000e+00, v7  }
.LBB2_16:
0x1d3: {  	s3 =	sand.u32 $0xFFFFFFC0, s8;
	v15 =	vld [tilespmem:s10+$0xA830];
	v16 =	vsub.f32 $1.000000000e+00, v5;
	s5 =	smov.u32 s0;
	s0 =	sadd.s32 $0x8, s0  }
0x1d4: {  	s10 =	sand.u32 $0x38, s0;
	s7 =	ssub.s32 s0, s3;
	s3 =	ssub.s32 s5, s3;
	v17 =	vld [tilespmem:s1+$0xA840];
	v18 =	vsub.f32 $1.000000000e+00, v4  }
0x1d5: {  	s1 =	sadd.s32 $0x1, s7;
	s16 =	sadd.s32 $0x2, s7;
	s5 =	sadd.s32 $0x6, s7;
	v19 =	vsub.f32 $1.000000000e+00, v3;
	v20 =	vld [tilespmem:s19+$0xA850]  }
0x1d6: {  	s19 =	sadd.s32 $0xB, s3;
	s20 =	sadd.s32 $0xC, s3;
	s9 =	sshll.u32 s5, $0x10;
	vm0 =	veq.s32 v13, s31;
	v13 =	vld [tilespmem:s18+$0xA870]  }
0x1d7: {  	s11 =	sshll.u32 s1, $0x10;
	s18 =	sadd.s32 $0x5, s7;
	s7 =	sshra.s32 s9, $0x1F;
	v21 =	vld [tilespmem:s14+$0xA800];
	v12 =	vsel vm0, v12, v2;
	v2 =	vsel vm0, s4, v1;
	vm1 =	veq.s32 v14, s31  }
0x1d8: {  	s12 =	sshll.u32 s19, $0x10;
	s9 =	sshll.u32 s16, $0x10;
	s7 =	sand.u32 $0x1F, s7;
	v12 =	vmul.f32 $1.638400000e+04, v12;
	v8 =	vsel vm1, v11, v8;
	vm4 =	veq.s32 v15, s31  }
0x1d9: {  	s13 =	sshll.u32 s20, $0x10;
	s15 =	sshll.u32 s18, $0x10;
	s7 =	sadd.s32 s7, s5;
	v8 =	vmul.f32 $1.638400000e+04, v8;
	v6 =	vsel vm4, v10, v6;
	vm5 =	veq.s32 v17, s31  }
0x1da: {  	s23 =	sadd.s32 $0xF, s3;
	s26 =	sshra.s32 s11, $0x1F;
	s7 =	sshll.u32 s7, $0x10;
	v6 =	vmul.f32 $1.638400000e+04, v6;
	v7 =	vsel vm5, v9, v7;
	vm2 =	veq.s32 v20, s31  }
0x1db: {  	s3 =	sshll.u32 s8, $0x5;
	s5 =	sshra.s32 s5, $0x1F;
	s7 =	sshra.s32 s7, $0x15;
	v7 =	vmul.f32 $1.638400000e+04, v7;
	v5 =	vsel vm2, v16, v5;
	vm3 =	veq.s32 v13, s31  }
0x1dc: {  	s6 =	sadd.s32 $0x100, s6;
	s3 =	sand.u32 $0xFFFFF800, s3;
	s5 =	sadd.s32 s7, s5;
	vm0 =	veq.s32 v21, s31;
	v9 =	vmul.f32 $1.638400000e+04, v5;
	v4 =	vsel vm3, v18, v4  }
0x1dd: {  	s14 =	ssub.s32 s6, s3;
	s3 =	sshra.s32 s9, $0x1F;
	v10 =	vtrunc.f32 v12;
	s7 =	sshll.u32 s5, $0xA;
	v3 =	vsel vm0, v19, v3;
	v11 =	vmul.f32 $1.638400000e+04, v4  }
0x1de: {  	s11 =	sshra.s32 s13, $0x1F;
	s9 =	sshra.s32 s12, $0x1F;
	v8 =	vtrunc.f32 v8;
	s7 =	ssub.s32 s14, s7;
	v12 =	vmul.f32 $1.638400000e+04, v3;
	v3 =	vsel vm1, s4, v1  }
0x1df: {  	s13 =	sshra.s32 s15, $0x1F;
	v13 =	vtrunc.f32 v6;
	s12 =	sshll.u32 s5, $0x9;
	v4 =	vsel vm4, s4, v1;
	v14 =	vtrunc.f32 v7;
	s7 =	sadd.s32 $0xFFFFFFE0, s7  }
0x1e0: {  	s31 =	sshrl.u32 s0, $0x6;
	v5 =	vsel vm5, s4, v1;
	s15 =	sand.u32 $0xFFFFFC00, s12;
	v9 =	vtrunc.f32 v9;
	v11 =	vtrunc.f32 v11;
	s7 =	sand.u32 $0xFFFFFF00, s7  }
0x1e1: {  	v10 =	vcvt.f32.s32 v10;
	v6 =	vsel vm2, s4, v1;
	s5 =	sshll.u32 s5, $0x7;
	s12 =	sshll.u32 s31, $0xA;
	v12 =	vtrunc.f32 v12;
	s7 =	sadd.s32 s7, s15  }
0x1e2: {  	s17 =	sshll.u32 s23, $0x10;
	v8 =	vcvt.f32.s32 v8;
	v13 =	vcvt.f32.s32 v13;
	v7 =	vsel vm3, s4, v1;
	s5 =	sand.u32 $0x80, s5;
	s15 =	sadd.s32 s12, s7  }
0x1e3: {  	s24 =	sand.u32 $0x1F, s26;
	s3 =	sand.u32 $0x1F, s3;
	vm1 =	vgt.s32 v10, $0x0;
	v14 =	vcvt.f32.s32 v14;
	v9 =	vcvt.f32.s32 v9;
	s15 =	sor.u32 s5, s15  }
0x1e4: {  	s11 =	sand.u32 $0x1F, s11;
	s9 =	sand.u32 $0x1F, s9;
	vm2 =	vgt.s32 v8, $0x0;
	v11 =	vcvt.f32.s32 v11;
	v12 =	vcvt.f32.s32 v12;
	s5 =	sor.u32 s5, s7;
	v15 =	vld [tilespmem:s15+$0x60]  }
0x1e5: {  	s13 =	sand.u32 $0x1F, s13;
	vm3 =	vgt.s32 v13, $0x0;
	vm4 =	vgt.s32 v14, $0x0;
	vm5 =	vgt.s32 v9, $0x0;
	s7 =	sadd.s32 s24, s1;
	v16 =	vld [tilespmem:s5+$0xA860];
	s5 =	sshra.s32 s17, $0x1F  }
0x1e6: {  	s11 =	sadd.s32 s11, s20;
	s3 =	sadd.s32 s3, s16;
	s9 =	sadd.s32 s9, s19;
	v10 =	vnsel vm1, $0x0, v10;
	vm1 =	vgt.s32 v11, $0x0;
	vm6 =	vgt.s32 v12, $0x0  }
0x1e7: {  	s13 =	sadd.s32 s13, s18;
	v8 =	vnsel vm2, $0x0, v8;
	v13 =	vnsel vm3, $0x0, v13;
	v14 =	vnsel vm4, $0x0, v14;
	s7 =	sshll.u32 s7, $0x10;
	s5 =	sand.u32 $0x1F, s5  }
0x1e8: {  	s11 =	sshll.u32 s11, $0x10;
	s3 =	sshll.u32 s3, $0x10;
	s9 =	sshll.u32 s9, $0x10;
	v9 =	vnsel vm5, $0x0, v9;
	v11 =	vnsel vm1, $0x0, v11;
	v12 =	vnsel vm6, $0x0, v12  }
0x1e9: {  	s13 =	sshll.u32 s13, $0x10;
	v10 =	vmin.u32 v10, $0x3FFF;
	v8 =	vmin.u32 v8, $0x3FFF;
	s7 =	sshra.s32 s7, $0x15;
	s5 =	sadd.s32 s5, s23;
	v17 =	vsub.f32 $1.000000000e+00, v15  }
0x1ea: {  	s11 =	sshra.s32 s11, $0x15;
	s3 =	sshra.s32 s3, $0x15;
	s9 =	sshra.s32 s9, $0x15;
	v13 =	vmin.u32 v13, $0x3FFF;
	v14 =	vmin.u32 v14, $0x3FFF;
	vm1 =	veq.s32 v16, s31  }
0x1eb: {  	s13 =	sshra.s32 s13, $0x15;
	s1 =	sshra.s32 s1, $0x1F;
	v9 =	vmin.u32 v9, $0x3FFF;
	v11 =	vmin.u32 v11, $0x3FFF;
	s5 =	sshll.u32 s5, $0x10;
	v15 =	vsel vm1, v17, v15  }
0x1ec: {  	s15 =	sshra.s32 s16, $0x1F;
	s17 =	sshra.s32 s19, $0x1F;
	s19 =	sshra.s32 s20, $0x1F;
	v12 =	vmin.u32 v12, $0x3FFF;
	v16 =	vshrl.u32 v10, $0x4;
	v15 =	vmul.f32 $1.638400000e+04, v15  }
0x1ed: {  	v18 =	vshrl.u32 v13, $0x4;
	v19 =	vshrl.u32 v14, $0x4;
	s16 =	sadd.s32 s3, s15;
	s3 =	sshra.s32 s18, $0x1F;
	s1 =	sadd.s32 s7, s1;
	v17 =	vshrl.u32 v8, $0x4  }
0x1ee: {  	v20 =	vshrl.u32 v9, $0x4;
	v21 =	vshrl.u32 v11, $0x4;
	s20 =	sadd.s32 s9, s17;
	s18 =	sadd.s32 s11, s19;
	s19 =	sadd.s32 s13, s3;
	v15 =	vtrunc.f32 v15  }
0x1ef: {  	s7 =	sshra.s32 s23, $0x1F;
	s3 =	sshll.u32 s1, $0xA;
	s5 =	sshra.s32 s5, $0x15;
	v10 =	vand.u32 $0xF, v10;
	v8 =	vand.u32 $0xF, v8;
	v15 =	vcvt.f32.s32 v15  }
0x1f0: {  	v13 =	vand.u32 $0xF, v13;
	v14 =	vand.u32 $0xF, v14;
	v9 =	vand.u32 $0xF, v9;
	s9 =	sshll.u32 s16, $0xA;
	s11 =	sshll.u32 s20, $0xA;
	s13 =	sshll.u32 s18, $0xA  }
0x1f1: {  	v11 =	vand.u32 $0xF, v11;
	v22 =	vshrl.u32 v12, $0x4;
	s15 =	sshll.u32 s19, $0xA;
	s3 =	ssub.s32 s14, s3;
	s23 =	sadd.s32 s5, s7;
	vm2 =	vgt.s32 v15, $0x0  }
0x1f2: {  	v23 =	vsel vm0, s4, v1;
	v12 =	vand.u32 $0xF, v12;
	s5 =	sadd.s32 $0x5400, s12;
	s7 =	ssub.s32 s14, s9;
	s9 =	ssub.s32 s14, s11;
	v15 =	vnsel vm2, $0x0, v15  }
0x1f3: {  	s4 =	ssub.s32 s14, s13;
	v1 =	vmov s5;
	s5 =	ssub.s32 s14, s15;
	s11 =	sshll.u32 s23, $0xA;
	v2 =	vor.u32 v2, v16;
	v15 =	vmin.u32 v15, $0x3FFF  }
0x1f4: {  	s3 =	sadd.s32 $0xFFFFFF40, s3;
	s7 =	sadd.s32 $0xFFFFFF60, s7;
	s9 =	sadd.s32 $0xFFFFFF80, s9;
	v16 =	vsel vm1, s12, v1;
	v3 =	vor.u32 v3, v17;
	v24 =	vshrl.u32 v15, $0x4  }
0x1f5: {  	v4 =	vor.u32 v4, v18;
	v5 =	vor.u32 v5, v19;
	s13 =	sadd.s32 $0xFFFFFFA0, s4;
	s5 =	sadd.s32 $0xFFFFFFC0, s5;
	s11 =	ssub.s32 s14, s11;
	v16 =	vor.u32 v16, v24  }
0x1f6: {  	v6 =	vor.u32 v6, v20;
	v7 =	vor.u32 v7, v21;
	s17 =	sshll.u32 s20, $0x9;
	s15 =	sshll.u32 s16, $0x9;
	v10 =	vor.u32 $0x20000, v10;
	s14 =	sshll.u32 s1, $0x9  }
0x1f7: {  	v13 =	vor.u32 $0x20000, v13;
	v14 =	vor.u32 $0x20000, v14;
	s24 =	sshll.u32 s18, $0x9;
	s25 =	sshll.u32 s19, $0x9;
	s26 =	sshll.u32 s23, $0x9;
	v8 =	vor.u32 $0x20000, v8  }
0x1f8: {  	s4 =	sshrl.u32 s10, $0x5;
	s3 =	sand.u32 $0xFFFFFF00, s3;
	s7 =	sand.u32 $0xFFFFFF00, s7;
	v15 =	vand.u32 $0xF, v15;
	[tilespmem:v2+s28+$0x0] =	vst.idx.add.s32.msk $0xffff, v10;
	v2 =	vor.u32 $0x20000, v9;
	v9 =	vor.u32 $0x20000, v11  }
0x1f9: {  	s13 =	sand.u32 $0xFFFFFF00, s13;
	s9 =	sand.u32 $0xFFFFFF00, s9;
	s5 =	sand.u32 $0xFFFFFF00, s5;
	v10 =	vor.u32 $0x20000, v15;
	v11 =	vor.u32 $0x20000, v12;
	v12 =	vor.u32 v23, v22;
	[tilespmem:v3+s28+$0x0] =	vst.idx.add.s32.msk $0xffff, v8  }
0x1fa: {  	s15 =	sand.u32 $0xFFFFFC00, s15;
	s14 =	sand.u32 $0xFFFFFC00, s14;
	s11 =	sand.u32 $0xFFFFFF00, s11;
	[tilespmem:v16+s28+$0x0] =	vst.idx.add.s32.msk $0xffff, v10  }
0x1fb: {  	s17 =	sand.u32 $0xFFFFFC00, s17;
	s24 =	sand.u32 $0xFFFFFC00, s24;
	s25 =	sand.u32 $0xFFFFFC00, s25;
	[tilespmem:v4+s28+$0x0] =	vst.idx.add.s32.msk $0xffff, v13  }
0x1fc: {  	s10 =	sshll.u32 s10, $0x5;
	s29 =	sshll.u32 s4, $0xA;
	s26 =	sand.u32 $0xFFFFFC00, s26;
	[tilespmem:v5+s28+$0x0] =	vst.idx.add.s32.msk $0xffff, v14  }
0x1fd: {  	s7 =	sadd.s32 s7, s15;
	s9 =	sadd.s32 s9, s17;
	s3 =	sadd.s32 s3, s14;
	[tilespmem:v6+s28+$0x0] =	vst.idx.add.s32.msk $0xffff, v2  }
0x1fe: {  	s13 =	sadd.s32 s13, s24;
	s5 =	sadd.s32 s5, s25;
	s11 =	sadd.s32 s11, s26;
	[tilespmem:v7+s28+$0x0] =	vst.idx.add.s32.msk $0xffff, v9  }
0x1ff: {  	s1 =	sshll.u32 s1, $0x7;
	s15 =	sshll.u32 s20, $0x7;
	s14 =	sshll.u32 s16, $0x7;
	[tilespmem:v12+s28+$0x0] =	vst.idx.add.s32.msk $0xffff, v11  }
0x200: {  	s17 =	sshll.u32 s19, $0x7;
	s16 =	sshll.u32 s18, $0x7;
	s18 =	sshll.u32 s23, $0x7  }
0x201: {  	s20 =	ssub.s32 s10, s29;
	s19 =	sadd.s32 s12, s7;
	s10 =	sadd.s32 s12, s3  }
0x202: {  	s24 =	sadd.s32 s12, s13;
	s23 =	sadd.s32 s12, s9;
	s25 =	sadd.s32 s12, s5  }
0x203: {  	s1 =	sand.u32 $0x80, s1;
	s14 =	sand.u32 $0x80, s14;
	s26 =	sadd.s32 s12, s11  }
0x204: {  	s15 =	sand.u32 $0x80, s15;
	s17 =	sand.u32 $0x80, s17;
	s16 =	sand.u32 $0x80, s16  }
0x205: {  	s4 =	sshll.u32 s4, $0x7;
	s29 =	sadd.s32 s20, s12;
	s18 =	sand.u32 $0x80, s18  }
0x206: {  	s23 =	sor.u32 s15, s23;
	s10 =	sor.u32 s1, s10;
	s19 =	sor.u32 s14, s19  }
0x207: {  	s24 =	sor.u32 s16, s24;
	s25 =	sor.u32 s17, s25;
	s26 =	sor.u32 s18, s26;
	v2 =	vld [tilespmem:s10+$0x10]  }
0x208: {  	s29 =	sor.u32 s4, s29;
	s3 =	sor.u32 s1, s3;
	s7 =	sor.u32 s14, s7;
	v8 =	vld [tilespmem:s19+$0x20]  }
0x209: {  	s1 =	sor.u32 s16, s13;
	s10 =	sor.u32 s15, s9;
	s19 =	sor.u32 s17, s5;
	v6 =	vld [tilespmem:s23+$0x30]  }
0x20a: {  	p0 =	slt.u32 s0, $0x538;
	s14 =	sor.u32 s4, s20;
	s18 =	sor.u32 s18, s11;
	v7 =	vld [tilespmem:s24+$0x40]  }
.Ltmp7:
0x20b: {  	s4 =	smov.u32 s12;
	v5 =	vld [tilespmem:s25+$0x50];
	(pc) =	sbr.rel @p0 .LBB2_16-.Ltmp7, $4  }
0x20c: {  	v12 =	vsub.f32 $1.000000000e+00, v2;
	v4 =	vld [tilespmem:s26+$0x70]  }
0x20d: {  	v3 =	vld [tilespmem:s29+$0x0];
	v11 =	vsub.f32 $1.000000000e+00, v8  }
0x20e: {  	v13 =	vld [tilespmem:s3+$0xA810];
	v10 =	vsub.f32 $1.000000000e+00, v6  }
0x20f: {  	s8 =	sadd.s32 $0x8, s8;
	v14 =	vld [tilespmem:s7+$0xA820];
	v9 =	vsub.f32 $1.000000000e+00, v7  }
0x210: {  	v15 =	vld [tilespmem:s10+$0xA830]  }
0x211: {  	v16 =	vld [tilespmem:s1+$0xA840]  }
0x212: {  	v17 =	vld [tilespmem:s19+$0xA850]  }
0x213: {  	v50 =	vld [tilespmem:s18+$0xA870]  }
0x214: {  	v21 =	vld [tilespmem:s14+$0xA800]  }
0x215: {  	v18 =	vsub.f32 $1.000000000e+00, v5;
	v19 =	vsub.f32 $1.000000000e+00, v4;
	vm1 =	veq.s32 v13, s31  }
0x216: {  	v20 =	vsub.f32 $1.000000000e+00, v3;
	v2 =	vsel vm1, v12, v2;
	vm2 =	veq.s32 v14, s31  }
0x217: {  	v51 =	vsel vm1, s4, v1;
	v2 =	vmul.f32 $1.638400000e+04, v2;
	v8 =	vsel vm2, v11, v8  }
0x218: {  	vm3 =	veq.s32 v15, s31;
	vm4 =	veq.s32 v16, s31;
	vm5 =	veq.s32 v17, s31  }
0x219: {  	vm6 =	veq.s32 v50, s31;
	vm0 =	veq.s32 v21, s31;
	v8 =	vmul.f32 $1.638400000e+04, v8  }
0x21a: {  	v6 =	vsel vm3, v10, v6;
	v7 =	vsel vm4, v9, v7;
	v5 =	vsel vm5, v18, v5  }
0x21b: {  	v4 =	vsel vm6, v19, v4;
	v6 =	vmul.f32 $1.638400000e+04, v6;
	v7 =	vmul.f32 $1.638400000e+04, v7  }
0x21c: {  	v3 =	vsel vm0, v20, v3;
	v5 =	vmul.f32 $1.638400000e+04, v5;
	v2 =	vtrunc.f32 v2  }
0x21d: {  	v52 =	vsel vm2, s4, v1;
	v4 =	vmul.f32 $1.638400000e+04, v4;
	v3 =	vmul.f32 $1.638400000e+04, v3  }
0x21e: {  	v53 =	vsel vm3, s4, v1;
	v8 =	vtrunc.f32 v8;
	v2 =	vcvt.f32.s32 v2  }
0x21f: {  	v54 =	vsel vm4, s4, v1;
	v6 =	vtrunc.f32 v6;
	v7 =	vtrunc.f32 v7  }
0x220: {  	v55 =	vsel vm5, s4, v1;
	v5 =	vtrunc.f32 v5;
	v4 =	vtrunc.f32 v4  }
0x221: {  	v56 =	vsel vm6, s4, v1;
	v3 =	vtrunc.f32 v3;
	v8 =	vcvt.f32.s32 v8  }
0x222: {  	v1 =	vsel vm0, s4, v1;
	v6 =	vcvt.f32.s32 v6;
	v7 =	vcvt.f32.s32 v7  }
0x223: {  	vm9 =	vgt.s32 v2, $0x0;
	v5 =	vcvt.f32.s32 v5;
	v3 =	vcvt.f32.s32 v3  }
0x224: {  	v4 =	vcvt.f32.s32 v4;
	vm10 =	vgt.s32 v8, $0x0;
	v2 =	vnsel vm9, $0x0, v2  }
0x225: {  	vm11 =	vgt.s32 v6, $0x0;
	vm12 =	vgt.s32 v7, $0x0;
	vm13 =	vgt.s32 v5, $0x0  }
0x226: {  	vm14 =	vgt.s32 v3, $0x0;
	vm15 =	vgt.s32 v4, $0x0;
	v8 =	vnsel vm10, $0x0, v8  }
0x227: {  	v2 =	vmin.u32 v2, $0x3FFF;
	v6 =	vnsel vm11, $0x0, v6;
	v7 =	vnsel vm12, $0x0, v7  }
0x228: {  	v3 =	vnsel vm14, $0x0, v3;
	v5 =	vnsel vm13, $0x0, v5;
	v4 =	vnsel vm15, $0x0, v4  }
0x229: {  	v8 =	vmin.u32 v8, $0x3FFF;
	v57 =	vshrl.u32 v2, $0x4;
	v2 =	vand.u32 $0xF, v2  }
0x22a: {  	v6 =	vmin.u32 v6, $0x3FFF;
	v7 =	vmin.u32 v7, $0x3FFF;
	v5 =	vmin.u32 v5, $0x3FFF  }
0x22b: {  	v4 =	vmin.u32 v4, $0x3FFF;
	v58 =	vshrl.u32 v8, $0x4;
	v9 =	vor.u32 v51, v57  }
0x22c: {  	v3 =	vmin.u32 v3, $0x3FFF;
	v59 =	vshrl.u32 v6, $0x4;
	v10 =	vor.u32 v52, v58  }
0x22d: {  	v8 =	vand.u32 $0xF, v8;
	v60 =	vshrl.u32 v7, $0x4;
	v11 =	vor.u32 v53, v59  }
0x22e: {  	v2 =	vor.u32 $0x20000, v2;
	v61 =	vshrl.u32 v5, $0x4;
	v12 =	vor.u32 v54, v60  }
0x22f: {  	v62 =	vshrl.u32 v4, $0x4;
	v6 =	vand.u32 $0xF, v6;
	v13 =	vor.u32 v55, v61  }
0x230: {  	v63 =	vshrl.u32 v3, $0x4;
	v8 =	vor.u32 $0x20000, v8;
	v14 =	vor.u32 v56, v62;
	[tilespmem:v9+s28+$0x0] =	vst.idx.add.s32.msk $0xffff, v2  }
0x231: {  	v6 =	vor.u32 $0x20000, v6;
	v1 =	vor.u32 v1, v63;
	v2 =	vand.u32 $0xF, v7;
	[tilespmem:v10+s28+$0x0] =	vst.idx.add.s32.msk $0xffff, v8  }
0x232: {  	v5 =	vand.u32 $0xF, v5;
	v2 =	vor.u32 $0x20000, v2;
	[tilespmem:v11+s28+$0x0] =	vst.idx.add.s32.msk $0xffff, v6  }
0x233: {  	v4 =	vand.u32 $0xF, v4;
	v5 =	vor.u32 $0x20000, v5;
	[tilespmem:v12+s28+$0x0] =	vst.idx.add.s32.msk $0xffff, v2  }
0x234: {  	v2 =	vand.u32 $0xF, v3;
	v3 =	vor.u32 $0x20000, v4;
	[tilespmem:v13+s28+$0x0] =	vst.idx.add.s32.msk $0xffff, v5  }
0x235: {  	v2 =	vor.u32 $0x20000, v2;
	[tilespmem:v14+s28+$0x0] =	vst.idx.add.s32.msk $0xffff, v3  }
0x236: {  	s0 =	simm.s32 $0x2;
	[tilespmem:v1+s28+$0x0] =	vst.idx.add.s32.msk $0xffff, v2  }
0x237: {  	_ =	swait.ge [sflag:s0], $0x5400  }
0x238: {  	[sflag:s0] =	ssyncset.done $0x0  }
0x239: {  	[sflag:s0] =	ssyncadd.s32 $0xFFFFAC00  }
0x23a: {  	_ =	swait.ge [sflag:s30], $0x400  }
0x23b: {  	s6 =	simm.s32 $0x0;
	[sflag:s30] =	ssyncset.done $0x0;
	s4 =	rddreg [dreg:$0xb]  }
0x23c: {  	s0 =	simm.s32 $0x1000;
	[sflag:s30] =	ssyncadd.s32 $0xFFFFFC00;
	s1 =	sadd.s32 $0x8000, s4  }
.LBB2_18:
0x23d: {  	[tilespmem:s6], [sflag:$0x1] =	stream.strided.gather [hbm4b:s4+s21], $0x400, s22, s21, $0x38;
	[tilespmem:$0x15800] =	vst v63  }
0x23e: {  	s3 =	smov.u32 s0;
	s4 =	smov.u32 s1;
	p0 =	sne.s32 s0, $0x14000  }
.Ltmp8:
0x23f: {  	s0 =	sadd.s32 $0x1000, s0;
	(pc) =	sbr.rel @p0 .LBB2_18-.Ltmp8, $2  }
0x240: {  	_ =	sdelay $0x2  }
0x241: {  	s1 =	sadd.s32 $0x8000, s1;
	s6 =	sshra.s32 s3, $0x2  }
0x242: {  	[tilespmem:s6], [sflag:$0x1] =	stream.strided.gather [hbm4b:s4+s21], $0x400, s22, s21, $0x38;
	[tilespmem:$0x15800] =	vst v63  }
0x243: {  	s0 =	rddreg [dreg:$0xc];
	s1 =	simm.s32 $0xA800  }
0x244: {  	s19 =	simm.s32 $0x0;
	s15 =	simm.s32 $0x0;
	s31 =	simm.s32 $0x0  }
0x245: {  	[tilespmem:s1], [sflag:$0x3] =	stream.strided.gather [hbm4b:s0+s21], $0x400, s22, s21, $0x38;
	[tilespmem:$0x15800] =	vst v63  }
0x246: {  	s3 =	sand.u32 $0xFFFFFFC0, s19;
	s15 =	sand.u32 $0xFFFFF800, s15;
	s0 =	simm.s32 $0x0  }
0x247: {  	s20 =	ssub.s32 $0x0, s3;
	s3 =	ssub.s32 $0xFFFFFFF8, s3;
	s1 =	sand.u32 $0x38, s0  }
0x248: {  	s12 =	sadd.s32 $0x1, s20;
	s5 =	sadd.s32 $0x6, s20;
	s8 =	sadd.s32 $0x2, s20  }
0x249: {  	s10 =	sadd.s32 $0xB, s3;
	s14 =	sadd.s32 $0xC, s3;
	s16 =	sadd.s32 $0x5, s20  }
0x24a: {  	s3 =	sadd.s32 $0xF, s3;
	s23 =	sshll.u32 s5, $0x10;
	s7 =	sshll.u32 s12, $0x10  }
0x24b: {  	s24 =	sshll.u32 s8, $0x10;
	s9 =	sshll.u32 s10, $0x10;
	s11 =	sshll.u32 s14, $0x10  }
0x24c: {  	s13 =	sshll.u32 s16, $0x10;
	s19 =	sshll.u32 s3, $0x10;
	s6 =	sshra.s32 s23, $0x1F  }
0x24d: {  	s7 =	sshra.s32 s7, $0x1F;
	s25 =	sshra.s32 s24, $0x1F;
	s9 =	sshra.s32 s9, $0x1F  }
0x24e: {  	s11 =	sshra.s32 s11, $0x1F;
	s13 =	sshra.s32 s13, $0x1F;
	s29 =	sshra.s32 s19, $0x1F  }
0x24f: {  	s6 =	sand.u32 $0x1F, s6;
	s7 =	sand.u32 $0x1F, s7;
	s9 =	sand.u32 $0x1F, s9  }
0x250: {  	s11 =	sand.u32 $0x1F, s11;
	s13 =	sand.u32 $0x1F, s13;
	s6 =	sadd.s32 s6, s5  }
0x251: {  	s5 =	sshra.s32 s5, $0x1F;
	s7 =	sadd.s32 s7, s12;
	s9 =	sadd.s32 s9, s10  }
0x252: {  	s11 =	sadd.s32 s11, s14;
	s13 =	sadd.s32 s13, s16;
	s12 =	sshra.s32 s12, $0x1F  }
0x253: {  	s10 =	sshra.s32 s10, $0x1F;
	s14 =	sshra.s32 s14, $0x1F;
	s6 =	sshll.u32 s6, $0x10  }
0x254: {  	s7 =	sshll.u32 s7, $0x10;
	s9 =	sshll.u32 s9, $0x10;
	s11 =	sshll.u32 s11, $0x10  }
0x255: {  	s13 =	sshll.u32 s13, $0x10;
	s6 =	sshra.s32 s6, $0x15;
	s7 =	sshra.s32 s7, $0x15  }
0x256: {  	s9 =	sshra.s32 s9, $0x15;
	s11 =	sshra.s32 s11, $0x15;
	s13 =	sshra.s32 s13, $0x15  }
0x257: {  	s5 =	sadd.s32 s6, s5;
	s6 =	ssub.s32 $0xE0, s15;
	s15 =	sand.u32 $0x1F, s25  }
0x258: {  	s7 =	sadd.s32 s7, s12;
	s9 =	sadd.s32 s9, s10;
	s11 =	sadd.s32 s11, s14  }
0x259: {  	s10 =	simm.s32 $0x5400;
	s26 =	sshll.u32 s5, $0xA;
	s17 =	sshll.u32 s5, $0x9  }
0x25a: {  	s5 =	sshll.u32 s5, $0x7;
	s15 =	sadd.s32 s15, s8;
	s8 =	sshra.s32 s8, $0x1F  }
0x25b: {  	s23 =	sshll.u32 s9, $0xA;
	s24 =	sshll.u32 s11, $0xA;
	s4 =	ssub.s32 s6, s26  }
0x25c: {  	s17 =	sand.u32 $0xFFFFFC00, s17;
	s15 =	sshll.u32 s15, $0x10;
	s4 =	sadd.s32 $0xFFFFFFE0, s4  }
0x25d: {  	s5 =	sand.u32 $0x80, s5;
	s15 =	sshra.s32 s15, $0x15;
	s18 =	sand.u32 $0xFFFFFF00, s4  }
0x25e: {  	s4 =	simm.s32 $0x0;
	s12 =	sadd.s32 s15, s8;
	s15 =	sshra.s32 s16, $0x1F  }
0x25f: {  	s16 =	sshll.u32 s7, $0xA;
	s17 =	sadd.s32 s18, s17;
	s13 =	sadd.s32 s13, s15  }
0x260: {  	s20 =	sshll.u32 s12, $0xA;
	s8 =	ssub.s32 s6, s16;
	s15 =	ssub.s32 s6, s23  }
0x261: {  	s16 =	ssub.s32 s6, s24;
	s23 =	sshll.u32 s12, $0x9;
	s24 =	sshll.u32 s9, $0x9  }
0x262: {  	s12 =	sshll.u32 s12, $0x7;
	s9 =	sshll.u32 s9, $0x7;
	s18 =	sadd.s32 $0x0, s17  }
0x263: {  	s25 =	sshll.u32 s13, $0xA;
	s14 =	ssub.s32 s6, s20;
	s8 =	sadd.s32 $0xFFFFFF40, s8  }
0x264: {  	s15 =	sadd.s32 $0xFFFFFF80, s15;
	s16 =	sadd.s32 $0xFFFFFFA0, s16;
	s12 =	sand.u32 $0x80, s12  }
0x265: {  	s9 =	sand.u32 $0x80, s9;
	s18 =	sor.u32 s5, s18;
	s5 =	sor.u32 s5, s17  }
0x266: {  	s17 =	sand.u32 $0x1F, s29;
	s14 =	sadd.s32 $0xFFFFFF60, s14;
	s29 =	sshll.u32 s7, $0x9  }
0x267: {  	s15 =	sand.u32 $0xFFFFFF00, s15;
	s16 =	sand.u32 $0xFFFFFF00, s16;
	s7 =	sshll.u32 s7, $0x7;
	v1 =	vld [tilespmem:s18+$0x5460]  }
0x268: {  	s17 =	sadd.s32 s17, s3;
	s3 =	sshra.s32 s3, $0x1F;
	v2 =	vld [tilespmem:s5+$0xAC60];
	s20 =	sand.u32 $0xFFFFFC00, s29  }
0x269: {  	s29 =	sshll.u32 s13, $0x9;
	s13 =	sshll.u32 s13, $0x7;
	s17 =	sshll.u32 s17, $0x10  }
0x26a: {  	s7 =	sand.u32 $0x80, s7;
	s13 =	sand.u32 $0x80, s13;
	s19 =	sshra.s32 s17, $0x15  }
0x26b: {  	s17 =	ssub.s32 s6, s25;
	s25 =	sand.u32 $0xFFFFFF00, s14;
	s3 =	sadd.s32 s19, s3  }
0x26c: {  	s14 =	sand.u32 $0xFFFFFC00, s29;
	s17 =	sadd.s32 $0xFFFFFFC0, s17;
	s26 =	sshll.u32 s3, $0xA;
	v3 =	vsub.f32 $1.000000000e+00, v1  }
0x26d: {  	s19 =	sand.u32 $0xFFFFFF00, s8;
	s17 =	sand.u32 $0xFFFFFF00, s17;
	s5 =	ssub.s32 s6, s26;
	vm0 =	veq.s32 v2, s31  }
0x26e: {  	s6 =	sadd.s32 s19, s20;
	s20 =	sshll.u32 s11, $0x9;
	s26 =	sand.u32 $0xFFFFFC00, s23;
	v1 =	vsel vm0, v3, v1  }
0x26f: {  	s19 =	sand.u32 $0xFFFFFC00, s24;
	s23 =	sshll.u32 s3, $0x9;
	s14 =	sadd.s32 s17, s14;
	v1 =	vmul.f32 $1.638400000e+04, v1  }
0x270: {  	s11 =	sshll.u32 s11, $0x7;
	s8 =	sadd.s32 s25, s26;
	s20 =	sand.u32 $0xFFFFFC00, s20  }
0x271: {  	s15 =	sadd.s32 s15, s19;
	s19 =	sshrl.u32 s1, $0x5;
	s5 =	sand.u32 $0xFFFFFF00, s5;
	v1 =	vtrunc.f32 v1  }
0x272: {  	s18 =	sand.u32 $0xFFFFFC00, s23;
	s1 =	sshll.u32 s1, $0x5;
	s25 =	sadd.s32 $0x0, s6;
	v1 =	vcvt.f32.s32 v1  }
0x273: {  	s6 =	sor.u32 s7, s6;
	s16 =	sadd.s32 s16, s20;
	s24 =	sshll.u32 s19, $0xA  }
0x274: {  	s26 =	sadd.s32 $0x0, s8;
	v13 =	vld [tilespmem:s6+$0xAC10];
	s17 =	ssub.s32 s1, s24;
	s1 =	sor.u32 s7, s25;
	vm1 =	vgt.s32 v1, $0x0  }
0x275: {  	s5 =	sadd.s32 s5, s18;
	s29 =	sadd.s32 $0x0, s15;
	s18 =	sor.u32 s12, s26;
	v2 =	vld [tilespmem:s1+$0x5410];
	v3 =	vnsel vm1, $0x0, v1  }
0x276: {  	s11 =	sand.u32 $0x80, s11;
	s20 =	sadd.s32 $0x0, s16;
	v8 =	vld [tilespmem:s18+$0x5420];
	s1 =	sor.u32 s9, s29;
	v1 =	vmov s10;
	v9 =	vmin.u32 v3, $0x3FFF  }
0x277: {  	s3 =	sshll.u32 s3, $0x7;
	s23 =	sadd.s32 $0x0, s14;
	v6 =	vld [tilespmem:s1+$0x5430];
	s10 =	sor.u32 s11, s20;
	v3 =	vsel vm0, s4, v1;
	v4 =	vshrl.u32 v9, $0x4  }
0x278: {  	s3 =	sand.u32 $0x80, s3;
	s24 =	sadd.s32 $0x0, s5;
	s1 =	sor.u32 s13, s23;
	v7 =	vld [tilespmem:s10+$0x5440];
	v10 =	vor.u32 v3, v4  }
0x279: {  	s25 =	sshll.u32 s19, $0x7;
	s26 =	sadd.s32 $0x0, s17;
	v5 =	vld [tilespmem:s1+$0x5450];
	s10 =	sor.u32 s3, s24  }
0x27a: {  	s1 =	sor.u32 s25, s26;
	v4 =	vld [tilespmem:s10+$0x5470]  }
0x27b: {  	s6 =	simm.s32 $0xE0;
	s29 =	sor.u32 s12, s8;
	v9 =	vand.u32 $0xF, v9;
	v3 =	vld [tilespmem:s1+$0x5400]  }
0x27c: {  	s19 =	sor.u32 s13, s14;
	s14 =	sor.u32 s25, s17;
	s18 =	sor.u32 s3, s5;
	v14 =	vld [tilespmem:s29+$0xAC20];
	v12 =	vsub.f32 $1.000000000e+00, v2;
	v11 =	vsub.f32 $1.000000000e+00, v8;
	v9 =	vor.u32 $0x20000, v9  }
0x27d: {  	s8 =	simm.s32 $0x8;
	s10 =	sor.u32 s9, s15;
	s1 =	sor.u32 s11, s16;
	[tilespmem:v10+s28+$0x0] =	vst.idx.add.s32.msk $0xffff, v9;
	v10 =	vsub.f32 $1.000000000e+00, v6;
	v9 =	vsub.f32 $1.000000000e+00, v7  }
.LBB2_20:
0x27e: {  	s3 =	sand.u32 $0xFFFFFFC0, s8;
	v15 =	vld [tilespmem:s10+$0xAC30];
	v16 =	vsub.f32 $1.000000000e+00, v5;
	s5 =	smov.u32 s0;
	s0 =	sadd.s32 $0x8, s0  }
0x27f: {  	s10 =	sand.u32 $0x38, s0;
	s7 =	ssub.s32 s0, s3;
	s3 =	ssub.s32 s5, s3;
	v17 =	vld [tilespmem:s1+$0xAC40];
	v18 =	vsub.f32 $1.000000000e+00, v4  }
0x280: {  	s1 =	sadd.s32 $0x1, s7;
	s16 =	sadd.s32 $0x2, s7;
	s5 =	sadd.s32 $0x6, s7;
	v19 =	vsub.f32 $1.000000000e+00, v3;
	v20 =	vld [tilespmem:s19+$0xAC50]  }
0x281: {  	s19 =	sadd.s32 $0xB, s3;
	s20 =	sadd.s32 $0xC, s3;
	s9 =	sshll.u32 s5, $0x10;
	vm0 =	veq.s32 v13, s31;
	v13 =	vld [tilespmem:s18+$0xAC70]  }
0x282: {  	s11 =	sshll.u32 s1, $0x10;
	s18 =	sadd.s32 $0x5, s7;
	s7 =	sshra.s32 s9, $0x1F;
	v21 =	vld [tilespmem:s14+$0xAC00];
	v12 =	vsel vm0, v12, v2;
	v2 =	vsel vm0, s4, v1;
	vm1 =	veq.s32 v14, s31  }
0x283: {  	s12 =	sshll.u32 s19, $0x10;
	s9 =	sshll.u32 s16, $0x10;
	s7 =	sand.u32 $0x1F, s7;
	v12 =	vmul.f32 $1.638400000e+04, v12;
	v8 =	vsel vm1, v11, v8;
	vm4 =	veq.s32 v15, s31  }
0x284: {  	s13 =	sshll.u32 s20, $0x10;
	s15 =	sshll.u32 s18, $0x10;
	s7 =	sadd.s32 s7, s5;
	v8 =	vmul.f32 $1.638400000e+04, v8;
	v6 =	vsel vm4, v10, v6;
	vm5 =	veq.s32 v17, s31  }
0x285: {  	s23 =	sadd.s32 $0xF, s3;
	s26 =	sshra.s32 s11, $0x1F;
	s7 =	sshll.u32 s7, $0x10;
	v6 =	vmul.f32 $1.638400000e+04, v6;
	v7 =	vsel vm5, v9, v7;
	vm2 =	veq.s32 v20, s31  }
0x286: {  	s3 =	sshll.u32 s8, $0x5;
	s5 =	sshra.s32 s5, $0x1F;
	s7 =	sshra.s32 s7, $0x15;
	v7 =	vmul.f32 $1.638400000e+04, v7;
	v5 =	vsel vm2, v16, v5;
	vm3 =	veq.s32 v13, s31  }
0x287: {  	s6 =	sadd.s32 $0x100, s6;
	s3 =	sand.u32 $0xFFFFF800, s3;
	s5 =	sadd.s32 s7, s5;
	vm0 =	veq.s32 v21, s31;
	v9 =	vmul.f32 $1.638400000e+04, v5;
	v4 =	vsel vm3, v18, v4  }
0x288: {  	s14 =	ssub.s32 s6, s3;
	s3 =	sshra.s32 s9, $0x1F;
	v10 =	vtrunc.f32 v12;
	s7 =	sshll.u32 s5, $0xA;
	v3 =	vsel vm0, v19, v3;
	v11 =	vmul.f32 $1.638400000e+04, v4  }
0x289: {  	s11 =	sshra.s32 s13, $0x1F;
	s9 =	sshra.s32 s12, $0x1F;
	v8 =	vtrunc.f32 v8;
	s7 =	ssub.s32 s14, s7;
	v12 =	vmul.f32 $1.638400000e+04, v3;
	v3 =	vsel vm1, s4, v1  }
0x28a: {  	s13 =	sshra.s32 s15, $0x1F;
	v13 =	vtrunc.f32 v6;
	s12 =	sshll.u32 s5, $0x9;
	v4 =	vsel vm4, s4, v1;
	v14 =	vtrunc.f32 v7;
	s7 =	sadd.s32 $0xFFFFFFE0, s7  }
0x28b: {  	s31 =	sshrl.u32 s0, $0x6;
	v5 =	vsel vm5, s4, v1;
	s15 =	sand.u32 $0xFFFFFC00, s12;
	v9 =	vtrunc.f32 v9;
	v11 =	vtrunc.f32 v11;
	s7 =	sand.u32 $0xFFFFFF00, s7  }
0x28c: {  	v10 =	vcvt.f32.s32 v10;
	v6 =	vsel vm2, s4, v1;
	s5 =	sshll.u32 s5, $0x7;
	s12 =	sshll.u32 s31, $0xA;
	v12 =	vtrunc.f32 v12;
	s7 =	sadd.s32 s7, s15  }
0x28d: {  	s17 =	sshll.u32 s23, $0x10;
	v8 =	vcvt.f32.s32 v8;
	v13 =	vcvt.f32.s32 v13;
	v7 =	vsel vm3, s4, v1;
	s5 =	sand.u32 $0x80, s5;
	s15 =	sadd.s32 s12, s7  }
0x28e: {  	s24 =	sand.u32 $0x1F, s26;
	s3 =	sand.u32 $0x1F, s3;
	vm1 =	vgt.s32 v10, $0x0;
	v14 =	vcvt.f32.s32 v14;
	v9 =	vcvt.f32.s32 v9;
	s15 =	sor.u32 s5, s15  }
0x28f: {  	s11 =	sand.u32 $0x1F, s11;
	s9 =	sand.u32 $0x1F, s9;
	vm2 =	vgt.s32 v8, $0x0;
	v11 =	vcvt.f32.s32 v11;
	v12 =	vcvt.f32.s32 v12;
	s5 =	sor.u32 s5, s7;
	v15 =	vld [tilespmem:s15+$0x5460]  }
0x290: {  	s13 =	sand.u32 $0x1F, s13;
	vm3 =	vgt.s32 v13, $0x0;
	vm4 =	vgt.s32 v14, $0x0;
	vm5 =	vgt.s32 v9, $0x0;
	s7 =	sadd.s32 s24, s1;
	v16 =	vld [tilespmem:s5+$0xAC60];
	s5 =	sshra.s32 s17, $0x1F  }
0x291: {  	s11 =	sadd.s32 s11, s20;
	s3 =	sadd.s32 s3, s16;
	s9 =	sadd.s32 s9, s19;
	v10 =	vnsel vm1, $0x0, v10;
	vm1 =	vgt.s32 v11, $0x0;
	vm6 =	vgt.s32 v12, $0x0  }
0x292: {  	s13 =	sadd.s32 s13, s18;
	v8 =	vnsel vm2, $0x0, v8;
	v13 =	vnsel vm3, $0x0, v13;
	v14 =	vnsel vm4, $0x0, v14;
	s7 =	sshll.u32 s7, $0x10;
	s5 =	sand.u32 $0x1F, s5  }
0x293: {  	s11 =	sshll.u32 s11, $0x10;
	s3 =	sshll.u32 s3, $0x10;
	s9 =	sshll.u32 s9, $0x10;
	v9 =	vnsel vm5, $0x0, v9;
	v11 =	vnsel vm1, $0x0, v11;
	v12 =	vnsel vm6, $0x0, v12  }
0x294: {  	s13 =	sshll.u32 s13, $0x10;
	v10 =	vmin.u32 v10, $0x3FFF;
	v8 =	vmin.u32 v8, $0x3FFF;
	s7 =	sshra.s32 s7, $0x15;
	s5 =	sadd.s32 s5, s23;
	v17 =	vsub.f32 $1.000000000e+00, v15  }
0x295: {  	s11 =	sshra.s32 s11, $0x15;
	s3 =	sshra.s32 s3, $0x15;
	s9 =	sshra.s32 s9, $0x15;
	v13 =	vmin.u32 v13, $0x3FFF;
	v14 =	vmin.u32 v14, $0x3FFF;
	vm1 =	veq.s32 v16, s31  }
0x296: {  	s13 =	sshra.s32 s13, $0x15;
	s1 =	sshra.s32 s1, $0x1F;
	v9 =	vmin.u32 v9, $0x3FFF;
	v11 =	vmin.u32 v11, $0x3FFF;
	s5 =	sshll.u32 s5, $0x10;
	v15 =	vsel vm1, v17, v15  }
0x297: {  	s15 =	sshra.s32 s16, $0x1F;
	s17 =	sshra.s32 s19, $0x1F;
	s19 =	sshra.s32 s20, $0x1F;
	v12 =	vmin.u32 v12, $0x3FFF;
	v16 =	vshrl.u32 v10, $0x4;
	v15 =	vmul.f32 $1.638400000e+04, v15  }
0x298: {  	v18 =	vshrl.u32 v13, $0x4;
	v19 =	vshrl.u32 v14, $0x4;
	s16 =	sadd.s32 s3, s15;
	s3 =	sshra.s32 s18, $0x1F;
	s1 =	sadd.s32 s7, s1;
	v17 =	vshrl.u32 v8, $0x4  }
0x299: {  	v20 =	vshrl.u32 v9, $0x4;
	v21 =	vshrl.u32 v11, $0x4;
	s20 =	sadd.s32 s9, s17;
	s18 =	sadd.s32 s11, s19;
	s19 =	sadd.s32 s13, s3;
	v15 =	vtrunc.f32 v15  }
0x29a: {  	s7 =	sshra.s32 s23, $0x1F;
	s3 =	sshll.u32 s1, $0xA;
	s5 =	sshra.s32 s5, $0x15;
	v10 =	vand.u32 $0xF, v10;
	v8 =	vand.u32 $0xF, v8;
	v15 =	vcvt.f32.s32 v15  }
0x29b: {  	v13 =	vand.u32 $0xF, v13;
	v14 =	vand.u32 $0xF, v14;
	v9 =	vand.u32 $0xF, v9;
	s9 =	sshll.u32 s16, $0xA;
	s11 =	sshll.u32 s20, $0xA;
	s13 =	sshll.u32 s18, $0xA  }
0x29c: {  	v11 =	vand.u32 $0xF, v11;
	v22 =	vshrl.u32 v12, $0x4;
	s15 =	sshll.u32 s19, $0xA;
	s3 =	ssub.s32 s14, s3;
	s23 =	sadd.s32 s5, s7;
	vm2 =	vgt.s32 v15, $0x0  }
0x29d: {  	v23 =	vsel vm0, s4, v1;
	v12 =	vand.u32 $0xF, v12;
	s5 =	sadd.s32 $0x5400, s12;
	s7 =	ssub.s32 s14, s9;
	s9 =	ssub.s32 s14, s11;
	v15 =	vnsel vm2, $0x0, v15  }
0x29e: {  	s4 =	ssub.s32 s14, s13;
	v1 =	vmov s5;
	s5 =	ssub.s32 s14, s15;
	s11 =	sshll.u32 s23, $0xA;
	v2 =	vor.u32 v2, v16;
	v15 =	vmin.u32 v15, $0x3FFF  }
0x29f: {  	s3 =	sadd.s32 $0xFFFFFF40, s3;
	s7 =	sadd.s32 $0xFFFFFF60, s7;
	s9 =	sadd.s32 $0xFFFFFF80, s9;
	v16 =	vsel vm1, s12, v1;
	v3 =	vor.u32 v3, v17;
	v24 =	vshrl.u32 v15, $0x4  }
0x2a0: {  	v4 =	vor.u32 v4, v18;
	v5 =	vor.u32 v5, v19;
	s13 =	sadd.s32 $0xFFFFFFA0, s4;
	s5 =	sadd.s32 $0xFFFFFFC0, s5;
	s11 =	ssub.s32 s14, s11;
	v16 =	vor.u32 v16, v24  }
0x2a1: {  	v6 =	vor.u32 v6, v20;
	v7 =	vor.u32 v7, v21;
	s17 =	sshll.u32 s20, $0x9;
	s15 =	sshll.u32 s16, $0x9;
	v10 =	vor.u32 $0x20000, v10;
	s14 =	sshll.u32 s1, $0x9  }
0x2a2: {  	v13 =	vor.u32 $0x20000, v13;
	v14 =	vor.u32 $0x20000, v14;
	s24 =	sshll.u32 s18, $0x9;
	s25 =	sshll.u32 s19, $0x9;
	s26 =	sshll.u32 s23, $0x9;
	v8 =	vor.u32 $0x20000, v8  }
0x2a3: {  	s4 =	sshrl.u32 s10, $0x5;
	s3 =	sand.u32 $0xFFFFFF00, s3;
	s7 =	sand.u32 $0xFFFFFF00, s7;
	v15 =	vand.u32 $0xF, v15;
	[tilespmem:v2+s28+$0x0] =	vst.idx.add.s32.msk $0xffff, v10;
	v2 =	vor.u32 $0x20000, v9;
	v9 =	vor.u32 $0x20000, v11  }
0x2a4: {  	s13 =	sand.u32 $0xFFFFFF00, s13;
	s9 =	sand.u32 $0xFFFFFF00, s9;
	s5 =	sand.u32 $0xFFFFFF00, s5;
	v10 =	vor.u32 $0x20000, v15;
	v11 =	vor.u32 $0x20000, v12;
	v12 =	vor.u32 v23, v22;
	[tilespmem:v3+s28+$0x0] =	vst.idx.add.s32.msk $0xffff, v8  }
0x2a5: {  	s15 =	sand.u32 $0xFFFFFC00, s15;
	s14 =	sand.u32 $0xFFFFFC00, s14;
	s11 =	sand.u32 $0xFFFFFF00, s11;
	[tilespmem:v16+s28+$0x0] =	vst.idx.add.s32.msk $0xffff, v10  }
0x2a6: {  	s17 =	sand.u32 $0xFFFFFC00, s17;
	s24 =	sand.u32 $0xFFFFFC00, s24;
	s25 =	sand.u32 $0xFFFFFC00, s25;
	[tilespmem:v4+s28+$0x0] =	vst.idx.add.s32.msk $0xffff, v13  }
0x2a7: {  	s10 =	sshll.u32 s10, $0x5;
	s29 =	sshll.u32 s4, $0xA;
	s26 =	sand.u32 $0xFFFFFC00, s26;
	[tilespmem:v5+s28+$0x0] =	vst.idx.add.s32.msk $0xffff, v14  }
0x2a8: {  	s7 =	sadd.s32 s7, s15;
	s9 =	sadd.s32 s9, s17;
	s3 =	sadd.s32 s3, s14;
	[tilespmem:v6+s28+$0x0] =	vst.idx.add.s32.msk $0xffff, v2  }
0x2a9: {  	s13 =	sadd.s32 s13, s24;
	s5 =	sadd.s32 s5, s25;
	s11 =	sadd.s32 s11, s26;
	[tilespmem:v7+s28+$0x0] =	vst.idx.add.s32.msk $0xffff, v9  }
0x2aa: {  	s1 =	sshll.u32 s1, $0x7;
	s15 =	sshll.u32 s20, $0x7;
	s14 =	sshll.u32 s16, $0x7;
	[tilespmem:v12+s28+$0x0] =	vst.idx.add.s32.msk $0xffff, v11  }
0x2ab: {  	s17 =	sshll.u32 s19, $0x7;
	s16 =	sshll.u32 s18, $0x7;
	s18 =	sshll.u32 s23, $0x7  }
0x2ac: {  	s20 =	ssub.s32 s10, s29;
	s19 =	sadd.s32 s12, s7;
	s10 =	sadd.s32 s12, s3  }
0x2ad: {  	s24 =	sadd.s32 s12, s13;
	s23 =	sadd.s32 s12, s9;
	s25 =	sadd.s32 s12, s5  }
0x2ae: {  	s1 =	sand.u32 $0x80, s1;
	s14 =	sand.u32 $0x80, s14;
	s26 =	sadd.s32 s12, s11  }
0x2af: {  	s15 =	sand.u32 $0x80, s15;
	s17 =	sand.u32 $0x80, s17;
	s16 =	sand.u32 $0x80, s16  }
0x2b0: {  	s4 =	sshll.u32 s4, $0x7;
	s29 =	sadd.s32 s20, s12;
	s18 =	sand.u32 $0x80, s18  }
0x2b1: {  	s23 =	sor.u32 s15, s23;
	s10 =	sor.u32 s1, s10;
	s19 =	sor.u32 s14, s19  }
0x2b2: {  	s24 =	sor.u32 s16, s24;
	s25 =	sor.u32 s17, s25;
	s26 =	sor.u32 s18, s26;
	v2 =	vld [tilespmem:s10+$0x5410]  }
0x2b3: {  	s29 =	sor.u32 s4, s29;
	s3 =	sor.u32 s1, s3;
	s7 =	sor.u32 s14, s7;
	v8 =	vld [tilespmem:s19+$0x5420]  }
0x2b4: {  	s1 =	sor.u32 s16, s13;
	s10 =	sor.u32 s15, s9;
	s19 =	sor.u32 s17, s5;
	v6 =	vld [tilespmem:s23+$0x5430]  }
0x2b5: {  	p0 =	slt.u32 s0, $0x538;
	s14 =	sor.u32 s4, s20;
	s18 =	sor.u32 s18, s11;
	v7 =	vld [tilespmem:s24+$0x5440]  }
.Ltmp9:
0x2b6: {  	s4 =	smov.u32 s12;
	v5 =	vld [tilespmem:s25+$0x5450];
	(pc) =	sbr.rel @p0 .LBB2_20-.Ltmp9, $4  }
0x2b7: {  	v12 =	vsub.f32 $1.000000000e+00, v2;
	v4 =	vld [tilespmem:s26+$0x5470]  }
0x2b8: {  	v3 =	vld [tilespmem:s29+$0x5400];
	v11 =	vsub.f32 $1.000000000e+00, v8  }
0x2b9: {  	v13 =	vld [tilespmem:s3+$0xAC10];
	v10 =	vsub.f32 $1.000000000e+00, v6  }
0x2ba: {  	s8 =	sadd.s32 $0x8, s8;
	v14 =	vld [tilespmem:s7+$0xAC20];
	v9 =	vsub.f32 $1.000000000e+00, v7  }
0x2bb: {  	v15 =	vld [tilespmem:s10+$0xAC30]  }
0x2bc: {  	v16 =	vld [tilespmem:s1+$0xAC40]  }
0x2bd: {  	v17 =	vld [tilespmem:s19+$0xAC50]  }
0x2be: {  	v50 =	vld [tilespmem:s18+$0xAC70]  }
0x2bf: {  	v21 =	vld [tilespmem:s14+$0xAC00]  }
0x2c0: {  	v18 =	vsub.f32 $1.000000000e+00, v5;
	v19 =	vsub.f32 $1.000000000e+00, v4;
	vm1 =	veq.s32 v13, s31  }
0x2c1: {  	v20 =	vsub.f32 $1.000000000e+00, v3;
	v2 =	vsel vm1, v12, v2;
	vm2 =	veq.s32 v14, s31  }
0x2c2: {  	v51 =	vsel vm1, s4, v1;
	v2 =	vmul.f32 $1.638400000e+04, v2;
	v8 =	vsel vm2, v11, v8  }
0x2c3: {  	vm3 =	veq.s32 v15, s31;
	vm4 =	veq.s32 v16, s31;
	vm5 =	veq.s32 v17, s31  }
0x2c4: {  	vm6 =	veq.s32 v50, s31;
	vm0 =	veq.s32 v21, s31;
	v8 =	vmul.f32 $1.638400000e+04, v8  }
0x2c5: {  	v6 =	vsel vm3, v10, v6;
	v7 =	vsel vm4, v9, v7;
	v5 =	vsel vm5, v18, v5  }
0x2c6: {  	v4 =	vsel vm6, v19, v4;
	v6 =	vmul.f32 $1.638400000e+04, v6;
	v7 =	vmul.f32 $1.638400000e+04, v7  }
0x2c7: {  	v3 =	vsel vm0, v20, v3;
	v5 =	vmul.f32 $1.638400000e+04, v5;
	v2 =	vtrunc.f32 v2  }
0x2c8: {  	v52 =	vsel vm2, s4, v1;
	v4 =	vmul.f32 $1.638400000e+04, v4;
	v3 =	vmul.f32 $1.638400000e+04, v3  }
0x2c9: {  	v53 =	vsel vm3, s4, v1;
	v8 =	vtrunc.f32 v8;
	v2 =	vcvt.f32.s32 v2  }
0x2ca: {  	v54 =	vsel vm4, s4, v1;
	v6 =	vtrunc.f32 v6;
	v7 =	vtrunc.f32 v7  }
0x2cb: {  	v55 =	vsel vm5, s4, v1;
	v5 =	vtrunc.f32 v5;
	v4 =	vtrunc.f32 v4  }
0x2cc: {  	v56 =	vsel vm6, s4, v1;
	v3 =	vtrunc.f32 v3;
	v8 =	vcvt.f32.s32 v8  }
0x2cd: {  	v1 =	vsel vm0, s4, v1;
	v6 =	vcvt.f32.s32 v6;
	v7 =	vcvt.f32.s32 v7  }
0x2ce: {  	vm9 =	vgt.s32 v2, $0x0;
	v5 =	vcvt.f32.s32 v5;
	v3 =	vcvt.f32.s32 v3  }
0x2cf: {  	v4 =	vcvt.f32.s32 v4;
	vm10 =	vgt.s32 v8, $0x0;
	v2 =	vnsel vm9, $0x0, v2  }
0x2d0: {  	vm11 =	vgt.s32 v6, $0x0;
	vm12 =	vgt.s32 v7, $0x0;
	vm13 =	vgt.s32 v5, $0x0  }
0x2d1: {  	vm14 =	vgt.s32 v3, $0x0;
	vm15 =	vgt.s32 v4, $0x0;
	v8 =	vnsel vm10, $0x0, v8  }
0x2d2: {  	v2 =	vmin.u32 v2, $0x3FFF;
	v6 =	vnsel vm11, $0x0, v6;
	v7 =	vnsel vm12, $0x0, v7  }
0x2d3: {  	v3 =	vnsel vm14, $0x0, v3;
	v5 =	vnsel vm13, $0x0, v5;
	v4 =	vnsel vm15, $0x0, v4  }
0x2d4: {  	v8 =	vmin.u32 v8, $0x3FFF;
	v57 =	vshrl.u32 v2, $0x4;
	v2 =	vand.u32 $0xF, v2  }
0x2d5: {  	v6 =	vmin.u32 v6, $0x3FFF;
	v7 =	vmin.u32 v7, $0x3FFF;
	v5 =	vmin.u32 v5, $0x3FFF  }
0x2d6: {  	v4 =	vmin.u32 v4, $0x3FFF;
	v58 =	vshrl.u32 v8, $0x4;
	v9 =	vor.u32 v51, v57  }
0x2d7: {  	v3 =	vmin.u32 v3, $0x3FFF;
	v59 =	vshrl.u32 v6, $0x4;
	v10 =	vor.u32 v52, v58  }
0x2d8: {  	v8 =	vand.u32 $0xF, v8;
	v60 =	vshrl.u32 v7, $0x4;
	v11 =	vor.u32 v53, v59  }
0x2d9: {  	v2 =	vor.u32 $0x20000, v2;
	v61 =	vshrl.u32 v5, $0x4;
	v12 =	vor.u32 v54, v60  }
0x2da: {  	v62 =	vshrl.u32 v4, $0x4;
	v6 =	vand.u32 $0xF, v6;
	v13 =	vor.u32 v55, v61  }
0x2db: {  	v63 =	vshrl.u32 v3, $0x4;
	v8 =	vor.u32 $0x20000, v8;
	v14 =	vor.u32 v56, v62;
	[tilespmem:v9+s28+$0x0] =	vst.idx.add.s32.msk $0xffff, v2  }
0x2dc: {  	v6 =	vor.u32 $0x20000, v6;
	v1 =	vor.u32 v1, v63;
	v2 =	vand.u32 $0xF, v7;
	[tilespmem:v10+s28+$0x0] =	vst.idx.add.s32.msk $0xffff, v8  }
0x2dd: {  	v5 =	vand.u32 $0xF, v5;
	v2 =	vor.u32 $0x20000, v2;
	[tilespmem:v11+s28+$0x0] =	vst.idx.add.s32.msk $0xffff, v6  }
0x2de: {  	v4 =	vand.u32 $0xF, v4;
	v5 =	vor.u32 $0x20000, v5;
	[tilespmem:v12+s28+$0x0] =	vst.idx.add.s32.msk $0xffff, v2  }
0x2df: {  	v2 =	vand.u32 $0xF, v3;
	v3 =	vor.u32 $0x20000, v4;
	[tilespmem:v13+s28+$0x0] =	vst.idx.add.s32.msk $0xffff, v5  }
0x2e0: {  	v2 =	vor.u32 $0x20000, v2;
	[tilespmem:v14+s28+$0x0] =	vst.idx.add.s32.msk $0xffff, v3  }
0x2e1: {  	s0 =	simm.s32 $0x1;
	[tilespmem:v1+s28+$0x0] =	vst.idx.add.s32.msk $0xffff, v2  }
0x2e2: {  	_ =	swait.ge [sflag:s0], $0x5400  }
0x2e3: {  	[sflag:s0] =	ssyncset.done $0x0  }
0x2e4: {  	s29 =	simm.s32 $0x3;
	[sflag:s0] =	ssyncadd.s32 $0xFFFFAC00  }
0x2e5: {  	_ =	swait.ge [sflag:s29], $0x400  }
0x2e6: {  	s31 =	simm.s32 $0x5400;
	[sflag:s29] =	ssyncset.done $0x0  }
0x2e7: {  	s0 =	simm.s32 $0x1000;
	s1 =	rddreg [dreg:$0xd];
	[sflag:s29] =	ssyncadd.s32 $0xFFFFFC00  }
0x2e8: {  	[tilespmem:s31], [sflag:$0x2] =	stream.strided.gather [hbm4b:s1+s21], $0x400, s22, s21, $0x38;
	[tilespmem:$0x15800] =	vst v63  }
.LBB2_22:
0x2e9: {  	p0 =	sne.s32 s0, $0x14000  }
.Ltmp10:
0x2ea: {  	_ = 	snop;
	(pc) =	sbr.rel @p0 .LBB2_22-.Ltmp10, $4  }
0x2eb: {  	_ = 	snop  }
0x2ec: {  	s3 =	sshra.s32 s0, $0x2;
	s0 =	sadd.s32 $0x1000, s0  }
0x2ed: {  	s1 =	sadd.s32 $0x8000, s1;
	s3 =	sadd.s32 $0x5400, s3  }
0x2ee: {  	[tilespmem:s3], [sflag:$0x2] =	stream.strided.gather [hbm4b:s1+s21], $0x400, s22, s21, $0x38;
	[tilespmem:$0x15800] =	vst v63  }
0x2ef: {  	s0 =	rddreg [dreg:$0xe];
	s1 =	simm.s32 $0xAC00  }
0x2f0: {  	s23 =	simm.s32 $0x0;
	s15 =	simm.s32 $0x0;
	s31 =	simm.s32 $0x0  }
0x2f1: {  	[tilespmem:s1], [sflag:$0x4] =	stream.strided.gather [hbm4b:s0+s21], $0x400, s22, s21, $0x38;
	[tilespmem:$0x15800] =	vst v63  }
0x2f2: {  	s3 =	sand.u32 $0xFFFFFFC0, s23;
	s0 =	simm.s32 $0x0;
	s15 =	sand.u32 $0xFFFFF800, s15  }
0x2f3: {  	s1 =	sand.u32 $0x38, s0;
	s4 =	ssub.s32 $0x0, s3;
	s3 =	ssub.s32 $0xFFFFFFF8, s3  }
0x2f4: {  	s12 =	sadd.s32 $0x1, s4;
	s5 =	sadd.s32 $0x6, s4;
	s8 =	sadd.s32 $0x2, s4  }
0x2f5: {  	s10 =	sadd.s32 $0xB, s3;
	s14 =	sadd.s32 $0xC, s3;
	s16 =	sadd.s32 $0x5, s4  }
0x2f6: {  	s3 =	sadd.s32 $0xF, s3;
	s6 =	sshll.u32 s5, $0x10;
	s7 =	sshll.u32 s12, $0x10  }
0x2f7: {  	s24 =	sshll.u32 s8, $0x10;
	s9 =	sshll.u32 s10, $0x10;
	s11 =	sshll.u32 s14, $0x10  }
0x2f8: {  	s13 =	sshll.u32 s16, $0x10;
	s19 =	sshll.u32 s3, $0x10;
	s6 =	sshra.s32 s6, $0x1F  }
0x2f9: {  	s7 =	sshra.s32 s7, $0x1F;
	s25 =	sshra.s32 s24, $0x1F;
	s9 =	sshra.s32 s9, $0x1F  }
0x2fa: {  	s11 =	sshra.s32 s11, $0x1F;
	s13 =	sshra.s32 s13, $0x1F;
	s29 =	sshra.s32 s19, $0x1F  }
0x2fb: {  	s6 =	sand.u32 $0x1F, s6;
	s7 =	sand.u32 $0x1F, s7;
	s9 =	sand.u32 $0x1F, s9  }
0x2fc: {  	s11 =	sand.u32 $0x1F, s11;
	s13 =	sand.u32 $0x1F, s13;
	s6 =	sadd.s32 s6, s5  }
0x2fd: {  	s5 =	sshra.s32 s5, $0x1F;
	s7 =	sadd.s32 s7, s12;
	s9 =	sadd.s32 s9, s10  }
0x2fe: {  	s11 =	sadd.s32 s11, s14;
	s13 =	sadd.s32 s13, s16;
	s12 =	sshra.s32 s12, $0x1F  }
0x2ff: {  	s10 =	sshra.s32 s10, $0x1F;
	s14 =	sshra.s32 s14, $0x1F;
	s6 =	sshll.u32 s6, $0x10  }
0x300: {  	s7 =	sshll.u32 s7, $0x10;
	s9 =	sshll.u32 s9, $0x10;
	s11 =	sshll.u32 s11, $0x10  }
0x301: {  	s13 =	sshll.u32 s13, $0x10;
	s6 =	sshra.s32 s6, $0x15;
	s7 =	sshra.s32 s7, $0x15  }
0x302: {  	s9 =	sshra.s32 s9, $0x15;
	s11 =	sshra.s32 s11, $0x15;
	s13 =	sshra.s32 s13, $0x15  }
0x303: {  	s5 =	sadd.s32 s6, s5;
	s6 =	ssub.s32 $0xE0, s15;
	s15 =	sand.u32 $0x1F, s25  }
0x304: {  	s7 =	sadd.s32 s7, s12;
	s9 =	sadd.s32 s9, s10;
	s11 =	sadd.s32 s11, s14  }
0x305: {  	s10 =	simm.s32 $0x5400;
	s26 =	sshll.u32 s5, $0xA;
	s17 =	sshll.u32 s5, $0x9  }
0x306: {  	s5 =	sshll.u32 s5, $0x7;
	s15 =	sadd.s32 s15, s8;
	s8 =	sshra.s32 s8, $0x1F  }
0x307: {  	s23 =	sshll.u32 s9, $0xA;
	s24 =	sshll.u32 s11, $0xA;
	s4 =	ssub.s32 s6, s26  }
0x308: {  	s17 =	sand.u32 $0xFFFFFC00, s17;
	s15 =	sshll.u32 s15, $0x10;
	s4 =	sadd.s32 $0xFFFFFFE0, s4  }
0x309: {  	s5 =	sand.u32 $0x80, s5;
	s15 =	sshra.s32 s15, $0x15;
	s18 =	sand.u32 $0xFFFFFF00, s4  }
0x30a: {  	s4 =	simm.s32 $0x0;
	s12 =	sadd.s32 s15, s8;
	s15 =	sshra.s32 s16, $0x1F  }
0x30b: {  	s16 =	sshll.u32 s7, $0xA;
	s17 =	sadd.s32 s18, s17;
	s13 =	sadd.s32 s13, s15  }
0x30c: {  	s20 =	sshll.u32 s12, $0xA;
	s8 =	ssub.s32 s6, s16;
	s15 =	ssub.s32 s6, s23  }
0x30d: {  	s16 =	ssub.s32 s6, s24;
	s23 =	sshll.u32 s12, $0x9;
	s24 =	sshll.u32 s9, $0x9  }
0x30e: {  	s12 =	sshll.u32 s12, $0x7;
	s9 =	sshll.u32 s9, $0x7;
	s18 =	sadd.s32 $0x0, s17  }
0x30f: {  	s25 =	sshll.u32 s13, $0xA;
	s14 =	ssub.s32 s6, s20;
	s8 =	sadd.s32 $0xFFFFFF40, s8  }
0x310: {  	s15 =	sadd.s32 $0xFFFFFF80, s15;
	s16 =	sadd.s32 $0xFFFFFFA0, s16;
	s12 =	sand.u32 $0x80, s12  }
0x311: {  	s9 =	sand.u32 $0x80, s9;
	s18 =	sor.u32 s5, s18;
	s5 =	sor.u32 s5, s17  }
0x312: {  	s17 =	sand.u32 $0x1F, s29;
	s14 =	sadd.s32 $0xFFFFFF60, s14;
	s29 =	sshll.u32 s7, $0x9  }
0x313: {  	s15 =	sand.u32 $0xFFFFFF00, s15;
	s16 =	sand.u32 $0xFFFFFF00, s16;
	s7 =	sshll.u32 s7, $0x7;
	v1 =	vld [tilespmem:s18+$0x60]  }
0x314: {  	s17 =	sadd.s32 s17, s3;
	s3 =	sshra.s32 s3, $0x1F;
	v2 =	vld [tilespmem:s5+$0xA860];
	s20 =	sand.u32 $0xFFFFFC00, s29  }
0x315: {  	s29 =	sshll.u32 s13, $0x9;
	s13 =	sshll.u32 s13, $0x7;
	s17 =	sshll.u32 s17, $0x10  }
0x316: {  	s7 =	sand.u32 $0x80, s7;
	s13 =	sand.u32 $0x80, s13;
	s19 =	sshra.s32 s17, $0x15  }
0x317: {  	s17 =	ssub.s32 s6, s25;
	s25 =	sand.u32 $0xFFFFFF00, s14;
	s3 =	sadd.s32 s19, s3  }
0x318: {  	s14 =	sand.u32 $0xFFFFFC00, s29;
	s17 =	sadd.s32 $0xFFFFFFC0, s17;
	s26 =	sshll.u32 s3, $0xA;
	v3 =	vsub.f32 $1.000000000e+00, v1  }
0x319: {  	s19 =	sand.u32 $0xFFFFFF00, s8;
	s17 =	sand.u32 $0xFFFFFF00, s17;
	s5 =	ssub.s32 s6, s26;
	vm0 =	veq.s32 v2, s31  }
0x31a: {  	s6 =	sadd.s32 s19, s20;
	s20 =	sshll.u32 s11, $0x9;
	s26 =	sand.u32 $0xFFFFFC00, s23;
	v1 =	vsel vm0, v3, v1  }
0x31b: {  	s19 =	sand.u32 $0xFFFFFC00, s24;
	s23 =	sshll.u32 s3, $0x9;
	s14 =	sadd.s32 s17, s14;
	v1 =	vmul.f32 $1.638400000e+04, v1  }
0x31c: {  	s11 =	sshll.u32 s11, $0x7;
	s8 =	sadd.s32 s25, s26;
	s20 =	sand.u32 $0xFFFFFC00, s20  }
0x31d: {  	s15 =	sadd.s32 s15, s19;
	s19 =	sshrl.u32 s1, $0x5;
	s5 =	sand.u32 $0xFFFFFF00, s5;
	v1 =	vtrunc.f32 v1  }
0x31e: {  	s18 =	sand.u32 $0xFFFFFC00, s23;
	s1 =	sshll.u32 s1, $0x5;
	s25 =	sadd.s32 $0x0, s6;
	v1 =	vcvt.f32.s32 v1  }
0x31f: {  	s6 =	sor.u32 s7, s6;
	s16 =	sadd.s32 s16, s20;
	s24 =	sshll.u32 s19, $0xA  }
0x320: {  	s26 =	sadd.s32 $0x0, s8;
	v13 =	vld [tilespmem:s6+$0xA810];
	s17 =	ssub.s32 s1, s24;
	s1 =	sor.u32 s7, s25;
	vm1 =	vgt.s32 v1, $0x0  }
0x321: {  	s5 =	sadd.s32 s5, s18;
	s29 =	sadd.s32 $0x0, s15;
	s18 =	sor.u32 s12, s26;
	v2 =	vld [tilespmem:s1+$0x10];
	v3 =	vnsel vm1, $0x0, v1  }
0x322: {  	s11 =	sand.u32 $0x80, s11;
	s20 =	sadd.s32 $0x0, s16;
	v8 =	vld [tilespmem:s18+$0x20];
	s1 =	sor.u32 s9, s29;
	v1 =	vmov s10;
	v9 =	vmin.u32 v3, $0x3FFF  }
0x323: {  	s3 =	sshll.u32 s3, $0x7;
	s23 =	sadd.s32 $0x0, s14;
	v6 =	vld [tilespmem:s1+$0x30];
	s10 =	sor.u32 s11, s20;
	v3 =	vsel vm0, s4, v1;
	v4 =	vshrl.u32 v9, $0x4  }
0x324: {  	s3 =	sand.u32 $0x80, s3;
	s24 =	sadd.s32 $0x0, s5;
	s1 =	sor.u32 s13, s23;
	v7 =	vld [tilespmem:s10+$0x40];
	v10 =	vor.u32 v3, v4  }
0x325: {  	s25 =	sshll.u32 s19, $0x7;
	s26 =	sadd.s32 $0x0, s17;
	v5 =	vld [tilespmem:s1+$0x50];
	s10 =	sor.u32 s3, s24  }
0x326: {  	s1 =	sor.u32 s25, s26;
	v4 =	vld [tilespmem:s10+$0x70]  }
0x327: {  	s6 =	simm.s32 $0xE0;
	s29 =	sor.u32 s12, s8;
	v9 =	vand.u32 $0xF, v9;
	v3 =	vld [tilespmem:s1+$0x0]  }
0x328: {  	s19 =	sor.u32 s13, s14;
	s14 =	sor.u32 s25, s17;
	s18 =	sor.u32 s3, s5;
	v14 =	vld [tilespmem:s29+$0xA820];
	v12 =	vsub.f32 $1.000000000e+00, v2;
	v11 =	vsub.f32 $1.000000000e+00, v8;
	v9 =	vor.u32 $0x20000, v9  }
0x329: {  	s8 =	simm.s32 $0x8;
	s10 =	sor.u32 s9, s15;
	s1 =	sor.u32 s11, s16;
	[tilespmem:v10+s28+$0x0] =	vst.idx.add.s32.msk $0xffff, v9;
	v10 =	vsub.f32 $1.000000000e+00, v6;
	v9 =	vsub.f32 $1.000000000e+00, v7  }
.LBB2_24:
0x32a: {  	s3 =	sand.u32 $0xFFFFFFC0, s8;
	v15 =	vld [tilespmem:s10+$0xA830];
	v16 =	vsub.f32 $1.000000000e+00, v5;
	s5 =	smov.u32 s0;
	s0 =	sadd.s32 $0x8, s0  }
0x32b: {  	s10 =	sand.u32 $0x38, s0;
	s7 =	ssub.s32 s0, s3;
	s3 =	ssub.s32 s5, s3;
	v17 =	vld [tilespmem:s1+$0xA840];
	v18 =	vsub.f32 $1.000000000e+00, v4  }
0x32c: {  	s1 =	sadd.s32 $0x1, s7;
	s16 =	sadd.s32 $0x2, s7;
	s5 =	sadd.s32 $0x6, s7;
	v19 =	vsub.f32 $1.000000000e+00, v3;
	v20 =	vld [tilespmem:s19+$0xA850]  }
0x32d: {  	s19 =	sadd.s32 $0xB, s3;
	s20 =	sadd.s32 $0xC, s3;
	s9 =	sshll.u32 s5, $0x10;
	vm0 =	veq.s32 v13, s31;
	v13 =	vld [tilespmem:s18+$0xA870]  }
0x32e: {  	s11 =	sshll.u32 s1, $0x10;
	s18 =	sadd.s32 $0x5, s7;
	s7 =	sshra.s32 s9, $0x1F;
	v21 =	vld [tilespmem:s14+$0xA800];
	v12 =	vsel vm0, v12, v2;
	v2 =	vsel vm0, s4, v1;
	vm1 =	veq.s32 v14, s31  }
0x32f: {  	s12 =	sshll.u32 s19, $0x10;
	s9 =	sshll.u32 s16, $0x10;
	s7 =	sand.u32 $0x1F, s7;
	v12 =	vmul.f32 $1.638400000e+04, v12;
	v8 =	vsel vm1, v11, v8;
	vm4 =	veq.s32 v15, s31  }
0x330: {  	s13 =	sshll.u32 s20, $0x10;
	s15 =	sshll.u32 s18, $0x10;
	s7 =	sadd.s32 s7, s5;
	v8 =	vmul.f32 $1.638400000e+04, v8;
	v6 =	vsel vm4, v10, v6;
	vm5 =	veq.s32 v17, s31  }
0x331: {  	s23 =	sadd.s32 $0xF, s3;
	s26 =	sshra.s32 s11, $0x1F;
	s7 =	sshll.u32 s7, $0x10;
	v6 =	vmul.f32 $1.638400000e+04, v6;
	v7 =	vsel vm5, v9, v7;
	vm2 =	veq.s32 v20, s31  }
0x332: {  	s3 =	sshll.u32 s8, $0x5;
	s5 =	sshra.s32 s5, $0x1F;
	s7 =	sshra.s32 s7, $0x15;
	v7 =	vmul.f32 $1.638400000e+04, v7;
	v5 =	vsel vm2, v16, v5;
	vm3 =	veq.s32 v13, s31  }
0x333: {  	s6 =	sadd.s32 $0x100, s6;
	s3 =	sand.u32 $0xFFFFF800, s3;
	s5 =	sadd.s32 s7, s5;
	vm0 =	veq.s32 v21, s31;
	v9 =	vmul.f32 $1.638400000e+04, v5;
	v4 =	vsel vm3, v18, v4  }
0x334: {  	s14 =	ssub.s32 s6, s3;
	s3 =	sshra.s32 s9, $0x1F;
	v10 =	vtrunc.f32 v12;
	s7 =	sshll.u32 s5, $0xA;
	v3 =	vsel vm0, v19, v3;
	v11 =	vmul.f32 $1.638400000e+04, v4  }
0x335: {  	s11 =	sshra.s32 s13, $0x1F;
	s9 =	sshra.s32 s12, $0x1F;
	v8 =	vtrunc.f32 v8;
	s7 =	ssub.s32 s14, s7;
	v12 =	vmul.f32 $1.638400000e+04, v3;
	v3 =	vsel vm1, s4, v1  }
0x336: {  	s13 =	sshra.s32 s15, $0x1F;
	v13 =	vtrunc.f32 v6;
	s12 =	sshll.u32 s5, $0x9;
	v4 =	vsel vm4, s4, v1;
	v14 =	vtrunc.f32 v7;
	s7 =	sadd.s32 $0xFFFFFFE0, s7  }
0x337: {  	s31 =	sshrl.u32 s0, $0x6;
	v5 =	vsel vm5, s4, v1;
	s15 =	sand.u32 $0xFFFFFC00, s12;
	v9 =	vtrunc.f32 v9;
	v11 =	vtrunc.f32 v11;
	s7 =	sand.u32 $0xFFFFFF00, s7  }
0x338: {  	v10 =	vcvt.f32.s32 v10;
	v6 =	vsel vm2, s4, v1;
	s5 =	sshll.u32 s5, $0x7;
	s12 =	sshll.u32 s31, $0xA;
	v12 =	vtrunc.f32 v12;
	s7 =	sadd.s32 s7, s15  }
0x339: {  	s17 =	sshll.u32 s23, $0x10;
	v8 =	vcvt.f32.s32 v8;
	v13 =	vcvt.f32.s32 v13;
	v7 =	vsel vm3, s4, v1;
	s5 =	sand.u32 $0x80, s5;
	s15 =	sadd.s32 s12, s7  }
0x33a: {  	s24 =	sand.u32 $0x1F, s26;
	s3 =	sand.u32 $0x1F, s3;
	vm1 =	vgt.s32 v10, $0x0;
	v14 =	vcvt.f32.s32 v14;
	v9 =	vcvt.f32.s32 v9;
	s15 =	sor.u32 s5, s15  }
0x33b: {  	s11 =	sand.u32 $0x1F, s11;
	s9 =	sand.u32 $0x1F, s9;
	vm2 =	vgt.s32 v8, $0x0;
	v11 =	vcvt.f32.s32 v11;
	v12 =	vcvt.f32.s32 v12;
	s5 =	sor.u32 s5, s7;
	v15 =	vld [tilespmem:s15+$0x60]  }
0x33c: {  	s13 =	sand.u32 $0x1F, s13;
	vm3 =	vgt.s32 v13, $0x0;
	vm4 =	vgt.s32 v14, $0x0;
	vm5 =	vgt.s32 v9, $0x0;
	s7 =	sadd.s32 s24, s1;
	v16 =	vld [tilespmem:s5+$0xA860];
	s5 =	sshra.s32 s17, $0x1F  }
0x33d: {  	s11 =	sadd.s32 s11, s20;
	s3 =	sadd.s32 s3, s16;
	s9 =	sadd.s32 s9, s19;
	v10 =	vnsel vm1, $0x0, v10;
	vm1 =	vgt.s32 v11, $0x0;
	vm6 =	vgt.s32 v12, $0x0  }
0x33e: {  	s13 =	sadd.s32 s13, s18;
	v8 =	vnsel vm2, $0x0, v8;
	v13 =	vnsel vm3, $0x0, v13;
	v14 =	vnsel vm4, $0x0, v14;
	s7 =	sshll.u32 s7, $0x10;
	s5 =	sand.u32 $0x1F, s5  }
0x33f: {  	s11 =	sshll.u32 s11, $0x10;
	s3 =	sshll.u32 s3, $0x10;
	s9 =	sshll.u32 s9, $0x10;
	v9 =	vnsel vm5, $0x0, v9;
	v11 =	vnsel vm1, $0x0, v11;
	v12 =	vnsel vm6, $0x0, v12  }
0x340: {  	s13 =	sshll.u32 s13, $0x10;
	v10 =	vmin.u32 v10, $0x3FFF;
	v8 =	vmin.u32 v8, $0x3FFF;
	s7 =	sshra.s32 s7, $0x15;
	s5 =	sadd.s32 s5, s23;
	v17 =	vsub.f32 $1.000000000e+00, v15  }
0x341: {  	s11 =	sshra.s32 s11, $0x15;
	s3 =	sshra.s32 s3, $0x15;
	s9 =	sshra.s32 s9, $0x15;
	v13 =	vmin.u32 v13, $0x3FFF;
	v14 =	vmin.u32 v14, $0x3FFF;
	vm1 =	veq.s32 v16, s31  }
0x342: {  	s13 =	sshra.s32 s13, $0x15;
	s1 =	sshra.s32 s1, $0x1F;
	v9 =	vmin.u32 v9, $0x3FFF;
	v11 =	vmin.u32 v11, $0x3FFF;
	s5 =	sshll.u32 s5, $0x10;
	v15 =	vsel vm1, v17, v15  }
0x343: {  	s15 =	sshra.s32 s16, $0x1F;
	s17 =	sshra.s32 s19, $0x1F;
	s19 =	sshra.s32 s20, $0x1F;
	v12 =	vmin.u32 v12, $0x3FFF;
	v16 =	vshrl.u32 v10, $0x4;
	v15 =	vmul.f32 $1.638400000e+04, v15  }
0x344: {  	v18 =	vshrl.u32 v13, $0x4;
	v19 =	vshrl.u32 v14, $0x4;
	s16 =	sadd.s32 s3, s15;
	s3 =	sshra.s32 s18, $0x1F;
	s1 =	sadd.s32 s7, s1;
	v17 =	vshrl.u32 v8, $0x4  }
0x345: {  	v20 =	vshrl.u32 v9, $0x4;
	v21 =	vshrl.u32 v11, $0x4;
	s20 =	sadd.s32 s9, s17;
	s18 =	sadd.s32 s11, s19;
	s19 =	sadd.s32 s13, s3;
	v15 =	vtrunc.f32 v15  }
0x346: {  	s7 =	sshra.s32 s23, $0x1F;
	s3 =	sshll.u32 s1, $0xA;
	s5 =	sshra.s32 s5, $0x15;
	v10 =	vand.u32 $0xF, v10;
	v8 =	vand.u32 $0xF, v8;
	v15 =	vcvt.f32.s32 v15  }
0x347: {  	v13 =	vand.u32 $0xF, v13;
	v14 =	vand.u32 $0xF, v14;
	v9 =	vand.u32 $0xF, v9;
	s9 =	sshll.u32 s16, $0xA;
	s11 =	sshll.u32 s20, $0xA;
	s13 =	sshll.u32 s18, $0xA  }
0x348: {  	v11 =	vand.u32 $0xF, v11;
	v22 =	vshrl.u32 v12, $0x4;
	s15 =	sshll.u32 s19, $0xA;
	s3 =	ssub.s32 s14, s3;
	s23 =	sadd.s32 s5, s7;
	vm2 =	vgt.s32 v15, $0x0  }
0x349: {  	v23 =	vsel vm0, s4, v1;
	v12 =	vand.u32 $0xF, v12;
	s5 =	sadd.s32 $0x5400, s12;
	s7 =	ssub.s32 s14, s9;
	s9 =	ssub.s32 s14, s11;
	v15 =	vnsel vm2, $0x0, v15  }
0x34a: {  	s4 =	ssub.s32 s14, s13;
	v1 =	vmov s5;
	s5 =	ssub.s32 s14, s15;
	s11 =	sshll.u32 s23, $0xA;
	v2 =	vor.u32 v2, v16;
	v15 =	vmin.u32 v15, $0x3FFF  }
0x34b: {  	s3 =	sadd.s32 $0xFFFFFF40, s3;
	s7 =	sadd.s32 $0xFFFFFF60, s7;
	s9 =	sadd.s32 $0xFFFFFF80, s9;
	v16 =	vsel vm1, s12, v1;
	v3 =	vor.u32 v3, v17;
	v24 =	vshrl.u32 v15, $0x4  }
0x34c: {  	v4 =	vor.u32 v4, v18;
	v5 =	vor.u32 v5, v19;
	s13 =	sadd.s32 $0xFFFFFFA0, s4;
	s5 =	sadd.s32 $0xFFFFFFC0, s5;
	s11 =	ssub.s32 s14, s11;
	v16 =	vor.u32 v16, v24  }
0x34d: {  	v6 =	vor.u32 v6, v20;
	v7 =	vor.u32 v7, v21;
	s17 =	sshll.u32 s20, $0x9;
	s15 =	sshll.u32 s16, $0x9;
	v10 =	vor.u32 $0x20000, v10;
	s14 =	sshll.u32 s1, $0x9  }
0x34e: {  	v13 =	vor.u32 $0x20000, v13;
	v14 =	vor.u32 $0x20000, v14;
	s24 =	sshll.u32 s18, $0x9;
	s25 =	sshll.u32 s19, $0x9;
	s26 =	sshll.u32 s23, $0x9;
	v8 =	vor.u32 $0x20000, v8  }
0x34f: {  	s4 =	sshrl.u32 s10, $0x5;
	s3 =	sand.u32 $0xFFFFFF00, s3;
	s7 =	sand.u32 $0xFFFFFF00, s7;
	v15 =	vand.u32 $0xF, v15;
	[tilespmem:v2+s28+$0x0] =	vst.idx.add.s32.msk $0xffff, v10;
	v2 =	vor.u32 $0x20000, v9;
	v9 =	vor.u32 $0x20000, v11  }
0x350: {  	s13 =	sand.u32 $0xFFFFFF00, s13;
	s9 =	sand.u32 $0xFFFFFF00, s9;
	s5 =	sand.u32 $0xFFFFFF00, s5;
	v10 =	vor.u32 $0x20000, v15;
	v11 =	vor.u32 $0x20000, v12;
	v12 =	vor.u32 v23, v22;
	[tilespmem:v3+s28+$0x0] =	vst.idx.add.s32.msk $0xffff, v8  }
0x351: {  	s15 =	sand.u32 $0xFFFFFC00, s15;
	s14 =	sand.u32 $0xFFFFFC00, s14;
	s11 =	sand.u32 $0xFFFFFF00, s11;
	[tilespmem:v16+s28+$0x0] =	vst.idx.add.s32.msk $0xffff, v10  }
0x352: {  	s17 =	sand.u32 $0xFFFFFC00, s17;
	s24 =	sand.u32 $0xFFFFFC00, s24;
	s25 =	sand.u32 $0xFFFFFC00, s25;
	[tilespmem:v4+s28+$0x0] =	vst.idx.add.s32.msk $0xffff, v13  }
0x353: {  	s10 =	sshll.u32 s10, $0x5;
	s29 =	sshll.u32 s4, $0xA;
	s26 =	sand.u32 $0xFFFFFC00, s26;
	[tilespmem:v5+s28+$0x0] =	vst.idx.add.s32.msk $0xffff, v14  }
0x354: {  	s7 =	sadd.s32 s7, s15;
	s9 =	sadd.s32 s9, s17;
	s3 =	sadd.s32 s3, s14;
	[tilespmem:v6+s28+$0x0] =	vst.idx.add.s32.msk $0xffff, v2  }
0x355: {  	s13 =	sadd.s32 s13, s24;
	s5 =	sadd.s32 s5, s25;
	s11 =	sadd.s32 s11, s26;
	[tilespmem:v7+s28+$0x0] =	vst.idx.add.s32.msk $0xffff, v9  }
0x356: {  	s1 =	sshll.u32 s1, $0x7;
	s15 =	sshll.u32 s20, $0x7;
	s14 =	sshll.u32 s16, $0x7;
	[tilespmem:v12+s28+$0x0] =	vst.idx.add.s32.msk $0xffff, v11  }
0x357: {  	s17 =	sshll.u32 s19, $0x7;
	s16 =	sshll.u32 s18, $0x7;
	s18 =	sshll.u32 s23, $0x7  }
0x358: {  	s20 =	ssub.s32 s10, s29;
	s19 =	sadd.s32 s12, s7;
	s10 =	sadd.s32 s12, s3  }
0x359: {  	s24 =	sadd.s32 s12, s13;
	s23 =	sadd.s32 s12, s9;
	s25 =	sadd.s32 s12, s5  }
0x35a: {  	s1 =	sand.u32 $0x80, s1;
	s14 =	sand.u32 $0x80, s14;
	s26 =	sadd.s32 s12, s11  }
0x35b: {  	s15 =	sand.u32 $0x80, s15;
	s17 =	sand.u32 $0x80, s17;
	s16 =	sand.u32 $0x80, s16  }
0x35c: {  	s4 =	sshll.u32 s4, $0x7;
	s29 =	sadd.s32 s20, s12;
	s18 =	sand.u32 $0x80, s18  }
0x35d: {  	s23 =	sor.u32 s15, s23;
	s10 =	sor.u32 s1, s10;
	s19 =	sor.u32 s14, s19  }
0x35e: {  	s24 =	sor.u32 s16, s24;
	s25 =	sor.u32 s17, s25;
	s26 =	sor.u32 s18, s26;
	v2 =	vld [tilespmem:s10+$0x10]  }
0x35f: {  	s29 =	sor.u32 s4, s29;
	s3 =	sor.u32 s1, s3;
	s7 =	sor.u32 s14, s7;
	v8 =	vld [tilespmem:s19+$0x20]  }
0x360: {  	s1 =	sor.u32 s16, s13;
	s10 =	sor.u32 s15, s9;
	s19 =	sor.u32 s17, s5;
	v6 =	vld [tilespmem:s23+$0x30]  }
0x361: {  	p0 =	slt.u32 s0, $0x538;
	s14 =	sor.u32 s4, s20;
	s18 =	sor.u32 s18, s11;
	v7 =	vld [tilespmem:s24+$0x40]  }
.Ltmp11:
0x362: {  	s4 =	smov.u32 s12;
	v5 =	vld [tilespmem:s25+$0x50];
	(pc) =	sbr.rel @p0 .LBB2_24-.Ltmp11, $4  }
0x363: {  	v12 =	vsub.f32 $1.000000000e+00, v2;
	v4 =	vld [tilespmem:s26+$0x70]  }
0x364: {  	v3 =	vld [tilespmem:s29+$0x0];
	v11 =	vsub.f32 $1.000000000e+00, v8  }
0x365: {  	v13 =	vld [tilespmem:s3+$0xA810];
	v10 =	vsub.f32 $1.000000000e+00, v6  }
0x366: {  	s8 =	sadd.s32 $0x8, s8;
	v14 =	vld [tilespmem:s7+$0xA820];
	v9 =	vsub.f32 $1.000000000e+00, v7  }
0x367: {  	v15 =	vld [tilespmem:s10+$0xA830]  }
0x368: {  	v16 =	vld [tilespmem:s1+$0xA840]  }
0x369: {  	v17 =	vld [tilespmem:s19+$0xA850]  }
0x36a: {  	v50 =	vld [tilespmem:s18+$0xA870]  }
0x36b: {  	v21 =	vld [tilespmem:s14+$0xA800]  }
0x36c: {  	v18 =	vsub.f32 $1.000000000e+00, v5;
	v19 =	vsub.f32 $1.000000000e+00, v4;
	vm1 =	veq.s32 v13, s31  }
0x36d: {  	v20 =	vsub.f32 $1.000000000e+00, v3;
	v2 =	vsel vm1, v12, v2;
	vm2 =	veq.s32 v14, s31  }
0x36e: {  	v51 =	vsel vm1, s4, v1;
	v2 =	vmul.f32 $1.638400000e+04, v2;
	v8 =	vsel vm2, v11, v8  }
0x36f: {  	vm3 =	veq.s32 v15, s31;
	vm4 =	veq.s32 v16, s31;
	vm5 =	veq.s32 v17, s31  }
0x370: {  	vm6 =	veq.s32 v50, s31;
	vm0 =	veq.s32 v21, s31;
	v8 =	vmul.f32 $1.638400000e+04, v8  }
0x371: {  	v6 =	vsel vm3, v10, v6;
	v7 =	vsel vm4, v9, v7;
	v5 =	vsel vm5, v18, v5  }
0x372: {  	v4 =	vsel vm6, v19, v4;
	v6 =	vmul.f32 $1.638400000e+04, v6;
	v7 =	vmul.f32 $1.638400000e+04, v7  }
0x373: {  	v3 =	vsel vm0, v20, v3;
	v5 =	vmul.f32 $1.638400000e+04, v5;
	v2 =	vtrunc.f32 v2  }
0x374: {  	v52 =	vsel vm2, s4, v1;
	v4 =	vmul.f32 $1.638400000e+04, v4;
	v3 =	vmul.f32 $1.638400000e+04, v3  }
0x375: {  	v53 =	vsel vm3, s4, v1;
	v8 =	vtrunc.f32 v8;
	v2 =	vcvt.f32.s32 v2  }
0x376: {  	v54 =	vsel vm4, s4, v1;
	v6 =	vtrunc.f32 v6;
	v7 =	vtrunc.f32 v7  }
0x377: {  	v55 =	vsel vm5, s4, v1;
	v5 =	vtrunc.f32 v5;
	v4 =	vtrunc.f32 v4  }
0x378: {  	v56 =	vsel vm6, s4, v1;
	v3 =	vtrunc.f32 v3;
	v8 =	vcvt.f32.s32 v8  }
0x379: {  	v1 =	vsel vm0, s4, v1;
	v6 =	vcvt.f32.s32 v6;
	v7 =	vcvt.f32.s32 v7  }
0x37a: {  	vm9 =	vgt.s32 v2, $0x0;
	v5 =	vcvt.f32.s32 v5;
	v3 =	vcvt.f32.s32 v3  }
0x37b: {  	v4 =	vcvt.f32.s32 v4;
	vm10 =	vgt.s32 v8, $0x0;
	v2 =	vnsel vm9, $0x0, v2  }
0x37c: {  	vm11 =	vgt.s32 v6, $0x0;
	vm12 =	vgt.s32 v7, $0x0;
	vm13 =	vgt.s32 v5, $0x0  }
0x37d: {  	vm14 =	vgt.s32 v3, $0x0;
	vm15 =	vgt.s32 v4, $0x0;
	v8 =	vnsel vm10, $0x0, v8  }
0x37e: {  	v2 =	vmin.u32 v2, $0x3FFF;
	v6 =	vnsel vm11, $0x0, v6;
	v7 =	vnsel vm12, $0x0, v7  }
0x37f: {  	v3 =	vnsel vm14, $0x0, v3;
	v5 =	vnsel vm13, $0x0, v5;
	v4 =	vnsel vm15, $0x0, v4  }
0x380: {  	v8 =	vmin.u32 v8, $0x3FFF;
	v57 =	vshrl.u32 v2, $0x4;
	v2 =	vand.u32 $0xF, v2  }
0x381: {  	v6 =	vmin.u32 v6, $0x3FFF;
	v7 =	vmin.u32 v7, $0x3FFF;
	v5 =	vmin.u32 v5, $0x3FFF  }
0x382: {  	v4 =	vmin.u32 v4, $0x3FFF;
	v58 =	vshrl.u32 v8, $0x4;
	v9 =	vor.u32 v51, v57  }
0x383: {  	v3 =	vmin.u32 v3, $0x3FFF;
	v59 =	vshrl.u32 v6, $0x4;
	v10 =	vor.u32 v52, v58  }
0x384: {  	v8 =	vand.u32 $0xF, v8;
	v60 =	vshrl.u32 v7, $0x4;
	v11 =	vor.u32 v53, v59  }
0x385: {  	v2 =	vor.u32 $0x20000, v2;
	v61 =	vshrl.u32 v5, $0x4;
	v12 =	vor.u32 v54, v60  }
0x386: {  	v62 =	vshrl.u32 v4, $0x4;
	v6 =	vand.u32 $0xF, v6;
	v13 =	vor.u32 v55, v61  }
0x387: {  	v63 =	vshrl.u32 v3, $0x4;
	v8 =	vor.u32 $0x20000, v8;
	v14 =	vor.u32 v56, v62;
	[tilespmem:v9+s28+$0x0] =	vst.idx.add.s32.msk $0xffff, v2  }
0x388: {  	v6 =	vor.u32 $0x20000, v6;
	v1 =	vor.u32 v1, v63;
	v2 =	vand.u32 $0xF, v7;
	[tilespmem:v10+s28+$0x0] =	vst.idx.add.s32.msk $0xffff, v8  }
0x389: {  	v5 =	vand.u32 $0xF, v5;
	v2 =	vor.u32 $0x20000, v2;
	[tilespmem:v11+s28+$0x0] =	vst.idx.add.s32.msk $0xffff, v6  }
0x38a: {  	v4 =	vand.u32 $0xF, v4;
	v5 =	vor.u32 $0x20000, v5;
	[tilespmem:v12+s28+$0x0] =	vst.idx.add.s32.msk $0xffff, v2  }
0x38b: {  	v2 =	vand.u32 $0xF, v3;
	v3 =	vor.u32 $0x20000, v4;
	[tilespmem:v13+s28+$0x0] =	vst.idx.add.s32.msk $0xffff, v5  }
0x38c: {  	v2 =	vor.u32 $0x20000, v2;
	[tilespmem:v14+s28+$0x0] =	vst.idx.add.s32.msk $0xffff, v3  }
0x38d: {  	s0 =	simm.s32 $0x2;
	[tilespmem:v1+s28+$0x0] =	vst.idx.add.s32.msk $0xffff, v2  }
0x38e: {  	_ =	swait.ge [sflag:s0], $0x5400  }
0x38f: {  	[sflag:s0] =	ssyncset.done $0x0  }
0x390: {  	[sflag:s0] =	ssyncadd.s32 $0xFFFFAC00  }
0x391: {  	_ =	swait.ge [sflag:s30], $0x400  }
0x392: {  	s6 =	simm.s32 $0x0;
	[sflag:s30] =	ssyncset.done $0x0;
	s4 =	rddreg [dreg:$0xf]  }
0x393: {  	s0 =	simm.s32 $0x1000;
	[sflag:s30] =	ssyncadd.s32 $0xFFFFFC00;
	s1 =	sadd.s32 $0x8000, s4  }
.LBB2_26:
0x394: {  	[tilespmem:s6], [sflag:$0x1] =	stream.strided.gather [hbm4b:s4+s21], $0x400, s22, s21, $0x38;
	[tilespmem:$0x15800] =	vst v63  }
0x395: {  	s3 =	smov.u32 s0;
	s4 =	smov.u32 s1;
	p0 =	sne.s32 s0, $0x14000  }
.Ltmp12:
0x396: {  	s0 =	sadd.s32 $0x1000, s0;
	(pc) =	sbr.rel @p0 .LBB2_26-.Ltmp12, $2  }
0x397: {  	_ =	sdelay $0x2  }
0x398: {  	s1 =	sadd.s32 $0x8000, s1;
	s6 =	sshra.s32 s3, $0x2  }
0x399: {  	[tilespmem:s6], [sflag:$0x1] =	stream.strided.gather [hbm4b:s4+s21], $0x400, s22, s21, $0x38;
	[tilespmem:$0x15800] =	vst v63  }
0x39a: {  	s0 =	rddreg [dreg:$0x10];
	s1 =	simm.s32 $0xA800  }
0x39b: {  	s19 =	simm.s32 $0x0;
	s15 =	simm.s32 $0x0;
	s31 =	simm.s32 $0x0  }
0x39c: {  	[tilespmem:s1], [sflag:$0x3] =	stream.strided.gather [hbm4b:s0+s21], $0x400, s22, s21, $0x38;
	[tilespmem:$0x15800] =	vst v63  }
0x39d: {  	s3 =	sand.u32 $0xFFFFFFC0, s19;
	s15 =	sand.u32 $0xFFFFF800, s15;
	s0 =	simm.s32 $0x0  }
0x39e: {  	s20 =	ssub.s32 $0x0, s3;
	s3 =	ssub.s32 $0xFFFFFFF8, s3;
	s1 =	sand.u32 $0x38, s0  }
0x39f: {  	s12 =	sadd.s32 $0x1, s20;
	s5 =	sadd.s32 $0x6, s20;
	s8 =	sadd.s32 $0x2, s20  }
0x3a0: {  	s10 =	sadd.s32 $0xB, s3;
	s14 =	sadd.s32 $0xC, s3;
	s16 =	sadd.s32 $0x5, s20  }
0x3a1: {  	s3 =	sadd.s32 $0xF, s3;
	s23 =	sshll.u32 s5, $0x10;
	s7 =	sshll.u32 s12, $0x10  }
0x3a2: {  	s24 =	sshll.u32 s8, $0x10;
	s9 =	sshll.u32 s10, $0x10;
	s11 =	sshll.u32 s14, $0x10  }
0x3a3: {  	s13 =	sshll.u32 s16, $0x10;
	s19 =	sshll.u32 s3, $0x10;
	s6 =	sshra.s32 s23, $0x1F  }
0x3a4: {  	s7 =	sshra.s32 s7, $0x1F;
	s25 =	sshra.s32 s24, $0x1F;
	s9 =	sshra.s32 s9, $0x1F  }
0x3a5: {  	s11 =	sshra.s32 s11, $0x1F;
	s13 =	sshra.s32 s13, $0x1F;
	s29 =	sshra.s32 s19, $0x1F  }
0x3a6: {  	s6 =	sand.u32 $0x1F, s6;
	s7 =	sand.u32 $0x1F, s7;
	s9 =	sand.u32 $0x1F, s9  }
0x3a7: {  	s11 =	sand.u32 $0x1F, s11;
	s13 =	sand.u32 $0x1F, s13;
	s6 =	sadd.s32 s6, s5  }
0x3a8: {  	s5 =	sshra.s32 s5, $0x1F;
	s7 =	sadd.s32 s7, s12;
	s9 =	sadd.s32 s9, s10  }
0x3a9: {  	s11 =	sadd.s32 s11, s14;
	s13 =	sadd.s32 s13, s16;
	s12 =	sshra.s32 s12, $0x1F  }
0x3aa: {  	s10 =	sshra.s32 s10, $0x1F;
	s14 =	sshra.s32 s14, $0x1F;
	s6 =	sshll.u32 s6, $0x10  }
0x3ab: {  	s7 =	sshll.u32 s7, $0x10;
	s9 =	sshll.u32 s9, $0x10;
	s11 =	sshll.u32 s11, $0x10  }
0x3ac: {  	s13 =	sshll.u32 s13, $0x10;
	s6 =	sshra.s32 s6, $0x15;
	s7 =	sshra.s32 s7, $0x15  }
0x3ad: {  	s9 =	sshra.s32 s9, $0x15;
	s11 =	sshra.s32 s11, $0x15;
	s13 =	sshra.s32 s13, $0x15  }
0x3ae: {  	s5 =	sadd.s32 s6, s5;
	s6 =	ssub.s32 $0xE0, s15;
	s15 =	sand.u32 $0x1F, s25  }
0x3af: {  	s7 =	sadd.s32 s7, s12;
	s9 =	sadd.s32 s9, s10;
	s11 =	sadd.s32 s11, s14  }
0x3b0: {  	s10 =	simm.s32 $0x5400;
	s26 =	sshll.u32 s5, $0xA;
	s17 =	sshll.u32 s5, $0x9  }
0x3b1: {  	s5 =	sshll.u32 s5, $0x7;
	s15 =	sadd.s32 s15, s8;
	s8 =	sshra.s32 s8, $0x1F  }
0x3b2: {  	s23 =	sshll.u32 s9, $0xA;
	s24 =	sshll.u32 s11, $0xA;
	s4 =	ssub.s32 s6, s26  }
0x3b3: {  	s17 =	sand.u32 $0xFFFFFC00, s17;
	s15 =	sshll.u32 s15, $0x10;
	s4 =	sadd.s32 $0xFFFFFFE0, s4  }
0x3b4: {  	s5 =	sand.u32 $0x80, s5;
	s15 =	sshra.s32 s15, $0x15;
	s18 =	sand.u32 $0xFFFFFF00, s4  }
0x3b5: {  	s4 =	simm.s32 $0x0;
	s12 =	sadd.s32 s15, s8;
	s15 =	sshra.s32 s16, $0x1F  }
0x3b6: {  	s16 =	sshll.u32 s7, $0xA;
	s17 =	sadd.s32 s18, s17;
	s13 =	sadd.s32 s13, s15  }
0x3b7: {  	s20 =	sshll.u32 s12, $0xA;
	s8 =	ssub.s32 s6, s16;
	s15 =	ssub.s32 s6, s23  }
0x3b8: {  	s16 =	ssub.s32 s6, s24;
	s23 =	sshll.u32 s12, $0x9;
	s24 =	sshll.u32 s9, $0x9  }
0x3b9: {  	s12 =	sshll.u32 s12, $0x7;
	s9 =	sshll.u32 s9, $0x7;
	s18 =	sadd.s32 $0x0, s17  }
0x3ba: {  	s25 =	sshll.u32 s13, $0xA;
	s14 =	ssub.s32 s6, s20;
	s8 =	sadd.s32 $0xFFFFFF40, s8  }
0x3bb: {  	s15 =	sadd.s32 $0xFFFFFF80, s15;
	s16 =	sadd.s32 $0xFFFFFFA0, s16;
	s12 =	sand.u32 $0x80, s12  }
0x3bc: {  	s9 =	sand.u32 $0x80, s9;
	s18 =	sor.u32 s5, s18;
	s5 =	sor.u32 s5, s17  }
0x3bd: {  	s17 =	sand.u32 $0x1F, s29;
	s14 =	sadd.s32 $0xFFFFFF60, s14;
	s29 =	sshll.u32 s7, $0x9  }
0x3be: {  	s15 =	sand.u32 $0xFFFFFF00, s15;
	s16 =	sand.u32 $0xFFFFFF00, s16;
	s7 =	sshll.u32 s7, $0x7;
	v1 =	vld [tilespmem:s18+$0x5460]  }
0x3bf: {  	s17 =	sadd.s32 s17, s3;
	s3 =	sshra.s32 s3, $0x1F;
	v2 =	vld [tilespmem:s5+$0xAC60];
	s20 =	sand.u32 $0xFFFFFC00, s29  }
0x3c0: {  	s29 =	sshll.u32 s13, $0x9;
	s13 =	sshll.u32 s13, $0x7;
	s17 =	sshll.u32 s17, $0x10  }
0x3c1: {  	s7 =	sand.u32 $0x80, s7;
	s13 =	sand.u32 $0x80, s13;
	s19 =	sshra.s32 s17, $0x15  }
0x3c2: {  	s17 =	ssub.s32 s6, s25;
	s25 =	sand.u32 $0xFFFFFF00, s14;
	s3 =	sadd.s32 s19, s3  }
0x3c3: {  	s14 =	sand.u32 $0xFFFFFC00, s29;
	s17 =	sadd.s32 $0xFFFFFFC0, s17;
	s26 =	sshll.u32 s3, $0xA;
	v3 =	vsub.f32 $1.000000000e+00, v1  }
0x3c4: {  	s19 =	sand.u32 $0xFFFFFF00, s8;
	s17 =	sand.u32 $0xFFFFFF00, s17;
	s5 =	ssub.s32 s6, s26;
	vm0 =	veq.s32 v2, s31  }
0x3c5: {  	s6 =	sadd.s32 s19, s20;
	s20 =	sshll.u32 s11, $0x9;
	s26 =	sand.u32 $0xFFFFFC00, s23;
	v1 =	vsel vm0, v3, v1  }
0x3c6: {  	s19 =	sand.u32 $0xFFFFFC00, s24;
	s23 =	sshll.u32 s3, $0x9;
	s14 =	sadd.s32 s17, s14;
	v1 =	vmul.f32 $1.638400000e+04, v1  }
0x3c7: {  	s11 =	sshll.u32 s11, $0x7;
	s8 =	sadd.s32 s25, s26;
	s20 =	sand.u32 $0xFFFFFC00, s20  }
0x3c8: {  	s15 =	sadd.s32 s15, s19;
	s19 =	sshrl.u32 s1, $0x5;
	s5 =	sand.u32 $0xFFFFFF00, s5;
	v1 =	vtrunc.f32 v1  }
0x3c9: {  	s18 =	sand.u32 $0xFFFFFC00, s23;
	s1 =	sshll.u32 s1, $0x5;
	s25 =	sadd.s32 $0x0, s6;
	v1 =	vcvt.f32.s32 v1  }
0x3ca: {  	s6 =	sor.u32 s7, s6;
	s16 =	sadd.s32 s16, s20;
	s24 =	sshll.u32 s19, $0xA  }
0x3cb: {  	s26 =	sadd.s32 $0x0, s8;
	v13 =	vld [tilespmem:s6+$0xAC10];
	s17 =	ssub.s32 s1, s24;
	s1 =	sor.u32 s7, s25;
	vm1 =	vgt.s32 v1, $0x0  }
0x3cc: {  	s5 =	sadd.s32 s5, s18;
	s29 =	sadd.s32 $0x0, s15;
	s18 =	sor.u32 s12, s26;
	v2 =	vld [tilespmem:s1+$0x5410];
	v3 =	vnsel vm1, $0x0, v1  }
0x3cd: {  	s11 =	sand.u32 $0x80, s11;
	s20 =	sadd.s32 $0x0, s16;
	v8 =	vld [tilespmem:s18+$0x5420];
	s1 =	sor.u32 s9, s29;
	v1 =	vmov s10;
	v9 =	vmin.u32 v3, $0x3FFF  }
0x3ce: {  	s3 =	sshll.u32 s3, $0x7;
	s23 =	sadd.s32 $0x0, s14;
	v6 =	vld [tilespmem:s1+$0x5430];
	s10 =	sor.u32 s11, s20;
	v3 =	vsel vm0, s4, v1;
	v4 =	vshrl.u32 v9, $0x4  }
0x3cf: {  	s3 =	sand.u32 $0x80, s3;
	s24 =	sadd.s32 $0x0, s5;
	s1 =	sor.u32 s13, s23;
	v7 =	vld [tilespmem:s10+$0x5440];
	v10 =	vor.u32 v3, v4  }
0x3d0: {  	s25 =	sshll.u32 s19, $0x7;
	s26 =	sadd.s32 $0x0, s17;
	v5 =	vld [tilespmem:s1+$0x5450];
	s10 =	sor.u32 s3, s24  }
0x3d1: {  	s1 =	sor.u32 s25, s26;
	v4 =	vld [tilespmem:s10+$0x5470]  }
0x3d2: {  	s6 =	simm.s32 $0xE0;
	s29 =	sor.u32 s12, s8;
	v9 =	vand.u32 $0xF, v9;
	v3 =	vld [tilespmem:s1+$0x5400]  }
0x3d3: {  	s19 =	sor.u32 s13, s14;
	s14 =	sor.u32 s25, s17;
	s18 =	sor.u32 s3, s5;
	v14 =	vld [tilespmem:s29+$0xAC20];
	v12 =	vsub.f32 $1.000000000e+00, v2;
	v11 =	vsub.f32 $1.000000000e+00, v8;
	v9 =	vor.u32 $0x20000, v9  }
0x3d4: {  	s8 =	simm.s32 $0x8;
	s10 =	sor.u32 s9, s15;
	s1 =	sor.u32 s11, s16;
	[tilespmem:v10+s28+$0x0] =	vst.idx.add.s32.msk $0xffff, v9;
	v10 =	vsub.f32 $1.000000000e+00, v6;
	v9 =	vsub.f32 $1.000000000e+00, v7  }
.LBB2_28:
0x3d5: {  	s3 =	sand.u32 $0xFFFFFFC0, s8;
	v15 =	vld [tilespmem:s10+$0xAC30];
	v16 =	vsub.f32 $1.000000000e+00, v5;
	s5 =	smov.u32 s0;
	s0 =	sadd.s32 $0x8, s0  }
0x3d6: {  	s10 =	sand.u32 $0x38, s0;
	s7 =	ssub.s32 s0, s3;
	s3 =	ssub.s32 s5, s3;
	v17 =	vld [tilespmem:s1+$0xAC40];
	v18 =	vsub.f32 $1.000000000e+00, v4  }
0x3d7: {  	s1 =	sadd.s32 $0x1, s7;
	s16 =	sadd.s32 $0x2, s7;
	s5 =	sadd.s32 $0x6, s7;
	v19 =	vsub.f32 $1.000000000e+00, v3;
	v20 =	vld [tilespmem:s19+$0xAC50]  }
0x3d8: {  	s19 =	sadd.s32 $0xB, s3;
	s20 =	sadd.s32 $0xC, s3;
	s9 =	sshll.u32 s5, $0x10;
	vm0 =	veq.s32 v13, s31;
	v13 =	vld [tilespmem:s18+$0xAC70]  }
0x3d9: {  	s11 =	sshll.u32 s1, $0x10;
	s18 =	sadd.s32 $0x5, s7;
	s7 =	sshra.s32 s9, $0x1F;
	v21 =	vld [tilespmem:s14+$0xAC00];
	v12 =	vsel vm0, v12, v2;
	v2 =	vsel vm0, s4, v1;
	vm1 =	veq.s32 v14, s31  }
0x3da: {  	s12 =	sshll.u32 s19, $0x10;
	s9 =	sshll.u32 s16, $0x10;
	s7 =	sand.u32 $0x1F, s7;
	v12 =	vmul.f32 $1.638400000e+04, v12;
	v8 =	vsel vm1, v11, v8;
	vm4 =	veq.s32 v15, s31  }
0x3db: {  	s13 =	sshll.u32 s20, $0x10;
	s15 =	sshll.u32 s18, $0x10;
	s7 =	sadd.s32 s7, s5;
	v8 =	vmul.f32 $1.638400000e+04, v8;
	v6 =	vsel vm4, v10, v6;
	vm5 =	veq.s32 v17, s31  }
0x3dc: {  	s23 =	sadd.s32 $0xF, s3;
	s26 =	sshra.s32 s11, $0x1F;
	s7 =	sshll.u32 s7, $0x10;
	v6 =	vmul.f32 $1.638400000e+04, v6;
	v7 =	vsel vm5, v9, v7;
	vm2 =	veq.s32 v20, s31  }
0x3dd: {  	s3 =	sshll.u32 s8, $0x5;
	s5 =	sshra.s32 s5, $0x1F;
	s7 =	sshra.s32 s7, $0x15;
	v7 =	vmul.f32 $1.638400000e+04, v7;
	v5 =	vsel vm2, v16, v5;
	vm3 =	veq.s32 v13, s31  }
0x3de: {  	s6 =	sadd.s32 $0x100, s6;
	s3 =	sand.u32 $0xFFFFF800, s3;
	s5 =	sadd.s32 s7, s5;
	vm0 =	veq.s32 v21, s31;
	v9 =	vmul.f32 $1.638400000e+04, v5;
	v4 =	vsel vm3, v18, v4  }
0x3df: {  	s14 =	ssub.s32 s6, s3;
	s3 =	sshra.s32 s9, $0x1F;
	v10 =	vtrunc.f32 v12;
	s7 =	sshll.u32 s5, $0xA;
	v3 =	vsel vm0, v19, v3;
	v11 =	vmul.f32 $1.638400000e+04, v4  }
0x3e0: {  	s11 =	sshra.s32 s13, $0x1F;
	s9 =	sshra.s32 s12, $0x1F;
	v8 =	vtrunc.f32 v8;
	s7 =	ssub.s32 s14, s7;
	v12 =	vmul.f32 $1.638400000e+04, v3;
	v3 =	vsel vm1, s4, v1  }
0x3e1: {  	s13 =	sshra.s32 s15, $0x1F;
	v13 =	vtrunc.f32 v6;
	s12 =	sshll.u32 s5, $0x9;
	v4 =	vsel vm4, s4, v1;
	v14 =	vtrunc.f32 v7;
	s7 =	sadd.s32 $0xFFFFFFE0, s7  }
0x3e2: {  	s31 =	sshrl.u32 s0, $0x6;
	v5 =	vsel vm5, s4, v1;
	s15 =	sand.u32 $0xFFFFFC00, s12;
	v9 =	vtrunc.f32 v9;
	v11 =	vtrunc.f32 v11;
	s7 =	sand.u32 $0xFFFFFF00, s7  }
0x3e3: {  	v10 =	vcvt.f32.s32 v10;
	v6 =	vsel vm2, s4, v1;
	s5 =	sshll.u32 s5, $0x7;
	s12 =	sshll.u32 s31, $0xA;
	v12 =	vtrunc.f32 v12;
	s7 =	sadd.s32 s7, s15  }
0x3e4: {  	s17 =	sshll.u32 s23, $0x10;
	v8 =	vcvt.f32.s32 v8;
	v13 =	vcvt.f32.s32 v13;
	v7 =	vsel vm3, s4, v1;
	s5 =	sand.u32 $0x80, s5;
	s15 =	sadd.s32 s12, s7  }
0x3e5: {  	s24 =	sand.u32 $0x1F, s26;
	s3 =	sand.u32 $0x1F, s3;
	vm1 =	vgt.s32 v10, $0x0;
	v14 =	vcvt.f32.s32 v14;
	v9 =	vcvt.f32.s32 v9;
	s15 =	sor.u32 s5, s15  }
0x3e6: {  	s11 =	sand.u32 $0x1F, s11;
	s9 =	sand.u32 $0x1F, s9;
	vm2 =	vgt.s32 v8, $0x0;
	v11 =	vcvt.f32.s32 v11;
	v12 =	vcvt.f32.s32 v12;
	s5 =	sor.u32 s5, s7;
	v15 =	vld [tilespmem:s15+$0x5460]  }
0x3e7: {  	s13 =	sand.u32 $0x1F, s13;
	vm3 =	vgt.s32 v13, $0x0;
	vm4 =	vgt.s32 v14, $0x0;
	vm5 =	vgt.s32 v9, $0x0;
	s7 =	sadd.s32 s24, s1;
	v16 =	vld [tilespmem:s5+$0xAC60];
	s5 =	sshra.s32 s17, $0x1F  }
0x3e8: {  	s11 =	sadd.s32 s11, s20;
	s3 =	sadd.s32 s3, s16;
	s9 =	sadd.s32 s9, s19;
	v10 =	vnsel vm1, $0x0, v10;
	vm1 =	vgt.s32 v11, $0x0;
	vm6 =	vgt.s32 v12, $0x0  }
0x3e9: {  	s13 =	sadd.s32 s13, s18;
	v8 =	vnsel vm2, $0x0, v8;
	v13 =	vnsel vm3, $0x0, v13;
	v14 =	vnsel vm4, $0x0, v14;
	s7 =	sshll.u32 s7, $0x10;
	s5 =	sand.u32 $0x1F, s5  }
0x3ea: {  	s11 =	sshll.u32 s11, $0x10;
	s3 =	sshll.u32 s3, $0x10;
	s9 =	sshll.u32 s9, $0x10;
	v9 =	vnsel vm5, $0x0, v9;
	v11 =	vnsel vm1, $0x0, v11;
	v12 =	vnsel vm6, $0x0, v12  }
0x3eb: {  	s13 =	sshll.u32 s13, $0x10;
	v10 =	vmin.u32 v10, $0x3FFF;
	v8 =	vmin.u32 v8, $0x3FFF;
	s7 =	sshra.s32 s7, $0x15;
	s5 =	sadd.s32 s5, s23;
	v17 =	vsub.f32 $1.000000000e+00, v15  }
0x3ec: {  	s11 =	sshra.s32 s11, $0x15;
	s3 =	sshra.s32 s3, $0x15;
	s9 =	sshra.s32 s9, $0x15;
	v13 =	vmin.u32 v13, $0x3FFF;
	v14 =	vmin.u32 v14, $0x3FFF;
	vm1 =	veq.s32 v16, s31  }
0x3ed: {  	s13 =	sshra.s32 s13, $0x15;
	s1 =	sshra.s32 s1, $0x1F;
	v9 =	vmin.u32 v9, $0x3FFF;
	v11 =	vmin.u32 v11, $0x3FFF;
	s5 =	sshll.u32 s5, $0x10;
	v15 =	vsel vm1, v17, v15  }
0x3ee: {  	s15 =	sshra.s32 s16, $0x1F;
	s17 =	sshra.s32 s19, $0x1F;
	s19 =	sshra.s32 s20, $0x1F;
	v12 =	vmin.u32 v12, $0x3FFF;
	v16 =	vshrl.u32 v10, $0x4;
	v15 =	vmul.f32 $1.638400000e+04, v15  }
0x3ef: {  	v18 =	vshrl.u32 v13, $0x4;
	v19 =	vshrl.u32 v14, $0x4;
	s16 =	sadd.s32 s3, s15;
	s3 =	sshra.s32 s18, $0x1F;
	s1 =	sadd.s32 s7, s1;
	v17 =	vshrl.u32 v8, $0x4  }
0x3f0: {  	v20 =	vshrl.u32 v9, $0x4;
	v21 =	vshrl.u32 v11, $0x4;
	s20 =	sadd.s32 s9, s17;
	s18 =	sadd.s32 s11, s19;
	s19 =	sadd.s32 s13, s3;
	v15 =	vtrunc.f32 v15  }
0x3f1: {  	s7 =	sshra.s32 s23, $0x1F;
	s3 =	sshll.u32 s1, $0xA;
	s5 =	sshra.s32 s5, $0x15;
	v10 =	vand.u32 $0xF, v10;
	v8 =	vand.u32 $0xF, v8;
	v15 =	vcvt.f32.s32 v15  }
0x3f2: {  	v13 =	vand.u32 $0xF, v13;
	v14 =	vand.u32 $0xF, v14;
	v9 =	vand.u32 $0xF, v9;
	s9 =	sshll.u32 s16, $0xA;
	s11 =	sshll.u32 s20, $0xA;
	s13 =	sshll.u32 s18, $0xA  }
0x3f3: {  	v11 =	vand.u32 $0xF, v11;
	v22 =	vshrl.u32 v12, $0x4;
	s15 =	sshll.u32 s19, $0xA;
	s3 =	ssub.s32 s14, s3;
	s23 =	sadd.s32 s5, s7;
	vm2 =	vgt.s32 v15, $0x0  }
0x3f4: {  	v23 =	vsel vm0, s4, v1;
	v12 =	vand.u32 $0xF, v12;
	s5 =	sadd.s32 $0x5400, s12;
	s7 =	ssub.s32 s14, s9;
	s9 =	ssub.s32 s14, s11;
	v15 =	vnsel vm2, $0x0, v15  }
0x3f5: {  	s4 =	ssub.s32 s14, s13;
	v1 =	vmov s5;
	s5 =	ssub.s32 s14, s15;
	s11 =	sshll.u32 s23, $0xA;
	v2 =	vor.u32 v2, v16;
	v15 =	vmin.u32 v15, $0x3FFF  }
0x3f6: {  	s3 =	sadd.s32 $0xFFFFFF40, s3;
	s7 =	sadd.s32 $0xFFFFFF60, s7;
	s9 =	sadd.s32 $0xFFFFFF80, s9;
	v16 =	vsel vm1, s12, v1;
	v3 =	vor.u32 v3, v17;
	v24 =	vshrl.u32 v15, $0x4  }
0x3f7: {  	v4 =	vor.u32 v4, v18;
	v5 =	vor.u32 v5, v19;
	s13 =	sadd.s32 $0xFFFFFFA0, s4;
	s5 =	sadd.s32 $0xFFFFFFC0, s5;
	s11 =	ssub.s32 s14, s11;
	v16 =	vor.u32 v16, v24  }
0x3f8: {  	v6 =	vor.u32 v6, v20;
	v7 =	vor.u32 v7, v21;
	s17 =	sshll.u32 s20, $0x9;
	s15 =	sshll.u32 s16, $0x9;
	v10 =	vor.u32 $0x20000, v10;
	s14 =	sshll.u32 s1, $0x9  }
0x3f9: {  	v13 =	vor.u32 $0x20000, v13;
	v14 =	vor.u32 $0x20000, v14;
	s24 =	sshll.u32 s18, $0x9;
	s25 =	sshll.u32 s19, $0x9;
	s26 =	sshll.u32 s23, $0x9;
	v8 =	vor.u32 $0x20000, v8  }
0x3fa: {  	s4 =	sshrl.u32 s10, $0x5;
	s3 =	sand.u32 $0xFFFFFF00, s3;
	s7 =	sand.u32 $0xFFFFFF00, s7;
	v15 =	vand.u32 $0xF, v15;
	[tilespmem:v2+s28+$0x0] =	vst.idx.add.s32.msk $0xffff, v10;
	v2 =	vor.u32 $0x20000, v9;
	v9 =	vor.u32 $0x20000, v11  }
0x3fb: {  	s13 =	sand.u32 $0xFFFFFF00, s13;
	s9 =	sand.u32 $0xFFFFFF00, s9;
	s5 =	sand.u32 $0xFFFFFF00, s5;
	v10 =	vor.u32 $0x20000, v15;
	v11 =	vor.u32 $0x20000, v12;
	v12 =	vor.u32 v23, v22;
	[tilespmem:v3+s28+$0x0] =	vst.idx.add.s32.msk $0xffff, v8  }
0x3fc: {  	s15 =	sand.u32 $0xFFFFFC00, s15;
	s14 =	sand.u32 $0xFFFFFC00, s14;
	s11 =	sand.u32 $0xFFFFFF00, s11;
	[tilespmem:v16+s28+$0x0] =	vst.idx.add.s32.msk $0xffff, v10  }
0x3fd: {  	s17 =	sand.u32 $0xFFFFFC00, s17;
	s24 =	sand.u32 $0xFFFFFC00, s24;
	s25 =	sand.u32 $0xFFFFFC00, s25;
	[tilespmem:v4+s28+$0x0] =	vst.idx.add.s32.msk $0xffff, v13  }
0x3fe: {  	s10 =	sshll.u32 s10, $0x5;
	s29 =	sshll.u32 s4, $0xA;
	s26 =	sand.u32 $0xFFFFFC00, s26;
	[tilespmem:v5+s28+$0x0] =	vst.idx.add.s32.msk $0xffff, v14  }
0x3ff: {  	s7 =	sadd.s32 s7, s15;
	s9 =	sadd.s32 s9, s17;
	s3 =	sadd.s32 s3, s14;
	[tilespmem:v6+s28+$0x0] =	vst.idx.add.s32.msk $0xffff, v2  }
0x400: {  	s13 =	sadd.s32 s13, s24;
	s5 =	sadd.s32 s5, s25;
	s11 =	sadd.s32 s11, s26;
	[tilespmem:v7+s28+$0x0] =	vst.idx.add.s32.msk $0xffff, v9  }
0x401: {  	s1 =	sshll.u32 s1, $0x7;
	s15 =	sshll.u32 s20, $0x7;
	s14 =	sshll.u32 s16, $0x7;
	[tilespmem:v12+s28+$0x0] =	vst.idx.add.s32.msk $0xffff, v11  }
0x402: {  	s17 =	sshll.u32 s19, $0x7;
	s16 =	sshll.u32 s18, $0x7;
	s18 =	sshll.u32 s23, $0x7  }
0x403: {  	s20 =	ssub.s32 s10, s29;
	s19 =	sadd.s32 s12, s7;
	s10 =	sadd.s32 s12, s3  }
0x404: {  	s24 =	sadd.s32 s12, s13;
	s23 =	sadd.s32 s12, s9;
	s25 =	sadd.s32 s12, s5  }
0x405: {  	s1 =	sand.u32 $0x80, s1;
	s14 =	sand.u32 $0x80, s14;
	s26 =	sadd.s32 s12, s11  }
0x406: {  	s15 =	sand.u32 $0x80, s15;
	s17 =	sand.u32 $0x80, s17;
	s16 =	sand.u32 $0x80, s16  }
0x407: {  	s4 =	sshll.u32 s4, $0x7;
	s29 =	sadd.s32 s20, s12;
	s18 =	sand.u32 $0x80, s18  }
0x408: {  	s23 =	sor.u32 s15, s23;
	s10 =	sor.u32 s1, s10;
	s19 =	sor.u32 s14, s19  }
0x409: {  	s24 =	sor.u32 s16, s24;
	s25 =	sor.u32 s17, s25;
	s26 =	sor.u32 s18, s26;
	v2 =	vld [tilespmem:s10+$0x5410]  }
0x40a: {  	s29 =	sor.u32 s4, s29;
	s3 =	sor.u32 s1, s3;
	s7 =	sor.u32 s14, s7;
	v8 =	vld [tilespmem:s19+$0x5420]  }
0x40b: {  	s1 =	sor.u32 s16, s13;
	s10 =	sor.u32 s15, s9;
	s19 =	sor.u32 s17, s5;
	v6 =	vld [tilespmem:s23+$0x5430]  }
0x40c: {  	p0 =	slt.u32 s0, $0x538;
	s14 =	sor.u32 s4, s20;
	s18 =	sor.u32 s18, s11;
	v7 =	vld [tilespmem:s24+$0x5440]  }
.Ltmp13:
0x40d: {  	s4 =	smov.u32 s12;
	v5 =	vld [tilespmem:s25+$0x5450];
	(pc) =	sbr.rel @p0 .LBB2_28-.Ltmp13, $4  }
0x40e: {  	v12 =	vsub.f32 $1.000000000e+00, v2;
	v4 =	vld [tilespmem:s26+$0x5470]  }
0x40f: {  	v3 =	vld [tilespmem:s29+$0x5400];
	v11 =	vsub.f32 $1.000000000e+00, v8  }
0x410: {  	v13 =	vld [tilespmem:s3+$0xAC10];
	v10 =	vsub.f32 $1.000000000e+00, v6  }
0x411: {  	s8 =	sadd.s32 $0x8, s8;
	v14 =	vld [tilespmem:s7+$0xAC20];
	v9 =	vsub.f32 $1.000000000e+00, v7  }
0x412: {  	v15 =	vld [tilespmem:s10+$0xAC30]  }
0x413: {  	v16 =	vld [tilespmem:s1+$0xAC40]  }
0x414: {  	v17 =	vld [tilespmem:s19+$0xAC50]  }
0x415: {  	v50 =	vld [tilespmem:s18+$0xAC70]  }
0x416: {  	v21 =	vld [tilespmem:s14+$0xAC00]  }
0x417: {  	v18 =	vsub.f32 $1.000000000e+00, v5;
	v19 =	vsub.f32 $1.000000000e+00, v4;
	vm1 =	veq.s32 v13, s31  }
0x418: {  	v20 =	vsub.f32 $1.000000000e+00, v3;
	v2 =	vsel vm1, v12, v2;
	vm2 =	veq.s32 v14, s31  }
0x419: {  	v51 =	vsel vm1, s4, v1;
	v2 =	vmul.f32 $1.638400000e+04, v2;
	v8 =	vsel vm2, v11, v8  }
0x41a: {  	vm3 =	veq.s32 v15, s31;
	vm4 =	veq.s32 v16, s31;
	vm5 =	veq.s32 v17, s31  }
0x41b: {  	vm6 =	veq.s32 v50, s31;
	vm0 =	veq.s32 v21, s31;
	v8 =	vmul.f32 $1.638400000e+04, v8  }
0x41c: {  	v6 =	vsel vm3, v10, v6;
	v7 =	vsel vm4, v9, v7;
	v5 =	vsel vm5, v18, v5  }
0x41d: {  	v4 =	vsel vm6, v19, v4;
	v6 =	vmul.f32 $1.638400000e+04, v6;
	v7 =	vmul.f32 $1.638400000e+04, v7  }
0x41e: {  	v3 =	vsel vm0, v20, v3;
	v5 =	vmul.f32 $1.638400000e+04, v5;
	v2 =	vtrunc.f32 v2  }
0x41f: {  	v52 =	vsel vm2, s4, v1;
	v4 =	vmul.f32 $1.638400000e+04, v4;
	v3 =	vmul.f32 $1.638400000e+04, v3  }
0x420: {  	v53 =	vsel vm3, s4, v1;
	v8 =	vtrunc.f32 v8;
	v2 =	vcvt.f32.s32 v2  }
0x421: {  	v54 =	vsel vm4, s4, v1;
	v6 =	vtrunc.f32 v6;
	v7 =	vtrunc.f32 v7  }
0x422: {  	v55 =	vsel vm5, s4, v1;
	v5 =	vtrunc.f32 v5;
	v4 =	vtrunc.f32 v4  }
0x423: {  	v56 =	vsel vm6, s4, v1;
	v3 =	vtrunc.f32 v3;
	v8 =	vcvt.f32.s32 v8  }
0x424: {  	v1 =	vsel vm0, s4, v1;
	v6 =	vcvt.f32.s32 v6;
	v7 =	vcvt.f32.s32 v7  }
0x425: {  	vm9 =	vgt.s32 v2, $0x0;
	v5 =	vcvt.f32.s32 v5;
	v3 =	vcvt.f32.s32 v3  }
0x426: {  	v4 =	vcvt.f32.s32 v4;
	vm10 =	vgt.s32 v8, $0x0;
	v2 =	vnsel vm9, $0x0, v2  }
0x427: {  	vm11 =	vgt.s32 v6, $0x0;
	vm12 =	vgt.s32 v7, $0x0;
	vm13 =	vgt.s32 v5, $0x0  }
0x428: {  	vm14 =	vgt.s32 v3, $0x0;
	vm15 =	vgt.s32 v4, $0x0;
	v8 =	vnsel vm10, $0x0, v8  }
0x429: {  	v2 =	vmin.u32 v2, $0x3FFF;
	v6 =	vnsel vm11, $0x0, v6;
	v7 =	vnsel vm12, $0x0, v7  }
0x42a: {  	v3 =	vnsel vm14, $0x0, v3;
	v5 =	vnsel vm13, $0x0, v5;
	v4 =	vnsel vm15, $0x0, v4  }
0x42b: {  	v8 =	vmin.u32 v8, $0x3FFF;
	v57 =	vshrl.u32 v2, $0x4;
	v2 =	vand.u32 $0xF, v2  }
0x42c: {  	v6 =	vmin.u32 v6, $0x3FFF;
	v7 =	vmin.u32 v7, $0x3FFF;
	v5 =	vmin.u32 v5, $0x3FFF  }
0x42d: {  	v4 =	vmin.u32 v4, $0x3FFF;
	v58 =	vshrl.u32 v8, $0x4;
	v9 =	vor.u32 v51, v57  }
0x42e: {  	v3 =	vmin.u32 v3, $0x3FFF;
	v59 =	vshrl.u32 v6, $0x4;
	v10 =	vor.u32 v52, v58  }
0x42f: {  	v8 =	vand.u32 $0xF, v8;
	v60 =	vshrl.u32 v7, $0x4;
	v11 =	vor.u32 v53, v59  }
0x430: {  	v2 =	vor.u32 $0x20000, v2;
	v61 =	vshrl.u32 v5, $0x4;
	v12 =	vor.u32 v54, v60  }
0x431: {  	v62 =	vshrl.u32 v4, $0x4;
	v6 =	vand.u32 $0xF, v6;
	v13 =	vor.u32 v55, v61  }
0x432: {  	v63 =	vshrl.u32 v3, $0x4;
	v8 =	vor.u32 $0x20000, v8;
	v14 =	vor.u32 v56, v62;
	[tilespmem:v9+s28+$0x0] =	vst.idx.add.s32.msk $0xffff, v2  }
0x433: {  	v6 =	vor.u32 $0x20000, v6;
	v1 =	vor.u32 v1, v63;
	v2 =	vand.u32 $0xF, v7;
	[tilespmem:v10+s28+$0x0] =	vst.idx.add.s32.msk $0xffff, v8  }
0x434: {  	v5 =	vand.u32 $0xF, v5;
	v2 =	vor.u32 $0x20000, v2;
	[tilespmem:v11+s28+$0x0] =	vst.idx.add.s32.msk $0xffff, v6  }
0x435: {  	v4 =	vand.u32 $0xF, v4;
	v5 =	vor.u32 $0x20000, v5;
	[tilespmem:v12+s28+$0x0] =	vst.idx.add.s32.msk $0xffff, v2  }
0x436: {  	v2 =	vand.u32 $0xF, v3;
	v3 =	vor.u32 $0x20000, v4;
	[tilespmem:v13+s28+$0x0] =	vst.idx.add.s32.msk $0xffff, v5  }
0x437: {  	v2 =	vor.u32 $0x20000, v2;
	[tilespmem:v14+s28+$0x0] =	vst.idx.add.s32.msk $0xffff, v3  }
0x438: {  	s0 =	simm.s32 $0x1;
	[tilespmem:v1+s28+$0x0] =	vst.idx.add.s32.msk $0xffff, v2  }
0x439: {  	_ =	swait.ge [sflag:s0], $0x5400  }
0x43a: {  	[sflag:s0] =	ssyncset.done $0x0  }
0x43b: {  	s29 =	simm.s32 $0x3;
	[sflag:s0] =	ssyncadd.s32 $0xFFFFAC00  }
0x43c: {  	_ =	swait.ge [sflag:s29], $0x400  }
0x43d: {  	s31 =	simm.s32 $0x5400;
	[sflag:s29] =	ssyncset.done $0x0  }
0x43e: {  	s0 =	simm.s32 $0x1000;
	s1 =	rddreg [dreg:$0x11];
	[sflag:s29] =	ssyncadd.s32 $0xFFFFFC00  }
0x43f: {  	[tilespmem:s31], [sflag:$0x2] =	stream.strided.gather [hbm4b:s1+s21], $0x400, s22, s21, $0x38;
	[tilespmem:$0x15800] =	vst v63  }
.LBB2_30:
0x440: {  	p0 =	sne.s32 s0, $0x14000  }
.Ltmp14:
0x441: {  	_ = 	snop;
	(pc) =	sbr.rel @p0 .LBB2_30-.Ltmp14, $4  }
0x442: {  	_ = 	snop  }
0x443: {  	s3 =	sshra.s32 s0, $0x2;
	s0 =	sadd.s32 $0x1000, s0  }
0x444: {  	s1 =	sadd.s32 $0x8000, s1;
	s3 =	sadd.s32 $0x5400, s3  }
0x445: {  	[tilespmem:s3], [sflag:$0x2] =	stream.strided.gather [hbm4b:s1+s21], $0x400, s22, s21, $0x38;
	[tilespmem:$0x15800] =	vst v63  }
0x446: {  	s0 =	rddreg [dreg:$0x12];
	s1 =	simm.s32 $0xAC00  }
0x447: {  	s23 =	simm.s32 $0x0;
	s15 =	simm.s32 $0x0;
	s31 =	simm.s32 $0x0  }
0x448: {  	[tilespmem:s1], [sflag:$0x4] =	stream.strided.gather [hbm4b:s0+s21], $0x400, s22, s21, $0x38;
	[tilespmem:$0x15800] =	vst v63  }
0x449: {  	s3 =	sand.u32 $0xFFFFFFC0, s23;
	s0 =	simm.s32 $0x0;
	s15 =	sand.u32 $0xFFFFF800, s15  }
0x44a: {  	s1 =	sand.u32 $0x38, s0;
	s4 =	ssub.s32 $0x0, s3;
	s3 =	ssub.s32 $0xFFFFFFF8, s3  }
0x44b: {  	s12 =	sadd.s32 $0x1, s4;
	s5 =	sadd.s32 $0x6, s4;
	s8 =	sadd.s32 $0x2, s4  }
0x44c: {  	s10 =	sadd.s32 $0xB, s3;
	s14 =	sadd.s32 $0xC, s3;
	s16 =	sadd.s32 $0x5, s4  }
0x44d: {  	s3 =	sadd.s32 $0xF, s3;
	s6 =	sshll.u32 s5, $0x10;
	s7 =	sshll.u32 s12, $0x10  }
0x44e: {  	s24 =	sshll.u32 s8, $0x10;
	s9 =	sshll.u32 s10, $0x10;
	s11 =	sshll.u32 s14, $0x10  }
0x44f: {  	s13 =	sshll.u32 s16, $0x10;
	s19 =	sshll.u32 s3, $0x10;
	s6 =	sshra.s32 s6, $0x1F  }
0x450: {  	s7 =	sshra.s32 s7, $0x1F;
	s25 =	sshra.s32 s24, $0x1F;
	s9 =	sshra.s32 s9, $0x1F  }
0x451: {  	s11 =	sshra.s32 s11, $0x1F;
	s13 =	sshra.s32 s13, $0x1F;
	s29 =	sshra.s32 s19, $0x1F  }
0x452: {  	s6 =	sand.u32 $0x1F, s6;
	s7 =	sand.u32 $0x1F, s7;
	s9 =	sand.u32 $0x1F, s9  }
0x453: {  	s11 =	sand.u32 $0x1F, s11;
	s13 =	sand.u32 $0x1F, s13;
	s6 =	sadd.s32 s6, s5  }
0x454: {  	s5 =	sshra.s32 s5, $0x1F;
	s7 =	sadd.s32 s7, s12;
	s9 =	sadd.s32 s9, s10  }
0x455: {  	s11 =	sadd.s32 s11, s14;
	s13 =	sadd.s32 s13, s16;
	s12 =	sshra.s32 s12, $0x1F  }
0x456: {  	s10 =	sshra.s32 s10, $0x1F;
	s14 =	sshra.s32 s14, $0x1F;
	s6 =	sshll.u32 s6, $0x10  }
0x457: {  	s7 =	sshll.u32 s7, $0x10;
	s9 =	sshll.u32 s9, $0x10;
	s11 =	sshll.u32 s11, $0x10  }
0x458: {  	s13 =	sshll.u32 s13, $0x10;
	s6 =	sshra.s32 s6, $0x15;
	s7 =	sshra.s32 s7, $0x15  }
0x459: {  	s9 =	sshra.s32 s9, $0x15;
	s11 =	sshra.s32 s11, $0x15;
	s13 =	sshra.s32 s13, $0x15  }
0x45a: {  	s5 =	sadd.s32 s6, s5;
	s6 =	ssub.s32 $0xE0, s15;
	s15 =	sand.u32 $0x1F, s25  }
0x45b: {  	s7 =	sadd.s32 s7, s12;
	s9 =	sadd.s32 s9, s10;
	s11 =	sadd.s32 s11, s14  }
0x45c: {  	s10 =	simm.s32 $0x5400;
	s26 =	sshll.u32 s5, $0xA;
	s17 =	sshll.u32 s5, $0x9  }
0x45d: {  	s5 =	sshll.u32 s5, $0x7;
	s15 =	sadd.s32 s15, s8;
	s8 =	sshra.s32 s8, $0x1F  }
0x45e: {  	s23 =	sshll.u32 s9, $0xA;
	s24 =	sshll.u32 s11, $0xA;
	s4 =	ssub.s32 s6, s26  }
0x45f: {  	s17 =	sand.u32 $0xFFFFFC00, s17;
	s15 =	sshll.u32 s15, $0x10;
	s4 =	sadd.s32 $0xFFFFFFE0, s4  }
0x460: {  	s5 =	sand.u32 $0x80, s5;
	s15 =	sshra.s32 s15, $0x15;
	s18 =	sand.u32 $0xFFFFFF00, s4  }
0x461: {  	s4 =	simm.s32 $0x0;
	s12 =	sadd.s32 s15, s8;
	s15 =	sshra.s32 s16, $0x1F  }
0x462: {  	s16 =	sshll.u32 s7, $0xA;
	s17 =	sadd.s32 s18, s17;
	s13 =	sadd.s32 s13, s15  }
0x463: {  	s20 =	sshll.u32 s12, $0xA;
	s8 =	ssub.s32 s6, s16;
	s15 =	ssub.s32 s6, s23  }
0x464: {  	s16 =	ssub.s32 s6, s24;
	s23 =	sshll.u32 s12, $0x9;
	s24 =	sshll.u32 s9, $0x9  }
0x465: {  	s12 =	sshll.u32 s12, $0x7;
	s9 =	sshll.u32 s9, $0x7;
	s18 =	sadd.s32 $0x0, s17  }
0x466: {  	s25 =	sshll.u32 s13, $0xA;
	s14 =	ssub.s32 s6, s20;
	s8 =	sadd.s32 $0xFFFFFF40, s8  }
0x467: {  	s15 =	sadd.s32 $0xFFFFFF80, s15;
	s16 =	sadd.s32 $0xFFFFFFA0, s16;
	s12 =	sand.u32 $0x80, s12  }
0x468: {  	s9 =	sand.u32 $0x80, s9;
	s18 =	sor.u32 s5, s18;
	s5 =	sor.u32 s5, s17  }
0x469: {  	s17 =	sand.u32 $0x1F, s29;
	s14 =	sadd.s32 $0xFFFFFF60, s14;
	s29 =	sshll.u32 s7, $0x9  }
0x46a: {  	s15 =	sand.u32 $0xFFFFFF00, s15;
	s16 =	sand.u32 $0xFFFFFF00, s16;
	s7 =	sshll.u32 s7, $0x7;
	v1 =	vld [tilespmem:s18+$0x60]  }
0x46b: {  	s17 =	sadd.s32 s17, s3;
	s3 =	sshra.s32 s3, $0x1F;
	v2 =	vld [tilespmem:s5+$0xA860];
	s20 =	sand.u32 $0xFFFFFC00, s29  }
0x46c: {  	s29 =	sshll.u32 s13, $0x9;
	s13 =	sshll.u32 s13, $0x7;
	s17 =	sshll.u32 s17, $0x10  }
0x46d: {  	s7 =	sand.u32 $0x80, s7;
	s13 =	sand.u32 $0x80, s13;
	s19 =	sshra.s32 s17, $0x15  }
0x46e: {  	s17 =	ssub.s32 s6, s25;
	s25 =	sand.u32 $0xFFFFFF00, s14;
	s3 =	sadd.s32 s19, s3  }
0x46f: {  	s14 =	sand.u32 $0xFFFFFC00, s29;
	s17 =	sadd.s32 $0xFFFFFFC0, s17;
	s26 =	sshll.u32 s3, $0xA;
	v3 =	vsub.f32 $1.000000000e+00, v1  }
0x470: {  	s19 =	sand.u32 $0xFFFFFF00, s8;
	s17 =	sand.u32 $0xFFFFFF00, s17;
	s5 =	ssub.s32 s6, s26;
	vm0 =	veq.s32 v2, s31  }
0x471: {  	s6 =	sadd.s32 s19, s20;
	s20 =	sshll.u32 s11, $0x9;
	s26 =	sand.u32 $0xFFFFFC00, s23;
	v1 =	vsel vm0, v3, v1  }
0x472: {  	s19 =	sand.u32 $0xFFFFFC00, s24;
	s23 =	sshll.u32 s3, $0x9;
	s14 =	sadd.s32 s17, s14;
	v1 =	vmul.f32 $1.638400000e+04, v1  }
0x473: {  	s11 =	sshll.u32 s11, $0x7;
	s8 =	sadd.s32 s25, s26;
	s20 =	sand.u32 $0xFFFFFC00, s20  }
0x474: {  	s15 =	sadd.s32 s15, s19;
	s19 =	sshrl.u32 s1, $0x5;
	s5 =	sand.u32 $0xFFFFFF00, s5;
	v1 =	vtrunc.f32 v1  }
0x475: {  	s18 =	sand.u32 $0xFFFFFC00, s23;
	s1 =	sshll.u32 s1, $0x5;
	s25 =	sadd.s32 $0x0, s6;
	v1 =	vcvt.f32.s32 v1  }
0x476: {  	s6 =	sor.u32 s7, s6;
	s16 =	sadd.s32 s16, s20;
	s24 =	sshll.u32 s19, $0xA  }
0x477: {  	s26 =	sadd.s32 $0x0, s8;
	v13 =	vld [tilespmem:s6+$0xA810];
	s17 =	ssub.s32 s1, s24;
	s1 =	sor.u32 s7, s25;
	vm1 =	vgt.s32 v1, $0x0  }
0x478: {  	s5 =	sadd.s32 s5, s18;
	s29 =	sadd.s32 $0x0, s15;
	s18 =	sor.u32 s12, s26;
	v2 =	vld [tilespmem:s1+$0x10];
	v3 =	vnsel vm1, $0x0, v1  }
0x479: {  	s11 =	sand.u32 $0x80, s11;
	s20 =	sadd.s32 $0x0, s16;
	v8 =	vld [tilespmem:s18+$0x20];
	s1 =	sor.u32 s9, s29;
	v1 =	vmov s10;
	v9 =	vmin.u32 v3, $0x3FFF  }
0x47a: {  	s3 =	sshll.u32 s3, $0x7;
	s23 =	sadd.s32 $0x0, s14;
	v6 =	vld [tilespmem:s1+$0x30];
	s10 =	sor.u32 s11, s20;
	v3 =	vsel vm0, s4, v1;
	v4 =	vshrl.u32 v9, $0x4  }
0x47b: {  	s3 =	sand.u32 $0x80, s3;
	s24 =	sadd.s32 $0x0, s5;
	s1 =	sor.u32 s13, s23;
	v7 =	vld [tilespmem:s10+$0x40];
	v10 =	vor.u32 v3, v4  }
0x47c: {  	s25 =	sshll.u32 s19, $0x7;
	s26 =	sadd.s32 $0x0, s17;
	v5 =	vld [tilespmem:s1+$0x50];
	s10 =	sor.u32 s3, s24  }
0x47d: {  	s1 =	sor.u32 s25, s26;
	v4 =	vld [tilespmem:s10+$0x70]  }
0x47e: {  	s6 =	simm.s32 $0xE0;
	s29 =	sor.u32 s12, s8;
	v9 =	vand.u32 $0xF, v9;
	v3 =	vld [tilespmem:s1+$0x0]  }
0x47f: {  	s19 =	sor.u32 s13, s14;
	s14 =	sor.u32 s25, s17;
	s18 =	sor.u32 s3, s5;
	v14 =	vld [tilespmem:s29+$0xA820];
	v12 =	vsub.f32 $1.000000000e+00, v2;
	v11 =	vsub.f32 $1.000000000e+00, v8;
	v9 =	vor.u32 $0x20000, v9  }
0x480: {  	s8 =	simm.s32 $0x8;
	s10 =	sor.u32 s9, s15;
	s1 =	sor.u32 s11, s16;
	[tilespmem:v10+s28+$0x0] =	vst.idx.add.s32.msk $0xffff, v9;
	v10 =	vsub.f32 $1.000000000e+00, v6;
	v9 =	vsub.f32 $1.000000000e+00, v7  }
.LBB2_32:
0x481: {  	s3 =	sand.u32 $0xFFFFFFC0, s8;
	v15 =	vld [tilespmem:s10+$0xA830];
	v16 =	vsub.f32 $1.000000000e+00, v5;
	s5 =	smov.u32 s0;
	s0 =	sadd.s32 $0x8, s0  }
0x482: {  	s10 =	sand.u32 $0x38, s0;
	s7 =	ssub.s32 s0, s3;
	s3 =	ssub.s32 s5, s3;
	v17 =	vld [tilespmem:s1+$0xA840];
	v18 =	vsub.f32 $1.000000000e+00, v4  }
0x483: {  	s1 =	sadd.s32 $0x1, s7;
	s16 =	sadd.s32 $0x2, s7;
	s5 =	sadd.s32 $0x6, s7;
	v19 =	vsub.f32 $1.000000000e+00, v3;
	v20 =	vld [tilespmem:s19+$0xA850]  }
0x484: {  	s19 =	sadd.s32 $0xB, s3;
	s20 =	sadd.s32 $0xC, s3;
	s9 =	sshll.u32 s5, $0x10;
	vm0 =	veq.s32 v13, s31;
	v13 =	vld [tilespmem:s18+$0xA870]  }
0x485: {  	s11 =	sshll.u32 s1, $0x10;
	s18 =	sadd.s32 $0x5, s7;
	s7 =	sshra.s32 s9, $0x1F;
	v21 =	vld [tilespmem:s14+$0xA800];
	v12 =	vsel vm0, v12, v2;
	v2 =	vsel vm0, s4, v1;
	vm1 =	veq.s32 v14, s31  }
0x486: {  	s12 =	sshll.u32 s19, $0x10;
	s9 =	sshll.u32 s16, $0x10;
	s7 =	sand.u32 $0x1F, s7;
	v12 =	vmul.f32 $1.638400000e+04, v12;
	v8 =	vsel vm1, v11, v8;
	vm4 =	veq.s32 v15, s31  }
0x487: {  	s13 =	sshll.u32 s20, $0x10;
	s15 =	sshll.u32 s18, $0x10;
	s7 =	sadd.s32 s7, s5;
	v8 =	vmul.f32 $1.638400000e+04, v8;
	v6 =	vsel vm4, v10, v6;
	vm5 =	veq.s32 v17, s31  }
0x488: {  	s23 =	sadd.s32 $0xF, s3;
	s26 =	sshra.s32 s11, $0x1F;
	s7 =	sshll.u32 s7, $0x10;
	v6 =	vmul.f32 $1.638400000e+04, v6;
	v7 =	vsel vm5, v9, v7;
	vm2 =	veq.s32 v20, s31  }
0x489: {  	s3 =	sshll.u32 s8, $0x5;
	s5 =	sshra.s32 s5, $0x1F;
	s7 =	sshra.s32 s7, $0x15;
	v7 =	vmul.f32 $1.638400000e+04, v7;
	v5 =	vsel vm2, v16, v5;
	vm3 =	veq.s32 v13, s31  }
0x48a: {  	s6 =	sadd.s32 $0x100, s6;
	s3 =	sand.u32 $0xFFFFF800, s3;
	s5 =	sadd.s32 s7, s5;
	vm0 =	veq.s32 v21, s31;
	v9 =	vmul.f32 $1.638400000e+04, v5;
	v4 =	vsel vm3, v18, v4  }
0x48b: {  	s14 =	ssub.s32 s6, s3;
	s3 =	sshra.s32 s9, $0x1F;
	v10 =	vtrunc.f32 v12;
	s7 =	sshll.u32 s5, $0xA;
	v3 =	vsel vm0, v19, v3;
	v11 =	vmul.f32 $1.638400000e+04, v4  }
0x48c: {  	s11 =	sshra.s32 s13, $0x1F;
	s9 =	sshra.s32 s12, $0x1F;
	v8 =	vtrunc.f32 v8;
	s7 =	ssub.s32 s14, s7;
	v12 =	vmul.f32 $1.638400000e+04, v3;
	v3 =	vsel vm1, s4, v1  }
0x48d: {  	s13 =	sshra.s32 s15, $0x1F;
	v13 =	vtrunc.f32 v6;
	s12 =	sshll.u32 s5, $0x9;
	v4 =	vsel vm4, s4, v1;
	v14 =	vtrunc.f32 v7;
	s7 =	sadd.s32 $0xFFFFFFE0, s7  }
0x48e: {  	s31 =	sshrl.u32 s0, $0x6;
	v5 =	vsel vm5, s4, v1;
	s15 =	sand.u32 $0xFFFFFC00, s12;
	v9 =	vtrunc.f32 v9;
	v11 =	vtrunc.f32 v11;
	s7 =	sand.u32 $0xFFFFFF00, s7  }
0x48f: {  	v10 =	vcvt.f32.s32 v10;
	v6 =	vsel vm2, s4, v1;
	s5 =	sshll.u32 s5, $0x7;
	s12 =	sshll.u32 s31, $0xA;
	v12 =	vtrunc.f32 v12;
	s7 =	sadd.s32 s7, s15  }
0x490: {  	s17 =	sshll.u32 s23, $0x10;
	v8 =	vcvt.f32.s32 v8;
	v13 =	vcvt.f32.s32 v13;
	v7 =	vsel vm3, s4, v1;
	s5 =	sand.u32 $0x80, s5;
	s15 =	sadd.s32 s12, s7  }
0x491: {  	s24 =	sand.u32 $0x1F, s26;
	s3 =	sand.u32 $0x1F, s3;
	vm1 =	vgt.s32 v10, $0x0;
	v14 =	vcvt.f32.s32 v14;
	v9 =	vcvt.f32.s32 v9;
	s15 =	sor.u32 s5, s15  }
0x492: {  	s11 =	sand.u32 $0x1F, s11;
	s9 =	sand.u32 $0x1F, s9;
	vm2 =	vgt.s32 v8, $0x0;
	v11 =	vcvt.f32.s32 v11;
	v12 =	vcvt.f32.s32 v12;
	s5 =	sor.u32 s5, s7;
	v15 =	vld [tilespmem:s15+$0x60]  }
0x493: {  	s13 =	sand.u32 $0x1F, s13;
	vm3 =	vgt.s32 v13, $0x0;
	vm4 =	vgt.s32 v14, $0x0;
	vm5 =	vgt.s32 v9, $0x0;
	s7 =	sadd.s32 s24, s1;
	v16 =	vld [tilespmem:s5+$0xA860];
	s5 =	sshra.s32 s17, $0x1F  }
0x494: {  	s11 =	sadd.s32 s11, s20;
	s3 =	sadd.s32 s3, s16;
	s9 =	sadd.s32 s9, s19;
	v10 =	vnsel vm1, $0x0, v10;
	vm1 =	vgt.s32 v11, $0x0;
	vm6 =	vgt.s32 v12, $0x0  }
0x495: {  	s13 =	sadd.s32 s13, s18;
	v8 =	vnsel vm2, $0x0, v8;
	v13 =	vnsel vm3, $0x0, v13;
	v14 =	vnsel vm4, $0x0, v14;
	s7 =	sshll.u32 s7, $0x10;
	s5 =	sand.u32 $0x1F, s5  }
0x496: {  	s11 =	sshll.u32 s11, $0x10;
	s3 =	sshll.u32 s3, $0x10;
	s9 =	sshll.u32 s9, $0x10;
	v9 =	vnsel vm5, $0x0, v9;
	v11 =	vnsel vm1, $0x0, v11;
	v12 =	vnsel vm6, $0x0, v12  }
0x497: {  	s13 =	sshll.u32 s13, $0x10;
	v10 =	vmin.u32 v10, $0x3FFF;
	v8 =	vmin.u32 v8, $0x3FFF;
	s7 =	sshra.s32 s7, $0x15;
	s5 =	sadd.s32 s5, s23;
	v17 =	vsub.f32 $1.000000000e+00, v15  }
0x498: {  	s11 =	sshra.s32 s11, $0x15;
	s3 =	sshra.s32 s3, $0x15;
	s9 =	sshra.s32 s9, $0x15;
	v13 =	vmin.u32 v13, $0x3FFF;
	v14 =	vmin.u32 v14, $0x3FFF;
	vm1 =	veq.s32 v16, s31  }
0x499: {  	s13 =	sshra.s32 s13, $0x15;
	s1 =	sshra.s32 s1, $0x1F;
	v9 =	vmin.u32 v9, $0x3FFF;
	v11 =	vmin.u32 v11, $0x3FFF;
	s5 =	sshll.u32 s5, $0x10;
	v15 =	vsel vm1, v17, v15  }
0x49a: {  	s15 =	sshra.s32 s16, $0x1F;
	s17 =	sshra.s32 s19, $0x1F;
	s19 =	sshra.s32 s20, $0x1F;
	v12 =	vmin.u32 v12, $0x3FFF;
	v16 =	vshrl.u32 v10, $0x4;
	v15 =	vmul.f32 $1.638400000e+04, v15  }
0x49b: {  	v18 =	vshrl.u32 v13, $0x4;
	v19 =	vshrl.u32 v14, $0x4;
	s16 =	sadd.s32 s3, s15;
	s3 =	sshra.s32 s18, $0x1F;
	s1 =	sadd.s32 s7, s1;
	v17 =	vshrl.u32 v8, $0x4  }
0x49c: {  	v20 =	vshrl.u32 v9, $0x4;
	v21 =	vshrl.u32 v11, $0x4;
	s20 =	sadd.s32 s9, s17;
	s18 =	sadd.s32 s11, s19;
	s19 =	sadd.s32 s13, s3;
	v15 =	vtrunc.f32 v15  }
0x49d: {  	s7 =	sshra.s32 s23, $0x1F;
	s3 =	sshll.u32 s1, $0xA;
	s5 =	sshra.s32 s5, $0x15;
	v10 =	vand.u32 $0xF, v10;
	v8 =	vand.u32 $0xF, v8;
	v15 =	vcvt.f32.s32 v15  }
0x49e: {  	v13 =	vand.u32 $0xF, v13;
	v14 =	vand.u32 $0xF, v14;
	v9 =	vand.u32 $0xF, v9;
	s9 =	sshll.u32 s16, $0xA;
	s11 =	sshll.u32 s20, $0xA;
	s13 =	sshll.u32 s18, $0xA  }
0x49f: {  	v11 =	vand.u32 $0xF, v11;
	v22 =	vshrl.u32 v12, $0x4;
	s15 =	sshll.u32 s19, $0xA;
	s3 =	ssub.s32 s14, s3;
	s23 =	sadd.s32 s5, s7;
	vm2 =	vgt.s32 v15, $0x0  }
0x4a0: {  	v23 =	vsel vm0, s4, v1;
	v12 =	vand.u32 $0xF, v12;
	s5 =	sadd.s32 $0x5400, s12;
	s7 =	ssub.s32 s14, s9;
	s9 =	ssub.s32 s14, s11;
	v15 =	vnsel vm2, $0x0, v15  }
0x4a1: {  	s4 =	ssub.s32 s14, s13;
	v1 =	vmov s5;
	s5 =	ssub.s32 s14, s15;
	s11 =	sshll.u32 s23, $0xA;
	v2 =	vor.u32 v2, v16;
	v15 =	vmin.u32 v15, $0x3FFF  }
0x4a2: {  	s3 =	sadd.s32 $0xFFFFFF40, s3;
	s7 =	sadd.s32 $0xFFFFFF60, s7;
	s9 =	sadd.s32 $0xFFFFFF80, s9;
	v16 =	vsel vm1, s12, v1;
	v3 =	vor.u32 v3, v17;
	v24 =	vshrl.u32 v15, $0x4  }
0x4a3: {  	v4 =	vor.u32 v4, v18;
	v5 =	vor.u32 v5, v19;
	s13 =	sadd.s32 $0xFFFFFFA0, s4;
	s5 =	sadd.s32 $0xFFFFFFC0, s5;
	s11 =	ssub.s32 s14, s11;
	v16 =	vor.u32 v16, v24  }
0x4a4: {  	v6 =	vor.u32 v6, v20;
	v7 =	vor.u32 v7, v21;
	s17 =	sshll.u32 s20, $0x9;
	s15 =	sshll.u32 s16, $0x9;
	v10 =	vor.u32 $0x20000, v10;
	s14 =	sshll.u32 s1, $0x9  }
0x4a5: {  	v13 =	vor.u32 $0x20000, v13;
	v14 =	vor.u32 $0x20000, v14;
	s24 =	sshll.u32 s18, $0x9;
	s25 =	sshll.u32 s19, $0x9;
	s26 =	sshll.u32 s23, $0x9;
	v8 =	vor.u32 $0x20000, v8  }
0x4a6: {  	s4 =	sshrl.u32 s10, $0x5;
	s3 =	sand.u32 $0xFFFFFF00, s3;
	s7 =	sand.u32 $0xFFFFFF00, s7;
	v15 =	vand.u32 $0xF, v15;
	[tilespmem:v2+s28+$0x0] =	vst.idx.add.s32.msk $0xffff, v10;
	v2 =	vor.u32 $0x20000, v9;
	v9 =	vor.u32 $0x20000, v11  }
0x4a7: {  	s13 =	sand.u32 $0xFFFFFF00, s13;
	s9 =	sand.u32 $0xFFFFFF00, s9;
	s5 =	sand.u32 $0xFFFFFF00, s5;
	v10 =	vor.u32 $0x20000, v15;
	v11 =	vor.u32 $0x20000, v12;
	v12 =	vor.u32 v23, v22;
	[tilespmem:v3+s28+$0x0] =	vst.idx.add.s32.msk $0xffff, v8  }
0x4a8: {  	s15 =	sand.u32 $0xFFFFFC00, s15;
	s14 =	sand.u32 $0xFFFFFC00, s14;
	s11 =	sand.u32 $0xFFFFFF00, s11;
	[tilespmem:v16+s28+$0x0] =	vst.idx.add.s32.msk $0xffff, v10  }
0x4a9: {  	s17 =	sand.u32 $0xFFFFFC00, s17;
	s24 =	sand.u32 $0xFFFFFC00, s24;
	s25 =	sand.u32 $0xFFFFFC00, s25;
	[tilespmem:v4+s28+$0x0] =	vst.idx.add.s32.msk $0xffff, v13  }
0x4aa: {  	s10 =	sshll.u32 s10, $0x5;
	s29 =	sshll.u32 s4, $0xA;
	s26 =	sand.u32 $0xFFFFFC00, s26;
	[tilespmem:v5+s28+$0x0] =	vst.idx.add.s32.msk $0xffff, v14  }
0x4ab: {  	s7 =	sadd.s32 s7, s15;
	s9 =	sadd.s32 s9, s17;
	s3 =	sadd.s32 s3, s14;
	[tilespmem:v6+s28+$0x0] =	vst.idx.add.s32.msk $0xffff, v2  }
0x4ac: {  	s13 =	sadd.s32 s13, s24;
	s5 =	sadd.s32 s5, s25;
	s11 =	sadd.s32 s11, s26;
	[tilespmem:v7+s28+$0x0] =	vst.idx.add.s32.msk $0xffff, v9  }
0x4ad: {  	s1 =	sshll.u32 s1, $0x7;
	s15 =	sshll.u32 s20, $0x7;
	s14 =	sshll.u32 s16, $0x7;
	[tilespmem:v12+s28+$0x0] =	vst.idx.add.s32.msk $0xffff, v11  }
0x4ae: {  	s17 =	sshll.u32 s19, $0x7;
	s16 =	sshll.u32 s18, $0x7;
	s18 =	sshll.u32 s23, $0x7  }
0x4af: {  	s20 =	ssub.s32 s10, s29;
	s19 =	sadd.s32 s12, s7;
	s10 =	sadd.s32 s12, s3  }
0x4b0: {  	s24 =	sadd.s32 s12, s13;
	s23 =	sadd.s32 s12, s9;
	s25 =	sadd.s32 s12, s5  }
0x4b1: {  	s1 =	sand.u32 $0x80, s1;
	s14 =	sand.u32 $0x80, s14;
	s26 =	sadd.s32 s12, s11  }
0x4b2: {  	s15 =	sand.u32 $0x80, s15;
	s17 =	sand.u32 $0x80, s17;
	s16 =	sand.u32 $0x80, s16  }
0x4b3: {  	s4 =	sshll.u32 s4, $0x7;
	s29 =	sadd.s32 s20, s12;
	s18 =	sand.u32 $0x80, s18  }
0x4b4: {  	s23 =	sor.u32 s15, s23;
	s10 =	sor.u32 s1, s10;
	s19 =	sor.u32 s14, s19  }
0x4b5: {  	s24 =	sor.u32 s16, s24;
	s25 =	sor.u32 s17, s25;
	s26 =	sor.u32 s18, s26;
	v2 =	vld [tilespmem:s10+$0x10]  }
0x4b6: {  	s29 =	sor.u32 s4, s29;
	s3 =	sor.u32 s1, s3;
	s7 =	sor.u32 s14, s7;
	v8 =	vld [tilespmem:s19+$0x20]  }
0x4b7: {  	s1 =	sor.u32 s16, s13;
	s10 =	sor.u32 s15, s9;
	s19 =	sor.u32 s17, s5;
	v6 =	vld [tilespmem:s23+$0x30]  }
0x4b8: {  	p0 =	slt.u32 s0, $0x538;
	s14 =	sor.u32 s4, s20;
	s18 =	sor.u32 s18, s11;
	v7 =	vld [tilespmem:s24+$0x40]  }
.Ltmp15:
0x4b9: {  	s4 =	smov.u32 s12;
	v5 =	vld [tilespmem:s25+$0x50];
	(pc) =	sbr.rel @p0 .LBB2_32-.Ltmp15, $4  }
0x4ba: {  	v12 =	vsub.f32 $1.000000000e+00, v2;
	v4 =	vld [tilespmem:s26+$0x70]  }
0x4bb: {  	v3 =	vld [tilespmem:s29+$0x0];
	v11 =	vsub.f32 $1.000000000e+00, v8  }
0x4bc: {  	v13 =	vld [tilespmem:s3+$0xA810];
	v10 =	vsub.f32 $1.000000000e+00, v6  }
0x4bd: {  	s8 =	sadd.s32 $0x8, s8;
	v14 =	vld [tilespmem:s7+$0xA820];
	v9 =	vsub.f32 $1.000000000e+00, v7  }
0x4be: {  	v15 =	vld [tilespmem:s10+$0xA830]  }
0x4bf: {  	v16 =	vld [tilespmem:s1+$0xA840]  }
0x4c0: {  	v17 =	vld [tilespmem:s19+$0xA850]  }
0x4c1: {  	v21 =	vld [tilespmem:s14+$0xA800];
	_ =	sdelay $0x1  }
0x4c2: {  	v18 =	vsub.f32 $1.000000000e+00, v5;
	v19 =	vsub.f32 $1.000000000e+00, v4;
	vm1 =	veq.s32 v13, s31  }
0x4c3: {  	v20 =	vsub.f32 $1.000000000e+00, v3;
	v2 =	vsel vm1, v12, v2;
	vm2 =	veq.s32 v14, s31  }
0x4c4: {  	v2 =	vmul.f32 $1.638400000e+04, v2;
	v8 =	vsel vm2, v11, v8;
	vm3 =	veq.s32 v15, s31  }
0x4c5: {  	v13 =	vld [tilespmem:s18+$0xA870];
	s18 =	simm.s32 $0x0;
	vm4 =	veq.s32 v16, s31;
	vm5 =	veq.s32 v17, s31;
	vm0 =	veq.s32 v21, s31  }
0x4c6: {  	s0 =	simm.s32 $0x2;
	s15 =	simm.s32 $0x0;
	s3 =	sand.u32 $0xFFFFFFC0, s18;
	v8 =	vmul.f32 $1.638400000e+04, v8;
	v6 =	vsel vm3, v10, v6;
	v7 =	vsel vm4, v9, v7  }
0x4c7: {  	s15 =	sand.u32 $0xFFFFF800, s15;
	s19 =	ssub.s32 $0x0, s3;
	s3 =	ssub.s32 $0xFFFFFFF8, s3;
	v5 =	vsel vm5, v18, v5;
	v3 =	vsel vm0, v20, v3;
	v9 =	vsel vm1, s4, v1  }
0x4c8: {  	v10 =	vsel vm2, s4, v1;
	s12 =	sadd.s32 $0x1, s19;
	s5 =	sadd.s32 $0x6, s19;
	s8 =	sadd.s32 $0x2, s19;
	v6 =	vmul.f32 $1.638400000e+04, v6;
	v7 =	vmul.f32 $1.638400000e+04, v7  }
0x4c9: {  	v11 =	vsel vm3, s4, v1;
	s10 =	sadd.s32 $0xB, s3;
	s14 =	sadd.s32 $0xC, s3;
	s16 =	sadd.s32 $0x5, s19;
	v5 =	vmul.f32 $1.638400000e+04, v5;
	v2 =	vtrunc.f32 v2  }
0x4ca: {  	v12 =	vsel vm4, s4, v1;
	s3 =	sadd.s32 $0xF, s3;
	v3 =	vmul.f32 $1.638400000e+04, v3;
	s6 =	sshll.u32 s5, $0x10;
	s7 =	sshll.u32 s12, $0x10;
	v8 =	vtrunc.f32 v8  }
0x4cb: {  	s20 =	sshll.u32 s8, $0x10;
	s9 =	sshll.u32 s10, $0x10;
	s11 =	sshll.u32 s14, $0x10;
	vm6 =	veq.s32 v13, s31;
	v2 =	vcvt.f32.s32 v2;
	v6 =	vtrunc.f32 v6  }
0x4cc: {  	s13 =	sshll.u32 s16, $0x10;
	s26 =	sshll.u32 s3, $0x10;
	v13 =	vsel vm5, s4, v1;
	s6 =	sshra.s32 s6, $0x1F;
	v7 =	vtrunc.f32 v7;
	v5 =	vtrunc.f32 v5  }
0x4cd: {  	s7 =	sshra.s32 s7, $0x1F;
	s23 =	sshra.s32 s20, $0x1F;
	s9 =	sshra.s32 s9, $0x1F;
	v4 =	vsel vm6, v19, v4;
	v3 =	vtrunc.f32 v3;
	v8 =	vcvt.f32.s32 v8  }
0x4ce: {  	s11 =	sshra.s32 s11, $0x1F;
	s13 =	sshra.s32 s13, $0x1F;
	s31 =	simm.s32 $0x0;
	v14 =	vsel vm6, s4, v1;
	v1 =	vsel vm0, s4, v1;
	v4 =	vmul.f32 $1.638400000e+04, v4  }
0x4cf: {  	s29 =	sshra.s32 s26, $0x1F;
	s6 =	sand.u32 $0x1F, s6;
	s7 =	sand.u32 $0x1F, s7;
	v6 =	vcvt.f32.s32 v6;
	vm14 =	vgt.s32 v2, $0x0;
	v7 =	vcvt.f32.s32 v7  }
0x4d0: {  	s9 =	sand.u32 $0x1F, s9;
	s11 =	sand.u32 $0x1F, s11;
	s13 =	sand.u32 $0x1F, s13;
	v5 =	vcvt.f32.s32 v5;
	v3 =	vcvt.f32.s32 v3;
	vm15 =	vgt.s32 v8, $0x0  }
0x4d1: {  	s6 =	sadd.s32 s6, s5;
	s5 =	sshra.s32 s5, $0x1F;
	s7 =	sadd.s32 s7, s12;
	v2 =	vnsel vm14, $0x0, v2;
	v4 =	vtrunc.f32 v4;
	vm9 =	vgt.s32 v6, $0x0  }
0x4d2: {  	s9 =	sadd.s32 s9, s10;
	s11 =	sadd.s32 s11, s14;
	s13 =	sadd.s32 s13, s16;
	vm10 =	vgt.s32 v7, $0x0;
	vm11 =	vgt.s32 v5, $0x0;
	vm12 =	vgt.s32 v3, $0x0  }
0x4d3: {  	s12 =	sshra.s32 s12, $0x1F;
	s10 =	sshra.s32 s10, $0x1F;
	s14 =	sshra.s32 s14, $0x1F;
	v8 =	vnsel vm15, $0x0, v8;
	v2 =	vmin.u32 v2, $0x3FFF;
	v4 =	vcvt.f32.s32 v4  }
0x4d4: {  	s6 =	sshll.u32 s6, $0x10;
	s7 =	sshll.u32 s7, $0x10;
	s9 =	sshll.u32 s9, $0x10;
	v6 =	vnsel vm9, $0x0, v6;
	v7 =	vnsel vm10, $0x0, v7;
	v3 =	vnsel vm12, $0x0, v3  }
0x4d5: {  	s11 =	sshll.u32 s11, $0x10;
	s13 =	sshll.u32 s13, $0x10;
	s6 =	sshra.s32 s6, $0x15;
	v5 =	vnsel vm11, $0x0, v5;
	v8 =	vmin.u32 v8, $0x3FFF;
	v15 =	vshrl.u32 v2, $0x4  }
0x4d6: {  	s7 =	sshra.s32 s7, $0x15;
	s9 =	sshra.s32 s9, $0x15;
	s11 =	sshra.s32 s11, $0x15;
	v2 =	vand.u32 $0xF, v2;
	v6 =	vmin.u32 v6, $0x3FFF;
	v7 =	vmin.u32 v7, $0x3FFF  }
0x4d7: {  	s13 =	sshra.s32 s13, $0x15;
	s5 =	sadd.s32 s6, s5;
	s6 =	ssub.s32 $0xE0, s15;
	v5 =	vmin.u32 v5, $0x3FFF;
	v3 =	vmin.u32 v3, $0x3FFF;
	v60 =	vshrl.u32 v8, $0x4  }
0x4d8: {  	s15 =	sand.u32 $0x1F, s23;
	s7 =	sadd.s32 s7, s12;
	s9 =	sadd.s32 s9, s10;
	v9 =	vor.u32 v9, v15;
	v8 =	vand.u32 $0xF, v8;
	v2 =	vor.u32 $0x20000, v2  }
0x4d9: {  	s11 =	sadd.s32 s11, s14;
	s10 =	simm.s32 $0x5400;
	s24 =	sshll.u32 s5, $0xA;
	vm13 =	vgt.s32 v4, $0x0;
	v61 =	vshrl.u32 v6, $0x4;
	v10 =	vor.u32 v10, v60  }
0x4da: {  	s17 =	sshll.u32 s5, $0x9;
	s5 =	sshll.u32 s5, $0x7;
	s15 =	sadd.s32 s15, s8;
	v15 =	vshrl.u32 v7, $0x4;
	v62 =	vshrl.u32 v5, $0x4;
	v11 =	vor.u32 v11, v61  }
0x4db: {  	s8 =	sshra.s32 s8, $0x1F;
	s23 =	sshll.u32 s9, $0xA;
	v6 =	vand.u32 $0xF, v6;
	s4 =	ssub.s32 s6, s24;
	v4 =	vnsel vm13, $0x0, v4;
	v12 =	vor.u32 v12, v15  }
0x4dc: {  	s17 =	sand.u32 $0xFFFFFC00, s17;
	s5 =	sand.u32 $0x80, s5;
	s15 =	sshll.u32 s15, $0x10;
	v15 =	vshrl.u32 v3, $0x4;
	v13 =	vor.u32 v13, v62;
	v4 =	vmin.u32 v4, $0x3FFF  }
0x4dd: {  	v8 =	vor.u32 $0x20000, v8;
	s24 =	sshll.u32 s11, $0xA;
	s4 =	sadd.s32 $0xFFFFFFE0, s4;
	s15 =	sshra.s32 s15, $0x15;
	v1 =	vor.u32 v1, v15;
	v63 =	vshrl.u32 v4, $0x4;
	[tilespmem:v9+s28+$0x0] =	vst.idx.add.s32.msk $0xffff, v2  }
0x4de: {  	v6 =	vor.u32 $0x20000, v6;
	s25 =	sand.u32 $0xFFFFFF00, s4;
	s4 =	simm.s32 $0x0;
	s12 =	sadd.s32 s15, s8;
	v14 =	vor.u32 v14, v63;
	v2 =	vand.u32 $0xF, v7;
	[tilespmem:v10+s28+$0x0] =	vst.idx.add.s32.msk $0xffff, v8  }
0x4df: {  	v5 =	vand.u32 $0xF, v5;
	s15 =	sshra.s32 s16, $0x1F;
	s16 =	sshll.u32 s7, $0xA;
	s17 =	sadd.s32 s25, s17;
	v2 =	vor.u32 $0x20000, v2;
	[tilespmem:v11+s28+$0x0] =	vst.idx.add.s32.msk $0xffff, v6  }
0x4e0: {  	v5 =	vor.u32 $0x20000, v5;
	s13 =	sadd.s32 s13, s15;
	s20 =	sshll.u32 s12, $0xA;
	s8 =	ssub.s32 s6, s16;
	[tilespmem:v12+s28+$0x0] =	vst.idx.add.s32.msk $0xffff, v2;
	v2 =	vand.u32 $0xF, v3  }
0x4e1: {  	v4 =	vand.u32 $0xF, v4;
	s15 =	ssub.s32 s6, s23;
	s16 =	ssub.s32 s6, s24;
	s23 =	sshll.u32 s12, $0x9;
	[tilespmem:v13+s28+$0x0] =	vst.idx.add.s32.msk $0xffff, v5;
	v2 =	vor.u32 $0x20000, v2  }
0x4e2: {  	s24 =	sshll.u32 s9, $0x9;
	s12 =	sshll.u32 s12, $0x7;
	s9 =	sshll.u32 s9, $0x7;
	v3 =	vor.u32 $0x20000, v4;
	[tilespmem:v1+s28+$0x0] =	vst.idx.add.s32.msk $0xffff, v2  }
0x4e3: {  	s18 =	sadd.s32 $0x0, s17;
	s25 =	sshll.u32 s13, $0xA;
	s14 =	ssub.s32 s6, s20;
	[tilespmem:v14+s28+$0x0] =	vst.idx.add.s32.msk $0xffff, v3  }
0x4e4: {  	s8 =	sadd.s32 $0xFFFFFF40, s8;
	s15 =	sadd.s32 $0xFFFFFF80, s15;
	_ =	swait.ge [sflag:s0], $0x5400  }
0x4e5: {  	s16 =	sadd.s32 $0xFFFFFFA0, s16;
	s12 =	sand.u32 $0x80, s12;
	[sflag:s0] =	ssyncset.done $0x0  }
0x4e6: {  	s9 =	sand.u32 $0x80, s9;
	s18 =	sor.u32 s5, s18;
	[sflag:s0] =	ssyncadd.s32 $0xFFFFAC00  }
0x4e7: {  	s5 =	sor.u32 s5, s17;
	s17 =	sand.u32 $0x1F, s29;
	_ =	swait.ge [sflag:s30], $0x400  }
0x4e8: {  	s14 =	sadd.s32 $0xFFFFFF60, s14;
	s29 =	sshll.u32 s7, $0x9;
	[sflag:s30] =	ssyncset.done $0x0  }
0x4e9: {  	s15 =	sand.u32 $0xFFFFFF00, s15;
	s16 =	sand.u32 $0xFFFFFF00, s16;
	[sflag:s30] =	ssyncadd.s32 $0xFFFFFC00  }
0x4ea: {  	s7 =	sshll.u32 s7, $0x7;
	s17 =	sadd.s32 s17, s3;
	s3 =	sshra.s32 s3, $0x1F;
	v1 =	vld [tilespmem:s18+$0x5460]  }
0x4eb: {  	s20 =	sand.u32 $0xFFFFFC00, s29;
	s29 =	sshll.u32 s13, $0x9;
	s13 =	sshll.u32 s13, $0x7;
	v2 =	vld [tilespmem:s5+$0xAC60]  }
0x4ec: {  	s7 =	sand.u32 $0x80, s7;
	s17 =	sshll.u32 s17, $0x10;
	s13 =	sand.u32 $0x80, s13  }
0x4ed: {  	s19 =	sshra.s32 s17, $0x15;
	s17 =	ssub.s32 s6, s25;
	s25 =	sand.u32 $0xFFFFFF00, s14  }
0x4ee: {  	s14 =	sand.u32 $0xFFFFFC00, s29;
	s3 =	sadd.s32 s19, s3;
	s17 =	sadd.s32 $0xFFFFFFC0, s17  }
0x4ef: {  	s19 =	sand.u32 $0xFFFFFF00, s8;
	s17 =	sand.u32 $0xFFFFFF00, s17;
	s0 =	simm.s32 $0x0;
	v3 =	vsub.f32 $1.000000000e+00, v1  }
0x4f0: {  	s26 =	sshll.u32 s3, $0xA;
	s14 =	sadd.s32 s17, s14;
	s1 =	sand.u32 $0x38, s0;
	vm14 =	veq.s32 v2, s31  }
0x4f1: {  	s5 =	ssub.s32 s6, s26;
	s6 =	sadd.s32 s19, s20;
	s20 =	sshll.u32 s11, $0x9;
	v1 =	vsel vm14, v3, v1  }
0x4f2: {  	s26 =	sand.u32 $0xFFFFFC00, s23;
	s19 =	sand.u32 $0xFFFFFC00, s24;
	s23 =	sshll.u32 s3, $0x9;
	v1 =	vmul.f32 $1.638400000e+04, v1  }
0x4f3: {  	s11 =	sshll.u32 s11, $0x7;
	s8 =	sadd.s32 s25, s26;
	s20 =	sand.u32 $0xFFFFFC00, s20  }
0x4f4: {  	s15 =	sadd.s32 s15, s19;
	s19 =	sshrl.u32 s1, $0x5;
	s5 =	sand.u32 $0xFFFFFF00, s5;
	v1 =	vtrunc.f32 v1  }
0x4f5: {  	s18 =	sand.u32 $0xFFFFFC00, s23;
	s1 =	sshll.u32 s1, $0x5;
	s25 =	sadd.s32 $0x0, s6;
	v1 =	vcvt.f32.s32 v1  }
0x4f6: {  	s6 =	sor.u32 s7, s6;
	s16 =	sadd.s32 s16, s20;
	s26 =	sadd.s32 $0x0, s8  }
0x4f7: {  	s24 =	sshll.u32 s19, $0xA;
	s5 =	sadd.s32 s5, s18;
	v13 =	vld [tilespmem:s6+$0xAC10];
	s18 =	sor.u32 s12, s26;
	vm15 =	vgt.s32 v1, $0x0  }
0x4f8: {  	s29 =	sadd.s32 $0x0, s15;
	s17 =	ssub.s32 s1, s24;
	s1 =	sor.u32 s7, s25;
	v8 =	vld [tilespmem:s18+$0x5420];
	v3 =	vnsel vm15, $0x0, v1  }
0x4f9: {  	s11 =	sand.u32 $0x80, s11;
	s20 =	sadd.s32 $0x0, s16;
	v2 =	vld [tilespmem:s1+$0x5410];
	s1 =	sor.u32 s9, s29;
	v1 =	vmov s10;
	v9 =	vmin.u32 v3, $0x3FFF  }
0x4fa: {  	s3 =	sshll.u32 s3, $0x7;
	s23 =	sadd.s32 $0x0, s14;
	v6 =	vld [tilespmem:s1+$0x5430];
	s10 =	sor.u32 s11, s20;
	v3 =	vsel vm14, s4, v1;
	v4 =	vshrl.u32 v9, $0x4  }
0x4fb: {  	s3 =	sand.u32 $0x80, s3;
	s24 =	sadd.s32 $0x0, s5;
	s1 =	sor.u32 s13, s23;
	v7 =	vld [tilespmem:s10+$0x5440];
	v10 =	vor.u32 v3, v4  }
0x4fc: {  	s25 =	sshll.u32 s19, $0x7;
	s26 =	sadd.s32 $0x0, s17;
	v5 =	vld [tilespmem:s1+$0x5450];
	s10 =	sor.u32 s3, s24  }
0x4fd: {  	s1 =	sor.u32 s25, s26;
	v4 =	vld [tilespmem:s10+$0x5470]  }
0x4fe: {  	s6 =	simm.s32 $0xE0;
	s29 =	sor.u32 s12, s8;
	v9 =	vand.u32 $0xF, v9;
	v3 =	vld [tilespmem:s1+$0x5400]  }
0x4ff: {  	s19 =	sor.u32 s13, s14;
	s14 =	sor.u32 s25, s17;
	s18 =	sor.u32 s3, s5;
	v14 =	vld [tilespmem:s29+$0xAC20];
	v11 =	vsub.f32 $1.000000000e+00, v8;
	v12 =	vsub.f32 $1.000000000e+00, v2;
	v9 =	vor.u32 $0x20000, v9  }
0x500: {  	s8 =	simm.s32 $0x8;
	s10 =	sor.u32 s9, s15;
	s1 =	sor.u32 s11, s16;
	[tilespmem:v10+s28+$0x0] =	vst.idx.add.s32.msk $0xffff, v9;
	v10 =	vsub.f32 $1.000000000e+00, v6;
	v9 =	vsub.f32 $1.000000000e+00, v7  }
.LBB2_34:
0x501: {  	s3 =	sand.u32 $0xFFFFFFC0, s8;
	v15 =	vld [tilespmem:s10+$0xAC30];
	v16 =	vsub.f32 $1.000000000e+00, v5;
	s5 =	smov.u32 s0;
	s0 =	sadd.s32 $0x8, s0  }
0x502: {  	s10 =	sand.u32 $0x38, s0;
	s7 =	ssub.s32 s0, s3;
	s3 =	ssub.s32 s5, s3;
	v17 =	vld [tilespmem:s1+$0xAC40];
	v18 =	vsub.f32 $1.000000000e+00, v4  }
0x503: {  	s1 =	sadd.s32 $0x1, s7;
	s16 =	sadd.s32 $0x2, s7;
	s5 =	sadd.s32 $0x6, s7;
	v19 =	vsub.f32 $1.000000000e+00, v3;
	v20 =	vld [tilespmem:s19+$0xAC50]  }
0x504: {  	s19 =	sadd.s32 $0xB, s3;
	s20 =	sadd.s32 $0xC, s3;
	s9 =	sshll.u32 s5, $0x10;
	vm0 =	veq.s32 v13, s31;
	v13 =	vld [tilespmem:s18+$0xAC70]  }
0x505: {  	s11 =	sshll.u32 s1, $0x10;
	s18 =	sadd.s32 $0x5, s7;
	s7 =	sshra.s32 s9, $0x1F;
	v21 =	vld [tilespmem:s14+$0xAC00];
	v12 =	vsel vm0, v12, v2;
	v2 =	vsel vm0, s4, v1;
	vm1 =	veq.s32 v14, s31  }
0x506: {  	s12 =	sshll.u32 s19, $0x10;
	s9 =	sshll.u32 s16, $0x10;
	s7 =	sand.u32 $0x1F, s7;
	v12 =	vmul.f32 $1.638400000e+04, v12;
	v8 =	vsel vm1, v11, v8;
	vm4 =	veq.s32 v15, s31  }
0x507: {  	s13 =	sshll.u32 s20, $0x10;
	s15 =	sshll.u32 s18, $0x10;
	s7 =	sadd.s32 s7, s5;
	v8 =	vmul.f32 $1.638400000e+04, v8;
	v6 =	vsel vm4, v10, v6;
	vm5 =	veq.s32 v17, s31  }
0x508: {  	s23 =	sadd.s32 $0xF, s3;
	s26 =	sshra.s32 s11, $0x1F;
	s7 =	sshll.u32 s7, $0x10;
	v6 =	vmul.f32 $1.638400000e+04, v6;
	v7 =	vsel vm5, v9, v7;
	vm2 =	veq.s32 v20, s31  }
0x509: {  	s3 =	sshll.u32 s8, $0x5;
	s5 =	sshra.s32 s5, $0x1F;
	s7 =	sshra.s32 s7, $0x15;
	v7 =	vmul.f32 $1.638400000e+04, v7;
	v5 =	vsel vm2, v16, v5;
	vm3 =	veq.s32 v13, s31  }
0x50a: {  	s6 =	sadd.s32 $0x100, s6;
	s3 =	sand.u32 $0xFFFFF800, s3;
	s5 =	sadd.s32 s7, s5;
	vm0 =	veq.s32 v21, s31;
	v9 =	vmul.f32 $1.638400000e+04, v5;
	v4 =	vsel vm3, v18, v4  }
0x50b: {  	s14 =	ssub.s32 s6, s3;
	s3 =	sshra.s32 s9, $0x1F;
	v10 =	vtrunc.f32 v12;
	s7 =	sshll.u32 s5, $0xA;
	v3 =	vsel vm0, v19, v3;
	v11 =	vmul.f32 $1.638400000e+04, v4  }
0x50c: {  	s11 =	sshra.s32 s13, $0x1F;
	s9 =	sshra.s32 s12, $0x1F;
	v8 =	vtrunc.f32 v8;
	s7 =	ssub.s32 s14, s7;
	v12 =	vmul.f32 $1.638400000e+04, v3;
	v3 =	vsel vm1, s4, v1  }
0x50d: {  	s13 =	sshra.s32 s15, $0x1F;
	v13 =	vtrunc.f32 v6;
	s12 =	sshll.u32 s5, $0x9;
	v4 =	vsel vm4, s4, v1;
	v14 =	vtrunc.f32 v7;
	s7 =	sadd.s32 $0xFFFFFFE0, s7  }
0x50e: {  	s31 =	sshrl.u32 s0, $0x6;
	v5 =	vsel vm5, s4, v1;
	s15 =	sand.u32 $0xFFFFFC00, s12;
	v9 =	vtrunc.f32 v9;
	v11 =	vtrunc.f32 v11;
	s7 =	sand.u32 $0xFFFFFF00, s7  }
0x50f: {  	v10 =	vcvt.f32.s32 v10;
	v6 =	vsel vm2, s4, v1;
	s5 =	sshll.u32 s5, $0x7;
	s12 =	sshll.u32 s31, $0xA;
	v12 =	vtrunc.f32 v12;
	s7 =	sadd.s32 s7, s15  }
0x510: {  	s17 =	sshll.u32 s23, $0x10;
	v8 =	vcvt.f32.s32 v8;
	v13 =	vcvt.f32.s32 v13;
	v7 =	vsel vm3, s4, v1;
	s5 =	sand.u32 $0x80, s5;
	s15 =	sadd.s32 s12, s7  }
0x511: {  	s24 =	sand.u32 $0x1F, s26;
	s3 =	sand.u32 $0x1F, s3;
	vm1 =	vgt.s32 v10, $0x0;
	v14 =	vcvt.f32.s32 v14;
	v9 =	vcvt.f32.s32 v9;
	s15 =	sor.u32 s5, s15  }
0x512: {  	s11 =	sand.u32 $0x1F, s11;
	s9 =	sand.u32 $0x1F, s9;
	vm2 =	vgt.s32 v8, $0x0;
	v11 =	vcvt.f32.s32 v11;
	v12 =	vcvt.f32.s32 v12;
	s5 =	sor.u32 s5, s7;
	v15 =	vld [tilespmem:s15+$0x5460]  }
0x513: {  	s13 =	sand.u32 $0x1F, s13;
	vm3 =	vgt.s32 v13, $0x0;
	vm4 =	vgt.s32 v14, $0x0;
	vm5 =	vgt.s32 v9, $0x0;
	s7 =	sadd.s32 s24, s1;
	v16 =	vld [tilespmem:s5+$0xAC60];
	s5 =	sshra.s32 s17, $0x1F  }
0x514: {  	s11 =	sadd.s32 s11, s20;
	s3 =	sadd.s32 s3, s16;
	s9 =	sadd.s32 s9, s19;
	v10 =	vnsel vm1, $0x0, v10;
	vm1 =	vgt.s32 v11, $0x0;
	vm6 =	vgt.s32 v12, $0x0  }
0x515: {  	s13 =	sadd.s32 s13, s18;
	v8 =	vnsel vm2, $0x0, v8;
	v13 =	vnsel vm3, $0x0, v13;
	v14 =	vnsel vm4, $0x0, v14;
	s7 =	sshll.u32 s7, $0x10;
	s5 =	sand.u32 $0x1F, s5  }
0x516: {  	s11 =	sshll.u32 s11, $0x10;
	s3 =	sshll.u32 s3, $0x10;
	s9 =	sshll.u32 s9, $0x10;
	v9 =	vnsel vm5, $0x0, v9;
	v11 =	vnsel vm1, $0x0, v11;
	v12 =	vnsel vm6, $0x0, v12  }
0x517: {  	s13 =	sshll.u32 s13, $0x10;
	v10 =	vmin.u32 v10, $0x3FFF;
	v8 =	vmin.u32 v8, $0x3FFF;
	s7 =	sshra.s32 s7, $0x15;
	s5 =	sadd.s32 s5, s23;
	v17 =	vsub.f32 $1.000000000e+00, v15  }
0x518: {  	s11 =	sshra.s32 s11, $0x15;
	s3 =	sshra.s32 s3, $0x15;
	s9 =	sshra.s32 s9, $0x15;
	v13 =	vmin.u32 v13, $0x3FFF;
	v14 =	vmin.u32 v14, $0x3FFF;
	vm1 =	veq.s32 v16, s31  }
0x519: {  	s13 =	sshra.s32 s13, $0x15;
	s1 =	sshra.s32 s1, $0x1F;
	v9 =	vmin.u32 v9, $0x3FFF;
	v11 =	vmin.u32 v11, $0x3FFF;
	s5 =	sshll.u32 s5, $0x10;
	v15 =	vsel vm1, v17, v15  }
0x51a: {  	s15 =	sshra.s32 s16, $0x1F;
	s17 =	sshra.s32 s19, $0x1F;
	s19 =	sshra.s32 s20, $0x1F;
	v12 =	vmin.u32 v12, $0x3FFF;
	v16 =	vshrl.u32 v10, $0x4;
	v15 =	vmul.f32 $1.638400000e+04, v15  }
0x51b: {  	v18 =	vshrl.u32 v13, $0x4;
	v19 =	vshrl.u32 v14, $0x4;
	s16 =	sadd.s32 s3, s15;
	s3 =	sshra.s32 s18, $0x1F;
	s1 =	sadd.s32 s7, s1;
	v17 =	vshrl.u32 v8, $0x4  }
0x51c: {  	v20 =	vshrl.u32 v9, $0x4;
	v21 =	vshrl.u32 v11, $0x4;
	s20 =	sadd.s32 s9, s17;
	s18 =	sadd.s32 s11, s19;
	s19 =	sadd.s32 s13, s3;
	v15 =	vtrunc.f32 v15  }
0x51d: {  	s7 =	sshra.s32 s23, $0x1F;
	s3 =	sshll.u32 s1, $0xA;
	s5 =	sshra.s32 s5, $0x15;
	v10 =	vand.u32 $0xF, v10;
	v8 =	vand.u32 $0xF, v8;
	v15 =	vcvt.f32.s32 v15  }
0x51e: {  	v13 =	vand.u32 $0xF, v13;
	v14 =	vand.u32 $0xF, v14;
	v9 =	vand.u32 $0xF, v9;
	s9 =	sshll.u32 s16, $0xA;
	s11 =	sshll.u32 s20, $0xA;
	s13 =	sshll.u32 s18, $0xA  }
0x51f: {  	v11 =	vand.u32 $0xF, v11;
	v22 =	vshrl.u32 v12, $0x4;
	s15 =	sshll.u32 s19, $0xA;
	s3 =	ssub.s32 s14, s3;
	s23 =	sadd.s32 s5, s7;
	vm2 =	vgt.s32 v15, $0x0  }
0x520: {  	v23 =	vsel vm0, s4, v1;
	v12 =	vand.u32 $0xF, v12;
	s5 =	sadd.s32 $0x5400, s12;
	s7 =	ssub.s32 s14, s9;
	s9 =	ssub.s32 s14, s11;
	v15 =	vnsel vm2, $0x0, v15  }
0x521: {  	s4 =	ssub.s32 s14, s13;
	v1 =	vmov s5;
	s5 =	ssub.s32 s14, s15;
	s11 =	sshll.u32 s23, $0xA;
	v2 =	vor.u32 v2, v16;
	v15 =	vmin.u32 v15, $0x3FFF  }
0x522: {  	s3 =	sadd.s32 $0xFFFFFF40, s3;
	s7 =	sadd.s32 $0xFFFFFF60, s7;
	s9 =	sadd.s32 $0xFFFFFF80, s9;
	v16 =	vsel vm1, s12, v1;
	v3 =	vor.u32 v3, v17;
	v24 =	vshrl.u32 v15, $0x4  }
0x523: {  	v4 =	vor.u32 v4, v18;
	v5 =	vor.u32 v5, v19;
	s13 =	sadd.s32 $0xFFFFFFA0, s4;
	s5 =	sadd.s32 $0xFFFFFFC0, s5;
	s11 =	ssub.s32 s14, s11;
	v16 =	vor.u32 v16, v24  }
0x524: {  	v6 =	vor.u32 v6, v20;
	v7 =	vor.u32 v7, v21;
	s17 =	sshll.u32 s20, $0x9;
	s15 =	sshll.u32 s16, $0x9;
	v10 =	vor.u32 $0x20000, v10;
	s14 =	sshll.u32 s1, $0x9  }
0x525: {  	v13 =	vor.u32 $0x20000, v13;
	v14 =	vor.u32 $0x20000, v14;
	s24 =	sshll.u32 s18, $0x9;
	s25 =	sshll.u32 s19, $0x9;
	s26 =	sshll.u32 s23, $0x9;
	v8 =	vor.u32 $0x20000, v8  }
0x526: {  	s4 =	sshrl.u32 s10, $0x5;
	s3 =	sand.u32 $0xFFFFFF00, s3;
	s7 =	sand.u32 $0xFFFFFF00, s7;
	v15 =	vand.u32 $0xF, v15;
	[tilespmem:v2+s28+$0x0] =	vst.idx.add.s32.msk $0xffff, v10;
	v2 =	vor.u32 $0x20000, v9;
	v9 =	vor.u32 $0x20000, v11  }
0x527: {  	s13 =	sand.u32 $0xFFFFFF00, s13;
	s9 =	sand.u32 $0xFFFFFF00, s9;
	s5 =	sand.u32 $0xFFFFFF00, s5;
	v10 =	vor.u32 $0x20000, v15;
	v11 =	vor.u32 $0x20000, v12;
	v12 =	vor.u32 v23, v22;
	[tilespmem:v3+s28+$0x0] =	vst.idx.add.s32.msk $0xffff, v8  }
0x528: {  	s15 =	sand.u32 $0xFFFFFC00, s15;
	s14 =	sand.u32 $0xFFFFFC00, s14;
	s11 =	sand.u32 $0xFFFFFF00, s11;
	[tilespmem:v16+s28+$0x0] =	vst.idx.add.s32.msk $0xffff, v10  }
0x529: {  	s17 =	sand.u32 $0xFFFFFC00, s17;
	s24 =	sand.u32 $0xFFFFFC00, s24;
	s25 =	sand.u32 $0xFFFFFC00, s25;
	[tilespmem:v4+s28+$0x0] =	vst.idx.add.s32.msk $0xffff, v13  }
0x52a: {  	s10 =	sshll.u32 s10, $0x5;
	s29 =	sshll.u32 s4, $0xA;
	s26 =	sand.u32 $0xFFFFFC00, s26;
	[tilespmem:v5+s28+$0x0] =	vst.idx.add.s32.msk $0xffff, v14  }
0x52b: {  	s7 =	sadd.s32 s7, s15;
	s9 =	sadd.s32 s9, s17;
	s3 =	sadd.s32 s3, s14;
	[tilespmem:v6+s28+$0x0] =	vst.idx.add.s32.msk $0xffff, v2  }
0x52c: {  	s13 =	sadd.s32 s13, s24;
	s5 =	sadd.s32 s5, s25;
	s11 =	sadd.s32 s11, s26;
	[tilespmem:v7+s28+$0x0] =	vst.idx.add.s32.msk $0xffff, v9  }
0x52d: {  	s1 =	sshll.u32 s1, $0x7;
	s15 =	sshll.u32 s20, $0x7;
	s14 =	sshll.u32 s16, $0x7;
	[tilespmem:v12+s28+$0x0] =	vst.idx.add.s32.msk $0xffff, v11  }
0x52e: {  	s17 =	sshll.u32 s19, $0x7;
	s16 =	sshll.u32 s18, $0x7;
	s18 =	sshll.u32 s23, $0x7  }
0x52f: {  	s20 =	ssub.s32 s10, s29;
	s19 =	sadd.s32 s12, s7;
	s10 =	sadd.s32 s12, s3  }
0x530: {  	s24 =	sadd.s32 s12, s13;
	s23 =	sadd.s32 s12, s9;
	s25 =	sadd.s32 s12, s5  }
0x531: {  	s1 =	sand.u32 $0x80, s1;
	s14 =	sand.u32 $0x80, s14;
	s26 =	sadd.s32 s12, s11  }
0x532: {  	s15 =	sand.u32 $0x80, s15;
	s17 =	sand.u32 $0x80, s17;
	s16 =	sand.u32 $0x80, s16  }
0x533: {  	s4 =	sshll.u32 s4, $0x7;
	s29 =	sadd.s32 s20, s12;
	s18 =	sand.u32 $0x80, s18  }
0x534: {  	s23 =	sor.u32 s15, s23;
	s10 =	sor.u32 s1, s10;
	s19 =	sor.u32 s14, s19  }
0x535: {  	s24 =	sor.u32 s16, s24;
	s25 =	sor.u32 s17, s25;
	s26 =	sor.u32 s18, s26;
	v2 =	vld [tilespmem:s10+$0x5410]  }
0x536: {  	s29 =	sor.u32 s4, s29;
	s3 =	sor.u32 s1, s3;
	s7 =	sor.u32 s14, s7;
	v8 =	vld [tilespmem:s19+$0x5420]  }
0x537: {  	s1 =	sor.u32 s16, s13;
	s10 =	sor.u32 s15, s9;
	s19 =	sor.u32 s17, s5;
	v6 =	vld [tilespmem:s23+$0x5430]  }
0x538: {  	p0 =	slt.u32 s0, $0x538;
	s14 =	sor.u32 s4, s20;
	s18 =	sor.u32 s18, s11;
	v7 =	vld [tilespmem:s24+$0x5440]  }
.Ltmp16:
0x539: {  	s4 =	smov.u32 s12;
	v5 =	vld [tilespmem:s25+$0x5450];
	(pc) =	sbr.rel @p0 .LBB2_34-.Ltmp16, $4  }
0x53a: {  	v12 =	vsub.f32 $1.000000000e+00, v2;
	v4 =	vld [tilespmem:s26+$0x5470]  }
0x53b: {  	v3 =	vld [tilespmem:s29+$0x5400];
	v11 =	vsub.f32 $1.000000000e+00, v8  }
0x53c: {  	v13 =	vld [tilespmem:s3+$0xAC10];
	v10 =	vsub.f32 $1.000000000e+00, v6  }
0x53d: {  	s8 =	sadd.s32 $0x8, s8;
	v14 =	vld [tilespmem:s7+$0xAC20];
	v9 =	vsub.f32 $1.000000000e+00, v7  }
0x53e: {  	v15 =	vld [tilespmem:s10+$0xAC30]  }
0x53f: {  	v16 =	vld [tilespmem:s1+$0xAC40]  }
0x540: {  	v17 =	vld [tilespmem:s19+$0xAC50]  }
0x541: {  	v50 =	vld [tilespmem:s18+$0xAC70]  }
0x542: {  	v21 =	vld [tilespmem:s14+$0xAC00]  }
0x543: {  	v18 =	vsub.f32 $1.000000000e+00, v5;
	v19 =	vsub.f32 $1.000000000e+00, v4;
	vm1 =	veq.s32 v13, s31  }
0x544: {  	v20 =	vsub.f32 $1.000000000e+00, v3;
	v2 =	vsel vm1, v12, v2;
	vm2 =	veq.s32 v14, s31  }
0x545: {  	v51 =	vsel vm1, s4, v1;
	v2 =	vmul.f32 $1.638400000e+04, v2;
	v8 =	vsel vm2, v11, v8  }
0x546: {  	vm3 =	veq.s32 v15, s31;
	vm4 =	veq.s32 v16, s31;
	vm5 =	veq.s32 v17, s31  }
0x547: {  	vm6 =	veq.s32 v50, s31;
	vm0 =	veq.s32 v21, s31;
	v8 =	vmul.f32 $1.638400000e+04, v8  }
0x548: {  	v6 =	vsel vm3, v10, v6;
	v7 =	vsel vm4, v9, v7;
	v5 =	vsel vm5, v18, v5  }
0x549: {  	v4 =	vsel vm6, v19, v4;
	v6 =	vmul.f32 $1.638400000e+04, v6;
	v7 =	vmul.f32 $1.638400000e+04, v7  }
0x54a: {  	v3 =	vsel vm0, v20, v3;
	v5 =	vmul.f32 $1.638400000e+04, v5;
	v2 =	vtrunc.f32 v2  }
0x54b: {  	v52 =	vsel vm2, s4, v1;
	v4 =	vmul.f32 $1.638400000e+04, v4;
	v3 =	vmul.f32 $1.638400000e+04, v3  }
0x54c: {  	v53 =	vsel vm3, s4, v1;
	v8 =	vtrunc.f32 v8;
	v2 =	vcvt.f32.s32 v2  }
0x54d: {  	v54 =	vsel vm4, s4, v1;
	v6 =	vtrunc.f32 v6;
	v7 =	vtrunc.f32 v7  }
0x54e: {  	v55 =	vsel vm5, s4, v1;
	v5 =	vtrunc.f32 v5;
	v4 =	vtrunc.f32 v4  }
0x54f: {  	v56 =	vsel vm6, s4, v1;
	v3 =	vtrunc.f32 v3;
	v8 =	vcvt.f32.s32 v8  }
0x550: {  	v1 =	vsel vm0, s4, v1;
	v6 =	vcvt.f32.s32 v6;
	v7 =	vcvt.f32.s32 v7  }
0x551: {  	vm9 =	vgt.s32 v2, $0x0;
	v5 =	vcvt.f32.s32 v5;
	v3 =	vcvt.f32.s32 v3  }
0x552: {  	v4 =	vcvt.f32.s32 v4;
	vm10 =	vgt.s32 v8, $0x0;
	v2 =	vnsel vm9, $0x0, v2  }
0x553: {  	vm11 =	vgt.s32 v6, $0x0;
	vm12 =	vgt.s32 v7, $0x0;
	vm13 =	vgt.s32 v5, $0x0  }
0x554: {  	vm14 =	vgt.s32 v3, $0x0;
	vm15 =	vgt.s32 v4, $0x0;
	v8 =	vnsel vm10, $0x0, v8  }
0x555: {  	v2 =	vmin.u32 v2, $0x3FFF;
	v6 =	vnsel vm11, $0x0, v6;
	v7 =	vnsel vm12, $0x0, v7  }
0x556: {  	v3 =	vnsel vm14, $0x0, v3;
	v5 =	vnsel vm13, $0x0, v5;
	v4 =	vnsel vm15, $0x0, v4  }
0x557: {  	v8 =	vmin.u32 v8, $0x3FFF;
	v57 =	vshrl.u32 v2, $0x4;
	v2 =	vand.u32 $0xF, v2  }
0x558: {  	v6 =	vmin.u32 v6, $0x3FFF;
	v7 =	vmin.u32 v7, $0x3FFF;
	v5 =	vmin.u32 v5, $0x3FFF  }
0x559: {  	v4 =	vmin.u32 v4, $0x3FFF;
	v58 =	vshrl.u32 v8, $0x4;
	v9 =	vor.u32 v51, v57  }
0x55a: {  	v3 =	vmin.u32 v3, $0x3FFF;
	v59 =	vshrl.u32 v6, $0x4;
	v10 =	vor.u32 v52, v58  }
0x55b: {  	v8 =	vand.u32 $0xF, v8;
	v60 =	vshrl.u32 v7, $0x4;
	v11 =	vor.u32 v53, v59  }
0x55c: {  	v2 =	vor.u32 $0x20000, v2;
	v61 =	vshrl.u32 v5, $0x4;
	v12 =	vor.u32 v54, v60  }
0x55d: {  	v62 =	vshrl.u32 v4, $0x4;
	v6 =	vand.u32 $0xF, v6;
	v13 =	vor.u32 v55, v61  }
0x55e: {  	v63 =	vshrl.u32 v3, $0x4;
	v8 =	vor.u32 $0x20000, v8;
	v14 =	vor.u32 v56, v62;
	[tilespmem:v9+s28+$0x0] =	vst.idx.add.s32.msk $0xffff, v2  }
0x55f: {  	v6 =	vor.u32 $0x20000, v6;
	v1 =	vor.u32 v1, v63;
	v2 =	vand.u32 $0xF, v7;
	[tilespmem:v10+s28+$0x0] =	vst.idx.add.s32.msk $0xffff, v8  }
0x560: {  	v5 =	vand.u32 $0xF, v5;
	v2 =	vor.u32 $0x20000, v2;
	[tilespmem:v11+s28+$0x0] =	vst.idx.add.s32.msk $0xffff, v6  }
0x561: {  	v4 =	vand.u32 $0xF, v4;
	v5 =	vor.u32 $0x20000, v5;
	[tilespmem:v12+s28+$0x0] =	vst.idx.add.s32.msk $0xffff, v2  }
0x562: {  	v2 =	vand.u32 $0xF, v3;
	v3 =	vor.u32 $0x20000, v4;
	[tilespmem:v13+s28+$0x0] =	vst.idx.add.s32.msk $0xffff, v5  }
0x563: {  	v2 =	vor.u32 $0x20000, v2;
	[tilespmem:v14+s28+$0x0] =	vst.idx.add.s32.msk $0xffff, v3  }
0x564: {  	[tilespmem:v1+s28+$0x0] =	vst.idx.add.s32.msk $0xffff, v2  }
0x565: {  	s26 =	simm.s32 $0x80;
	s29 =	simm.s32 $0x5;
	s0 =	rddreg [dreg:$0x13]  }
0x566: {  	[hbm4b:s0+s26] =	stream.strided.scatter [tilespmem:s28], [sflag:$0x5], $0xA800, s22, s26, $0x38;
	[tilespmem:$0x15800] =	vst v63  }
0x567: {  	_ =	swait.ge [sflag:s29], $0xA800  }
0x568: {  	s2 =	sadd.s32 $0x1, s2;
	s31 =	rddreg [dreg:$0x14]  }
0x569: {  	p0 =	sne.s32 s2, s31  }
.Ltmp17:
0x56a: {  	_ = 	snop;
	(pc) =	sbr.rel @p0 .LBB2_1-.Ltmp17, $3  }
0x56b: {  	_ =	sdelay $0x1  }
0x56c: {  	[sflag:s29] =	ssyncset.done $0x0  }
0x56d: {  	[sflag:s29] =	ssyncadd.s32 $0xFFFF5800  }
0x56e: {  	_ =	sfence.sel $0x180000  }
0x56f: {  	[bflag:$0x0] =	sbarrier.arrive $0xFFFF  }
0x570: {  	_ =	strace $0x90000047  }
0x571: {  	s0 =	stileid.u32;
	[bflag:$0x2] =	sbarrier.arrive $0xFFFF  }
0x572: {  	p0 =	sne.s32 s0, $0x0;
	s0 =	rddreg [dreg:$0x2]  }
0x573: {  	s0 =	sadd.s32 @!p0 $0x100000, s0  }
0x574: {  	[sflag:s0] =	ssyncadd.tile.s32 @!p0 $0x1;
	_ =	shalt  }
.Lfunc_end2:
_tile_overlayer_lowered:
.L_overlay_start_2:
0x575: {  	(tag) =	ssettag $0x2  }
0x576: {  	s0 =	rddreg [dreg:$0x0];
	s2 =	stileid.u32  }
0x577: {  	s1 =	rddreg [dreg:$0x1];
	p0 =	sne.s32 s2, $0x0  }
0x578: {  	s3 =	rddreg [dreg:$0x2];
	[bflag:$0x3] =	sbarrier.arrive $0xFFFF;
	s2 =	simm.s32 @!p0 $0x1C05  }
0x579: {  	[timem:s3], [sflag:s2] =	dma.local @!p0 [hbm:s0], s1  }
0x57a: {  	s0 =	simm.s32 @!p0 $0x5  }
0x57b: {  	_ =	swait.ge @!p0 [sflag:s0], s1  }
0x57c: {  	s1 =	ssub.s32 @!p0 $0x0, s1;
	[sflag:s0] =	ssyncset.done @!p0 $0x0  }
0x57d: {  	[sflag:s0] =	ssyncadd.s32 @!p0 s1  }
0x57e: {  	[bflag:$0x3] =	sbarrier.arrive $0xFFFF  }
0x57f: {  	_ =	shalt  }

</sc_bundles>
